<compile_context>
chip_gen: v7x
topology: tpu7x:2x2x1
jax: 0.10.2.dev20260603
libtpu: 0.0.44.dev20260713+nightly
codegen_flags: <defaults>
</compile_context>

<pallas_src>
import functools

import jax
import jax.numpy as jnp
from jax import lax
from jax.experimental import pallas as pl
from jax.experimental.pallas import tpu as pltpu
from jax.experimental.pallas import tpu_sc as plsc

N_PAD = 102400
LANE = 128
NB = N_PAD // LANE
BS = 200
NC, NS = 2, 16
N_GROUPS = 10
SITES_PER_W = N_PAD // N_GROUPS
SC_LANE = 16


CHUNK = 5120
CHUNKS_PER_W = SITES_PER_W // CHUNK
UNROLL = 4


N_SITES = 100000
PT_W = 3200
PT_TAIL = N_SITES - 31 * PT_W
PT_CHUNK = 800


def _passthrough(wid, pairs, bufs, sem):
    col0 = wid * PT_W

    def run(cnt):
        ins = [
            pltpu.async_copy(src.at[pl.ds(soff + col0, cnt)],
                             buf.at[pl.ds(0, cnt)], sem)
            for (src, soff, _, _), buf in zip(pairs, bufs)
        ]
        for c in ins:
            c.wait()
        outs = [
            pltpu.async_copy(buf.at[pl.ds(0, cnt)],
                             dst.at[pl.ds(doff + col0, cnt)], sem)
            for (_, _, dst, doff), buf in zip(pairs, bufs)
        ]
        for c in outs:
            c.wait()

    @pl.when(wid < 31)
    def _():
        run(PT_W)

    @pl.when(wid == 31)
    def _():
        run(PT_TAIL)


def _restride_in_body(qp_hbm, dp_hbm, at_hbm, qout_hbm, dout_hbm, atout_hbm,
                      *scratch):
    bufs, (sem,) = scratch[:-1], scratch[-1:]
    cid = lax.axis_index("c")
    sid = lax.axis_index("s")
    wid = sid * NC + cid
    pairs = [(qp_hbm, j * N_SITES, qout_hbm, j * N_PAD) for j in range(9)]
    pairs += [(dp_hbm, j * N_SITES, dout_hbm, j * N_PAD) for j in range(3)]
    pairs += [(at_hbm, 0, atout_hbm, 0)]
    _passthrough(wid, pairs, bufs, sem)


@functools.cache
def _restride_in():
    return pl.kernel(
        _restride_in_body,
        out_type=[jax.ShapeDtypeStruct((9 * N_PAD,), jnp.float32),
                  jax.ShapeDtypeStruct((3 * N_PAD,), jnp.float32),
                  jax.ShapeDtypeStruct((N_PAD,), jnp.int32)],
        mesh=plsc.VectorSubcoreMesh(core_axis_name="c", subcore_axis_name="s"),
        scratch_types=(
            [pltpu.VMEM((PT_W,), jnp.float32) for _ in range(12)]
            + [pltpu.VMEM((PT_W,), jnp.int32), pltpu.SemaphoreType.DMA]
        ),
        compiler_params=pltpu.CompilerParams(use_tc_tiling_on_sc=False,
                                             needs_layout_passes=False),
    )


def _gather_diff_body(coords_hbm, z_hbm, x_hbm, y_hbm, out_hbm,
                      table, ib0, ib1, ob0, ob1, tsem, s0, s1, o0, o1):
    cid = lax.axis_index("c")
    sid = lax.axis_index("s")
    wid = sid * NC + cid
    comp = jnp.minimum(wid // N_GROUPS, 2)
    slot = wid % N_GROUPS
    nk = 3 * CHUNKS_PER_W

    @pl.when(wid < 3 * N_GROUPS)
    def _():
        tcopy = pltpu.async_copy(
            coords_hbm.at[pl.ds(comp * N_SITES, N_SITES)],
            table.at[pl.ds(0, N_SITES)], tsem)
        srcs = (z_hbm, x_hbm, y_hbm)
        ibufs, isems = (ib0, ib1), (s0, s1)
        obufs, osems = (ob0, ob1), (o0, o1)
        base0 = slot * SITES_PER_W

        def in_off(k):
            v, c = divmod(k, CHUNKS_PER_W)
            return base0 + c * CHUNK

        def start_in(k):
            v = k // CHUNKS_PER_W
            return pltpu.async_copy(
                srcs[v].at[pl.ds(in_off(k), CHUNK)], ibufs[k % 2], isems[k % 2])

        icopies = {0: start_in(0), 1: start_in(1)}
        ocopies = {}
        tcopy.wait()
        for k in range(nk):
            ib, ob = ibufs[k % 2], obufs[k % 2]
            icopies[k].wait()
            if k >= 2:
                ocopies[k - 2].wait()
            cbase = in_off(k)

            def body(j, carry, ib=ib, ob=ob, cbase=cbase):
                for u in range(UNROLL):
                    g = j * (SC_LANE * UNROLL) + u * SC_LANE
                    ii = ib[pl.ds(g, SC_LANE)]
                    ii = jnp.minimum(jnp.maximum(ii, 0), N_PAD - 1)
                    vals = plsc.load_gather(table, [ii])
                    s = table[pl.ds(cbase + g, SC_LANE)]
                    ob[pl.ds(g, SC_LANE)] = vals - s
                return carry

            lax.fori_loop(0, CHUNK // (SC_LANE * UNROLL), body, 0)
            if k + 2 < nk:
                icopies[k + 2] = start_in(k + 2)
            v = k // CHUNKS_PER_W
            dst = (3 * v + comp) * N_PAD + in_off(k)
            ocopies[k] = pltpu.async_copy(
                ob, out_hbm.at[pl.ds(dst, CHUNK)], osems[k % 2])
        ocopies[nk - 2].wait()
        ocopies[nk - 1].wait()


@functools.cache
def _gather_diff():
    return pl.kernel(
        _gather_diff_body,
        out_type=jax.ShapeDtypeStruct((9 * N_PAD,), jnp.float32),
        mesh=plsc.VectorSubcoreMesh(core_axis_name="c", subcore_axis_name="s"),
        scratch_types=[
            pltpu.VMEM((N_PAD,), jnp.float32),
            pltpu.VMEM((CHUNK,), jnp.int32),
            pltpu.VMEM((CHUNK,), jnp.int32),
            pltpu.VMEM((CHUNK,), jnp.float32),
            pltpu.VMEM((CHUNK,), jnp.float32),
            pltpu.SemaphoreType.DMA,
            pltpu.SemaphoreType.DMA,
            pltpu.SemaphoreType.DMA,
            pltpu.SemaphoreType.DMA,
            pltpu.SemaphoreType.DMA,
        ],
        compiler_params=pltpu.CompilerParams(use_tc_tiling_on_sc=False,
                                             needs_layout_passes=False),
    )


def _unpad_body(dt_hbm, qt_hbm, d_hbm, q_hbm, *scratch):
    bufs, (sem,) = scratch[:-1], scratch[-1:]
    cid = lax.axis_index("c")
    sid = lax.axis_index("s")
    wid = sid * NC + cid
    pairs = [(dt_hbm, j * N_PAD, d_hbm, j * N_SITES) for j in range(3)]
    pairs += [(qt_hbm, j * N_PAD, q_hbm, j * N_SITES) for j in range(9)]
    _passthrough(wid, pairs, bufs, sem)


@functools.cache
def _unpad_out():
    return pl.kernel(
        _unpad_body,
        out_type=[jax.ShapeDtypeStruct((3 * N_SITES,), jnp.float32),
                  jax.ShapeDtypeStruct((9 * N_SITES,), jnp.float32)],
        mesh=plsc.VectorSubcoreMesh(core_axis_name="c", subcore_axis_name="s"),
        scratch_types=(
            [pltpu.VMEM((PT_W,), jnp.float32) for _ in range(12)]
            + [pltpu.SemaphoreType.DMA]
        ),
        compiler_params=pltpu.CompilerParams(use_tc_tiling_on_sc=False,
                                             needs_layout_passes=False),
    )


def _normalize3(vx, vy, vz):
    ss = vx * vx + vy * vy + vz * vz
    r = jnp.where(ss > 0, lax.rsqrt(ss), jnp.float32(0.0))
    return vx * r, vy * r, vz * r


def _math_body(diff_ref, at_ref, dip_ref, quad_ref, d_ref, q_ref):
    at = at_ref[0]
    dzx, dzy, dzz = diff_ref[0], diff_ref[1], diff_ref[2]
    dxx, dxy, dxz = diff_ref[3], diff_ref[4], diff_ref[5]
    dyx, dyy, dyz = diff_ref[6], diff_ref[7], diff_ref[8]

    zx, zy, zz = _normalize3(dzx, dzy, dzz)
    fzo = (at == 4) | (at == 5)
    xnx, xny, xnz = _normalize3(dxx, dxy, dxz)
    one = jnp.float32(1.0)
    zero = jnp.float32(0.0)
    xx = jnp.where(fzo, one - zx, xnx)
    xy = jnp.where(fzo, zx, xny)
    xz = jnp.where(fzo, zero, xnz)
    fb = at == 1
    zx, zy, zz = _normalize3(
        jnp.where(fb, zx + xx, zx),
        jnp.where(fb, zy + xy, zy),
        jnp.where(fb, zz + xz, zz),
    )
    ynx, yny, ynz = _normalize3(dyx, dyy, dyz)
    fzb = at == 2
    sx, sy, sz = _normalize3(xx + ynx, xy + yny, xz + ynz)
    xx = jnp.where(fzb, sx, xx)
    xy = jnp.where(fzb, sy, xy)
    xz = jnp.where(fzb, sz, xz)
    f3 = at == 3
    tx, ty, tz = _normalize3(zx + xx + ynx, zy + xy + yny, zz + xz + ynz)
    zx = jnp.where(f3, tx, zx)
    zy = jnp.where(f3, ty, zy)
    zz = jnp.where(f3, tz, zz)
    dot = zx * xx + zy * xy + zz * xz
    xx, xy, xz = _normalize3(xx - zx * dot, xy - zy * dot, xz - zz * dot)
    yx = zy * xz - zz * xy
    yy = zz * xx - zx * xz
    yz = zx * xy - zy * xx
    fna = at == 5
    zx = jnp.where(fna, zero, zx)
    zy = jnp.where(fna, zero, zy)
    zz = jnp.where(fna, one, zz)
    xx = jnp.where(fna, one, xx)
    xy = jnp.where(fna, zero, xy)
    xz = jnp.where(fna, zero, xz)
    yx = jnp.where(fna, zero, yx)
    yy = jnp.where(fna, one, yy)
    yz = jnp.where(fna, zero, yz)

    R = ((xx, xy, xz), (yx, yy, yz), (zx, zy, zz))
    dip = (dip_ref[0], dip_ref[1], dip_ref[2])
    for k in range(3):
        d_ref[k] = dip[0] * R[0][k] + dip[1] * R[1][k] + dip[2] * R[2][k]
    Q = tuple(tuple(quad_ref[3 * j + k] for k in range(3)) for j in range(3))
    M = tuple(
        tuple(Q[j][0] * R[0][l] + Q[j][1] * R[1][l] + Q[j][2] * R[2][l]
              for l in range(3))
        for j in range(3)
    )
    for i in range(3):
        for l in range(3):
            q_ref[3 * i + l] = (R[0][i] * M[0][l] + R[1][i] * M[1][l]
                                + R[2][i] * M[2][l])


def _spec(rows):
    return pl.BlockSpec((rows, BS, LANE), lambda i: (0, i, 0))


_math_call = pl.pallas_call(
    _math_body,
    grid=(NB // BS,),
    in_specs=[_spec(9), _spec(1), _spec(3), _spec(9)],
    out_specs=[_spec(3), _spec(9)],
    out_shape=[
        jax.ShapeDtypeStruct((3, NB, LANE), jnp.float32),
        jax.ShapeDtypeStruct((9, NB, LANE), jnp.float32),
    ],
)


def kernel(coords, z_atoms, x_atoms, y_atoms, axis_types, dipoles, quadrupoles):
    n = coords.shape[0]
    f32 = jnp.float32
    ct = coords.T.astype(f32).reshape(-1)
    qp = quadrupoles.astype(f32).transpose(1, 2, 0).reshape(-1)
    dp = dipoles.T.astype(f32).reshape(-1)

    quadp, dipp, atp = _restride_in()(qp, dp, axis_types.astype(jnp.int32))
    diffs = _gather_diff()(
        ct, z_atoms.astype(jnp.int32), x_atoms.astype(jnp.int32),
        y_atoms.astype(jnp.int32))
    d_t, q_t = _math_call(
        diffs.reshape(9, NB, LANE),
        atp.reshape(1, NB, LANE),
        dipp.reshape(3, NB, LANE),
        quadp.reshape(9, NB, LANE),
    )
    d_pl, q_pl = _unpad_out()(d_t.reshape(-1), q_t.reshape(-1))
    d = d_pl.reshape(3, n).T
    q = q_pl.reshape(3, 3, n).transpose(2, 0, 1)
    return d, q

# --- scband reference (transcript-rebuilt; emitter-appended) ---
"""Pipeline reference for scband-multipolar-rotation-7559142441141 (READ-ONLY COPY).

The authoritative reference and input builder live on the scoring server;
editing this copy changes nothing except your own understanding.
"""

import jax, jax.numpy as jnp
import numpy as np

AX_ZTHENX = 0
AX_BISECTOR = 1
AX_ZBISECT = 2
AX_THREEFOLD = 3
AX_ZONLY = 4
AX_NOAXIS = 5


def _norm_vec(v):
    return v / jnp.linalg.norm(v, axis=1, keepdims=True)


def _compute_rotation_matrices(positions, z_atoms, x_atoms, y_atoms, axis_types):
    n = positions.shape[0]
    dt = positions.dtype
    z_vec = _norm_vec(positions[z_atoms] - positions)
    filter_z_only = jnp.logical_or(axis_types == AX_ZONLY, axis_types == AX_NOAXIS)
    x_raw = positions[x_atoms] - positions
    x_zonly = jnp.stack([1.0 - z_vec[:, 0], z_vec[:, 0], jnp.zeros((n,), dtype=dt)], axis=1)
    x_vec = jnp.where(filter_z_only[:, None], x_zonly, _norm_vec(x_raw))
    # Bisector: z <- norm(z + x) on bisector rows; torch renormalizes the full z_vec,
    # which is a no-op on already-unit rows, so masked update is equivalent.
    filter_bisector = axis_types == AX_BISECTOR
    z_vec = _norm_vec(jnp.where(filter_bisector[:, None], z_vec + x_vec, z_vec))
    y_n = _norm_vec(positions[y_atoms] - positions)
    # ZBisect: x <- norm(x + y_hat)
    filter_z_bisect = axis_types == AX_ZBISECT
    x_vec = jnp.where(filter_z_bisect[:, None], _norm_vec(x_vec + y_n), x_vec)
    # ThreeFold: z <- norm(z + x + y_hat)
    filter_three_fold = axis_types == AX_THREEFOLD
    z_vec = jnp.where(filter_three_fold[:, None], _norm_vec(z_vec + x_vec + y_n), z_vec)
    # Gram-Schmidt x against z, then y = z x x
    x_vec = _norm_vec(x_vec - z_vec * jnp.sum(z_vec * x_vec, axis=1, keepdims=True))
    y_vec = jnp.cross(z_vec, x_vec)
    # NoAxisType rows: identity frame
    fna = (axis_types == AX_NOAXIS)[:, None]
    z_vec = jnp.where(fna, jnp.array([0.0, 0.0, 1.0], dtype=dt), z_vec)
    x_vec = jnp.where(fna, jnp.array([1.0, 0.0, 0.0], dtype=dt), x_vec)
    y_vec = jnp.where(fna, jnp.array([0.0, 1.0, 0.0], dtype=dt), y_vec)
    return jnp.concatenate([x_vec, y_vec, z_vec], axis=1).reshape(-1, 3, 3)


def setup_inputs(seed: int = 0) -> dict:
    key = jax.random.key(seed)
    n = 100000
    ks = jax.random.split(key, 7)
    coords = jax.random.normal(ks[0], (n, 3), dtype=jnp.float32)
    ar = jnp.arange(n, dtype=jnp.int64) if jax.config.jax_enable_x64 else jnp.arange(n, dtype=jnp.int32)
    # guarantee neighbor index != self so difference vectors are never zero (no NaN in normVec)
    z_atoms = (ar + jax.random.randint(ks[1], (n,), 1, n)) % n
    x_atoms = (ar + jax.random.randint(ks[2], (n,), 1, n)) % n
    y_atoms = (ar + jax.random.randint(ks[3], (n,), 1, n)) % n
    axis_types = jax.random.randint(ks[4], (n,), 0, 6)
    dipoles = jax.random.normal(ks[5], (n, 3), dtype=jnp.float32)
    quadrupoles = jax.random.normal(ks[6], (n, 3, 3), dtype=jnp.float32)
    return {"coords": coords, "z_atoms": z_atoms, "x_atoms": x_atoms, "y_atoms": y_atoms, "axis_types": axis_types, "dipoles": dipoles, "quadrupoles": quadrupoles}


def reference(coords, z_atoms, x_atoms, y_atoms, axis_types, dipoles, quadrupoles):
    rot = _compute_rotation_matrices(coords, z_atoms, x_atoms, y_atoms, axis_types)
    # rotateDipoles: bmm(dipo.unsqueeze(1), rot).squeeze(1)
    d = jnp.einsum('nj,njk->nk', dipoles, rot)
    # rotateQuadrupoles: rot^T @ quad @ rot
    q = jnp.einsum('nji,njk,nkl->nil', rot, quadrupoles, rot)
    return (d, q)

if __name__ == "__main__":
    import jax
    _d = setup_inputs()
    print(jax.jit(kernel)(*tuple(_d.values())))

</pallas_src>

<mosaic_0001>
#map = affine_map<(d0, d1) -> (0)>
module attributes {stable_mosaic.version = 14 : i64} {
  func.func @_unpad_body(%arg0: i32, %arg1: i32, %arg2: memref<307200xf32, #tpu.memory_space<hbm>>, %arg3: memref<921600xf32, #tpu.memory_space<hbm>>, %arg4: memref<300000xf32, #tpu.memory_space<hbm>>, %arg5: memref<900000xf32, #tpu.memory_space<hbm>>, %arg6: memref<3200xf32, #tpu.memory_space<vmem>>, %arg7: memref<3200xf32, #tpu.memory_space<vmem>>, %arg8: memref<3200xf32, #tpu.memory_space<vmem>>, %arg9: memref<3200xf32, #tpu.memory_space<vmem>>, %arg10: memref<3200xf32, #tpu.memory_space<vmem>>, %arg11: memref<3200xf32, #tpu.memory_space<vmem>>, %arg12: memref<3200xf32, #tpu.memory_space<vmem>>, %arg13: memref<3200xf32, #tpu.memory_space<vmem>>, %arg14: memref<3200xf32, #tpu.memory_space<vmem>>, %arg15: memref<3200xf32, #tpu.memory_space<vmem>>, %arg16: memref<3200xf32, #tpu.memory_space<vmem>>, %arg17: memref<3200xf32, #tpu.memory_space<vmem>>, %arg18: memref<!tpu.dma_semaphore, #tpu.memory_space<semaphore_mem>>) attributes {dimension_semantics = [#tpu.dimension_semantics<core_parallel>, #tpu.dimension_semantics<subcore_parallel>], iteration_bounds = array<i64: 2, 16>, scalar_prefetch = 0 : i64, scratch_operands = 13 : i64, tpu.core_type = #tpu.core_type<sc_vector_subcore>, window_params = [{transform_indices = #map}, {transform_indices = #map}, {transform_indices = #map}, {transform_indices = #map}]} {
    %mul3A = arith.constant 2 : i32
    %mul3A_0 = arith.muli %arg1, %mul3A : i32
    %add3A = arith.addi %mul3A_0, %arg0 : i32
    %mul3A_1 = arith.constant 3200 : i32
    %mul3A_2 = arith.muli %add3A, %mul3A_1 : i32
    %lt3A = arith.constant 31 : i32
    %lt3A_3 = arith.cmpi slt, %add3A, %lt3A : i32
    %convert_element_type3A = arith.extui %lt3A_3 : i1 to i32
    %cond3A = arith.constant 0 : i32
    %cond3A_4 = arith.cmpi ne, %convert_element_type3A, %cond3A : i32
    scf.if %cond3A_4 {
      %add3A_9 = arith.constant 0 : i32
      %add3A_10 = arith.addi %add3A_9, %mul3A_2 : i32
      %dma_start3A = arith.constant 0 : i32
      %dma_start3A_11 = tpu.memref_slice %arg6[%dma_start3A] : memref<3200xf32, #tpu.memory_space<vmem>> -> memref<3200xf32, #tpu.memory_space<vmem>>
      %dma_start3A_12 = tpu.memref_slice %arg2[%add3A_10] : memref<307200xf32, #tpu.memory_space<hbm>> -> memref<3200xf32, #tpu.memory_space<hbm>>
      %dma_start3A_13 = arith.constant 0 : i32
      %dma_start3A_14 = tpu.memref_slice %arg6[%dma_start3A_13] : memref<3200xf32, #tpu.memory_space<vmem>> -> memref<3200xf32, #tpu.memory_space<vmem>>
      %dma_start3A_15 = tpu.memref_slice %arg2[%add3A_10] : memref<307200xf32, #tpu.memory_space<hbm>> -> memref<3200xf32, #tpu.memory_space<hbm>>
      tpu.enqueue_dma source(%dma_start3A_15 : memref<3200xf32, #tpu.memory_space<hbm>>) target(%dma_start3A_14 : memref<3200xf32, #tpu.memory_space<vmem>>) target_semaphore(%arg18 : memref<!tpu.dma_semaphore, #tpu.memory_space<semaphore_mem>>)
      %add3A_16 = arith.constant 102400 : i32
      %add3A_17 = arith.addi %add3A_16, %mul3A_2 : i32
      %dma_start3A_18 = arith.constant 0 : i32
      %dma_start3A_19 = tpu.memref_slice %arg7[%dma_start3A_18] : memref<3200xf32, #tpu.memory_space<vmem>> -> memref<3200xf32, #tpu.memory_space<vmem>>
      %dma_start3A_20 = tpu.memref_slice %arg2[%add3A_17] : memref<307200xf32, #tpu.memory_space<hbm>> -> memref<3200xf32, #tpu.memory_space<hbm>>
      %dma_start3A_21 = arith.constant 0 : i32
      %dma_start3A_22 = tpu.memref_slice %arg7[%dma_start3A_21] : memref<3200xf32, #tpu.memory_space<vmem>> -> memref<3200xf32, #tpu.memory_space<vmem>>
      %dma_start3A_23 = tpu.memref_slice %arg2[%add3A_17] : memref<307200xf32, #tpu.memory_space<hbm>> -> memref<3200xf32, #tpu.memory_space<hbm>>
      tpu.enqueue_dma source(%dma_start3A_23 : memref<3200xf32, #tpu.memory_space<hbm>>) target(%dma_start3A_22 : memref<3200xf32, #tpu.memory_space<vmem>>) target_semaphore(%arg18 : memref<!tpu.dma_semaphore, #tpu.memory_space<semaphore_mem>>)
      %add3A_24 = arith.constant 204800 : i32
      %add3A_25 = arith.addi %add3A_24, %mul3A_2 : i32
      %dma_start3A_26 = arith.constant 0 : i32
      %dma_start3A_27 = tpu.memref_slice %arg8[%dma_start3A_26] : memref<3200xf32, #tpu.memory_space<vmem>> -> memref<3200xf32, #tpu.memory_space<vmem>>
      %dma_start3A_28 = tpu.memref_slice %arg2[%add3A_25] : memref<307200xf32, #tpu.memory_space<hbm>> -> memref<3200xf32, #tpu.memory_space<hbm>>
      %dma_start3A_29 = arith.constant 0 : i32
      %dma_start3A_30 = tpu.memref_slice %arg8[%dma_start3A_29] : memref<3200xf32, #tpu.memory_space<vmem>> -> memref<3200xf32, #tpu.memory_space<vmem>>
      %dma_start3A_31 = tpu.memref_slice %arg2[%add3A_25] : memref<307200xf32, #tpu.memory_space<hbm>> -> memref<3200xf32, #tpu.memory_space<hbm>>
      tpu.enqueue_dma source(%dma_start3A_31 : memref<3200xf32, #tpu.memory_space<hbm>>) target(%dma_start3A_30 : memref<3200xf32, #tpu.memory_space<vmem>>) target_semaphore(%arg18 : memref<!tpu.dma_semaphore, #tpu.memory_space<semaphore_mem>>)
      %add3A_32 = arith.constant 0 : i32
      %add3A_33 = arith.addi %add3A_32, %mul3A_2 : i32
      %dma_start3A_34 = arith.constant 0 : i32
      %dma_start3A_35 = tpu.memref_slice %arg9[%dma_start3A_34] : memref<3200xf32, #tpu.memory_space<vmem>> -> memref<3200xf32, #tpu.memory_space<vmem>>
      %dma_start3A_36 = tpu.memref_slice %arg3[%add3A_33] : memref<921600xf32, #tpu.memory_space<hbm>> -> memref<3200xf32, #tpu.memory_space<hbm>>
      %dma_start3A_37 = arith.constant 0 : i32
      %dma_start3A_38 = tpu.memref_slice %arg9[%dma_start3A_37] : memref<3200xf32, #tpu.memory_space<vmem>> -> memref<3200xf32, #tpu.memory_space<vmem>>
      %dma_start3A_39 = tpu.memref_slice %arg3[%add3A_33] : memref<921600xf32, #tpu.memory_space<hbm>> -> memref<3200xf32, #tpu.memory_space<hbm>>
      tpu.enqueue_dma source(%dma_start3A_39 : memref<3200xf32, #tpu.memory_space<hbm>>) target(%dma_start3A_38 : memref<3200xf32, #tpu.memory_space<vmem>>) target_semaphore(%arg18 : memref<!tpu.dma_semaphore, #tpu.memory_space<semaphore_mem>>)
      %add3A_40 = arith.constant 102400 : i32
      %add3A_41 = arith.addi %add3A_40, %mul3A_2 : i32
      %dma_start3A_42 = arith.constant 0 : i32
      %dma_start3A_43 = tpu.memref_slice %arg10[%dma_start3A_42] : memref<3200xf32, #tpu.memory_space<vmem>> -> memref<3200xf32, #tpu.memory_space<vmem>>
      %dma_start3A_44 = tpu.memref_slice %arg3[%add3A_41] : memref<921600xf32, #tpu.memory_space<hbm>> -> memref<3200xf32, #tpu.memory_space<hbm>>
      %dma_start3A_45 = arith.constant 0 : i32
      %dma_start3A_46 = tpu.memref_slice %arg10[%dma_start3A_45] : memref<3200xf32, #tpu.memory_space<vmem>> -> memref<3200xf32, #tpu.memory_space<vmem>>
      %dma_start3A_47 = tpu.memref_slice %arg3[%add3A_41] : memref<921600xf32, #tpu.memory_space<hbm>> -> memref<3200xf32, #tpu.memory_space<hbm>>
      tpu.enqueue_dma source(%dma_start3A_47 : memref<3200xf32, #tpu.memory_space<hbm>>) target(%dma_start3A_46 : memref<3200xf32, #tpu.memory_space<vmem>>) target_semaphore(%arg18 : memref<!tpu.dma_semaphore, #tpu.memory_space<semaphore_mem>>)
      %add3A_48 = arith.constant 204800 : i32
      %add3A_49 = arith.addi %add3A_48, %mul3A_2 : i32
      %dma_start3A_50 = arith.constant 0 : i32
      %dma_start3A_51 = tpu.memref_slice %arg11[%dma_start3A_50] : memref<3200xf32, #tpu.memory_space<vmem>> -> memref<3200xf32, #tpu.memory_space<vmem>>
      %dma_start3A_52 = tpu.memref_slice %arg3[%add3A_49] : memref<921600xf32, #tpu.memory_space<hbm>> -> memref<3200xf32, #tpu.memory_space<hbm>>
      %dma_start3A_53 = arith.constant 0 : i32
      %dma_start3A_54 = tpu.memref_slice %arg11[%dma_start3A_53] : memref<3200xf32, #tpu.memory_space<vmem>> -> memref<3200xf32, #tpu.memory_space<vmem>>
      %dma_start3A_55 = tpu.memref_slice %arg3[%add3A_49] : memref<921600xf32, #tpu.memory_space<hbm>> -> memref<3200xf32, #tpu.memory_space<hbm>>
      tpu.enqueue_dma source(%dma_start3A_55 : memref<3200xf32, #tpu.memory_space<hbm>>) target(%dma_start3A_54 : memref<3200xf32, #tpu.memory_space<vmem>>) target_semaphore(%arg18 : memref<!tpu.dma_semaphore, #tpu.memory_space<semaphore_mem>>)
      %add3A_56 = arith.constant 307200 : i32
      %add3A_57 = arith.addi %add3A_56, %mul3A_2 : i32
      %dma_start3A_58 = arith.constant 0 : i32
      %dma_start3A_59 = tpu.memref_slice %arg12[%dma_start3A_58] : memref<3200xf32, #tpu.memory_space<vmem>> -> memref<3200xf32, #tpu.memory_space<vmem>>
      %dma_start3A_60 = tpu.memref_slice %arg3[%add3A_57] : memref<921600xf32, #tpu.memory_space<hbm>> -> memref<3200xf32, #tpu.memory_space<hbm>>
      %dma_start3A_61 = arith.constant 0 : i32
      %dma_start3A_62 = tpu.memref_slice %arg12[%dma_start3A_61] : memref<3200xf32, #tpu.memory_space<vmem>> -> memref<3200xf32, #tpu.memory_space<vmem>>
      %dma_start3A_63 = tpu.memref_slice %arg3[%add3A_57] : memref<921600xf32, #tpu.memory_space<hbm>> -> memref<3200xf32, #tpu.memory_space<hbm>>
      tpu.enqueue_dma source(%dma_start3A_63 : memref<3200xf32, #tpu.memory_space<hbm>>) target(%dma_start3A_62 : memref<3200xf32, #tpu.memory_space<vmem>>) target_semaphore(%arg18 : memref<!tpu.dma_semaphore, #tpu.memory_space<semaphore_mem>>)
      %add3A_64 = arith.constant 409600 : i32
      %add3A_65 = arith.addi %add3A_64, %mul3A_2 : i32
      %dma_start3A_66 = arith.constant 0 : i32
      %dma_start3A_67 = tpu.memref_slice %arg13[%dma_start3A_66] : memref<3200xf32, #tpu.memory_space<vmem>> -> memref<3200xf32, #tpu.memory_space<vmem>>
      %dma_start3A_68 = tpu.memref_slice %arg3[%add3A_65] : memref<921600xf32, #tpu.memory_space<hbm>> -> memref<3200xf32, #tpu.memory_space<hbm>>
      %dma_start3A_69 = arith.constant 0 : i32
      %dma_start3A_70 = tpu.memref_slice %arg13[%dma_start3A_69] : memref<3200xf32, #tpu.memory_space<vmem>> -> memref<3200xf32, #tpu.memory_space<vmem>>
      %dma_start3A_71 = tpu.memref_slice %arg3[%add3A_65] : memref<921600xf32, #tpu.memory_space<hbm>> -> memref<3200xf32, #tpu.memory_space<hbm>>
      tpu.enqueue_dma source(%dma_start3A_71 : memref<3200xf32, #tpu.memory_space<hbm>>) target(%dma_start3A_70 : memref<3200xf32, #tpu.memory_space<vmem>>) target_semaphore(%arg18 : memref<!tpu.dma_semaphore, #tpu.memory_space<semaphore_mem>>)
      %add3A_72 = arith.constant 512000 : i32
      %add3A_73 = arith.addi %add3A_72, %mul3A_2 : i32
      %dma_start3A_74 = arith.constant 0 : i32
      %dma_start3A_75 = tpu.memref_slice %arg14[%dma_start3A_74] : memref<3200xf32, #tpu.memory_space<vmem>> -> memref<3200xf32, #tpu.memory_space<vmem>>
      %dma_start3A_76 = tpu.memref_slice %arg3[%add3A_73] : memref<921600xf32, #tpu.memory_space<hbm>> -> memref<3200xf32, #tpu.memory_space<hbm>>
      %dma_start3A_77 = arith.constant 0 : i32
      %dma_start3A_78 = tpu.memref_slice %arg14[%dma_start3A_77] : memref<3200xf32, #tpu.memory_space<vmem>> -> memref<3200xf32, #tpu.memory_space<vmem>>
      %dma_start3A_79 = tpu.memref_slice %arg3[%add3A_73] : memref<921600xf32, #tpu.memory_space<hbm>> -> memref<3200xf32, #tpu.memory_space<hbm>>
      tpu.enqueue_dma source(%dma_start3A_79 : memref<3200xf32, #tpu.memory_space<hbm>>) target(%dma_start3A_78 : memref<3200xf32, #tpu.memory_space<vmem>>) target_semaphore(%arg18 : memref<!tpu.dma_semaphore, #tpu.memory_space<semaphore_mem>>)
      %add3A_80 = arith.constant 614400 : i32
      %add3A_81 = arith.addi %add3A_80, %mul3A_2 : i32
      %dma_start3A_82 = arith.constant 0 : i32
      %dma_start3A_83 = tpu.memref_slice %arg15[%dma_start3A_82] : memref<3200xf32, #tpu.memory_space<vmem>> -> memref<3200xf32, #tpu.memory_space<vmem>>
      %dma_start3A_84 = tpu.memref_slice %arg3[%add3A_81] : memref<921600xf32, #tpu.memory_space<hbm>> -> memref<3200xf32, #tpu.memory_space<hbm>>
      %dma_start3A_85 = arith.constant 0 : i32
      %dma_start3A_86 = tpu.memref_slice %arg15[%dma_start3A_85] : memref<3200xf32, #tpu.memory_space<vmem>> -> memref<3200xf32, #tpu.memory_space<vmem>>
      %dma_start3A_87 = tpu.memref_slice %arg3[%add3A_81] : memref<921600xf32, #tpu.memory_space<hbm>> -> memref<3200xf32, #tpu.memory_space<hbm>>
      tpu.enqueue_dma source(%dma_start3A_87 : memref<3200xf32, #tpu.memory_space<hbm>>) target(%dma_start3A_86 : memref<3200xf32, #tpu.memory_space<vmem>>) target_semaphore(%arg18 : memref<!tpu.dma_semaphore, #tpu.memory_space<semaphore_mem>>)
      %add3A_88 = arith.constant 716800 : i32
      %add3A_89 = arith.addi %add3A_88, %mul3A_2 : i32
      %dma_start3A_90 = arith.constant 0 : i32
      %dma_start3A_91 = tpu.memref_slice %arg16[%dma_start3A_90] : memref<3200xf32, #tpu.memory_space<vmem>> -> memref<3200xf32, #tpu.memory_space<vmem>>
      %dma_start3A_92 = tpu.memref_slice %arg3[%add3A_89] : memref<921600xf32, #tpu.memory_space<hbm>> -> memref<3200xf32, #tpu.memory_space<hbm>>
      %dma_start3A_93 = arith.constant 0 : i32
      %dma_start3A_94 = tpu.memref_slice %arg16[%dma_start3A_93] : memref<3200xf32, #tpu.memory_space<vmem>> -> memref<3200xf32, #tpu.memory_space<vmem>>
      %dma_start3A_95 = tpu.memref_slice %arg3[%add3A_89] : memref<921600xf32, #tpu.memory_space<hbm>> -> memref<3200xf32, #tpu.memory_space<hbm>>
      tpu.enqueue_dma source(%dma_start3A_95 : memref<3200xf32, #tpu.memory_space<hbm>>) target(%dma_start3A_94 : memref<3200xf32, #tpu.memory_space<vmem>>) target_semaphore(%arg18 : memref<!tpu.dma_semaphore, #tpu.memory_space<semaphore_mem>>)
      %add3A_96 = arith.constant 819200 : i32
      %add3A_97 = arith.addi %add3A_96, %mul3A_2 : i32
      %dma_start3A_98 = arith.constant 0 : i32
      %dma_start3A_99 = tpu.memref_slice %arg17[%dma_start3A_98] : memref<3200xf32, #tpu.memory_space<vmem>> -> memref<3200xf32, #tpu.memory_space<vmem>>
      %dma_start3A_100 = tpu.memref_slice %arg3[%add3A_97] : memref<921600xf32, #tpu.memory_space<hbm>> -> memref<3200xf32, #tpu.memory_space<hbm>>
      %dma_start3A_101 = arith.constant 0 : i32
      %dma_start3A_102 = tpu.memref_slice %arg17[%dma_start3A_101] : memref<3200xf32, #tpu.memory_space<vmem>> -> memref<3200xf32, #tpu.memory_space<vmem>>
      %dma_start3A_103 = tpu.memref_slice %arg3[%add3A_97] : memref<921600xf32, #tpu.memory_space<hbm>> -> memref<3200xf32, #tpu.memory_space<hbm>>
      tpu.enqueue_dma source(%dma_start3A_103 : memref<3200xf32, #tpu.memory_space<hbm>>) target(%dma_start3A_102 : memref<3200xf32, #tpu.memory_space<vmem>>) target_semaphore(%arg18 : memref<!tpu.dma_semaphore, #tpu.memory_space<semaphore_mem>>)
      %dma_wait3A = arith.constant 0 : i32
      %dma_wait3A_104 = tpu.memref_slice %arg6[%dma_wait3A] : memref<3200xf32, #tpu.memory_space<vmem>> -> memref<3200xf32, #tpu.memory_space<vmem>>
      %dma_wait3A_105 = tpu.memref_slice %arg2[%add3A_10] : memref<307200xf32, #tpu.memory_space<hbm>> -> memref<3200xf32, #tpu.memory_space<hbm>>
      %dma_wait3A_106 = arith.constant 0 : i32
      %dma_wait3A_107 = tpu.memref_slice %arg6[%dma_wait3A_106] : memref<3200xf32, #tpu.memory_space<vmem>> -> memref<3200xf32, #tpu.memory_space<vmem>>
      %dma_wait3A_108 = tpu.memref_slice %arg2[%add3A_10] : memref<307200xf32, #tpu.memory_space<hbm>> -> memref<3200xf32, #tpu.memory_space<hbm>>
      tpu.wait_dma2 semaphore(%arg18 : memref<!tpu.dma_semaphore, #tpu.memory_space<semaphore_mem>>) src(%dma_wait3A_108 : memref<3200xf32, #tpu.memory_space<hbm>>) dst(%dma_wait3A_107 : memref<3200xf32, #tpu.memory_space<vmem>>)
      %dma_wait3A_109 = arith.constant 0 : i32
      %dma_wait3A_110 = tpu.memref_slice %arg7[%dma_wait3A_109] : memref<3200xf32, #tpu.memory_space<vmem>> -> memref<3200xf32, #tpu.memory_space<vmem>>
      %dma_wait3A_111 = tpu.memref_slice %arg2[%add3A_17] : memref<307200xf32, #tpu.memory_space<hbm>> -> memref<3200xf32, #tpu.memory_space<hbm>>
      %dma_wait3A_112 = arith.constant 0 : i32
      %dma_wait3A_113 = tpu.memref_slice %arg7[%dma_wait3A_112] : memref<3200xf32, #tpu.memory_space<vmem>> -> memref<3200xf32, #tpu.memory_space<vmem>>
      %dma_wait3A_114 = tpu.memref_slice %arg2[%add3A_17] : memref<307200xf32, #tpu.memory_space<hbm>> -> memref<3200xf32, #tpu.memory_space<hbm>>
      tpu.wait_dma2 semaphore(%arg18 : memref<!tpu.dma_semaphore, #tpu.memory_space<semaphore_mem>>) src(%dma_wait3A_114 : memref<3200xf32, #tpu.memory_space<hbm>>) dst(%dma_wait3A_113 : memref<3200xf32, #tpu.memory_space<vmem>>)
      %dma_wait3A_115 = arith.constant 0 : i32
      %dma_wait3A_116 = tpu.memref_slice %arg8[%dma_wait3A_115] : memref<3200xf32, #tpu.memory_space<vmem>> -> memref<3200xf32, #tpu.memory_space<vmem>>
      %dma_wait3A_117 = tpu.memref_slice %arg2[%add3A_25] : memref<307200xf32, #tpu.memory_space<hbm>> -> memref<3200xf32, #tpu.memory_space<hbm>>
      %dma_wait3A_118 = arith.constant 0 : i32
      %dma_wait3A_119 = tpu.memref_slice %arg8[%dma_wait3A_118] : memref<3200xf32, #tpu.memory_space<vmem>> -> memref<3200xf32, #tpu.memory_space<vmem>>
      %dma_wait3A_120 = tpu.memref_slice %arg2[%add3A_25] : memref<307200xf32, #tpu.memory_space<hbm>> -> memref<3200xf32, #tpu.memory_space<hbm>>
      tpu.wait_dma2 semaphore(%arg18 : memref<!tpu.dma_semaphore, #tpu.memory_space<semaphore_mem>>) src(%dma_wait3A_120 : memref<3200xf32, #tpu.memory_space<hbm>>) dst(%dma_wait3A_119 : memref<3200xf32, #tpu.memory_space<vmem>>)
      %dma_wait3A_121 = arith.constant 0 : i32
      %dma_wait3A_122 = tpu.memref_slice %arg9[%dma_wait3A_121] : memref<3200xf32, #tpu.memory_space<vmem>> -> memref<3200xf32, #tpu.memory_space<vmem>>
      %dma_wait3A_123 = tpu.memref_slice %arg3[%add3A_33] : memref<921600xf32, #tpu.memory_space<hbm>> -> memref<3200xf32, #tpu.memory_space<hbm>>
      %dma_wait3A_124 = arith.constant 0 : i32
      %dma_wait3A_125 = tpu.memref_slice %arg9[%dma_wait3A_124] : memref<3200xf32, #tpu.memory_space<vmem>> -> memref<3200xf32, #tpu.memory_space<vmem>>
      %dma_wait3A_126 = tpu.memref_slice %arg3[%add3A_33] : memref<921600xf32, #tpu.memory_space<hbm>> -> memref<3200xf32, #tpu.memory_space<hbm>>
      tpu.wait_dma2 semaphore(%arg18 : memref<!tpu.dma_semaphore, #tpu.memory_space<semaphore_mem>>) src(%dma_wait3A_126 : memref<3200xf32, #tpu.memory_space<hbm>>) dst(%dma_wait3A_125 : memref<3200xf32, #tpu.memory_space<vmem>>)
      %dma_wait3A_127 = arith.constant 0 : i32
      %dma_wait3A_128 = tpu.memref_slice %arg10[%dma_wait3A_127] : memref<3200xf32, #tpu.memory_space<vmem>> -> memref<3200xf32, #tpu.memory_space<vmem>>
      %dma_wait3A_129 = tpu.memref_slice %arg3[%add3A_41] : memref<921600xf32, #tpu.memory_space<hbm>> -> memref<3200xf32, #tpu.memory_space<hbm>>
      %dma_wait3A_130 = arith.constant 0 : i32
      %dma_wait3A_131 = tpu.memref_slice %arg10[%dma_wait3A_130] : memref<3200xf32, #tpu.memory_space<vmem>> -> memref<3200xf32, #tpu.memory_space<vmem>>
      %dma_wait3A_132 = tpu.memref_slice %arg3[%add3A_41] : memref<921600xf32, #tpu.memory_space<hbm>> -> memref<3200xf32, #tpu.memory_space<hbm>>
      tpu.wait_dma2 semaphore(%arg18 : memref<!tpu.dma_semaphore, #tpu.memory_space<semaphore_mem>>) src(%dma_wait3A_132 : memref<3200xf32, #tpu.memory_space<hbm>>) dst(%dma_wait3A_131 : memref<3200xf32, #tpu.memory_space<vmem>>)
      %dma_wait3A_133 = arith.constant 0 : i32
      %dma_wait3A_134 = tpu.memref_slice %arg11[%dma_wait3A_133] : memref<3200xf32, #tpu.memory_space<vmem>> -> memref<3200xf32, #tpu.memory_space<vmem>>
      %dma_wait3A_135 = tpu.memref_slice %arg3[%add3A_49] : memref<921600xf32, #tpu.memory_space<hbm>> -> memref<3200xf32, #tpu.memory_space<hbm>>
      %dma_wait3A_136 = arith.constant 0 : i32
      %dma_wait3A_137 = tpu.memref_slice %arg11[%dma_wait3A_136] : memref<3200xf32, #tpu.memory_space<vmem>> -> memref<3200xf32, #tpu.memory_space<vmem>>
      %dma_wait3A_138 = tpu.memref_slice %arg3[%add3A_49] : memref<921600xf32, #tpu.memory_space<hbm>> -> memref<3200xf32, #tpu.memory_space<hbm>>
      tpu.wait_dma2 semaphore(%arg18 : memref<!tpu.dma_semaphore, #tpu.memory_space<semaphore_mem>>) src(%dma_wait3A_138 : memref<3200xf32, #tpu.memory_space<hbm>>) dst(%dma_wait3A_137 : memref<3200xf32, #tpu.memory_space<vmem>>)
      %dma_wait3A_139 = arith.constant 0 : i32
      %dma_wait3A_140 = tpu.memref_slice %arg12[%dma_wait3A_139] : memref<3200xf32, #tpu.memory_space<vmem>> -> memref<3200xf32, #tpu.memory_space<vmem>>
      %dma_wait3A_141 = tpu.memref_slice %arg3[%add3A_57] : memref<921600xf32, #tpu.memory_space<hbm>> -> memref<3200xf32, #tpu.memory_space<hbm>>
      %dma_wait3A_142 = arith.constant 0 : i32
      %dma_wait3A_143 = tpu.memref_slice %arg12[%dma_wait3A_142] : memref<3200xf32, #tpu.memory_space<vmem>> -> memref<3200xf32, #tpu.memory_space<vmem>>
      %dma_wait3A_144 = tpu.memref_slice %arg3[%add3A_57] : memref<921600xf32, #tpu.memory_space<hbm>> -> memref<3200xf32, #tpu.memory_space<hbm>>
      tpu.wait_dma2 semaphore(%arg18 : memref<!tpu.dma_semaphore, #tpu.memory_space<semaphore_mem>>) src(%dma_wait3A_144 : memref<3200xf32, #tpu.memory_space<hbm>>) dst(%dma_wait3A_143 : memref<3200xf32, #tpu.memory_space<vmem>>)
      %dma_wait3A_145 = arith.constant 0 : i32
      %dma_wait3A_146 = tpu.memref_slice %arg13[%dma_wait3A_145] : memref<3200xf32, #tpu.memory_space<vmem>> -> memref<3200xf32, #tpu.memory_space<vmem>>
      %dma_wait3A_147 = tpu.memref_slice %arg3[%add3A_65] : memref<921600xf32, #tpu.memory_space<hbm>> -> memref<3200xf32, #tpu.memory_space<hbm>>
      %dma_wait3A_148 = arith.constant 0 : i32
      %dma_wait3A_149 = tpu.memref_slice %arg13[%dma_wait3A_148] : memref<3200xf32, #tpu.memory_space<vmem>> -> memref<3200xf32, #tpu.memory_space<vmem>>
      %dma_wait3A_150 = tpu.memref_slice %arg3[%add3A_65] : memref<921600xf32, #tpu.memory_space<hbm>> -> memref<3200xf32, #tpu.memory_space<hbm>>
      tpu.wait_dma2 semaphore(%arg18 : memref<!tpu.dma_semaphore, #tpu.memory_space<semaphore_mem>>) src(%dma_wait3A_150 : memref<3200xf32, #tpu.memory_space<hbm>>) dst(%dma_wait3A_149 : memref<3200xf32, #tpu.memory_space<vmem>>)
      %dma_wait3A_151 = arith.constant 0 : i32
      %dma_wait3A_152 = tpu.memref_slice %arg14[%dma_wait3A_151] : memref<3200xf32, #tpu.memory_space<vmem>> -> memref<3200xf32, #tpu.memory_space<vmem>>
      %dma_wait3A_153 = tpu.memref_slice %arg3[%add3A_73] : memref<921600xf32, #tpu.memory_space<hbm>> -> memref<3200xf32, #tpu.memory_space<hbm>>
      %dma_wait3A_154 = arith.constant 0 : i32
      %dma_wait3A_155 = tpu.memref_slice %arg14[%dma_wait3A_154] : memref<3200xf32, #tpu.memory_space<vmem>> -> memref<3200xf32, #tpu.memory_space<vmem>>
      %dma_wait3A_156 = tpu.memref_slice %arg3[%add3A_73] : memref<921600xf32, #tpu.memory_space<hbm>> -> memref<3200xf32, #tpu.memory_space<hbm>>
      tpu.wait_dma2 semaphore(%arg18 : memref<!tpu.dma_semaphore, #tpu.memory_space<semaphore_mem>>) src(%dma_wait3A_156 : memref<3200xf32, #tpu.memory_space<hbm>>) dst(%dma_wait3A_155 : memref<3200xf32, #tpu.memory_space<vmem>>)
      %dma_wait3A_157 = arith.constant 0 : i32
      %dma_wait3A_158 = tpu.memref_slice %arg15[%dma_wait3A_157] : memref<3200xf32, #tpu.memory_space<vmem>> -> memref<3200xf32, #tpu.memory_space<vmem>>
      %dma_wait3A_159 = tpu.memref_slice %arg3[%add3A_81] : memref<921600xf32, #tpu.memory_space<hbm>> -> memref<3200xf32, #tpu.memory_space<hbm>>
      %dma_wait3A_160 = arith.constant 0 : i32
      %dma_wait3A_161 = tpu.memref_slice %arg15[%dma_wait3A_160] : memref<3200xf32, #tpu.memory_space<vmem>> -> memref<3200xf32, #tpu.memory_space<vmem>>
      %dma_wait3A_162 = tpu.memref_slice %arg3[%add3A_81] : memref<921600xf32, #tpu.memory_space<hbm>> -> memref<3200xf32, #tpu.memory_space<hbm>>
      tpu.wait_dma2 semaphore(%arg18 : memref<!tpu.dma_semaphore, #tpu.memory_space<semaphore_mem>>) src(%dma_wait3A_162 : memref<3200xf32, #tpu.memory_space<hbm>>) dst(%dma_wait3A_161 : memref<3200xf32, #tpu.memory_space<vmem>>)
      %dma_wait3A_163 = arith.constant 0 : i32
      %dma_wait3A_164 = tpu.memref_slice %arg16[%dma_wait3A_163] : memref<3200xf32, #tpu.memory_space<vmem>> -> memref<3200xf32, #tpu.memory_space<vmem>>
      %dma_wait3A_165 = tpu.memref_slice %arg3[%add3A_89] : memref<921600xf32, #tpu.memory_space<hbm>> -> memref<3200xf32, #tpu.memory_space<hbm>>
      %dma_wait3A_166 = arith.constant 0 : i32
      %dma_wait3A_167 = tpu.memref_slice %arg16[%dma_wait3A_166] : memref<3200xf32, #tpu.memory_space<vmem>> -> memref<3200xf32, #tpu.memory_space<vmem>>
      %dma_wait3A_168 = tpu.memref_slice %arg3[%add3A_89] : memref<921600xf32, #tpu.memory_space<hbm>> -> memref<3200xf32, #tpu.memory_space<hbm>>
      tpu.wait_dma2 semaphore(%arg18 : memref<!tpu.dma_semaphore, #tpu.memory_space<semaphore_mem>>) src(%dma_wait3A_168 : memref<3200xf32, #tpu.memory_space<hbm>>) dst(%dma_wait3A_167 : memref<3200xf32, #tpu.memory_space<vmem>>)
      %dma_wait3A_169 = arith.constant 0 : i32
      %dma_wait3A_170 = tpu.memref_slice %arg17[%dma_wait3A_169] : memref<3200xf32, #tpu.memory_space<vmem>> -> memref<3200xf32, #tpu.memory_space<vmem>>
      %dma_wait3A_171 = tpu.memref_slice %arg3[%add3A_97] : memref<921600xf32, #tpu.memory_space<hbm>> -> memref<3200xf32, #tpu.memory_space<hbm>>
      %dma_wait3A_172 = arith.constant 0 : i32
      %dma_wait3A_173 = tpu.memref_slice %arg17[%dma_wait3A_172] : memref<3200xf32, #tpu.memory_space<vmem>> -> memref<3200xf32, #tpu.memory_space<vmem>>
      %dma_wait3A_174 = tpu.memref_slice %arg3[%add3A_97] : memref<921600xf32, #tpu.memory_space<hbm>> -> memref<3200xf32, #tpu.memory_space<hbm>>
      tpu.wait_dma2 semaphore(%arg18 : memref<!tpu.dma_semaphore, #tpu.memory_space<semaphore_mem>>) src(%dma_wait3A_174 : memref<3200xf32, #tpu.memory_space<hbm>>) dst(%dma_wait3A_173 : memref<3200xf32, #tpu.memory_space<vmem>>)
      %add3A_175 = arith.constant 0 : i32
      %add3A_176 = arith.addi %add3A_175, %mul3A_2 : i32
      %dma_start3A_177 = arith.constant 0 : i32
      %dma_start3A_178 = tpu.memref_slice %arg6[%dma_start3A_177] : memref<3200xf32, #tpu.memory_space<vmem>> -> memref<3200xf32, #tpu.memory_space<vmem>>
      %dma_start3A_179 = tpu.memref_slice %arg4[%add3A_176] : memref<300000xf32, #tpu.memory_space<hbm>> -> memref<3200xf32, #tpu.memory_space<hbm>>
      %dma_start3A_180 = tpu.memref_slice %arg4[%add3A_176] : memref<300000xf32, #tpu.memory_space<hbm>> -> memref<3200xf32, #tpu.memory_space<hbm>>
      %dma_start3A_181 = arith.constant 0 : i32
      %dma_start3A_182 = tpu.memref_slice %arg6[%dma_start3A_181] : memref<3200xf32, #tpu.memory_space<vmem>> -> memref<3200xf32, #tpu.memory_space<vmem>>
      tpu.enqueue_dma source(%dma_start3A_182 : memref<3200xf32, #tpu.memory_space<vmem>>) target(%dma_start3A_180 : memref<3200xf32, #tpu.memory_space<hbm>>) target_semaphore(%arg18 : memref<!tpu.dma_semaphore, #tpu.memory_space<semaphore_mem>>)
      %add3A_183 = arith.constant 100000 : i32
      %add3A_184 = arith.addi %add3A_183, %mul3A_2 : i32
      %dma_start3A_185 = arith.constant 0 : i32
      %dma_start3A_186 = tpu.memref_slice %arg7[%dma_start3A_185] : memref<3200xf32, #tpu.memory_space<vmem>> -> memref<3200xf32, #tpu.memory_space<vmem>>
      %dma_start3A_187 = tpu.memref_slice %arg4[%add3A_184] : memref<300000xf32, #tpu.memory_space<hbm>> -> memref<3200xf32, #tpu.memory_space<hbm>>
      %dma_start3A_188 = tpu.memref_slice %arg4[%add3A_184] : memref<300000xf32, #tpu.memory_space<hbm>> -> memref<3200xf32, #tpu.memory_space<hbm>>
      %dma_start3A_189 = arith.constant 0 : i32
      %dma_start3A_190 = tpu.memref_slice %arg7[%dma_start3A_189] : memref<3200xf32, #tpu.memory_space<vmem>> -> memref<3200xf32, #tpu.memory_space<vmem>>
      tpu.enqueue_dma source(%dma_start3A_190 : memref<3200xf32, #tpu.memory_space<vmem>>) target(%dma_start3A_188 : memref<3200xf32, #tpu.memory_space<hbm>>) target_semaphore(%arg18 : memref<!tpu.dma_semaphore, #tpu.memory_space<semaphore_mem>>)
      %add3A_191 = arith.constant 200000 : i32
      %add3A_192 = arith.addi %add3A_191, %mul3A_2 : i32
      %dma_start3A_193 = arith.constant 0 : i32
      %dma_start3A_194 = tpu.memref_slice %arg8[%dma_start3A_193] : memref<3200xf32, #tpu.memory_space<vmem>> -> memref<3200xf32, #tpu.memory_space<vmem>>
      %dma_start3A_195 = tpu.memref_slice %arg4[%add3A_192] : memref<300000xf32, #tpu.memory_space<hbm>> -> memref<3200xf32, #tpu.memory_space<hbm>>
      %dma_start3A_196 = tpu.memref_slice %arg4[%add3A_192] : memref<300000xf32, #tpu.memory_space<hbm>> -> memref<3200xf32, #tpu.memory_space<hbm>>
      %dma_start3A_197 = arith.constant 0 : i32
      %dma_start3A_198 = tpu.memref_slice %arg8[%dma_start3A_197] : memref<3200xf32, #tpu.memory_space<vmem>> -> memref<3200xf32, #tpu.memory_space<vmem>>
      tpu.enqueue_dma source(%dma_start3A_198 : memref<3200xf32, #tpu.memory_space<vmem>>) target(%dma_start3A_196 : memref<3200xf32, #tpu.memory_space<hbm>>) target_semaphore(%arg18 : memref<!tpu.dma_semaphore, #tpu.memory_space<semaphore_mem>>)
      %add3A_199 = arith.constant 0 : i32
      %add3A_200 = arith.addi %add3A_199, %mul3A_2 : i32
      %dma_start3A_201 = arith.constant 0 : i32
      %dma_start3A_202 = tpu.memref_slice %arg9[%dma_start3A_201] : memref<3200xf32, #tpu.memory_space<vmem>> -> memref<3200xf32, #tpu.memory_space<vmem>>
      %dma_start3A_203 = tpu.memref_slice %arg5[%add3A_200] : memref<900000xf32, #tpu.memory_space<hbm>> -> memref<3200xf32, #tpu.memory_space<hbm>>
      %dma_start3A_204 = tpu.memref_slice %arg5[%add3A_200] : memref<900000xf32, #tpu.memory_space<hbm>> -> memref<3200xf32, #tpu.memory_space<hbm>>
      %dma_start3A_205 = arith.constant 0 : i32
      %dma_start3A_206 = tpu.memref_slice %arg9[%dma_start3A_205] : memref<3200xf32, #tpu.memory_space<vmem>> -> memref<3200xf32, #tpu.memory_space<vmem>>
      tpu.enqueue_dma source(%dma_start3A_206 : memref<3200xf32, #tpu.memory_space<vmem>>) target(%dma_start3A_204 : memref<3200xf32, #tpu.memory_space<hbm>>) target_semaphore(%arg18 : memref<!tpu.dma_semaphore, #tpu.memory_space<semaphore_mem>>)
      %add3A_207 = arith.constant 100000 : i32
      %add3A_208 = arith.addi %add3A_207, %mul3A_2 : i32
      %dma_start3A_209 = arith.constant 0 : i32
      %dma_start3A_210 = tpu.memref_slice %arg10[%dma_start3A_209] : memref<3200xf32, #tpu.memory_space<vmem>> -> memref<3200xf32, #tpu.memory_space<vmem>>
      %dma_start3A_211 = tpu.memref_slice %arg5[%add3A_208] : memref<900000xf32, #tpu.memory_space<hbm>> -> memref<3200xf32, #tpu.memory_space<hbm>>
      %dma_start3A_212 = tpu.memref_slice %arg5[%add3A_208] : memref<900000xf32, #tpu.memory_space<hbm>> -> memref<3200xf32, #tpu.memory_space<hbm>>
      %dma_start3A_213 = arith.constant 0 : i32
      %dma_start3A_214 = tpu.memref_slice %arg10[%dma_start3A_213] : memref<3200xf32, #tpu.memory_space<vmem>> -> memref<3200xf32, #tpu.memory_space<vmem>>
      tpu.enqueue_dma source(%dma_start3A_214 : memref<3200xf32, #tpu.memory_space<vmem>>) target(%dma_start3A_212 : memref<3200xf32, #tpu.memory_space<hbm>>) target_semaphore(%arg18 : memref<!tpu.dma_semaphore, #tpu.memory_space<semaphore_mem>>)
      %add3A_215 = arith.constant 200000 : i32
      %add3A_216 = arith.addi %add3A_215, %mul3A_2 : i32
      %dma_start3A_217 = arith.constant 0 : i32
      %dma_start3A_218 = tpu.memref_slice %arg11[%dma_start3A_217] : memref<3200xf32, #tpu.memory_space<vmem>> -> memref<3200xf32, #tpu.memory_space<vmem>>
      %dma_start3A_219 = tpu.memref_slice %arg5[%add3A_216] : memref<900000xf32, #tpu.memory_space<hbm>> -> memref<3200xf32, #tpu.memory_space<hbm>>
      %dma_start3A_220 = tpu.memref_slice %arg5[%add3A_216] : memref<900000xf32, #tpu.memory_space<hbm>> -> memref<3200xf32, #tpu.memory_space<hbm>>
      %dma_start3A_221 = arith.constant 0 : i32
      %dma_start3A_222 = tpu.memref_slice %arg11[%dma_start3A_221] : memref<3200xf32, #tpu.memory_space<vmem>> -> memref<3200xf32, #tpu.memory_space<vmem>>
      tpu.enqueue_dma source(%dma_start3A_222 : memref<3200xf32, #tpu.memory_space<vmem>>) target(%dma_start3A_220 : memref<3200xf32, #tpu.memory_space<hbm>>) target_semaphore(%arg18 : memref<!tpu.dma_semaphore, #tpu.memory_space<semaphore_mem>>)
      %add3A_223 = arith.constant 300000 : i32
      %add3A_224 = arith.addi %add3A_223, %mul3A_2 : i32
      %dma_start3A_225 = arith.constant 0 : i32
      %dma_start3A_226 = tpu.memref_slice %arg12[%dma_start3A_225] : memref<3200xf32, #tpu.memory_space<vmem>> -> memref<3200xf32, #tpu.memory_space<vmem>>
      %dma_start3A_227 = tpu.memref_slice %arg5[%add3A_224] : memref<900000xf32, #tpu.memory_space<hbm>> -> memref<3200xf32, #tpu.memory_space<hbm>>
      %dma_start3A_228 = tpu.memref_slice %arg5[%add3A_224] : memref<900000xf32, #tpu.memory_space<hbm>> -> memref<3200xf32, #tpu.memory_space<hbm>>
      %dma_start3A_229 = arith.constant 0 : i32
      %dma_start3A_230 = tpu.memref_slice %arg12[%dma_start3A_229] : memref<3200xf32, #tpu.memory_space<vmem>> -> memref<3200xf32, #tpu.memory_space<vmem>>
      tpu.enqueue_dma source(%dma_start3A_230 : memref<3200xf32, #tpu.memory_space<vmem>>) target(%dma_start3A_228 : memref<3200xf32, #tpu.memory_space<hbm>>) target_semaphore(%arg18 : memref<!tpu.dma_semaphore, #tpu.memory_space<semaphore_mem>>)
      %add3A_231 = arith.constant 400000 : i32
      %add3A_232 = arith.addi %add3A_231, %mul3A_2 : i32
      %dma_start3A_233 = arith.constant 0 : i32
      %dma_start3A_234 = tpu.memref_slice %arg13[%dma_start3A_233] : memref<3200xf32, #tpu.memory_space<vmem>> -> memref<3200xf32, #tpu.memory_space<vmem>>
      %dma_start3A_235 = tpu.memref_slice %arg5[%add3A_232] : memref<900000xf32, #tpu.memory_space<hbm>> -> memref<3200xf32, #tpu.memory_space<hbm>>
      %dma_start3A_236 = tpu.memref_slice %arg5[%add3A_232] : memref<900000xf32, #tpu.memory_space<hbm>> -> memref<3200xf32, #tpu.memory_space<hbm>>
      %dma_start3A_237 = arith.constant 0 : i32
      %dma_start3A_238 = tpu.memref_slice %arg13[%dma_start3A_237] : memref<3200xf32, #tpu.memory_space<vmem>> -> memref<3200xf32, #tpu.memory_space<vmem>>
      tpu.enqueue_dma source(%dma_start3A_238 : memref<3200xf32, #tpu.memory_space<vmem>>) target(%dma_start3A_236 : memref<3200xf32, #tpu.memory_space<hbm>>) target_semaphore(%arg18 : memref<!tpu.dma_semaphore, #tpu.memory_space<semaphore_mem>>)
      %add3A_239 = arith.constant 500000 : i32
      %add3A_240 = arith.addi %add3A_239, %mul3A_2 : i32
      %dma_start3A_241 = arith.constant 0 : i32
      %dma_start3A_242 = tpu.memref_slice %arg14[%dma_start3A_241] : memref<3200xf32, #tpu.memory_space<vmem>> -> memref<3200xf32, #tpu.memory_space<vmem>>
      %dma_start3A_243 = tpu.memref_slice %arg5[%add3A_240] : memref<900000xf32, #tpu.memory_space<hbm>> -> memref<3200xf32, #tpu.memory_space<hbm>>
      %dma_start3A_244 = tpu.memref_slice %arg5[%add3A_240] : memref<900000xf32, #tpu.memory_space<hbm>> -> memref<3200xf32, #tpu.memory_space<hbm>>
      %dma_start3A_245 = arith.constant 0 : i32
      %dma_start3A_246 = tpu.memref_slice %arg14[%dma_start3A_245] : memref<3200xf32, #tpu.memory_space<vmem>> -> memref<3200xf32, #tpu.memory_space<vmem>>
      tpu.enqueue_dma source(%dma_start3A_246 : memref<3200xf32, #tpu.memory_space<vmem>>) target(%dma_start3A_244 : memref<3200xf32, #tpu.memory_space<hbm>>) target_semaphore(%arg18 : memref<!tpu.dma_semaphore, #tpu.memory_space<semaphore_mem>>)
      %add3A_247 = arith.constant 600000 : i32
      %add3A_248 = arith.addi %add3A_247, %mul3A_2 : i32
      %dma_start3A_249 = arith.constant 0 : i32
      %dma_start3A_250 = tpu.memref_slice %arg15[%dma_start3A_249] : memref<3200xf32, #tpu.memory_space<vmem>> -> memref<3200xf32, #tpu.memory_space<vmem>>
      %dma_start3A_251 = tpu.memref_slice %arg5[%add3A_248] : memref<900000xf32, #tpu.memory_space<hbm>> -> memref<3200xf32, #tpu.memory_space<hbm>>
      %dma_start3A_252 = tpu.memref_slice %arg5[%add3A_248] : memref<900000xf32, #tpu.memory_space<hbm>> -> memref<3200xf32, #tpu.memory_space<hbm>>
      %dma_start3A_253 = arith.constant 0 : i32
      %dma_start3A_254 = tpu.memref_slice %arg15[%dma_start3A_253] : memref<3200xf32, #tpu.memory_space<vmem>> -> memref<3200xf32, #tpu.memory_space<vmem>>
      tpu.enqueue_dma source(%dma_start3A_254 : memref<3200xf32, #tpu.memory_space<vmem>>) target(%dma_start3A_252 : memref<3200xf32, #tpu.memory_space<hbm>>) target_semaphore(%arg18 : memref<!tpu.dma_semaphore, #tpu.memory_space<semaphore_mem>>)
      %add3A_255 = arith.constant 700000 : i32
      %add3A_256 = arith.addi %add3A_255, %mul3A_2 : i32
      %dma_start3A_257 = arith.constant 0 : i32
      %dma_start3A_258 = tpu.memref_slice %arg16[%dma_start3A_257] : memref<3200xf32, #tpu.memory_space<vmem>> -> memref<3200xf32, #tpu.memory_space<vmem>>
      %dma_start3A_259 = tpu.memref_slice %arg5[%add3A_256] : memref<900000xf32, #tpu.memory_space<hbm>> -> memref<3200xf32, #tpu.memory_space<hbm>>
      %dma_start3A_260 = tpu.memref_slice %arg5[%add3A_256] : memref<900000xf32, #tpu.memory_space<hbm>> -> memref<3200xf32, #tpu.memory_space<hbm>>
      %dma_start3A_261 = arith.constant 0 : i32
      %dma_start3A_262 = tpu.memref_slice %arg16[%dma_start3A_261] : memref<3200xf32, #tpu.memory_space<vmem>> -> memref<3200xf32, #tpu.memory_space<vmem>>
      tpu.enqueue_dma source(%dma_start3A_262 : memref<3200xf32, #tpu.memory_space<vmem>>) target(%dma_start3A_260 : memref<3200xf32, #tpu.memory_space<hbm>>) target_semaphore(%arg18 : memref<!tpu.dma_semaphore, #tpu.memory_space<semaphore_mem>>)
      %add3A_263 = arith.constant 800000 : i32
      %add3A_264 = arith.addi %add3A_263, %mul3A_2 : i32
      %dma_start3A_265 = arith.constant 0 : i32
      %dma_start3A_266 = tpu.memref_slice %arg17[%dma_start3A_265] : memref<3200xf32, #tpu.memory_space<vmem>> -> memref<3200xf32, #tpu.memory_space<vmem>>
      %dma_start3A_267 = tpu.memref_slice %arg5[%add3A_264] : memref<900000xf32, #tpu.memory_space<hbm>> -> memref<3200xf32, #tpu.memory_space<hbm>>
      %dma_start3A_268 = tpu.memref_slice %arg5[%add3A_264] : memref<900000xf32, #tpu.memory_space<hbm>> -> memref<3200xf32, #tpu.memory_space<hbm>>
      %dma_start3A_269 = arith.constant 0 : i32
      %dma_start3A_270 = tpu.memref_slice %arg17[%dma_start3A_269] : memref<3200xf32, #tpu.memory_space<vmem>> -> memref<3200xf32, #tpu.memory_space<vmem>>
      tpu.enqueue_dma source(%dma_start3A_270 : memref<3200xf32, #tpu.memory_space<vmem>>) target(%dma_start3A_268 : memref<3200xf32, #tpu.memory_space<hbm>>) target_semaphore(%arg18 : memref<!tpu.dma_semaphore, #tpu.memory_space<semaphore_mem>>)
      %dma_wait3A_271 = arith.constant 0 : i32
      %dma_wait3A_272 = tpu.memref_slice %arg6[%dma_wait3A_271] : memref<3200xf32, #tpu.memory_space<vmem>> -> memref<3200xf32, #tpu.memory_space<vmem>>
      %dma_wait3A_273 = tpu.memref_slice %arg4[%add3A_176] : memref<300000xf32, #tpu.memory_space<hbm>> -> memref<3200xf32, #tpu.memory_space<hbm>>
      %dma_wait3A_274 = tpu.memref_slice %arg4[%add3A_176] : memref<300000xf32, #tpu.memory_space<hbm>> -> memref<3200xf32, #tpu.memory_space<hbm>>
      %dma_wait3A_275 = arith.constant 0 : i32
      %dma_wait3A_276 = tpu.memref_slice %arg6[%dma_wait3A_275] : memref<3200xf32, #tpu.memory_space<vmem>> -> memref<3200xf32, #tpu.memory_space<vmem>>
      tpu.wait_dma2 semaphore(%arg18 : memref<!tpu.dma_semaphore, #tpu.memory_space<semaphore_mem>>) src(%dma_wait3A_276 : memref<3200xf32, #tpu.memory_space<vmem>>) dst(%dma_wait3A_274 : memref<3200xf32, #tpu.memory_space<hbm>>)
      %dma_wait3A_277 = arith.constant 0 : i32
      %dma_wait3A_278 = tpu.memref_slice %arg7[%dma_wait3A_277] : memref<3200xf32, #tpu.memory_space<vmem>> -> memref<3200xf32, #tpu.memory_space<vmem>>
      %dma_wait3A_279 = tpu.memref_slice %arg4[%add3A_184] : memref<300000xf32, #tpu.memory_space<hbm>> -> memref<3200xf32, #tpu.memory_space<hbm>>
      %dma_wait3A_280 = tpu.memref_slice %arg4[%add3A_184] : memref<300000xf32, #tpu.memory_space<hbm>> -> memref<3200xf32, #tpu.memory_space<hbm>>
      %dma_wait3A_281 = arith.constant 0 : i32
      %dma_wait3A_282 = tpu.memref_slice %arg7[%dma_wait3A_281] : memref<3200xf32, #tpu.memory_space<vmem>> -> memref<3200xf32, #tpu.memory_space<vmem>>
      tpu.wait_dma2 semaphore(%arg18 : memref<!tpu.dma_semaphore, #tpu.memory_space<semaphore_mem>>) src(%dma_wait3A_282 : memref<3200xf32, #tpu.memory_space<vmem>>) dst(%dma_wait3A_280 : memref<3200xf32, #tpu.memory_space<hbm>>)
      %dma_wait3A_283 = arith.constant 0 : i32
      %dma_wait3A_284 = tpu.memref_slice %arg8[%dma_wait3A_283] : memref<3200xf32, #tpu.memory_space<vmem>> -> memref<3200xf32, #tpu.memory_space<vmem>>
      %dma_wait3A_285 = tpu.memref_slice %arg4[%add3A_192] : memref<300000xf32, #tpu.memory_space<hbm>> -> memref<3200xf32, #tpu.memory_space<hbm>>
      %dma_wait3A_286 = tpu.memref_slice %arg4[%add3A_192] : memref<300000xf32, #tpu.memory_space<hbm>> -> memref<3200xf32, #tpu.memory_space<hbm>>
      %dma_wait3A_287 = arith.constant 0 : i32
      %dma_wait3A_288 = tpu.memref_slice %arg8[%dma_wait3A_287] : memref<3200xf32, #tpu.memory_space<vmem>> -> memref<3200xf32, #tpu.memory_space<vmem>>
      tpu.wait_dma2 semaphore(%arg18 : memref<!tpu.dma_semaphore, #tpu.memory_space<semaphore_mem>>) src(%dma_wait3A_288 : memref<3200xf32, #tpu.memory_space<vmem>>) dst(%dma_wait3A_286 : memref<3200xf32, #tpu.memory_space<hbm>>)
      %dma_wait3A_289 = arith.constant 0 : i32
      %dma_wait3A_290 = tpu.memref_slice %arg9[%dma_wait3A_289] : memref<3200xf32, #tpu.memory_space<vmem>> -> memref<3200xf32, #tpu.memory_space<vmem>>
      %dma_wait3A_291 = tpu.memref_slice %arg5[%add3A_200] : memref<900000xf32, #tpu.memory_space<hbm>> -> memref<3200xf32, #tpu.memory_space<hbm>>
      %dma_wait3A_292 = tpu.memref_slice %arg5[%add3A_200] : memref<900000xf32, #tpu.memory_space<hbm>> -> memref<3200xf32, #tpu.memory_space<hbm>>
      %dma_wait3A_293 = arith.constant 0 : i32
      %dma_wait3A_294 = tpu.memref_slice %arg9[%dma_wait3A_293] : memref<3200xf32, #tpu.memory_space<vmem>> -> memref<3200xf32, #tpu.memory_space<vmem>>
      tpu.wait_dma2 semaphore(%arg18 : memref<!tpu.dma_semaphore, #tpu.memory_space<semaphore_mem>>) src(%dma_wait3A_294 : memref<3200xf32, #tpu.memory_space<vmem>>) dst(%dma_wait3A_292 : memref<3200xf32, #tpu.memory_space<hbm>>)
      %dma_wait3A_295 = arith.constant 0 : i32
      %dma_wait3A_296 = tpu.memref_slice %arg10[%dma_wait3A_295] : memref<3200xf32, #tpu.memory_space<vmem>> -> memref<3200xf32, #tpu.memory_space<vmem>>
      %dma_wait3A_297 = tpu.memref_slice %arg5[%add3A_208] : memref<900000xf32, #tpu.memory_space<hbm>> -> memref<3200xf32, #tpu.memory_space<hbm>>
      %dma_wait3A_298 = tpu.memref_slice %arg5[%add3A_208] : memref<900000xf32, #tpu.memory_space<hbm>> -> memref<3200xf32, #tpu.memory_space<hbm>>
      %dma_wait3A_299 = arith.constant 0 : i32
      %dma_wait3A_300 = tpu.memref_slice %arg10[%dma_wait3A_299] : memref<3200xf32, #tpu.memory_space<vmem>> -> memref<3200xf32, #tpu.memory_space<vmem>>
      tpu.wait_dma2 semaphore(%arg18 : memref<!tpu.dma_semaphore, #tpu.memory_space<semaphore_mem>>) src(%dma_wait3A_300 : memref<3200xf32, #tpu.memory_space<vmem>>) dst(%dma_wait3A_298 : memref<3200xf32, #tpu.memory_space<hbm>>)
      %dma_wait3A_301 = arith.constant 0 : i32
      %dma_wait3A_302 = tpu.memref_slice %arg11[%dma_wait3A_301] : memref<3200xf32, #tpu.memory_space<vmem>> -> memref<3200xf32, #tpu.memory_space<vmem>>
      %dma_wait3A_303 = tpu.memref_slice %arg5[%add3A_216] : memref<900000xf32, #tpu.memory_space<hbm>> -> memref<3200xf32, #tpu.memory_space<hbm>>
      %dma_wait3A_304 = tpu.memref_slice %arg5[%add3A_216] : memref<900000xf32, #tpu.memory_space<hbm>> -> memref<3200xf32, #tpu.memory_space<hbm>>
      %dma_wait3A_305 = arith.constant 0 : i32
      %dma_wait3A_306 = tpu.memref_slice %arg11[%dma_wait3A_305] : memref<3200xf32, #tpu.memory_space<vmem>> -> memref<3200xf32, #tpu.memory_space<vmem>>
      tpu.wait_dma2 semaphore(%arg18 : memref<!tpu.dma_semaphore, #tpu.memory_space<semaphore_mem>>) src(%dma_wait3A_306 : memref<3200xf32, #tpu.memory_space<vmem>>) dst(%dma_wait3A_304 : memref<3200xf32, #tpu.memory_space<hbm>>)
      %dma_wait3A_307 = arith.constant 0 : i32
      %dma_wait3A_308 = tpu.memref_slice %arg12[%dma_wait3A_307] : memref<3200xf32, #tpu.memory_space<vmem>> -> memref<3200xf32, #tpu.memory_space<vmem>>
      %dma_wait3A_309 = tpu.memref_slice %arg5[%add3A_224] : memref<900000xf32, #tpu.memory_space<hbm>> -> memref<3200xf32, #tpu.memory_space<hbm>>
      %dma_wait3A_310 = tpu.memref_slice %arg5[%add3A_224] : memref<900000xf32, #tpu.memory_space<hbm>> -> memref<3200xf32, #tpu.memory_space<hbm>>
      %dma_wait3A_311 = arith.constant 0 : i32
      %dma_wait3A_312 = tpu.memref_slice %arg12[%dma_wait3A_311] : memref<3200xf32, #tpu.memory_space<vmem>> -> memref<3200xf32, #tpu.memory_space<vmem>>
      tpu.wait_dma2 semaphore(%arg18 : memref<!tpu.dma_semaphore, #tpu.memory_space<semaphore_mem>>) src(%dma_wait3A_312 : memref<3200xf32, #tpu.memory_space<vmem>>) dst(%dma_wait3A_310 : memref<3200xf32, #tpu.memory_space<hbm>>)
      %dma_wait3A_313 = arith.constant 0 : i32
      %dma_wait3A_314 = tpu.memref_slice %arg13[%dma_wait3A_313] : memref<3200xf32, #tpu.memory_space<vmem>> -> memref<3200xf32, #tpu.memory_space<vmem>>
      %dma_wait3A_315 = tpu.memref_slice %arg5[%add3A_232] : memref<900000xf32, #tpu.memory_space<hbm>> -> memref<3200xf32, #tpu.memory_space<hbm>>
      %dma_wait3A_316 = tpu.memref_slice %arg5[%add3A_232] : memref<900000xf32, #tpu.memory_space<hbm>> -> memref<3200xf32, #tpu.memory_space<hbm>>
      %dma_wait3A_317 = arith.constant 0 : i32
      %dma_wait3A_318 = tpu.memref_slice %arg13[%dma_wait3A_317] : memref<3200xf32, #tpu.memory_space<vmem>> -> memref<3200xf32, #tpu.memory_space<vmem>>
      tpu.wait_dma2 semaphore(%arg18 : memref<!tpu.dma_semaphore, #tpu.memory_space<semaphore_mem>>) src(%dma_wait3A_318 : memref<3200xf32, #tpu.memory_space<vmem>>) dst(%dma_wait3A_316 : memref<3200xf32, #tpu.memory_space<hbm>>)
      %dma_wait3A_319 = arith.constant 0 : i32
      %dma_wait3A_320 = tpu.memref_slice %arg14[%dma_wait3A_319] : memref<3200xf32, #tpu.memory_space<vmem>> -> memref<3200xf32, #tpu.memory_space<vmem>>
      %dma_wait3A_321 = tpu.memref_slice %arg5[%add3A_240] : memref<900000xf32, #tpu.memory_space<hbm>> -> memref<3200xf32, #tpu.memory_space<hbm>>
      %dma_wait3A_322 = tpu.memref_slice %arg5[%add3A_240] : memref<900000xf32, #tpu.memory_space<hbm>> -> memref<3200xf32, #tpu.memory_space<hbm>>
      %dma_wait3A_323 = arith.constant 0 : i32
      %dma_wait3A_324 = tpu.memref_slice %arg14[%dma_wait3A_323] : memref<3200xf32, #tpu.memory_space<vmem>> -> memref<3200xf32, #tpu.memory_space<vmem>>
      tpu.wait_dma2 semaphore(%arg18 : memref<!tpu.dma_semaphore, #tpu.memory_space<semaphore_mem>>) src(%dma_wait3A_324 : memref<3200xf32, #tpu.memory_space<vmem>>) dst(%dma_wait3A_322 : memref<3200xf32, #tpu.memory_space<hbm>>)
      %dma_wait3A_325 = arith.constant 0 : i32
      %dma_wait3A_326 = tpu.memref_slice %arg15[%dma_wait3A_325] : memref<3200xf32, #tpu.memory_space<vmem>> -> memref<3200xf32, #tpu.memory_space<vmem>>
      %dma_wait3A_327 = tpu.memref_slice %arg5[%add3A_248] : memref<900000xf32, #tpu.memory_space<hbm>> -> memref<3200xf32, #tpu.memory_space<hbm>>
      %dma_wait3A_328 = tpu.memref_slice %arg5[%add3A_248] : memref<900000xf32, #tpu.memory_space<hbm>> -> memref<3200xf32, #tpu.memory_space<hbm>>
      %dma_wait3A_329 = arith.constant 0 : i32
      %dma_wait3A_330 = tpu.memref_slice %arg15[%dma_wait3A_329] : memref<3200xf32, #tpu.memory_space<vmem>> -> memref<3200xf32, #tpu.memory_space<vmem>>
      tpu.wait_dma2 semaphore(%arg18 : memref<!tpu.dma_semaphore, #tpu.memory_space<semaphore_mem>>) src(%dma_wait3A_330 : memref<3200xf32, #tpu.memory_space<vmem>>) dst(%dma_wait3A_328 : memref<3200xf32, #tpu.memory_space<hbm>>)
      %dma_wait3A_331 = arith.constant 0 : i32
      %dma_wait3A_332 = tpu.memref_slice %arg16[%dma_wait3A_331] : memref<3200xf32, #tpu.memory_space<vmem>> -> memref<3200xf32, #tpu.memory_space<vmem>>
      %dma_wait3A_333 = tpu.memref_slice %arg5[%add3A_256] : memref<900000xf32, #tpu.memory_space<hbm>> -> memref<3200xf32, #tpu.memory_space<hbm>>
      %dma_wait3A_334 = tpu.memref_slice %arg5[%add3A_256] : memref<900000xf32, #tpu.memory_space<hbm>> -> memref<3200xf32, #tpu.memory_space<hbm>>
      %dma_wait3A_335 = arith.constant 0 : i32
      %dma_wait3A_336 = tpu.memref_slice %arg16[%dma_wait3A_335] : memref<3200xf32, #tpu.memory_space<vmem>> -> memref<3200xf32, #tpu.memory_space<vmem>>
      tpu.wait_dma2 semaphore(%arg18 : memref<!tpu.dma_semaphore, #tpu.memory_space<semaphore_mem>>) src(%dma_wait3A_336 : memref<3200xf32, #tpu.memory_space<vmem>>) dst(%dma_wait3A_334 : memref<3200xf32, #tpu.memory_space<hbm>>)
      %dma_wait3A_337 = arith.constant 0 : i32
      %dma_wait3A_338 = tpu.memref_slice %arg17[%dma_wait3A_337] : memref<3200xf32, #tpu.memory_space<vmem>> -> memref<3200xf32, #tpu.memory_space<vmem>>
      %dma_wait3A_339 = tpu.memref_slice %arg5[%add3A_264] : memref<900000xf32, #tpu.memory_space<hbm>> -> memref<3200xf32, #tpu.memory_space<hbm>>
      %dma_wait3A_340 = tpu.memref_slice %arg5[%add3A_264] : memref<900000xf32, #tpu.memory_space<hbm>> -> memref<3200xf32, #tpu.memory_space<hbm>>
      %dma_wait3A_341 = arith.constant 0 : i32
      %dma_wait3A_342 = tpu.memref_slice %arg17[%dma_wait3A_341] : memref<3200xf32, #tpu.memory_space<vmem>> -> memref<3200xf32, #tpu.memory_space<vmem>>
      tpu.wait_dma2 semaphore(%arg18 : memref<!tpu.dma_semaphore, #tpu.memory_space<semaphore_mem>>) src(%dma_wait3A_342 : memref<3200xf32, #tpu.memory_space<vmem>>) dst(%dma_wait3A_340 : memref<3200xf32, #tpu.memory_space<hbm>>)
    } else {
    }
    %eq3A = arith.constant 31 : i32
    %eq3A_5 = arith.cmpi eq, %add3A, %eq3A : i32
    %convert_element_type3A_6 = arith.extui %eq3A_5 : i1 to i32
    %cond3A_7 = arith.constant 0 : i32
    %cond3A_8 = arith.cmpi ne, %convert_element_type3A_6, %cond3A_7 : i32
    scf.if %cond3A_8 {
      %add3A_9 = arith.constant 0 : i32
      %add3A_10 = arith.addi %add3A_9, %mul3A_2 : i32
      %dma_start3A = arith.constant 0 : i32
      %dma_start3A_11 = tpu.memref_slice %arg6[%dma_start3A] : memref<3200xf32, #tpu.memory_space<vmem>> -> memref<800xf32, #tpu.memory_space<vmem>>
      %dma_start3A_12 = tpu.memref_slice %arg2[%add3A_10] : memref<307200xf32, #tpu.memory_space<hbm>> -> memref<800xf32, #tpu.memory_space<hbm>>
      %dma_start3A_13 = arith.constant 0 : i32
      %dma_start3A_14 = tpu.memref_slice %arg6[%dma_start3A_13] : memref<3200xf32, #tpu.memory_space<vmem>> -> memref<800xf32, #tpu.memory_space<vmem>>
      %dma_start3A_15 = tpu.memref_slice %arg2[%add3A_10] : memref<307200xf32, #tpu.memory_space<hbm>> -> memref<800xf32, #tpu.memory_space<hbm>>
      tpu.enqueue_dma source(%dma_start3A_15 : memref<800xf32, #tpu.memory_space<hbm>>) target(%dma_start3A_14 : memref<800xf32, #tpu.memory_space<vmem>>) target_semaphore(%arg18 : memref<!tpu.dma_semaphore, #tpu.memory_space<semaphore_mem>>)
      %add3A_16 = arith.constant 102400 : i32
      %add3A_17 = arith.addi %add3A_16, %mul3A_2 : i32
      %dma_start3A_18 = arith.constant 0 : i32
      %dma_start3A_19 = tpu.memref_slice %arg7[%dma_start3A_18] : memref<3200xf32, #tpu.memory_space<vmem>> -> memref<800xf32, #tpu.memory_space<vmem>>
      %dma_start3A_20 = tpu.memref_slice %arg2[%add3A_17] : memref<307200xf32, #tpu.memory_space<hbm>> -> memref<800xf32, #tpu.memory_space<hbm>>
      %dma_start3A_21 = arith.constant 0 : i32
      %dma_start3A_22 = tpu.memref_slice %arg7[%dma_start3A_21] : memref<3200xf32, #tpu.memory_space<vmem>> -> memref<800xf32, #tpu.memory_space<vmem>>
      %dma_start3A_23 = tpu.memref_slice %arg2[%add3A_17] : memref<307200xf32, #tpu.memory_space<hbm>> -> memref<800xf32, #tpu.memory_space<hbm>>
      tpu.enqueue_dma source(%dma_start3A_23 : memref<800xf32, #tpu.memory_space<hbm>>) target(%dma_start3A_22 : memref<800xf32, #tpu.memory_space<vmem>>) target_semaphore(%arg18 : memref<!tpu.dma_semaphore, #tpu.memory_space<semaphore_mem>>)
      %add3A_24 = arith.constant 204800 : i32
      %add3A_25 = arith.addi %add3A_24, %mul3A_2 : i32
      %dma_start3A_26 = arith.constant 0 : i32
      %dma_start3A_27 = tpu.memref_slice %arg8[%dma_start3A_26] : memref<3200xf32, #tpu.memory_space<vmem>> -> memref<800xf32, #tpu.memory_space<vmem>>
      %dma_start3A_28 = tpu.memref_slice %arg2[%add3A_25] : memref<307200xf32, #tpu.memory_space<hbm>> -> memref<800xf32, #tpu.memory_space<hbm>>
      %dma_start3A_29 = arith.constant 0 : i32
      %dma_start3A_30 = tpu.memref_slice %arg8[%dma_start3A_29] : memref<3200xf32, #tpu.memory_space<vmem>> -> memref<800xf32, #tpu.memory_space<vmem>>
      %dma_start3A_31 = tpu.memref_slice %arg2[%add3A_25] : memref<307200xf32, #tpu.memory_space<hbm>> -> memref<800xf32, #tpu.memory_space<hbm>>
      tpu.enqueue_dma source(%dma_start3A_31 : memref<800xf32, #tpu.memory_space<hbm>>) target(%dma_start3A_30 : memref<800xf32, #tpu.memory_space<vmem>>) target_semaphore(%arg18 : memref<!tpu.dma_semaphore, #tpu.memory_space<semaphore_mem>>)
      %add3A_32 = arith.constant 0 : i32
      %add3A_33 = arith.addi %add3A_32, %mul3A_2 : i32
      %dma_start3A_34 = arith.constant 0 : i32
      %dma_start3A_35 = tpu.memref_slice %arg9[%dma_start3A_34] : memref<3200xf32, #tpu.memory_space<vmem>> -> memref<800xf32, #tpu.memory_space<vmem>>
      %dma_start3A_36 = tpu.memref_slice %arg3[%add3A_33] : memref<921600xf32, #tpu.memory_space<hbm>> -> memref<800xf32, #tpu.memory_space<hbm>>
      %dma_start3A_37 = arith.constant 0 : i32
      %dma_start3A_38 = tpu.memref_slice %arg9[%dma_start3A_37] : memref<3200xf32, #tpu.memory_space<vmem>> -> memref<800xf32, #tpu.memory_space<vmem>>
      %dma_start3A_39 = tpu.memref_slice %arg3[%add3A_33] : memref<921600xf32, #tpu.memory_space<hbm>> -> memref<800xf32, #tpu.memory_space<hbm>>
      tpu.enqueue_dma source(%dma_start3A_39 : memref<800xf32, #tpu.memory_space<hbm>>) target(%dma_start3A_38 : memref<800xf32, #tpu.memory_space<vmem>>) target_semaphore(%arg18 : memref<!tpu.dma_semaphore, #tpu.memory_space<semaphore_mem>>)
      %add3A_40 = arith.constant 102400 : i32
      %add3A_41 = arith.addi %add3A_40, %mul3A_2 : i32
      %dma_start3A_42 = arith.constant 0 : i32
      %dma_start3A_43 = tpu.memref_slice %arg10[%dma_start3A_42] : memref<3200xf32, #tpu.memory_space<vmem>> -> memref<800xf32, #tpu.memory_space<vmem>>
      %dma_start3A_44 = tpu.memref_slice %arg3[%add3A_41] : memref<921600xf32, #tpu.memory_space<hbm>> -> memref<800xf32, #tpu.memory_space<hbm>>
      %dma_start3A_45 = arith.constant 0 : i32
      %dma_start3A_46 = tpu.memref_slice %arg10[%dma_start3A_45] : memref<3200xf32, #tpu.memory_space<vmem>> -> memref<800xf32, #tpu.memory_space<vmem>>
      %dma_start3A_47 = tpu.memref_slice %arg3[%add3A_41] : memref<921600xf32, #tpu.memory_space<hbm>> -> memref<800xf32, #tpu.memory_space<hbm>>
      tpu.enqueue_dma source(%dma_start3A_47 : memref<800xf32, #tpu.memory_space<hbm>>) target(%dma_start3A_46 : memref<800xf32, #tpu.memory_space<vmem>>) target_semaphore(%arg18 : memref<!tpu.dma_semaphore, #tpu.memory_space<semaphore_mem>>)
      %add3A_48 = arith.constant 204800 : i32
      %add3A_49 = arith.addi %add3A_48, %mul3A_2 : i32
      %dma_start3A_50 = arith.constant 0 : i32
      %dma_start3A_51 = tpu.memref_slice %arg11[%dma_start3A_50] : memref<3200xf32, #tpu.memory_space<vmem>> -> memref<800xf32, #tpu.memory_space<vmem>>
      %dma_start3A_52 = tpu.memref_slice %arg3[%add3A_49] : memref<921600xf32, #tpu.memory_space<hbm>> -> memref<800xf32, #tpu.memory_space<hbm>>
      %dma_start3A_53 = arith.constant 0 : i32
      %dma_start3A_54 = tpu.memref_slice %arg11[%dma_start3A_53] : memref<3200xf32, #tpu.memory_space<vmem>> -> memref<800xf32, #tpu.memory_space<vmem>>
      %dma_start3A_55 = tpu.memref_slice %arg3[%add3A_49] : memref<921600xf32, #tpu.memory_space<hbm>> -> memref<800xf32, #tpu.memory_space<hbm>>
      tpu.enqueue_dma source(%dma_start3A_55 : memref<800xf32, #tpu.memory_space<hbm>>) target(%dma_start3A_54 : memref<800xf32, #tpu.memory_space<vmem>>) target_semaphore(%arg18 : memref<!tpu.dma_semaphore, #tpu.memory_space<semaphore_mem>>)
      %add3A_56 = arith.constant 307200 : i32
      %add3A_57 = arith.addi %add3A_56, %mul3A_2 : i32
      %dma_start3A_58 = arith.constant 0 : i32
      %dma_start3A_59 = tpu.memref_slice %arg12[%dma_start3A_58] : memref<3200xf32, #tpu.memory_space<vmem>> -> memref<800xf32, #tpu.memory_space<vmem>>
      %dma_start3A_60 = tpu.memref_slice %arg3[%add3A_57] : memref<921600xf32, #tpu.memory_space<hbm>> -> memref<800xf32, #tpu.memory_space<hbm>>
      %dma_start3A_61 = arith.constant 0 : i32
      %dma_start3A_62 = tpu.memref_slice %arg12[%dma_start3A_61] : memref<3200xf32, #tpu.memory_space<vmem>> -> memref<800xf32, #tpu.memory_space<vmem>>
      %dma_start3A_63 = tpu.memref_slice %arg3[%add3A_57] : memref<921600xf32, #tpu.memory_space<hbm>> -> memref<800xf32, #tpu.memory_space<hbm>>
      tpu.enqueue_dma source(%dma_start3A_63 : memref<800xf32, #tpu.memory_space<hbm>>) target(%dma_start3A_62 : memref<800xf32, #tpu.memory_space<vmem>>) target_semaphore(%arg18 : memref<!tpu.dma_semaphore, #tpu.memory_space<semaphore_mem>>)
      %add3A_64 = arith.constant 409600 : i32
      %add3A_65 = arith.addi %add3A_64, %mul3A_2 : i32
      %dma_start3A_66 = arith.constant 0 : i32
      %dma_start3A_67 = tpu.memref_slice %arg13[%dma_start3A_66] : memref<3200xf32, #tpu.memory_space<vmem>> -> memref<800xf32, #tpu.memory_space<vmem>>
      %dma_start3A_68 = tpu.memref_slice %arg3[%add3A_65] : memref<921600xf32, #tpu.memory_space<hbm>> -> memref<800xf32, #tpu.memory_space<hbm>>
      %dma_start3A_69 = arith.constant 0 : i32
      %dma_start3A_70 = tpu.memref_slice %arg13[%dma_start3A_69] : memref<3200xf32, #tpu.memory_space<vmem>> -> memref<800xf32, #tpu.memory_space<vmem>>
      %dma_start3A_71 = tpu.memref_slice %arg3[%add3A_65] : memref<921600xf32, #tpu.memory_space<hbm>> -> memref<800xf32, #tpu.memory_space<hbm>>
      tpu.enqueue_dma source(%dma_start3A_71 : memref<800xf32, #tpu.memory_space<hbm>>) target(%dma_start3A_70 : memref<800xf32, #tpu.memory_space<vmem>>) target_semaphore(%arg18 : memref<!tpu.dma_semaphore, #tpu.memory_space<semaphore_mem>>)
      %add3A_72 = arith.constant 512000 : i32
      %add3A_73 = arith.addi %add3A_72, %mul3A_2 : i32
      %dma_start3A_74 = arith.constant 0 : i32
      %dma_start3A_75 = tpu.memref_slice %arg14[%dma_start3A_74] : memref<3200xf32, #tpu.memory_space<vmem>> -> memref<800xf32, #tpu.memory_space<vmem>>
      %dma_start3A_76 = tpu.memref_slice %arg3[%add3A_73] : memref<921600xf32, #tpu.memory_space<hbm>> -> memref<800xf32, #tpu.memory_space<hbm>>
      %dma_start3A_77 = arith.constant 0 : i32
      %dma_start3A_78 = tpu.memref_slice %arg14[%dma_start3A_77] : memref<3200xf32, #tpu.memory_space<vmem>> -> memref<800xf32, #tpu.memory_space<vmem>>
      %dma_start3A_79 = tpu.memref_slice %arg3[%add3A_73] : memref<921600xf32, #tpu.memory_space<hbm>> -> memref<800xf32, #tpu.memory_space<hbm>>
      tpu.enqueue_dma source(%dma_start3A_79 : memref<800xf32, #tpu.memory_space<hbm>>) target(%dma_start3A_78 : memref<800xf32, #tpu.memory_space<vmem>>) target_semaphore(%arg18 : memref<!tpu.dma_semaphore, #tpu.memory_space<semaphore_mem>>)
      %add3A_80 = arith.constant 614400 : i32
      %add3A_81 = arith.addi %add3A_80, %mul3A_2 : i32
      %dma_start3A_82 = arith.constant 0 : i32
      %dma_start3A_83 = tpu.memref_slice %arg15[%dma_start3A_82] : memref<3200xf32, #tpu.memory_space<vmem>> -> memref<800xf32, #tpu.memory_space<vmem>>
      %dma_start3A_84 = tpu.memref_slice %arg3[%add3A_81] : memref<921600xf32, #tpu.memory_space<hbm>> -> memref<800xf32, #tpu.memory_space<hbm>>
      %dma_start3A_85 = arith.constant 0 : i32
      %dma_start3A_86 = tpu.memref_slice %arg15[%dma_start3A_85] : memref<3200xf32, #tpu.memory_space<vmem>> -> memref<800xf32, #tpu.memory_space<vmem>>
      %dma_start3A_87 = tpu.memref_slice %arg3[%add3A_81] : memref<921600xf32, #tpu.memory_space<hbm>> -> memref<800xf32, #tpu.memory_space<hbm>>
      tpu.enqueue_dma source(%dma_start3A_87 : memref<800xf32, #tpu.memory_space<hbm>>) target(%dma_start3A_86 : memref<800xf32, #tpu.memory_space<vmem>>) target_semaphore(%arg18 : memref<!tpu.dma_semaphore, #tpu.memory_space<semaphore_mem>>)
      %add3A_88 = arith.constant 716800 : i32
      %add3A_89 = arith.addi %add3A_88, %mul3A_2 : i32
      %dma_start3A_90 = arith.constant 0 : i32
      %dma_start3A_91 = tpu.memref_slice %arg16[%dma_start3A_90] : memref<3200xf32, #tpu.memory_space<vmem>> -> memref<800xf32, #tpu.memory_space<vmem>>
      %dma_start3A_92 = tpu.memref_slice %arg3[%add3A_89] : memref<921600xf32, #tpu.memory_space<hbm>> -> memref<800xf32, #tpu.memory_space<hbm>>
      %dma_start3A_93 = arith.constant 0 : i32
      %dma_start3A_94 = tpu.memref_slice %arg16[%dma_start3A_93] : memref<3200xf32, #tpu.memory_space<vmem>> -> memref<800xf32, #tpu.memory_space<vmem>>
      %dma_start3A_95 = tpu.memref_slice %arg3[%add3A_89] : memref<921600xf32, #tpu.memory_space<hbm>> -> memref<800xf32, #tpu.memory_space<hbm>>
      tpu.enqueue_dma source(%dma_start3A_95 : memref<800xf32, #tpu.memory_space<hbm>>) target(%dma_start3A_94 : memref<800xf32, #tpu.memory_space<vmem>>) target_semaphore(%arg18 : memref<!tpu.dma_semaphore, #tpu.memory_space<semaphore_mem>>)
      %add3A_96 = arith.constant 819200 : i32
      %add3A_97 = arith.addi %add3A_96, %mul3A_2 : i32
      %dma_start3A_98 = arith.constant 0 : i32
      %dma_start3A_99 = tpu.memref_slice %arg17[%dma_start3A_98] : memref<3200xf32, #tpu.memory_space<vmem>> -> memref<800xf32, #tpu.memory_space<vmem>>
      %dma_start3A_100 = tpu.memref_slice %arg3[%add3A_97] : memref<921600xf32, #tpu.memory_space<hbm>> -> memref<800xf32, #tpu.memory_space<hbm>>
      %dma_start3A_101 = arith.constant 0 : i32
      %dma_start3A_102 = tpu.memref_slice %arg17[%dma_start3A_101] : memref<3200xf32, #tpu.memory_space<vmem>> -> memref<800xf32, #tpu.memory_space<vmem>>
      %dma_start3A_103 = tpu.memref_slice %arg3[%add3A_97] : memref<921600xf32, #tpu.memory_space<hbm>> -> memref<800xf32, #tpu.memory_space<hbm>>
      tpu.enqueue_dma source(%dma_start3A_103 : memref<800xf32, #tpu.memory_space<hbm>>) target(%dma_start3A_102 : memref<800xf32, #tpu.memory_space<vmem>>) target_semaphore(%arg18 : memref<!tpu.dma_semaphore, #tpu.memory_space<semaphore_mem>>)
      %dma_wait3A = arith.constant 0 : i32
      %dma_wait3A_104 = tpu.memref_slice %arg6[%dma_wait3A] : memref<3200xf32, #tpu.memory_space<vmem>> -> memref<800xf32, #tpu.memory_space<vmem>>
      %dma_wait3A_105 = tpu.memref_slice %arg2[%add3A_10] : memref<307200xf32, #tpu.memory_space<hbm>> -> memref<800xf32, #tpu.memory_space<hbm>>
      %dma_wait3A_106 = arith.constant 0 : i32
      %dma_wait3A_107 = tpu.memref_slice %arg6[%dma_wait3A_106] : memref<3200xf32, #tpu.memory_space<vmem>> -> memref<800xf32, #tpu.memory_space<vmem>>
      %dma_wait3A_108 = tpu.memref_slice %arg2[%add3A_10] : memref<307200xf32, #tpu.memory_space<hbm>> -> memref<800xf32, #tpu.memory_space<hbm>>
      tpu.wait_dma2 semaphore(%arg18 : memref<!tpu.dma_semaphore, #tpu.memory_space<semaphore_mem>>) src(%dma_wait3A_108 : memref<800xf32, #tpu.memory_space<hbm>>) dst(%dma_wait3A_107 : memref<800xf32, #tpu.memory_space<vmem>>)
      %dma_wait3A_109 = arith.constant 0 : i32
      %dma_wait3A_110 = tpu.memref_slice %arg7[%dma_wait3A_109] : memref<3200xf32, #tpu.memory_space<vmem>> -> memref<800xf32, #tpu.memory_space<vmem>>
      %dma_wait3A_111 = tpu.memref_slice %arg2[%add3A_17] : memref<307200xf32, #tpu.memory_space<hbm>> -> memref<800xf32, #tpu.memory_space<hbm>>
      %dma_wait3A_112 = arith.constant 0 : i32
      %dma_wait3A_113 = tpu.memref_slice %arg7[%dma_wait3A_112] : memref<3200xf32, #tpu.memory_space<vmem>> -> memref<800xf32, #tpu.memory_space<vmem>>
      %dma_wait3A_114 = tpu.memref_slice %arg2[%add3A_17] : memref<307200xf32, #tpu.memory_space<hbm>> -> memref<800xf32, #tpu.memory_space<hbm>>
      tpu.wait_dma2 semaphore(%arg18 : memref<!tpu.dma_semaphore, #tpu.memory_space<semaphore_mem>>) src(%dma_wait3A_114 : memref<800xf32, #tpu.memory_space<hbm>>) dst(%dma_wait3A_113 : memref<800xf32, #tpu.memory_space<vmem>>)
      %dma_wait3A_115 = arith.constant 0 : i32
      %dma_wait3A_116 = tpu.memref_slice %arg8[%dma_wait3A_115] : memref<3200xf32, #tpu.memory_space<vmem>> -> memref<800xf32, #tpu.memory_space<vmem>>
      %dma_wait3A_117 = tpu.memref_slice %arg2[%add3A_25] : memref<307200xf32, #tpu.memory_space<hbm>> -> memref<800xf32, #tpu.memory_space<hbm>>
      %dma_wait3A_118 = arith.constant 0 : i32
      %dma_wait3A_119 = tpu.memref_slice %arg8[%dma_wait3A_118] : memref<3200xf32, #tpu.memory_space<vmem>> -> memref<800xf32, #tpu.memory_space<vmem>>
      %dma_wait3A_120 = tpu.memref_slice %arg2[%add3A_25] : memref<307200xf32, #tpu.memory_space<hbm>> -> memref<800xf32, #tpu.memory_space<hbm>>
      tpu.wait_dma2 semaphore(%arg18 : memref<!tpu.dma_semaphore, #tpu.memory_space<semaphore_mem>>) src(%dma_wait3A_120 : memref<800xf32, #tpu.memory_space<hbm>>) dst(%dma_wait3A_119 : memref<800xf32, #tpu.memory_space<vmem>>)
      %dma_wait3A_121 = arith.constant 0 : i32
      %dma_wait3A_122 = tpu.memref_slice %arg9[%dma_wait3A_121] : memref<3200xf32, #tpu.memory_space<vmem>> -> memref<800xf32, #tpu.memory_space<vmem>>
      %dma_wait3A_123 = tpu.memref_slice %arg3[%add3A_33] : memref<921600xf32, #tpu.memory_space<hbm>> -> memref<800xf32, #tpu.memory_space<hbm>>
      %dma_wait3A_124 = arith.constant 0 : i32
      %dma_wait3A_125 = tpu.memref_slice %arg9[%dma_wait3A_124] : memref<3200xf32, #tpu.memory_space<vmem>> -> memref<800xf32, #tpu.memory_space<vmem>>
      %dma_wait3A_126 = tpu.memref_slice %arg3[%add3A_33] : memref<921600xf32, #tpu.memory_space<hbm>> -> memref<800xf32, #tpu.memory_space<hbm>>
      tpu.wait_dma2 semaphore(%arg18 : memref<!tpu.dma_semaphore, #tpu.memory_space<semaphore_mem>>) src(%dma_wait3A_126 : memref<800xf32, #tpu.memory_space<hbm>>) dst(%dma_wait3A_125 : memref<800xf32, #tpu.memory_space<vmem>>)
      %dma_wait3A_127 = arith.constant 0 : i32
      %dma_wait3A_128 = tpu.memref_slice %arg10[%dma_wait3A_127] : memref<3200xf32, #tpu.memory_space<vmem>> -> memref<800xf32, #tpu.memory_space<vmem>>
      %dma_wait3A_129 = tpu.memref_slice %arg3[%add3A_41] : memref<921600xf32, #tpu.memory_space<hbm>> -> memref<800xf32, #tpu.memory_space<hbm>>
      %dma_wait3A_130 = arith.constant 0 : i32
      %dma_wait3A_131 = tpu.memref_slice %arg10[%dma_wait3A_130] : memref<3200xf32, #tpu.memory_space<vmem>> -> memref<800xf32, #tpu.memory_space<vmem>>
      %dma_wait3A_132 = tpu.memref_slice %arg3[%add3A_41] : memref<921600xf32, #tpu.memory_space<hbm>> -> memref<800xf32, #tpu.memory_space<hbm>>
      tpu.wait_dma2 semaphore(%arg18 : memref<!tpu.dma_semaphore, #tpu.memory_space<semaphore_mem>>) src(%dma_wait3A_132 : memref<800xf32, #tpu.memory_space<hbm>>) dst(%dma_wait3A_131 : memref<800xf32, #tpu.memory_space<vmem>>)
      %dma_wait3A_133 = arith.constant 0 : i32
      %dma_wait3A_134 = tpu.memref_slice %arg11[%dma_wait3A_133] : memref<3200xf32, #tpu.memory_space<vmem>> -> memref<800xf32, #tpu.memory_space<vmem>>
      %dma_wait3A_135 = tpu.memref_slice %arg3[%add3A_49] : memref<921600xf32, #tpu.memory_space<hbm>> -> memref<800xf32, #tpu.memory_space<hbm>>
      %dma_wait3A_136 = arith.constant 0 : i32
      %dma_wait3A_137 = tpu.memref_slice %arg11[%dma_wait3A_136] : memref<3200xf32, #tpu.memory_space<vmem>> -> memref<800xf32, #tpu.memory_space<vmem>>
      %dma_wait3A_138 = tpu.memref_slice %arg3[%add3A_49] : memref<921600xf32, #tpu.memory_space<hbm>> -> memref<800xf32, #tpu.memory_space<hbm>>
      tpu.wait_dma2 semaphore(%arg18 : memref<!tpu.dma_semaphore, #tpu.memory_space<semaphore_mem>>) src(%dma_wait3A_138 : memref<800xf32, #tpu.memory_space<hbm>>) dst(%dma_wait3A_137 : memref<800xf32, #tpu.memory_space<vmem>>)
      %dma_wait3A_139 = arith.constant 0 : i32
      %dma_wait3A_140 = tpu.memref_slice %arg12[%dma_wait3A_139] : memref<3200xf32, #tpu.memory_space<vmem>> -> memref<800xf32, #tpu.memory_space<vmem>>
      %dma_wait3A_141 = tpu.memref_slice %arg3[%add3A_57] : memref<921600xf32, #tpu.memory_space<hbm>> -> memref<800xf32, #tpu.memory_space<hbm>>
      %dma_wait3A_142 = arith.constant 0 : i32
      %dma_wait3A_143 = tpu.memref_slice %arg12[%dma_wait3A_142] : memref<3200xf32, #tpu.memory_space<vmem>> -> memref<800xf32, #tpu.memory_space<vmem>>
      %dma_wait3A_144 = tpu.memref_slice %arg3[%add3A_57] : memref<921600xf32, #tpu.memory_space<hbm>> -> memref<800xf32, #tpu.memory_space<hbm>>
      tpu.wait_dma2 semaphore(%arg18 : memref<!tpu.dma_semaphore, #tpu.memory_space<semaphore_mem>>) src(%dma_wait3A_144 : memref<800xf32, #tpu.memory_space<hbm>>) dst(%dma_wait3A_143 : memref<800xf32, #tpu.memory_space<vmem>>)
      %dma_wait3A_145 = arith.constant 0 : i32
      %dma_wait3A_146 = tpu.memref_slice %arg13[%dma_wait3A_145] : memref<3200xf32, #tpu.memory_space<vmem>> -> memref<800xf32, #tpu.memory_space<vmem>>
      %dma_wait3A_147 = tpu.memref_slice %arg3[%add3A_65] : memref<921600xf32, #tpu.memory_space<hbm>> -> memref<800xf32, #tpu.memory_space<hbm>>
      %dma_wait3A_148 = arith.constant 0 : i32
      %dma_wait3A_149 = tpu.memref_slice %arg13[%dma_wait3A_148] : memref<3200xf32, #tpu.memory_space<vmem>> -> memref<800xf32, #tpu.memory_space<vmem>>
      %dma_wait3A_150 = tpu.memref_slice %arg3[%add3A_65] : memref<921600xf32, #tpu.memory_space<hbm>> -> memref<800xf32, #tpu.memory_space<hbm>>
      tpu.wait_dma2 semaphore(%arg18 : memref<!tpu.dma_semaphore, #tpu.memory_space<semaphore_mem>>) src(%dma_wait3A_150 : memref<800xf32, #tpu.memory_space<hbm>>) dst(%dma_wait3A_149 : memref<800xf32, #tpu.memory_space<vmem>>)
      %dma_wait3A_151 = arith.constant 0 : i32
      %dma_wait3A_152 = tpu.memref_slice %arg14[%dma_wait3A_151] : memref<3200xf32, #tpu.memory_space<vmem>> -> memref<800xf32, #tpu.memory_space<vmem>>
      %dma_wait3A_153 = tpu.memref_slice %arg3[%add3A_73] : memref<921600xf32, #tpu.memory_space<hbm>> -> memref<800xf32, #tpu.memory_space<hbm>>
      %dma_wait3A_154 = arith.constant 0 : i32
      %dma_wait3A_155 = tpu.memref_slice %arg14[%dma_wait3A_154] : memref<3200xf32, #tpu.memory_space<vmem>> -> memref<800xf32, #tpu.memory_space<vmem>>
      %dma_wait3A_156 = tpu.memref_slice %arg3[%add3A_73] : memref<921600xf32, #tpu.memory_space<hbm>> -> memref<800xf32, #tpu.memory_space<hbm>>
      tpu.wait_dma2 semaphore(%arg18 : memref<!tpu.dma_semaphore, #tpu.memory_space<semaphore_mem>>) src(%dma_wait3A_156 : memref<800xf32, #tpu.memory_space<hbm>>) dst(%dma_wait3A_155 : memref<800xf32, #tpu.memory_space<vmem>>)
      %dma_wait3A_157 = arith.constant 0 : i32
      %dma_wait3A_158 = tpu.memref_slice %arg15[%dma_wait3A_157] : memref<3200xf32, #tpu.memory_space<vmem>> -> memref<800xf32, #tpu.memory_space<vmem>>
      %dma_wait3A_159 = tpu.memref_slice %arg3[%add3A_81] : memref<921600xf32, #tpu.memory_space<hbm>> -> memref<800xf32, #tpu.memory_space<hbm>>
      %dma_wait3A_160 = arith.constant 0 : i32
      %dma_wait3A_161 = tpu.memref_slice %arg15[%dma_wait3A_160] : memref<3200xf32, #tpu.memory_space<vmem>> -> memref<800xf32, #tpu.memory_space<vmem>>
      %dma_wait3A_162 = tpu.memref_slice %arg3[%add3A_81] : memref<921600xf32, #tpu.memory_space<hbm>> -> memref<800xf32, #tpu.memory_space<hbm>>
      tpu.wait_dma2 semaphore(%arg18 : memref<!tpu.dma_semaphore, #tpu.memory_space<semaphore_mem>>) src(%dma_wait3A_162 : memref<800xf32, #tpu.memory_space<hbm>>) dst(%dma_wait3A_161 : memref<800xf32, #tpu.memory_space<vmem>>)
      %dma_wait3A_163 = arith.constant 0 : i32
      %dma_wait3A_164 = tpu.memref_slice %arg16[%dma_wait3A_163] : memref<3200xf32, #tpu.memory_space<vmem>> -> memref<800xf32, #tpu.memory_space<vmem>>
      %dma_wait3A_165 = tpu.memref_slice %arg3[%add3A_89] : memref<921600xf32, #tpu.memory_space<hbm>> -> memref<800xf32, #tpu.memory_space<hbm>>
      %dma_wait3A_166 = arith.constant 0 : i32
      %dma_wait3A_167 = tpu.memref_slice %arg16[%dma_wait3A_166] : memref<3200xf32, #tpu.memory_space<vmem>> -> memref<800xf32, #tpu.memory_space<vmem>>
      %dma_wait3A_168 = tpu.memref_slice %arg3[%add3A_89] : memref<921600xf32, #tpu.memory_space<hbm>> -> memref<800xf32, #tpu.memory_space<hbm>>
      tpu.wait_dma2 semaphore(%arg18 : memref<!tpu.dma_semaphore, #tpu.memory_space<semaphore_mem>>) src(%dma_wait3A_168 : memref<800xf32, #tpu.memory_space<hbm>>) dst(%dma_wait3A_167 : memref<800xf32, #tpu.memory_space<vmem>>)
      %dma_wait3A_169 = arith.constant 0 : i32
      %dma_wait3A_170 = tpu.memref_slice %arg17[%dma_wait3A_169] : memref<3200xf32, #tpu.memory_space<vmem>> -> memref<800xf32, #tpu.memory_space<vmem>>
      %dma_wait3A_171 = tpu.memref_slice %arg3[%add3A_97] : memref<921600xf32, #tpu.memory_space<hbm>> -> memref<800xf32, #tpu.memory_space<hbm>>
      %dma_wait3A_172 = arith.constant 0 : i32
      %dma_wait3A_173 = tpu.memref_slice %arg17[%dma_wait3A_172] : memref<3200xf32, #tpu.memory_space<vmem>> -> memref<800xf32, #tpu.memory_space<vmem>>
      %dma_wait3A_174 = tpu.memref_slice %arg3[%add3A_97] : memref<921600xf32, #tpu.memory_space<hbm>> -> memref<800xf32, #tpu.memory_space<hbm>>
      tpu.wait_dma2 semaphore(%arg18 : memref<!tpu.dma_semaphore, #tpu.memory_space<semaphore_mem>>) src(%dma_wait3A_174 : memref<800xf32, #tpu.memory_space<hbm>>) dst(%dma_wait3A_173 : memref<800xf32, #tpu.memory_space<vmem>>)
      %add3A_175 = arith.constant 0 : i32
      %add3A_176 = arith.addi %add3A_175, %mul3A_2 : i32
      %dma_start3A_177 = arith.constant 0 : i32
      %dma_start3A_178 = tpu.memref_slice %arg6[%dma_start3A_177] : memref<3200xf32, #tpu.memory_space<vmem>> -> memref<800xf32, #tpu.memory_space<vmem>>
      %dma_start3A_179 = tpu.memref_slice %arg4[%add3A_176] : memref<300000xf32, #tpu.memory_space<hbm>> -> memref<800xf32, #tpu.memory_space<hbm>>
      %dma_start3A_180 = tpu.memref_slice %arg4[%add3A_176] : memref<300000xf32, #tpu.memory_space<hbm>> -> memref<800xf32, #tpu.memory_space<hbm>>
      %dma_start3A_181 = arith.constant 0 : i32
      %dma_start3A_182 = tpu.memref_slice %arg6[%dma_start3A_181] : memref<3200xf32, #tpu.memory_space<vmem>> -> memref<800xf32, #tpu.memory_space<vmem>>
      tpu.enqueue_dma source(%dma_start3A_182 : memref<800xf32, #tpu.memory_space<vmem>>) target(%dma_start3A_180 : memref<800xf32, #tpu.memory_space<hbm>>) target_semaphore(%arg18 : memref<!tpu.dma_semaphore, #tpu.memory_space<semaphore_mem>>)
      %add3A_183 = arith.constant 100000 : i32
      %add3A_184 = arith.addi %add3A_183, %mul3A_2 : i32
      %dma_start3A_185 = arith.constant 0 : i32
      %dma_start3A_186 = tpu.memref_slice %arg7[%dma_start3A_185] : memref<3200xf32, #tpu.memory_space<vmem>> -> memref<800xf32, #tpu.memory_space<vmem>>
      %dma_start3A_187 = tpu.memref_slice %arg4[%add3A_184] : memref<300000xf32, #tpu.memory_space<hbm>> -> memref<800xf32, #tpu.memory_space<hbm>>
      %dma_start3A_188 = tpu.memref_slice %arg4[%add3A_184] : memref<300000xf32, #tpu.memory_space<hbm>> -> memref<800xf32, #tpu.memory_space<hbm>>
      %dma_start3A_189 = arith.constant 0 : i32
      %dma_start3A_190 = tpu.memref_slice %arg7[%dma_start3A_189] : memref<3200xf32, #tpu.memory_space<vmem>> -> memref<800xf32, #tpu.memory_space<vmem>>
      tpu.enqueue_dma source(%dma_start3A_190 : memref<800xf32, #tpu.memory_space<vmem>>) target(%dma_start3A_188 : memref<800xf32, #tpu.memory_space<hbm>>) target_semaphore(%arg18 : memref<!tpu.dma_semaphore, #tpu.memory_space<semaphore_mem>>)
      %add3A_191 = arith.constant 200000 : i32
      %add3A_192 = arith.addi %add3A_191, %mul3A_2 : i32
      %dma_start3A_193 = arith.constant 0 : i32
      %dma_start3A_194 = tpu.memref_slice %arg8[%dma_start3A_193] : memref<3200xf32, #tpu.memory_space<vmem>> -> memref<800xf32, #tpu.memory_space<vmem>>
      %dma_start3A_195 = tpu.memref_slice %arg4[%add3A_192] : memref<300000xf32, #tpu.memory_space<hbm>> -> memref<800xf32, #tpu.memory_space<hbm>>
      %dma_start3A_196 = tpu.memref_slice %arg4[%add3A_192] : memref<300000xf32, #tpu.memory_space<hbm>> -> memref<800xf32, #tpu.memory_space<hbm>>
      %dma_start3A_197 = arith.constant 0 : i32
      %dma_start3A_198 = tpu.memref_slice %arg8[%dma_start3A_197] : memref<3200xf32, #tpu.memory_space<vmem>> -> memref<800xf32, #tpu.memory_space<vmem>>
      tpu.enqueue_dma source(%dma_start3A_198 : memref<800xf32, #tpu.memory_space<vmem>>) target(%dma_start3A_196 : memref<800xf32, #tpu.memory_space<hbm>>) target_semaphore(%arg18 : memref<!tpu.dma_semaphore, #tpu.memory_space<semaphore_mem>>)
      %add3A_199 = arith.constant 0 : i32
      %add3A_200 = arith.addi %add3A_199, %mul3A_2 : i32
      %dma_start3A_201 = arith.constant 0 : i32
      %dma_start3A_202 = tpu.memref_slice %arg9[%dma_start3A_201] : memref<3200xf32, #tpu.memory_space<vmem>> -> memref<800xf32, #tpu.memory_space<vmem>>
      %dma_start3A_203 = tpu.memref_slice %arg5[%add3A_200] : memref<900000xf32, #tpu.memory_space<hbm>> -> memref<800xf32, #tpu.memory_space<hbm>>
      %dma_start3A_204 = tpu.memref_slice %arg5[%add3A_200] : memref<900000xf32, #tpu.memory_space<hbm>> -> memref<800xf32, #tpu.memory_space<hbm>>
      %dma_start3A_205 = arith.constant 0 : i32
      %dma_start3A_206 = tpu.memref_slice %arg9[%dma_start3A_205] : memref<3200xf32, #tpu.memory_space<vmem>> -> memref<800xf32, #tpu.memory_space<vmem>>
      tpu.enqueue_dma source(%dma_start3A_206 : memref<800xf32, #tpu.memory_space<vmem>>) target(%dma_start3A_204 : memref<800xf32, #tpu.memory_space<hbm>>) target_semaphore(%arg18 : memref<!tpu.dma_semaphore, #tpu.memory_space<semaphore_mem>>)
      %add3A_207 = arith.constant 100000 : i32
      %add3A_208 = arith.addi %add3A_207, %mul3A_2 : i32
      %dma_start3A_209 = arith.constant 0 : i32
      %dma_start3A_210 = tpu.memref_slice %arg10[%dma_start3A_209] : memref<3200xf32, #tpu.memory_space<vmem>> -> memref<800xf32, #tpu.memory_space<vmem>>
      %dma_start3A_211 = tpu.memref_slice %arg5[%add3A_208] : memref<900000xf32, #tpu.memory_space<hbm>> -> memref<800xf32, #tpu.memory_space<hbm>>
      %dma_start3A_212 = tpu.memref_slice %arg5[%add3A_208] : memref<900000xf32, #tpu.memory_space<hbm>> -> memref<800xf32, #tpu.memory_space<hbm>>
      %dma_start3A_213 = arith.constant 0 : i32
      %dma_start3A_214 = tpu.memref_slice %arg10[%dma_start3A_213] : memref<3200xf32, #tpu.memory_space<vmem>> -> memref<800xf32, #tpu.memory_space<vmem>>
      tpu.enqueue_dma source(%dma_start3A_214 : memref<800xf32, #tpu.memory_space<vmem>>) target(%dma_start3A_212 : memref<800xf32, #tpu.memory_space<hbm>>) target_semaphore(%arg18 : memref<!tpu.dma_semaphore, #tpu.memory_space<semaphore_mem>>)
      %add3A_215 = arith.constant 200000 : i32
      %add3A_216 = arith.addi %add3A_215, %mul3A_2 : i32
      %dma_start3A_217 = arith.constant 0 : i32
      %dma_start3A_218 = tpu.memref_slice %arg11[%dma_start3A_217] : memref<3200xf32, #tpu.memory_space<vmem>> -> memref<800xf32, #tpu.memory_space<vmem>>
      %dma_start3A_219 = tpu.memref_slice %arg5[%add3A_216] : memref<900000xf32, #tpu.memory_space<hbm>> -> memref<800xf32, #tpu.memory_space<hbm>>
      %dma_start3A_220 = tpu.memref_slice %arg5[%add3A_216] : memref<900000xf32, #tpu.memory_space<hbm>> -> memref<800xf32, #tpu.memory_space<hbm>>
      %dma_start3A_221 = arith.constant 0 : i32
      %dma_start3A_222 = tpu.memref_slice %arg11[%dma_start3A_221] : memref<3200xf32, #tpu.memory_space<vmem>> -> memref<800xf32, #tpu.memory_space<vmem>>
      tpu.enqueue_dma source(%dma_start3A_222 : memref<800xf32, #tpu.memory_space<vmem>>) target(%dma_start3A_220 : memref<800xf32, #tpu.memory_space<hbm>>) target_semaphore(%arg18 : memref<!tpu.dma_semaphore, #tpu.memory_space<semaphore_mem>>)
      %add3A_223 = arith.constant 300000 : i32
      %add3A_224 = arith.addi %add3A_223, %mul3A_2 : i32
      %dma_start3A_225 = arith.constant 0 : i32
      %dma_start3A_226 = tpu.memref_slice %arg12[%dma_start3A_225] : memref<3200xf32, #tpu.memory_space<vmem>> -> memref<800xf32, #tpu.memory_space<vmem>>
      %dma_start3A_227 = tpu.memref_slice %arg5[%add3A_224] : memref<900000xf32, #tpu.memory_space<hbm>> -> memref<800xf32, #tpu.memory_space<hbm>>
      %dma_start3A_228 = tpu.memref_slice %arg5[%add3A_224] : memref<900000xf32, #tpu.memory_space<hbm>> -> memref<800xf32, #tpu.memory_space<hbm>>
      %dma_start3A_229 = arith.constant 0 : i32
      %dma_start3A_230 = tpu.memref_slice %arg12[%dma_start3A_229] : memref<3200xf32, #tpu.memory_space<vmem>> -> memref<800xf32, #tpu.memory_space<vmem>>
      tpu.enqueue_dma source(%dma_start3A_230 : memref<800xf32, #tpu.memory_space<vmem>>) target(%dma_start3A_228 : memref<800xf32, #tpu.memory_space<hbm>>) target_semaphore(%arg18 : memref<!tpu.dma_semaphore, #tpu.memory_space<semaphore_mem>>)
      %add3A_231 = arith.constant 400000 : i32
      %add3A_232 = arith.addi %add3A_231, %mul3A_2 : i32
      %dma_start3A_233 = arith.constant 0 : i32
      %dma_start3A_234 = tpu.memref_slice %arg13[%dma_start3A_233] : memref<3200xf32, #tpu.memory_space<vmem>> -> memref<800xf32, #tpu.memory_space<vmem>>
      %dma_start3A_235 = tpu.memref_slice %arg5[%add3A_232] : memref<900000xf32, #tpu.memory_space<hbm>> -> memref<800xf32, #tpu.memory_space<hbm>>
      %dma_start3A_236 = tpu.memref_slice %arg5[%add3A_232] : memref<900000xf32, #tpu.memory_space<hbm>> -> memref<800xf32, #tpu.memory_space<hbm>>
      %dma_start3A_237 = arith.constant 0 : i32
      %dma_start3A_238 = tpu.memref_slice %arg13[%dma_start3A_237] : memref<3200xf32, #tpu.memory_space<vmem>> -> memref<800xf32, #tpu.memory_space<vmem>>
      tpu.enqueue_dma source(%dma_start3A_238 : memref<800xf32, #tpu.memory_space<vmem>>) target(%dma_start3A_236 : memref<800xf32, #tpu.memory_space<hbm>>) target_semaphore(%arg18 : memref<!tpu.dma_semaphore, #tpu.memory_space<semaphore_mem>>)
      %add3A_239 = arith.constant 500000 : i32
      %add3A_240 = arith.addi %add3A_239, %mul3A_2 : i32
      %dma_start3A_241 = arith.constant 0 : i32
      %dma_start3A_242 = tpu.memref_slice %arg14[%dma_start3A_241] : memref<3200xf32, #tpu.memory_space<vmem>> -> memref<800xf32, #tpu.memory_space<vmem>>
      %dma_start3A_243 = tpu.memref_slice %arg5[%add3A_240] : memref<900000xf32, #tpu.memory_space<hbm>> -> memref<800xf32, #tpu.memory_space<hbm>>
      %dma_start3A_244 = tpu.memref_slice %arg5[%add3A_240] : memref<900000xf32, #tpu.memory_space<hbm>> -> memref<800xf32, #tpu.memory_space<hbm>>
      %dma_start3A_245 = arith.constant 0 : i32
      %dma_start3A_246 = tpu.memref_slice %arg14[%dma_start3A_245] : memref<3200xf32, #tpu.memory_space<vmem>> -> memref<800xf32, #tpu.memory_space<vmem>>
      tpu.enqueue_dma source(%dma_start3A_246 : memref<800xf32, #tpu.memory_space<vmem>>) target(%dma_start3A_244 : memref<800xf32, #tpu.memory_space<hbm>>) target_semaphore(%arg18 : memref<!tpu.dma_semaphore, #tpu.memory_space<semaphore_mem>>)
      %add3A_247 = arith.constant 600000 : i32
      %add3A_248 = arith.addi %add3A_247, %mul3A_2 : i32
      %dma_start3A_249 = arith.constant 0 : i32
      %dma_start3A_250 = tpu.memref_slice %arg15[%dma_start3A_249] : memref<3200xf32, #tpu.memory_space<vmem>> -> memref<800xf32, #tpu.memory_space<vmem>>
      %dma_start3A_251 = tpu.memref_slice %arg5[%add3A_248] : memref<900000xf32, #tpu.memory_space<hbm>> -> memref<800xf32, #tpu.memory_space<hbm>>
      %dma_start3A_252 = tpu.memref_slice %arg5[%add3A_248] : memref<900000xf32, #tpu.memory_space<hbm>> -> memref<800xf32, #tpu.memory_space<hbm>>
      %dma_start3A_253 = arith.constant 0 : i32
      %dma_start3A_254 = tpu.memref_slice %arg15[%dma_start3A_253] : memref<3200xf32, #tpu.memory_space<vmem>> -> memref<800xf32, #tpu.memory_space<vmem>>
      tpu.enqueue_dma source(%dma_start3A_254 : memref<800xf32, #tpu.memory_space<vmem>>) target(%dma_start3A_252 : memref<800xf32, #tpu.memory_space<hbm>>) target_semaphore(%arg18 : memref<!tpu.dma_semaphore, #tpu.memory_space<semaphore_mem>>)
      %add3A_255 = arith.constant 700000 : i32
      %add3A_256 = arith.addi %add3A_255, %mul3A_2 : i32
      %dma_start3A_257 = arith.constant 0 : i32
      %dma_start3A_258 = tpu.memref_slice %arg16[%dma_start3A_257] : memref<3200xf32, #tpu.memory_space<vmem>> -> memref<800xf32, #tpu.memory_space<vmem>>
      %dma_start3A_259 = tpu.memref_slice %arg5[%add3A_256] : memref<900000xf32, #tpu.memory_space<hbm>> -> memref<800xf32, #tpu.memory_space<hbm>>
      %dma_start3A_260 = tpu.memref_slice %arg5[%add3A_256] : memref<900000xf32, #tpu.memory_space<hbm>> -> memref<800xf32, #tpu.memory_space<hbm>>
      %dma_start3A_261 = arith.constant 0 : i32
      %dma_start3A_262 = tpu.memref_slice %arg16[%dma_start3A_261] : memref<3200xf32, #tpu.memory_space<vmem>> -> memref<800xf32, #tpu.memory_space<vmem>>
      tpu.enqueue_dma source(%dma_start3A_262 : memref<800xf32, #tpu.memory_space<vmem>>) target(%dma_start3A_260 : memref<800xf32, #tpu.memory_space<hbm>>) target_semaphore(%arg18 : memref<!tpu.dma_semaphore, #tpu.memory_space<semaphore_mem>>)
      %add3A_263 = arith.constant 800000 : i32
      %add3A_264 = arith.addi %add3A_263, %mul3A_2 : i32
      %dma_start3A_265 = arith.constant 0 : i32
      %dma_start3A_266 = tpu.memref_slice %arg17[%dma_start3A_265] : memref<3200xf32, #tpu.memory_space<vmem>> -> memref<800xf32, #tpu.memory_space<vmem>>
      %dma_start3A_267 = tpu.memref_slice %arg5[%add3A_264] : memref<900000xf32, #tpu.memory_space<hbm>> -> memref<800xf32, #tpu.memory_space<hbm>>
      %dma_start3A_268 = tpu.memref_slice %arg5[%add3A_264] : memref<900000xf32, #tpu.memory_space<hbm>> -> memref<800xf32, #tpu.memory_space<hbm>>
      %dma_start3A_269 = arith.constant 0 : i32
      %dma_start3A_270 = tpu.memref_slice %arg17[%dma_start3A_269] : memref<3200xf32, #tpu.memory_space<vmem>> -> memref<800xf32, #tpu.memory_space<vmem>>
      tpu.enqueue_dma source(%dma_start3A_270 : memref<800xf32, #tpu.memory_space<vmem>>) target(%dma_start3A_268 : memref<800xf32, #tpu.memory_space<hbm>>) target_semaphore(%arg18 : memref<!tpu.dma_semaphore, #tpu.memory_space<semaphore_mem>>)
      %dma_wait3A_271 = arith.constant 0 : i32
      %dma_wait3A_272 = tpu.memref_slice %arg6[%dma_wait3A_271] : memref<3200xf32, #tpu.memory_space<vmem>> -> memref<800xf32, #tpu.memory_space<vmem>>
      %dma_wait3A_273 = tpu.memref_slice %arg4[%add3A_176] : memref<300000xf32, #tpu.memory_space<hbm>> -> memref<800xf32, #tpu.memory_space<hbm>>
      %dma_wait3A_274 = tpu.memref_slice %arg4[%add3A_176] : memref<300000xf32, #tpu.memory_space<hbm>> -> memref<800xf32, #tpu.memory_space<hbm>>
      %dma_wait3A_275 = arith.constant 0 : i32
      %dma_wait3A_276 = tpu.memref_slice %arg6[%dma_wait3A_275] : memref<3200xf32, #tpu.memory_space<vmem>> -> memref<800xf32, #tpu.memory_space<vmem>>
      tpu.wait_dma2 semaphore(%arg18 : memref<!tpu.dma_semaphore, #tpu.memory_space<semaphore_mem>>) src(%dma_wait3A_276 : memref<800xf32, #tpu.memory_space<vmem>>) dst(%dma_wait3A_274 : memref<800xf32, #tpu.memory_space<hbm>>)
      %dma_wait3A_277 = arith.constant 0 : i32
      %dma_wait3A_278 = tpu.memref_slice %arg7[%dma_wait3A_277] : memref<3200xf32, #tpu.memory_space<vmem>> -> memref<800xf32, #tpu.memory_space<vmem>>
      %dma_wait3A_279 = tpu.memref_slice %arg4[%add3A_184] : memref<300000xf32, #tpu.memory_space<hbm>> -> memref<800xf32, #tpu.memory_space<hbm>>
      %dma_wait3A_280 = tpu.memref_slice %arg4[%add3A_184] : memref<300000xf32, #tpu.memory_space<hbm>> -> memref<800xf32, #tpu.memory_space<hbm>>
      %dma_wait3A_281 = arith.constant 0 : i32
      %dma_wait3A_282 = tpu.memref_slice %arg7[%dma_wait3A_281] : memref<3200xf32, #tpu.memory_space<vmem>> -> memref<800xf32, #tpu.memory_space<vmem>>
      tpu.wait_dma2 semaphore(%arg18 : memref<!tpu.dma_semaphore, #tpu.memory_space<semaphore_mem>>) src(%dma_wait3A_282 : memref<800xf32, #tpu.memory_space<vmem>>) dst(%dma_wait3A_280 : memref<800xf32, #tpu.memory_space<hbm>>)
      %dma_wait3A_283 = arith.constant 0 : i32
      %dma_wait3A_284 = tpu.memref_slice %arg8[%dma_wait3A_283] : memref<3200xf32, #tpu.memory_space<vmem>> -> memref<800xf32, #tpu.memory_space<vmem>>
      %dma_wait3A_285 = tpu.memref_slice %arg4[%add3A_192] : memref<300000xf32, #tpu.memory_space<hbm>> -> memref<800xf32, #tpu.memory_space<hbm>>
      %dma_wait3A_286 = tpu.memref_slice %arg4[%add3A_192] : memref<300000xf32, #tpu.memory_space<hbm>> -> memref<800xf32, #tpu.memory_space<hbm>>
      %dma_wait3A_287 = arith.constant 0 : i32
      %dma_wait3A_288 = tpu.memref_slice %arg8[%dma_wait3A_287] : memref<3200xf32, #tpu.memory_space<vmem>> -> memref<800xf32, #tpu.memory_space<vmem>>
      tpu.wait_dma2 semaphore(%arg18 : memref<!tpu.dma_semaphore, #tpu.memory_space<semaphore_mem>>) src(%dma_wait3A_288 : memref<800xf32, #tpu.memory_space<vmem>>) dst(%dma_wait3A_286 : memref<800xf32, #tpu.memory_space<hbm>>)
      %dma_wait3A_289 = arith.constant 0 : i32
      %dma_wait3A_290 = tpu.memref_slice %arg9[%dma_wait3A_289] : memref<3200xf32, #tpu.memory_space<vmem>> -> memref<800xf32, #tpu.memory_space<vmem>>
      %dma_wait3A_291 = tpu.memref_slice %arg5[%add3A_200] : memref<900000xf32, #tpu.memory_space<hbm>> -> memref<800xf32, #tpu.memory_space<hbm>>
      %dma_wait3A_292 = tpu.memref_slice %arg5[%add3A_200] : memref<900000xf32, #tpu.memory_space<hbm>> -> memref<800xf32, #tpu.memory_space<hbm>>
      %dma_wait3A_293 = arith.constant 0 : i32
      %dma_wait3A_294 = tpu.memref_slice %arg9[%dma_wait3A_293] : memref<3200xf32, #tpu.memory_space<vmem>> -> memref<800xf32, #tpu.memory_space<vmem>>
      tpu.wait_dma2 semaphore(%arg18 : memref<!tpu.dma_semaphore, #tpu.memory_space<semaphore_mem>>) src(%dma_wait3A_294 : memref<800xf32, #tpu.memory_space<vmem>>) dst(%dma_wait3A_292 : memref<800xf32, #tpu.memory_space<hbm>>)
      %dma_wait3A_295 = arith.constant 0 : i32
      %dma_wait3A_296 = tpu.memref_slice %arg10[%dma_wait3A_295] : memref<3200xf32, #tpu.memory_space<vmem>> -> memref<800xf32, #tpu.memory_space<vmem>>
      %dma_wait3A_297 = tpu.memref_slice %arg5[%add3A_208] : memref<900000xf32, #tpu.memory_space<hbm>> -> memref<800xf32, #tpu.memory_space<hbm>>
      %dma_wait3A_298 = tpu.memref_slice %arg5[%add3A_208] : memref<900000xf32, #tpu.memory_space<hbm>> -> memref<800xf32, #tpu.memory_space<hbm>>
      %dma_wait3A_299 = arith.constant 0 : i32
      %dma_wait3A_300 = tpu.memref_slice %arg10[%dma_wait3A_299] : memref<3200xf32, #tpu.memory_space<vmem>> -> memref<800xf32, #tpu.memory_space<vmem>>
      tpu.wait_dma2 semaphore(%arg18 : memref<!tpu.dma_semaphore, #tpu.memory_space<semaphore_mem>>) src(%dma_wait3A_300 : memref<800xf32, #tpu.memory_space<vmem>>) dst(%dma_wait3A_298 : memref<800xf32, #tpu.memory_space<hbm>>)
      %dma_wait3A_301 = arith.constant 0 : i32
      %dma_wait3A_302 = tpu.memref_slice %arg11[%dma_wait3A_301] : memref<3200xf32, #tpu.memory_space<vmem>> -> memref<800xf32, #tpu.memory_space<vmem>>
      %dma_wait3A_303 = tpu.memref_slice %arg5[%add3A_216] : memref<900000xf32, #tpu.memory_space<hbm>> -> memref<800xf32, #tpu.memory_space<hbm>>
      %dma_wait3A_304 = tpu.memref_slice %arg5[%add3A_216] : memref<900000xf32, #tpu.memory_space<hbm>> -> memref<800xf32, #tpu.memory_space<hbm>>
      %dma_wait3A_305 = arith.constant 0 : i32
      %dma_wait3A_306 = tpu.memref_slice %arg11[%dma_wait3A_305] : memref<3200xf32, #tpu.memory_space<vmem>> -> memref<800xf32, #tpu.memory_space<vmem>>
      tpu.wait_dma2 semaphore(%arg18 : memref<!tpu.dma_semaphore, #tpu.memory_space<semaphore_mem>>) src(%dma_wait3A_306 : memref<800xf32, #tpu.memory_space<vmem>>) dst(%dma_wait3A_304 : memref<800xf32, #tpu.memory_space<hbm>>)
      %dma_wait3A_307 = arith.constant 0 : i32
      %dma_wait3A_308 = tpu.memref_slice %arg12[%dma_wait3A_307] : memref<3200xf32, #tpu.memory_space<vmem>> -> memref<800xf32, #tpu.memory_space<vmem>>
      %dma_wait3A_309 = tpu.memref_slice %arg5[%add3A_224] : memref<900000xf32, #tpu.memory_space<hbm>> -> memref<800xf32, #tpu.memory_space<hbm>>
      %dma_wait3A_310 = tpu.memref_slice %arg5[%add3A_224] : memref<900000xf32, #tpu.memory_space<hbm>> -> memref<800xf32, #tpu.memory_space<hbm>>
      %dma_wait3A_311 = arith.constant 0 : i32
      %dma_wait3A_312 = tpu.memref_slice %arg12[%dma_wait3A_311] : memref<3200xf32, #tpu.memory_space<vmem>> -> memref<800xf32, #tpu.memory_space<vmem>>
      tpu.wait_dma2 semaphore(%arg18 : memref<!tpu.dma_semaphore, #tpu.memory_space<semaphore_mem>>) src(%dma_wait3A_312 : memref<800xf32, #tpu.memory_space<vmem>>) dst(%dma_wait3A_310 : memref<800xf32, #tpu.memory_space<hbm>>)
      %dma_wait3A_313 = arith.constant 0 : i32
      %dma_wait3A_314 = tpu.memref_slice %arg13[%dma_wait3A_313] : memref<3200xf32, #tpu.memory_space<vmem>> -> memref<800xf32, #tpu.memory_space<vmem>>
      %dma_wait3A_315 = tpu.memref_slice %arg5[%add3A_232] : memref<900000xf32, #tpu.memory_space<hbm>> -> memref<800xf32, #tpu.memory_space<hbm>>
      %dma_wait3A_316 = tpu.memref_slice %arg5[%add3A_232] : memref<900000xf32, #tpu.memory_space<hbm>> -> memref<800xf32, #tpu.memory_space<hbm>>
      %dma_wait3A_317 = arith.constant 0 : i32
      %dma_wait3A_318 = tpu.memref_slice %arg13[%dma_wait3A_317] : memref<3200xf32, #tpu.memory_space<vmem>> -> memref<800xf32, #tpu.memory_space<vmem>>
      tpu.wait_dma2 semaphore(%arg18 : memref<!tpu.dma_semaphore, #tpu.memory_space<semaphore_mem>>) src(%dma_wait3A_318 : memref<800xf32, #tpu.memory_space<vmem>>) dst(%dma_wait3A_316 : memref<800xf32, #tpu.memory_space<hbm>>)
      %dma_wait3A_319 = arith.constant 0 : i32
      %dma_wait3A_320 = tpu.memref_slice %arg14[%dma_wait3A_319] : memref<3200xf32, #tpu.memory_space<vmem>> -> memref<800xf32, #tpu.memory_space<vmem>>
      %dma_wait3A_321 = tpu.memref_slice %arg5[%add3A_240] : memref<900000xf32, #tpu.memory_space<hbm>> -> memref<800xf32, #tpu.memory_space<hbm>>
      %dma_wait3A_322 = tpu.memref_slice %arg5[%add3A_240] : memref<900000xf32, #tpu.memory_space<hbm>> -> memref<800xf32, #tpu.memory_space<hbm>>
      %dma_wait3A_323 = arith.constant 0 : i32
      %dma_wait3A_324 = tpu.memref_slice %arg14[%dma_wait3A_323] : memref<3200xf32, #tpu.memory_space<vmem>> -> memref<800xf32, #tpu.memory_space<vmem>>
      tpu.wait_dma2 semaphore(%arg18 : memref<!tpu.dma_semaphore, #tpu.memory_space<semaphore_mem>>) src(%dma_wait3A_324 : memref<800xf32, #tpu.memory_space<vmem>>) dst(%dma_wait3A_322 : memref<800xf32, #tpu.memory_space<hbm>>)
      %dma_wait3A_325 = arith.constant 0 : i32
      %dma_wait3A_326 = tpu.memref_slice %arg15[%dma_wait3A_325] : memref<3200xf32, #tpu.memory_space<vmem>> -> memref<800xf32, #tpu.memory_space<vmem>>
      %dma_wait3A_327 = tpu.memref_slice %arg5[%add3A_248] : memref<900000xf32, #tpu.memory_space<hbm>> -> memref<800xf32, #tpu.memory_space<hbm>>
      %dma_wait3A_328 = tpu.memref_slice %arg5[%add3A_248] : memref<900000xf32, #tpu.memory_space<hbm>> -> memref<800xf32, #tpu.memory_space<hbm>>
      %dma_wait3A_329 = arith.constant 0 : i32
      %dma_wait3A_330 = tpu.memref_slice %arg15[%dma_wait3A_329] : memref<3200xf32, #tpu.memory_space<vmem>> -> memref<800xf32, #tpu.memory_space<vmem>>
      tpu.wait_dma2 semaphore(%arg18 : memref<!tpu.dma_semaphore, #tpu.memory_space<semaphore_mem>>) src(%dma_wait3A_330 : memref<800xf32, #tpu.memory_space<vmem>>) dst(%dma_wait3A_328 : memref<800xf32, #tpu.memory_space<hbm>>)
      %dma_wait3A_331 = arith.constant 0 : i32
      %dma_wait3A_332 = tpu.memref_slice %arg16[%dma_wait3A_331] : memref<3200xf32, #tpu.memory_space<vmem>> -> memref<800xf32, #tpu.memory_space<vmem>>
      %dma_wait3A_333 = tpu.memref_slice %arg5[%add3A_256] : memref<900000xf32, #tpu.memory_space<hbm>> -> memref<800xf32, #tpu.memory_space<hbm>>
      %dma_wait3A_334 = tpu.memref_slice %arg5[%add3A_256] : memref<900000xf32, #tpu.memory_space<hbm>> -> memref<800xf32, #tpu.memory_space<hbm>>
      %dma_wait3A_335 = arith.constant 0 : i32
      %dma_wait3A_336 = tpu.memref_slice %arg16[%dma_wait3A_335] : memref<3200xf32, #tpu.memory_space<vmem>> -> memref<800xf32, #tpu.memory_space<vmem>>
      tpu.wait_dma2 semaphore(%arg18 : memref<!tpu.dma_semaphore, #tpu.memory_space<semaphore_mem>>) src(%dma_wait3A_336 : memref<800xf32, #tpu.memory_space<vmem>>) dst(%dma_wait3A_334 : memref<800xf32, #tpu.memory_space<hbm>>)
      %dma_wait3A_337 = arith.constant 0 : i32
      %dma_wait3A_338 = tpu.memref_slice %arg17[%dma_wait3A_337] : memref<3200xf32, #tpu.memory_space<vmem>> -> memref<800xf32, #tpu.memory_space<vmem>>
      %dma_wait3A_339 = tpu.memref_slice %arg5[%add3A_264] : memref<900000xf32, #tpu.memory_space<hbm>> -> memref<800xf32, #tpu.memory_space<hbm>>
      %dma_wait3A_340 = tpu.memref_slice %arg5[%add3A_264] : memref<900000xf32, #tpu.memory_space<hbm>> -> memref<800xf32, #tpu.memory_space<hbm>>
      %dma_wait3A_341 = arith.constant 0 : i32
      %dma_wait3A_342 = tpu.memref_slice %arg17[%dma_wait3A_341] : memref<3200xf32, #tpu.memory_space<vmem>> -> memref<800xf32, #tpu.memory_space<vmem>>
      tpu.wait_dma2 semaphore(%arg18 : memref<!tpu.dma_semaphore, #tpu.memory_space<semaphore_mem>>) src(%dma_wait3A_342 : memref<800xf32, #tpu.memory_space<vmem>>) dst(%dma_wait3A_340 : memref<800xf32, #tpu.memory_space<hbm>>)
    } else {
    }
    return
  }
}

#map = affine_map<(d0, d1) -> (0)>
module attributes {stable_mosaic.version = 14 : i64} {
  func.func @_gather_diff_body(%arg0: i32, %arg1: i32, %arg2: memref<300000xf32, #tpu.memory_space<hbm>>, %arg3: memref<100000xi32, #tpu.memory_space<hbm>>, %arg4: memref<100000xi32, #tpu.memory_space<hbm>>, %arg5: memref<100000xi32, #tpu.memory_space<hbm>>, %arg6: memref<921600xf32, #tpu.memory_space<hbm>>, %arg7: memref<102400xf32, #tpu.memory_space<vmem>>, %arg8: memref<5120xi32, #tpu.memory_space<vmem>>, %arg9: memref<5120xi32, #tpu.memory_space<vmem>>, %arg10: memref<5120xf32, #tpu.memory_space<vmem>>, %arg11: memref<5120xf32, #tpu.memory_space<vmem>>, %arg12: memref<!tpu.dma_semaphore, #tpu.memory_space<semaphore_mem>>, %arg13: memref<!tpu.dma_semaphore, #tpu.memory_space<semaphore_mem>>, %arg14: memref<!tpu.dma_semaphore, #tpu.memory_space<semaphore_mem>>, %arg15: memref<!tpu.dma_semaphore, #tpu.memory_space<semaphore_mem>>, %arg16: memref<!tpu.dma_semaphore, #tpu.memory_space<semaphore_mem>>) attributes {dimension_semantics = [#tpu.dimension_semantics<core_parallel>, #tpu.dimension_semantics<subcore_parallel>], iteration_bounds = array<i64: 2, 16>, scalar_prefetch = 0 : i64, scratch_operands = 10 : i64, tpu.core_type = #tpu.core_type<sc_vector_subcore>, window_params = [{transform_indices = #map}, {transform_indices = #map}, {transform_indices = #map}, {transform_indices = #map}, {transform_indices = #map}]} {
    %mul3A = arith.constant 2 : i32
    %mul3A_0 = arith.muli %arg1, %mul3A : i32
    %add3A = arith.addi %mul3A_0, %arg0 : i32
    %jit3A = arith.constant 10 : i32
    %div3A = arith.divsi %add3A, %jit3A : i32
    %sign3A = arith.constant 0 : i32
    %sign3A_1 = arith.cmpi sgt, %add3A, %sign3A : i32
    %sign3A_2 = arith.extui %sign3A_1 : i1 to i32
    %sign3A_3 = arith.constant 0 : i32
    %sign3A_4 = arith.cmpi slt, %add3A, %sign3A_3 : i32
    %sign3A_5 = arith.extui %sign3A_4 : i1 to i32
    %sign3A_6 = arith.subi %sign3A_2, %sign3A_5 : i32
    %sign3A_7 = arith.constant 0 : i32
    %sign3A_8 = arith.cmpi sgt, %jit3A, %sign3A_7 : i32
    %sign3A_9 = arith.extui %sign3A_8 : i1 to i32
    %sign3A_10 = arith.constant 0 : i32
    %sign3A_11 = arith.cmpi slt, %jit3A, %sign3A_10 : i32
    %sign3A_12 = arith.extui %sign3A_11 : i1 to i32
    %sign3A_13 = arith.subi %sign3A_9, %sign3A_12 : i32
    %ne3A = arith.cmpi ne, %sign3A_6, %sign3A_13 : i32
    %rem3A = arith.remsi %add3A, %jit3A : i32
    %ne3A_14 = arith.constant 0 : i32
    %ne3A_15 = arith.cmpi ne, %rem3A, %ne3A_14 : i32
    %and3A = arith.andi %ne3A, %ne3A_15 : i1
    %sub3A = arith.constant 1 : i32
    %sub3A_16 = arith.subi %div3A, %sub3A : i32
    %select_n3A = arith.select %and3A, %sub3A_16, %div3A : i32
    %min3A = arith.constant 2 : i32
    %min3A_17 = arith.minsi %select_n3A, %min3A : i32
    %jit3A_18 = arith.constant 10 : i32
    %eq3A = arith.constant 0 : i32
    %eq3A_19 = arith.cmpi eq, %jit3A_18, %eq3A : i32
    %jit3A_20 = arith.constant 1 : i32
    %select_n3A_21 = arith.select %eq3A_19, %jit3A_20, %jit3A_18 : i32
    %rem3A_22 = arith.remsi %add3A, %select_n3A_21 : i32
    %ne3A_23 = arith.constant 0 : i32
    %ne3A_24 = arith.cmpi ne, %rem3A_22, %ne3A_23 : i32
    %lt3A = arith.constant 0 : i32
    %lt3A_25 = arith.cmpi slt, %rem3A_22, %lt3A : i32
    %lt3A_26 = arith.constant 0 : i32
    %lt3A_27 = arith.cmpi slt, %select_n3A_21, %lt3A_26 : i32
    %ne3A_28 = arith.xori %lt3A_25, %lt3A_27 : i1
    %and3A_29 = arith.andi %ne3A_28, %ne3A_24 : i1
    %add3A_30 = arith.addi %rem3A_22, %select_n3A_21 : i32
    %select_n3A_31 = arith.select %and3A_29, %add3A_30, %rem3A_22 : i32
    %lt3A_32 = arith.constant 30 : i32
    %lt3A_33 = arith.cmpi slt, %add3A, %lt3A_32 : i32
    %convert_element_type3A = arith.extui %lt3A_33 : i1 to i32
    %cond3A = arith.constant 0 : i32
    %cond3A_34 = arith.cmpi ne, %convert_element_type3A, %cond3A : i32
    scf.if %cond3A_34 {
      %mul3A_35 = arith.constant 100000 : i32
      %mul3A_36 = arith.muli %min3A_17, %mul3A_35 : i32
      %dma_start3A = arith.constant 0 : i32
      %dma_start3A_37 = tpu.memref_slice %arg7[%dma_start3A] : memref<102400xf32, #tpu.memory_space<vmem>> -> memref<100000xf32, #tpu.memory_space<vmem>>
      %dma_start3A_38 = tpu.memref_slice %arg2[%mul3A_36] : memref<300000xf32, #tpu.memory_space<hbm>> -> memref<100000xf32, #tpu.memory_space<hbm>>
      %dma_start3A_39 = arith.constant 0 : i32
      %dma_start3A_40 = tpu.memref_slice %arg7[%dma_start3A_39] : memref<102400xf32, #tpu.memory_space<vmem>> -> memref<100000xf32, #tpu.memory_space<vmem>>
      %dma_start3A_41 = tpu.memref_slice %arg2[%mul3A_36] : memref<300000xf32, #tpu.memory_space<hbm>> -> memref<100000xf32, #tpu.memory_space<hbm>>
      tpu.enqueue_dma source(%dma_start3A_41 : memref<100000xf32, #tpu.memory_space<hbm>>) target(%dma_start3A_40 : memref<100000xf32, #tpu.memory_space<vmem>>) target_semaphore(%arg12 : memref<!tpu.dma_semaphore, #tpu.memory_space<semaphore_mem>>)
      %mul3A_42 = arith.constant 10240 : i32
      %mul3A_43 = arith.muli %select_n3A_31, %mul3A_42 : i32
      %add3A_44 = arith.constant 0 : i32
      %add3A_45 = arith.addi %mul3A_43, %add3A_44 : i32
      %dma_start3A_46 = tpu.memref_slice %arg3[%add3A_45] : memref<100000xi32, #tpu.memory_space<hbm>> -> memref<5120xi32, #tpu.memory_space<hbm>>
      %dma_start3A_47 = tpu.memref_slice %arg3[%add3A_45] : memref<100000xi32, #tpu.memory_space<hbm>> -> memref<5120xi32, #tpu.memory_space<hbm>>
      tpu.enqueue_dma source(%dma_start3A_47 : memref<5120xi32, #tpu.memory_space<hbm>>) target(%arg8 : memref<5120xi32, #tpu.memory_space<vmem>>) target_semaphore(%arg13 : memref<!tpu.dma_semaphore, #tpu.memory_space<semaphore_mem>>)
      %add3A_48 = arith.constant 5120 : i32
      %add3A_49 = arith.addi %mul3A_43, %add3A_48 : i32
      %dma_start3A_50 = tpu.memref_slice %arg3[%add3A_49] : memref<100000xi32, #tpu.memory_space<hbm>> -> memref<5120xi32, #tpu.memory_space<hbm>>
      %dma_start3A_51 = tpu.memref_slice %arg3[%add3A_49] : memref<100000xi32, #tpu.memory_space<hbm>> -> memref<5120xi32, #tpu.memory_space<hbm>>
      tpu.enqueue_dma source(%dma_start3A_51 : memref<5120xi32, #tpu.memory_space<hbm>>) target(%arg9 : memref<5120xi32, #tpu.memory_space<vmem>>) target_semaphore(%arg14 : memref<!tpu.dma_semaphore, #tpu.memory_space<semaphore_mem>>)
      %dma_wait3A = arith.constant 0 : i32
      %dma_wait3A_52 = tpu.memref_slice %arg7[%dma_wait3A] : memref<102400xf32, #tpu.memory_space<vmem>> -> memref<100000xf32, #tpu.memory_space<vmem>>
      %dma_wait3A_53 = tpu.memref_slice %arg2[%mul3A_36] : memref<300000xf32, #tpu.memory_space<hbm>> -> memref<100000xf32, #tpu.memory_space<hbm>>
      %dma_wait3A_54 = arith.constant 0 : i32
      %dma_wait3A_55 = tpu.memref_slice %arg7[%dma_wait3A_54] : memref<102400xf32, #tpu.memory_space<vmem>> -> memref<100000xf32, #tpu.memory_space<vmem>>
      %dma_wait3A_56 = tpu.memref_slice %arg2[%mul3A_36] : memref<300000xf32, #tpu.memory_space<hbm>> -> memref<100000xf32, #tpu.memory_space<hbm>>
      tpu.wait_dma2 semaphore(%arg12 : memref<!tpu.dma_semaphore, #tpu.memory_space<semaphore_mem>>) src(%dma_wait3A_56 : memref<100000xf32, #tpu.memory_space<hbm>>) dst(%dma_wait3A_55 : memref<100000xf32, #tpu.memory_space<vmem>>)
      %dma_wait3A_57 = tpu.memref_slice %arg3[%add3A_45] : memref<100000xi32, #tpu.memory_space<hbm>> -> memref<5120xi32, #tpu.memory_space<hbm>>
      %dma_wait3A_58 = tpu.memref_slice %arg3[%add3A_45] : memref<100000xi32, #tpu.memory_space<hbm>> -> memref<5120xi32, #tpu.memory_space<hbm>>
      tpu.wait_dma2 semaphore(%arg13 : memref<!tpu.dma_semaphore, #tpu.memory_space<semaphore_mem>>) src(%dma_wait3A_58 : memref<5120xi32, #tpu.memory_space<hbm>>) dst(%arg8 : memref<5120xi32, #tpu.memory_space<vmem>>)
      %add3A_59 = arith.constant 0 : i32
      %add3A_60 = arith.addi %mul3A_43, %add3A_59 : i32
      %scan3A = arith.constant 0 : i32
      %scan3A_61 = arith.constant 0 : i32
      %scan3A_62 = arith.constant 80 : i32
      %scan3A_63 = arith.addi %scan3A_61, %scan3A_62 : i32
      %scan3A_64 = arith.constant 1 : i32
      scf.for %scan3A_198 = %scan3A_61 to %scan3A_63 step %scan3A_64  : i32 {
        %mul3A_199 = arith.constant 64 : i32
        %mul3A_200 = arith.muli %scan3A_198, %mul3A_199 : i32
        %add3A_201 = arith.constant 0 : i32
        %add3A_202 = arith.addi %mul3A_200, %add3A_201 : i32
        %get3A = arith.index_cast %add3A_202 : i32 to index
        %get3A_203 = tpu.vector_load %arg8[%get3A] {strides = array<i32>} : memref<5120xi32, #tpu.memory_space<vmem>>, vector<16xi32>,
        %max3A = arith.constant 0 : i32
        %max3A_204 = vector.broadcast %max3A : i32 to vector<16xi32>
        %max3A_205 = arith.maxsi %get3A_203, %max3A_204 : vector<16xi32>
        %min3A_206 = arith.constant 102399 : i32
        %min3A_207 = vector.broadcast %min3A_206 : i32 to vector<16xi32>
        %min3A_208 = arith.minsi %max3A_205, %min3A_207 : vector<16xi32>
        %gather3A = tpu.vector_load_idx %arg7[%min3A_208] : memref<102400xf32, #tpu.memory_space<vmem>>[vector<16xi32>], vector<16xf32>,
        %add3A_209 = arith.addi %add3A_60, %add3A_202 : i32
        %get3A_210 = arith.index_cast %add3A_209 : i32 to index
        %get3A_211 = tpu.vector_load %arg7[%get3A_210] {strides = array<i32>} : memref<102400xf32, #tpu.memory_space<vmem>>, vector<16xf32>,
        %sub3A_212 = arith.subf %gather3A, %get3A_211 : vector<16xf32>
        %swap3A = arith.index_cast %add3A_202 : i32 to index
        %swap3A_213 = tpu.vector_load %arg10[%swap3A] {strides = array<i32>} : memref<5120xf32, #tpu.memory_space<vmem>>, vector<16xf32>,
        tpu.vector_store %arg10[%swap3A], %sub3A_212 {strides = array<i32>} : memref<5120xf32, #tpu.memory_space<vmem>>, vector<16xf32>,
        %mul3A_214 = arith.constant 64 : i32
        %mul3A_215 = arith.muli %scan3A_198, %mul3A_214 : i32
        %add3A_216 = arith.constant 16 : i32
        %add3A_217 = arith.addi %mul3A_215, %add3A_216 : i32
        %get3A_218 = arith.index_cast %add3A_217 : i32 to index
        %get3A_219 = tpu.vector_load %arg8[%get3A_218] {strides = array<i32>} : memref<5120xi32, #tpu.memory_space<vmem>>, vector<16xi32>,
        %max3A_220 = arith.constant 0 : i32
        %max3A_221 = vector.broadcast %max3A_220 : i32 to vector<16xi32>
        %max3A_222 = arith.maxsi %get3A_219, %max3A_221 : vector<16xi32>
        %min3A_223 = arith.constant 102399 : i32
        %min3A_224 = vector.broadcast %min3A_223 : i32 to vector<16xi32>
        %min3A_225 = arith.minsi %max3A_222, %min3A_224 : vector<16xi32>
        %gather3A_226 = tpu.vector_load_idx %arg7[%min3A_225] : memref<102400xf32, #tpu.memory_space<vmem>>[vector<16xi32>], vector<16xf32>,
        %add3A_227 = arith.addi %add3A_60, %add3A_217 : i32
        %get3A_228 = arith.index_cast %add3A_227 : i32 to index
        %get3A_229 = tpu.vector_load %arg7[%get3A_228] {strides = array<i32>} : memref<102400xf32, #tpu.memory_space<vmem>>, vector<16xf32>,
        %sub3A_230 = arith.subf %gather3A_226, %get3A_229 : vector<16xf32>
        %swap3A_231 = arith.index_cast %add3A_217 : i32 to index
        %swap3A_232 = tpu.vector_load %arg10[%swap3A_231] {strides = array<i32>} : memref<5120xf32, #tpu.memory_space<vmem>>, vector<16xf32>,
        tpu.vector_store %arg10[%swap3A_231], %sub3A_230 {strides = array<i32>} : memref<5120xf32, #tpu.memory_space<vmem>>, vector<16xf32>,
        %mul3A_233 = arith.constant 64 : i32
        %mul3A_234 = arith.muli %scan3A_198, %mul3A_233 : i32
        %add3A_235 = arith.constant 32 : i32
        %add3A_236 = arith.addi %mul3A_234, %add3A_235 : i32
        %get3A_237 = arith.index_cast %add3A_236 : i32 to index
        %get3A_238 = tpu.vector_load %arg8[%get3A_237] {strides = array<i32>} : memref<5120xi32, #tpu.memory_space<vmem>>, vector<16xi32>,
        %max3A_239 = arith.constant 0 : i32
        %max3A_240 = vector.broadcast %max3A_239 : i32 to vector<16xi32>
        %max3A_241 = arith.maxsi %get3A_238, %max3A_240 : vector<16xi32>
        %min3A_242 = arith.constant 102399 : i32
        %min3A_243 = vector.broadcast %min3A_242 : i32 to vector<16xi32>
        %min3A_244 = arith.minsi %max3A_241, %min3A_243 : vector<16xi32>
        %gather3A_245 = tpu.vector_load_idx %arg7[%min3A_244] : memref<102400xf32, #tpu.memory_space<vmem>>[vector<16xi32>], vector<16xf32>,
        %add3A_246 = arith.addi %add3A_60, %add3A_236 : i32
        %get3A_247 = arith.index_cast %add3A_246 : i32 to index
        %get3A_248 = tpu.vector_load %arg7[%get3A_247] {strides = array<i32>} : memref<102400xf32, #tpu.memory_space<vmem>>, vector<16xf32>,
        %sub3A_249 = arith.subf %gather3A_245, %get3A_248 : vector<16xf32>
        %swap3A_250 = arith.index_cast %add3A_236 : i32 to index
        %swap3A_251 = tpu.vector_load %arg10[%swap3A_250] {strides = array<i32>} : memref<5120xf32, #tpu.memory_space<vmem>>, vector<16xf32>,
        tpu.vector_store %arg10[%swap3A_250], %sub3A_249 {strides = array<i32>} : memref<5120xf32, #tpu.memory_space<vmem>>, vector<16xf32>,
        %mul3A_252 = arith.constant 64 : i32
        %mul3A_253 = arith.muli %scan3A_198, %mul3A_252 : i32
        %add3A_254 = arith.constant 48 : i32
        %add3A_255 = arith.addi %mul3A_253, %add3A_254 : i32
        %get3A_256 = arith.index_cast %add3A_255 : i32 to index
        %get3A_257 = tpu.vector_load %arg8[%get3A_256] {strides = array<i32>} : memref<5120xi32, #tpu.memory_space<vmem>>, vector<16xi32>,
        %max3A_258 = arith.constant 0 : i32
        %max3A_259 = vector.broadcast %max3A_258 : i32 to vector<16xi32>
        %max3A_260 = arith.maxsi %get3A_257, %max3A_259 : vector<16xi32>
        %min3A_261 = arith.constant 102399 : i32
        %min3A_262 = vector.broadcast %min3A_261 : i32 to vector<16xi32>
        %min3A_263 = arith.minsi %max3A_260, %min3A_262 : vector<16xi32>
        %gather3A_264 = tpu.vector_load_idx %arg7[%min3A_263] : memref<102400xf32, #tpu.memory_space<vmem>>[vector<16xi32>], vector<16xf32>,
        %add3A_265 = arith.addi %add3A_60, %add3A_255 : i32
        %get3A_266 = arith.index_cast %add3A_265 : i32 to index
        %get3A_267 = tpu.vector_load %arg7[%get3A_266] {strides = array<i32>} : memref<102400xf32, #tpu.memory_space<vmem>>, vector<16xf32>,
        %sub3A_268 = arith.subf %gather3A_264, %get3A_267 : vector<16xf32>
        %swap3A_269 = arith.index_cast %add3A_255 : i32 to index
        %swap3A_270 = tpu.vector_load %arg10[%swap3A_269] {strides = array<i32>} : memref<5120xf32, #tpu.memory_space<vmem>>, vector<16xf32>,
        tpu.vector_store %arg10[%swap3A_269], %sub3A_268 {strides = array<i32>} : memref<5120xf32, #tpu.memory_space<vmem>>, vector<16xf32>,
      }
      %scan3A_65 = arith.constant 80 : i32
      %add3A_66 = arith.constant 0 : i32
      %add3A_67 = arith.addi %mul3A_43, %add3A_66 : i32
      %dma_start3A_68 = tpu.memref_slice %arg4[%add3A_67] : memref<100000xi32, #tpu.memory_space<hbm>> -> memref<5120xi32, #tpu.memory_space<hbm>>
      %dma_start3A_69 = tpu.memref_slice %arg4[%add3A_67] : memref<100000xi32, #tpu.memory_space<hbm>> -> memref<5120xi32, #tpu.memory_space<hbm>>
      tpu.enqueue_dma source(%dma_start3A_69 : memref<5120xi32, #tpu.memory_space<hbm>>) target(%arg8 : memref<5120xi32, #tpu.memory_space<vmem>>) target_semaphore(%arg13 : memref<!tpu.dma_semaphore, #tpu.memory_space<semaphore_mem>>)
      %add3A_70 = arith.constant 0 : i32
      %add3A_71 = arith.addi %add3A_70, %min3A_17 : i32
      %mul3A_72 = arith.constant 102400 : i32
      %mul3A_73 = arith.muli %add3A_71, %mul3A_72 : i32
      %add3A_74 = arith.constant 0 : i32
      %add3A_75 = arith.addi %mul3A_43, %add3A_74 : i32
      %add3A_76 = arith.addi %mul3A_73, %add3A_75 : i32
      %dma_start3A_77 = tpu.memref_slice %arg6[%add3A_76] : memref<921600xf32, #tpu.memory_space<hbm>> -> memref<5120xf32, #tpu.memory_space<hbm>>
      %dma_start3A_78 = tpu.memref_slice %arg6[%add3A_76] : memref<921600xf32, #tpu.memory_space<hbm>> -> memref<5120xf32, #tpu.memory_space<hbm>>
      tpu.enqueue_dma source(%arg10 : memref<5120xf32, #tpu.memory_space<vmem>>) target(%dma_start3A_78 : memref<5120xf32, #tpu.memory_space<hbm>>) target_semaphore(%arg15 : memref<!tpu.dma_semaphore, #tpu.memory_space<semaphore_mem>>)
      %dma_wait3A_79 = tpu.memref_slice %arg3[%add3A_49] : memref<100000xi32, #tpu.memory_space<hbm>> -> memref<5120xi32, #tpu.memory_space<hbm>>
      %dma_wait3A_80 = tpu.memref_slice %arg3[%add3A_49] : memref<100000xi32, #tpu.memory_space<hbm>> -> memref<5120xi32, #tpu.memory_space<hbm>>
      tpu.wait_dma2 semaphore(%arg14 : memref<!tpu.dma_semaphore, #tpu.memory_space<semaphore_mem>>) src(%dma_wait3A_80 : memref<5120xi32, #tpu.memory_space<hbm>>) dst(%arg9 : memref<5120xi32, #tpu.memory_space<vmem>>)
      %add3A_81 = arith.constant 5120 : i32
      %add3A_82 = arith.addi %mul3A_43, %add3A_81 : i32
      %scan3A_83 = arith.constant 0 : i32
      %scan3A_84 = arith.constant 0 : i32
      %scan3A_85 = arith.constant 80 : i32
      %scan3A_86 = arith.addi %scan3A_84, %scan3A_85 : i32
      %scan3A_87 = arith.constant 1 : i32
      scf.for %scan3A_198 = %scan3A_84 to %scan3A_86 step %scan3A_87  : i32 {
        %mul3A_199 = arith.constant 64 : i32
        %mul3A_200 = arith.muli %scan3A_198, %mul3A_199 : i32
        %add3A_201 = arith.constant 0 : i32
        %add3A_202 = arith.addi %mul3A_200, %add3A_201 : i32
        %get3A = arith.index_cast %add3A_202 : i32 to index
        %get3A_203 = tpu.vector_load %arg9[%get3A] {strides = array<i32>} : memref<5120xi32, #tpu.memory_space<vmem>>, vector<16xi32>,
        %max3A = arith.constant 0 : i32
        %max3A_204 = vector.broadcast %max3A : i32 to vector<16xi32>
        %max3A_205 = arith.maxsi %get3A_203, %max3A_204 : vector<16xi32>
        %min3A_206 = arith.constant 102399 : i32
        %min3A_207 = vector.broadcast %min3A_206 : i32 to vector<16xi32>
        %min3A_208 = arith.minsi %max3A_205, %min3A_207 : vector<16xi32>
        %gather3A = tpu.vector_load_idx %arg7[%min3A_208] : memref<102400xf32, #tpu.memory_space<vmem>>[vector<16xi32>], vector<16xf32>,
        %add3A_209 = arith.addi %add3A_82, %add3A_202 : i32
        %get3A_210 = arith.index_cast %add3A_209 : i32 to index
        %get3A_211 = tpu.vector_load %arg7[%get3A_210] {strides = array<i32>} : memref<102400xf32, #tpu.memory_space<vmem>>, vector<16xf32>,
        %sub3A_212 = arith.subf %gather3A, %get3A_211 : vector<16xf32>
        %swap3A = arith.index_cast %add3A_202 : i32 to index
        %swap3A_213 = tpu.vector_load %arg11[%swap3A] {strides = array<i32>} : memref<5120xf32, #tpu.memory_space<vmem>>, vector<16xf32>,
        tpu.vector_store %arg11[%swap3A], %sub3A_212 {strides = array<i32>} : memref<5120xf32, #tpu.memory_space<vmem>>, vector<16xf32>,
        %mul3A_214 = arith.constant 64 : i32
        %mul3A_215 = arith.muli %scan3A_198, %mul3A_214 : i32
        %add3A_216 = arith.constant 16 : i32
        %add3A_217 = arith.addi %mul3A_215, %add3A_216 : i32
        %get3A_218 = arith.index_cast %add3A_217 : i32 to index
        %get3A_219 = tpu.vector_load %arg9[%get3A_218] {strides = array<i32>} : memref<5120xi32, #tpu.memory_space<vmem>>, vector<16xi32>,
        %max3A_220 = arith.constant 0 : i32
        %max3A_221 = vector.broadcast %max3A_220 : i32 to vector<16xi32>
        %max3A_222 = arith.maxsi %get3A_219, %max3A_221 : vector<16xi32>
        %min3A_223 = arith.constant 102399 : i32
        %min3A_224 = vector.broadcast %min3A_223 : i32 to vector<16xi32>
        %min3A_225 = arith.minsi %max3A_222, %min3A_224 : vector<16xi32>
        %gather3A_226 = tpu.vector_load_idx %arg7[%min3A_225] : memref<102400xf32, #tpu.memory_space<vmem>>[vector<16xi32>], vector<16xf32>,
        %add3A_227 = arith.addi %add3A_82, %add3A_217 : i32
        %get3A_228 = arith.index_cast %add3A_227 : i32 to index
        %get3A_229 = tpu.vector_load %arg7[%get3A_228] {strides = array<i32>} : memref<102400xf32, #tpu.memory_space<vmem>>, vector<16xf32>,
        %sub3A_230 = arith.subf %gather3A_226, %get3A_229 : vector<16xf32>
        %swap3A_231 = arith.index_cast %add3A_217 : i32 to index
        %swap3A_232 = tpu.vector_load %arg11[%swap3A_231] {strides = array<i32>} : memref<5120xf32, #tpu.memory_space<vmem>>, vector<16xf32>,
        tpu.vector_store %arg11[%swap3A_231], %sub3A_230 {strides = array<i32>} : memref<5120xf32, #tpu.memory_space<vmem>>, vector<16xf32>,
        %mul3A_233 = arith.constant 64 : i32
        %mul3A_234 = arith.muli %scan3A_198, %mul3A_233 : i32
        %add3A_235 = arith.constant 32 : i32
        %add3A_236 = arith.addi %mul3A_234, %add3A_235 : i32
        %get3A_237 = arith.index_cast %add3A_236 : i32 to index
        %get3A_238 = tpu.vector_load %arg9[%get3A_237] {strides = array<i32>} : memref<5120xi32, #tpu.memory_space<vmem>>, vector<16xi32>,
        %max3A_239 = arith.constant 0 : i32
        %max3A_240 = vector.broadcast %max3A_239 : i32 to vector<16xi32>
        %max3A_241 = arith.maxsi %get3A_238, %max3A_240 : vector<16xi32>
        %min3A_242 = arith.constant 102399 : i32
        %min3A_243 = vector.broadcast %min3A_242 : i32 to vector<16xi32>
        %min3A_244 = arith.minsi %max3A_241, %min3A_243 : vector<16xi32>
        %gather3A_245 = tpu.vector_load_idx %arg7[%min3A_244] : memref<102400xf32, #tpu.memory_space<vmem>>[vector<16xi32>], vector<16xf32>,
        %add3A_246 = arith.addi %add3A_82, %add3A_236 : i32
        %get3A_247 = arith.index_cast %add3A_246 : i32 to index
        %get3A_248 = tpu.vector_load %arg7[%get3A_247] {strides = array<i32>} : memref<102400xf32, #tpu.memory_space<vmem>>, vector<16xf32>,
        %sub3A_249 = arith.subf %gather3A_245, %get3A_248 : vector<16xf32>
        %swap3A_250 = arith.index_cast %add3A_236 : i32 to index
        %swap3A_251 = tpu.vector_load %arg11[%swap3A_250] {strides = array<i32>} : memref<5120xf32, #tpu.memory_space<vmem>>, vector<16xf32>,
        tpu.vector_store %arg11[%swap3A_250], %sub3A_249 {strides = array<i32>} : memref<5120xf32, #tpu.memory_space<vmem>>, vector<16xf32>,
        %mul3A_252 = arith.constant 64 : i32
        %mul3A_253 = arith.muli %scan3A_198, %mul3A_252 : i32
        %add3A_254 = arith.constant 48 : i32
        %add3A_255 = arith.addi %mul3A_253, %add3A_254 : i32
        %get3A_256 = arith.index_cast %add3A_255 : i32 to index
        %get3A_257 = tpu.vector_load %arg9[%get3A_256] {strides = array<i32>} : memref<5120xi32, #tpu.memory_space<vmem>>, vector<16xi32>,
        %max3A_258 = arith.constant 0 : i32
        %max3A_259 = vector.broadcast %max3A_258 : i32 to vector<16xi32>
        %max3A_260 = arith.maxsi %get3A_257, %max3A_259 : vector<16xi32>
        %min3A_261 = arith.constant 102399 : i32
        %min3A_262 = vector.broadcast %min3A_261 : i32 to vector<16xi32>
        %min3A_263 = arith.minsi %max3A_260, %min3A_262 : vector<16xi32>
        %gather3A_264 = tpu.vector_load_idx %arg7[%min3A_263] : memref<102400xf32, #tpu.memory_space<vmem>>[vector<16xi32>], vector<16xf32>,
        %add3A_265 = arith.addi %add3A_82, %add3A_255 : i32
        %get3A_266 = arith.index_cast %add3A_265 : i32 to index
        %get3A_267 = tpu.vector_load %arg7[%get3A_266] {strides = array<i32>} : memref<102400xf32, #tpu.memory_space<vmem>>, vector<16xf32>,
        %sub3A_268 = arith.subf %gather3A_264, %get3A_267 : vector<16xf32>
        %swap3A_269 = arith.index_cast %add3A_255 : i32 to index
        %swap3A_270 = tpu.vector_load %arg11[%swap3A_269] {strides = array<i32>} : memref<5120xf32, #tpu.memory_space<vmem>>, vector<16xf32>,
        tpu.vector_store %arg11[%swap3A_269], %sub3A_268 {strides = array<i32>} : memref<5120xf32, #tpu.memory_space<vmem>>, vector<16xf32>,
      }
      %scan3A_88 = arith.constant 80 : i32
      %add3A_89 = arith.constant 5120 : i32
      %add3A_90 = arith.addi %mul3A_43, %add3A_89 : i32
      %dma_start3A_91 = tpu.memref_slice %arg4[%add3A_90] : memref<100000xi32, #tpu.memory_space<hbm>> -> memref<5120xi32, #tpu.memory_space<hbm>>
      %dma_start3A_92 = tpu.memref_slice %arg4[%add3A_90] : memref<100000xi32, #tpu.memory_space<hbm>> -> memref<5120xi32, #tpu.memory_space<hbm>>
      tpu.enqueue_dma source(%dma_start3A_92 : memref<5120xi32, #tpu.memory_space<hbm>>) target(%arg9 : memref<5120xi32, #tpu.memory_space<vmem>>) target_semaphore(%arg14 : memref<!tpu.dma_semaphore, #tpu.memory_space<semaphore_mem>>)
      %add3A_93 = arith.constant 0 : i32
      %add3A_94 = arith.addi %add3A_93, %min3A_17 : i32
      %mul3A_95 = arith.constant 102400 : i32
      %mul3A_96 = arith.muli %add3A_94, %mul3A_95 : i32
      %add3A_97 = arith.constant 5120 : i32
      %add3A_98 = arith.addi %mul3A_43, %add3A_97 : i32
      %add3A_99 = arith.addi %mul3A_96, %add3A_98 : i32
      %dma_start3A_100 = tpu.memref_slice %arg6[%add3A_99] : memref<921600xf32, #tpu.memory_space<hbm>> -> memref<5120xf32, #tpu.memory_space<hbm>>
      %dma_start3A_101 = tpu.memref_slice %arg6[%add3A_99] : memref<921600xf32, #tpu.memory_space<hbm>> -> memref<5120xf32, #tpu.memory_space<hbm>>
      tpu.enqueue_dma source(%arg11 : memref<5120xf32, #tpu.memory_space<vmem>>) target(%dma_start3A_101 : memref<5120xf32, #tpu.memory_space<hbm>>) target_semaphore(%arg16 : memref<!tpu.dma_semaphore, #tpu.memory_space<semaphore_mem>>)
      %dma_wait3A_102 = tpu.memref_slice %arg4[%add3A_67] : memref<100000xi32, #tpu.memory_space<hbm>> -> memref<5120xi32, #tpu.memory_space<hbm>>
      %dma_wait3A_103 = tpu.memref_slice %arg4[%add3A_67] : memref<100000xi32, #tpu.memory_space<hbm>> -> memref<5120xi32, #tpu.memory_space<hbm>>
      tpu.wait_dma2 semaphore(%arg13 : memref<!tpu.dma_semaphore, #tpu.memory_space<semaphore_mem>>) src(%dma_wait3A_103 : memref<5120xi32, #tpu.memory_space<hbm>>) dst(%arg8 : memref<5120xi32, #tpu.memory_space<vmem>>)
      %dma_wait3A_104 = tpu.memref_slice %arg6[%add3A_76] : memref<921600xf32, #tpu.memory_space<hbm>> -> memref<5120xf32, #tpu.memory_space<hbm>>
      %dma_wait3A_105 = tpu.memref_slice %arg6[%add3A_76] : memref<921600xf32, #tpu.memory_space<hbm>> -> memref<5120xf32, #tpu.memory_space<hbm>>
      tpu.wait_dma2 semaphore(%arg15 : memref<!tpu.dma_semaphore, #tpu.memory_space<semaphore_mem>>) src(%arg10 : memref<5120xf32, #tpu.memory_space<vmem>>) dst(%dma_wait3A_105 : memref<5120xf32, #tpu.memory_space<hbm>>)
      %add3A_106 = arith.constant 0 : i32
      %add3A_107 = arith.addi %mul3A_43, %add3A_106 : i32
      %scan3A_108 = arith.constant 0 : i32
      %scan3A_109 = arith.constant 0 : i32
      %scan3A_110 = arith.constant 80 : i32
      %scan3A_111 = arith.addi %scan3A_109, %scan3A_110 : i32
      %scan3A_112 = arith.constant 1 : i32
      scf.for %scan3A_198 = %scan3A_109 to %scan3A_111 step %scan3A_112  : i32 {
        %mul3A_199 = arith.constant 64 : i32
        %mul3A_200 = arith.muli %scan3A_198, %mul3A_199 : i32
        %add3A_201 = arith.constant 0 : i32
        %add3A_202 = arith.addi %mul3A_200, %add3A_201 : i32
        %get3A = arith.index_cast %add3A_202 : i32 to index
        %get3A_203 = tpu.vector_load %arg8[%get3A] {strides = array<i32>} : memref<5120xi32, #tpu.memory_space<vmem>>, vector<16xi32>,
        %max3A = arith.constant 0 : i32
        %max3A_204 = vector.broadcast %max3A : i32 to vector<16xi32>
        %max3A_205 = arith.maxsi %get3A_203, %max3A_204 : vector<16xi32>
        %min3A_206 = arith.constant 102399 : i32
        %min3A_207 = vector.broadcast %min3A_206 : i32 to vector<16xi32>
        %min3A_208 = arith.minsi %max3A_205, %min3A_207 : vector<16xi32>
        %gather3A = tpu.vector_load_idx %arg7[%min3A_208] : memref<102400xf32, #tpu.memory_space<vmem>>[vector<16xi32>], vector<16xf32>,
        %add3A_209 = arith.addi %add3A_107, %add3A_202 : i32
        %get3A_210 = arith.index_cast %add3A_209 : i32 to index
        %get3A_211 = tpu.vector_load %arg7[%get3A_210] {strides = array<i32>} : memref<102400xf32, #tpu.memory_space<vmem>>, vector<16xf32>,
        %sub3A_212 = arith.subf %gather3A, %get3A_211 : vector<16xf32>
        %swap3A = arith.index_cast %add3A_202 : i32 to index
        %swap3A_213 = tpu.vector_load %arg10[%swap3A] {strides = array<i32>} : memref<5120xf32, #tpu.memory_space<vmem>>, vector<16xf32>,
        tpu.vector_store %arg10[%swap3A], %sub3A_212 {strides = array<i32>} : memref<5120xf32, #tpu.memory_space<vmem>>, vector<16xf32>,
        %mul3A_214 = arith.constant 64 : i32
        %mul3A_215 = arith.muli %scan3A_198, %mul3A_214 : i32
        %add3A_216 = arith.constant 16 : i32
        %add3A_217 = arith.addi %mul3A_215, %add3A_216 : i32
        %get3A_218 = arith.index_cast %add3A_217 : i32 to index
        %get3A_219 = tpu.vector_load %arg8[%get3A_218] {strides = array<i32>} : memref<5120xi32, #tpu.memory_space<vmem>>, vector<16xi32>,
        %max3A_220 = arith.constant 0 : i32
        %max3A_221 = vector.broadcast %max3A_220 : i32 to vector<16xi32>
        %max3A_222 = arith.maxsi %get3A_219, %max3A_221 : vector<16xi32>
        %min3A_223 = arith.constant 102399 : i32
        %min3A_224 = vector.broadcast %min3A_223 : i32 to vector<16xi32>
        %min3A_225 = arith.minsi %max3A_222, %min3A_224 : vector<16xi32>
        %gather3A_226 = tpu.vector_load_idx %arg7[%min3A_225] : memref<102400xf32, #tpu.memory_space<vmem>>[vector<16xi32>], vector<16xf32>,
        %add3A_227 = arith.addi %add3A_107, %add3A_217 : i32
        %get3A_228 = arith.index_cast %add3A_227 : i32 to index
        %get3A_229 = tpu.vector_load %arg7[%get3A_228] {strides = array<i32>} : memref<102400xf32, #tpu.memory_space<vmem>>, vector<16xf32>,
        %sub3A_230 = arith.subf %gather3A_226, %get3A_229 : vector<16xf32>
        %swap3A_231 = arith.index_cast %add3A_217 : i32 to index
        %swap3A_232 = tpu.vector_load %arg10[%swap3A_231] {strides = array<i32>} : memref<5120xf32, #tpu.memory_space<vmem>>, vector<16xf32>,
        tpu.vector_store %arg10[%swap3A_231], %sub3A_230 {strides = array<i32>} : memref<5120xf32, #tpu.memory_space<vmem>>, vector<16xf32>,
        %mul3A_233 = arith.constant 64 : i32
        %mul3A_234 = arith.muli %scan3A_198, %mul3A_233 : i32
        %add3A_235 = arith.constant 32 : i32
        %add3A_236 = arith.addi %mul3A_234, %add3A_235 : i32
        %get3A_237 = arith.index_cast %add3A_236 : i32 to index
        %get3A_238 = tpu.vector_load %arg8[%get3A_237] {strides = array<i32>} : memref<5120xi32, #tpu.memory_space<vmem>>, vector<16xi32>,
        %max3A_239 = arith.constant 0 : i32
        %max3A_240 = vector.broadcast %max3A_239 : i32 to vector<16xi32>
        %max3A_241 = arith.maxsi %get3A_238, %max3A_240 : vector<16xi32>
        %min3A_242 = arith.constant 102399 : i32
        %min3A_243 = vector.broadcast %min3A_242 : i32 to vector<16xi32>
        %min3A_244 = arith.minsi %max3A_241, %min3A_243 : vector<16xi32>
        %gather3A_245 = tpu.vector_load_idx %arg7[%min3A_244] : memref<102400xf32, #tpu.memory_space<vmem>>[vector<16xi32>], vector<16xf32>,
        %add3A_246 = arith.addi %add3A_107, %add3A_236 : i32
        %get3A_247 = arith.index_cast %add3A_246 : i32 to index
        %get3A_248 = tpu.vector_load %arg7[%get3A_247] {strides = array<i32>} : memref<102400xf32, #tpu.memory_space<vmem>>, vector<16xf32>,
        %sub3A_249 = arith.subf %gather3A_245, %get3A_248 : vector<16xf32>
        %swap3A_250 = arith.index_cast %add3A_236 : i32 to index
        %swap3A_251 = tpu.vector_load %arg10[%swap3A_250] {strides = array<i32>} : memref<5120xf32, #tpu.memory_space<vmem>>, vector<16xf32>,
        tpu.vector_store %arg10[%swap3A_250], %sub3A_249 {strides = array<i32>} : memref<5120xf32, #tpu.memory_space<vmem>>, vector<16xf32>,
        %mul3A_252 = arith.constant 64 : i32
        %mul3A_253 = arith.muli %scan3A_198, %mul3A_252 : i32
        %add3A_254 = arith.constant 48 : i32
        %add3A_255 = arith.addi %mul3A_253, %add3A_254 : i32
        %get3A_256 = arith.index_cast %add3A_255 : i32 to index
        %get3A_257 = tpu.vector_load %arg8[%get3A_256] {strides = array<i32>} : memref<5120xi32, #tpu.memory_space<vmem>>, vector<16xi32>,
        %max3A_258 = arith.constant 0 : i32
        %max3A_259 = vector.broadcast %max3A_258 : i32 to vector<16xi32>
        %max3A_260 = arith.maxsi %get3A_257, %max3A_259 : vector<16xi32>
        %min3A_261 = arith.constant 102399 : i32
        %min3A_262 = vector.broadcast %min3A_261 : i32 to vector<16xi32>
        %min3A_263 = arith.minsi %max3A_260, %min3A_262 : vector<16xi32>
        %gather3A_264 = tpu.vector_load_idx %arg7[%min3A_263] : memref<102400xf32, #tpu.memory_space<vmem>>[vector<16xi32>], vector<16xf32>,
        %add3A_265 = arith.addi %add3A_107, %add3A_255 : i32
        %get3A_266 = arith.index_cast %add3A_265 : i32 to index
        %get3A_267 = tpu.vector_load %arg7[%get3A_266] {strides = array<i32>} : memref<102400xf32, #tpu.memory_space<vmem>>, vector<16xf32>,
        %sub3A_268 = arith.subf %gather3A_264, %get3A_267 : vector<16xf32>
        %swap3A_269 = arith.index_cast %add3A_255 : i32 to index
        %swap3A_270 = tpu.vector_load %arg10[%swap3A_269] {strides = array<i32>} : memref<5120xf32, #tpu.memory_space<vmem>>, vector<16xf32>,
        tpu.vector_store %arg10[%swap3A_269], %sub3A_268 {strides = array<i32>} : memref<5120xf32, #tpu.memory_space<vmem>>, vector<16xf32>,
      }
      %scan3A_113 = arith.constant 80 : i32
      %add3A_114 = arith.constant 0 : i32
      %add3A_115 = arith.addi %mul3A_43, %add3A_114 : i32
      %dma_start3A_116 = tpu.memref_slice %arg5[%add3A_115] : memref<100000xi32, #tpu.memory_space<hbm>> -> memref<5120xi32, #tpu.memory_space<hbm>>
      %dma_start3A_117 = tpu.memref_slice %arg5[%add3A_115] : memref<100000xi32, #tpu.memory_space<hbm>> -> memref<5120xi32, #tpu.memory_space<hbm>>
      tpu.enqueue_dma source(%dma_start3A_117 : memref<5120xi32, #tpu.memory_space<hbm>>) target(%arg8 : memref<5120xi32, #tpu.memory_space<vmem>>) target_semaphore(%arg13 : memref<!tpu.dma_semaphore, #tpu.memory_space<semaphore_mem>>)
      %add3A_118 = arith.constant 3 : i32
      %add3A_119 = arith.addi %add3A_118, %min3A_17 : i32
      %mul3A_120 = arith.constant 102400 : i32
      %mul3A_121 = arith.muli %add3A_119, %mul3A_120 : i32
      %add3A_122 = arith.constant 0 : i32
      %add3A_123 = arith.addi %mul3A_43, %add3A_122 : i32
      %add3A_124 = arith.addi %mul3A_121, %add3A_123 : i32
      %dma_start3A_125 = tpu.memref_slice %arg6[%add3A_124] : memref<921600xf32, #tpu.memory_space<hbm>> -> memref<5120xf32, #tpu.memory_space<hbm>>
      %dma_start3A_126 = tpu.memref_slice %arg6[%add3A_124] : memref<921600xf32, #tpu.memory_space<hbm>> -> memref<5120xf32, #tpu.memory_space<hbm>>
      tpu.enqueue_dma source(%arg10 : memref<5120xf32, #tpu.memory_space<vmem>>) target(%dma_start3A_126 : memref<5120xf32, #tpu.memory_space<hbm>>) target_semaphore(%arg15 : memref<!tpu.dma_semaphore, #tpu.memory_space<semaphore_mem>>)
      %dma_wait3A_127 = tpu.memref_slice %arg4[%add3A_90] : memref<100000xi32, #tpu.memory_space<hbm>> -> memref<5120xi32, #tpu.memory_space<hbm>>
      %dma_wait3A_128 = tpu.memref_slice %arg4[%add3A_90] : memref<100000xi32, #tpu.memory_space<hbm>> -> memref<5120xi32, #tpu.memory_space<hbm>>
      tpu.wait_dma2 semaphore(%arg14 : memref<!tpu.dma_semaphore, #tpu.memory_space<semaphore_mem>>) src(%dma_wait3A_128 : memref<5120xi32, #tpu.memory_space<hbm>>) dst(%arg9 : memref<5120xi32, #tpu.memory_space<vmem>>)
      %dma_wait3A_129 = tpu.memref_slice %arg6[%add3A_99] : memref<921600xf32, #tpu.memory_space<hbm>> -> memref<5120xf32, #tpu.memory_space<hbm>>
      %dma_wait3A_130 = tpu.memref_slice %arg6[%add3A_99] : memref<921600xf32, #tpu.memory_space<hbm>> -> memref<5120xf32, #tpu.memory_space<hbm>>
      tpu.wait_dma2 semaphore(%arg16 : memref<!tpu.dma_semaphore, #tpu.memory_space<semaphore_mem>>) src(%arg11 : memref<5120xf32, #tpu.memory_space<vmem>>) dst(%dma_wait3A_130 : memref<5120xf32, #tpu.memory_space<hbm>>)
      %add3A_131 = arith.constant 5120 : i32
      %add3A_132 = arith.addi %mul3A_43, %add3A_131 : i32
      %scan3A_133 = arith.constant 0 : i32
      %scan3A_134 = arith.constant 0 : i32
      %scan3A_135 = arith.constant 80 : i32
      %scan3A_136 = arith.addi %scan3A_134, %scan3A_135 : i32
      %scan3A_137 = arith.constant 1 : i32
      scf.for %scan3A_198 = %scan3A_134 to %scan3A_136 step %scan3A_137  : i32 {
        %mul3A_199 = arith.constant 64 : i32
        %mul3A_200 = arith.muli %scan3A_198, %mul3A_199 : i32
        %add3A_201 = arith.constant 0 : i32
        %add3A_202 = arith.addi %mul3A_200, %add3A_201 : i32
        %get3A = arith.index_cast %add3A_202 : i32 to index
        %get3A_203 = tpu.vector_load %arg9[%get3A] {strides = array<i32>} : memref<5120xi32, #tpu.memory_space<vmem>>, vector<16xi32>,
        %max3A = arith.constant 0 : i32
        %max3A_204 = vector.broadcast %max3A : i32 to vector<16xi32>
        %max3A_205 = arith.maxsi %get3A_203, %max3A_204 : vector<16xi32>
        %min3A_206 = arith.constant 102399 : i32
        %min3A_207 = vector.broadcast %min3A_206 : i32 to vector<16xi32>
        %min3A_208 = arith.minsi %max3A_205, %min3A_207 : vector<16xi32>
        %gather3A = tpu.vector_load_idx %arg7[%min3A_208] : memref<102400xf32, #tpu.memory_space<vmem>>[vector<16xi32>], vector<16xf32>,
        %add3A_209 = arith.addi %add3A_132, %add3A_202 : i32
        %get3A_210 = arith.index_cast %add3A_209 : i32 to index
        %get3A_211 = tpu.vector_load %arg7[%get3A_210] {strides = array<i32>} : memref<102400xf32, #tpu.memory_space<vmem>>, vector<16xf32>,
        %sub3A_212 = arith.subf %gather3A, %get3A_211 : vector<16xf32>
        %swap3A = arith.index_cast %add3A_202 : i32 to index
        %swap3A_213 = tpu.vector_load %arg11[%swap3A] {strides = array<i32>} : memref<5120xf32, #tpu.memory_space<vmem>>, vector<16xf32>,
        tpu.vector_store %arg11[%swap3A], %sub3A_212 {strides = array<i32>} : memref<5120xf32, #tpu.memory_space<vmem>>, vector<16xf32>,
        %mul3A_214 = arith.constant 64 : i32
        %mul3A_215 = arith.muli %scan3A_198, %mul3A_214 : i32
        %add3A_216 = arith.constant 16 : i32
        %add3A_217 = arith.addi %mul3A_215, %add3A_216 : i32
        %get3A_218 = arith.index_cast %add3A_217 : i32 to index
        %get3A_219 = tpu.vector_load %arg9[%get3A_218] {strides = array<i32>} : memref<5120xi32, #tpu.memory_space<vmem>>, vector<16xi32>,
        %max3A_220 = arith.constant 0 : i32
        %max3A_221 = vector.broadcast %max3A_220 : i32 to vector<16xi32>
        %max3A_222 = arith.maxsi %get3A_219, %max3A_221 : vector<16xi32>
        %min3A_223 = arith.constant 102399 : i32
        %min3A_224 = vector.broadcast %min3A_223 : i32 to vector<16xi32>
        %min3A_225 = arith.minsi %max3A_222, %min3A_224 : vector<16xi32>
        %gather3A_226 = tpu.vector_load_idx %arg7[%min3A_225] : memref<102400xf32, #tpu.memory_space<vmem>>[vector<16xi32>], vector<16xf32>,
        %add3A_227 = arith.addi %add3A_132, %add3A_217 : i32
        %get3A_228 = arith.index_cast %add3A_227 : i32 to index
        %get3A_229 = tpu.vector_load %arg7[%get3A_228] {strides = array<i32>} : memref<102400xf32, #tpu.memory_space<vmem>>, vector<16xf32>,
        %sub3A_230 = arith.subf %gather3A_226, %get3A_229 : vector<16xf32>
        %swap3A_231 = arith.index_cast %add3A_217 : i32 to index
        %swap3A_232 = tpu.vector_load %arg11[%swap3A_231] {strides = array<i32>} : memref<5120xf32, #tpu.memory_space<vmem>>, vector<16xf32>,
        tpu.vector_store %arg11[%swap3A_231], %sub3A_230 {strides = array<i32>} : memref<5120xf32, #tpu.memory_space<vmem>>, vector<16xf32>,
        %mul3A_233 = arith.constant 64 : i32
        %mul3A_234 = arith.muli %scan3A_198, %mul3A_233 : i32
        %add3A_235 = arith.constant 32 : i32
        %add3A_236 = arith.addi %mul3A_234, %add3A_235 : i32
        %get3A_237 = arith.index_cast %add3A_236 : i32 to index
        %get3A_238 = tpu.vector_load %arg9[%get3A_237] {strides = array<i32>} : memref<5120xi32, #tpu.memory_space<vmem>>, vector<16xi32>,
        %max3A_239 = arith.constant 0 : i32
        %max3A_240 = vector.broadcast %max3A_239 : i32 to vector<16xi32>
        %max3A_241 = arith.maxsi %get3A_238, %max3A_240 : vector<16xi32>
        %min3A_242 = arith.constant 102399 : i32
        %min3A_243 = vector.broadcast %min3A_242 : i32 to vector<16xi32>
        %min3A_244 = arith.minsi %max3A_241, %min3A_243 : vector<16xi32>
        %gather3A_245 = tpu.vector_load_idx %arg7[%min3A_244] : memref<102400xf32, #tpu.memory_space<vmem>>[vector<16xi32>], vector<16xf32>,
        %add3A_246 = arith.addi %add3A_132, %add3A_236 : i32
        %get3A_247 = arith.index_cast %add3A_246 : i32 to index
        %get3A_248 = tpu.vector_load %arg7[%get3A_247] {strides = array<i32>} : memref<102400xf32, #tpu.memory_space<vmem>>, vector<16xf32>,
        %sub3A_249 = arith.subf %gather3A_245, %get3A_248 : vector<16xf32>
        %swap3A_250 = arith.index_cast %add3A_236 : i32 to index
        %swap3A_251 = tpu.vector_load %arg11[%swap3A_250] {strides = array<i32>} : memref<5120xf32, #tpu.memory_space<vmem>>, vector<16xf32>,
        tpu.vector_store %arg11[%swap3A_250], %sub3A_249 {strides = array<i32>} : memref<5120xf32, #tpu.memory_space<vmem>>, vector<16xf32>,
        %mul3A_252 = arith.constant 64 : i32
        %mul3A_253 = arith.muli %scan3A_198, %mul3A_252 : i32
        %add3A_254 = arith.constant 48 : i32
        %add3A_255 = arith.addi %mul3A_253, %add3A_254 : i32
        %get3A_256 = arith.index_cast %add3A_255 : i32 to index
        %get3A_257 = tpu.vector_load %arg9[%get3A_256] {strides = array<i32>} : memref<5120xi32, #tpu.memory_space<vmem>>, vector<16xi32>,
        %max3A_258 = arith.constant 0 : i32
        %max3A_259 = vector.broadcast %max3A_258 : i32 to vector<16xi32>
        %max3A_260 = arith.maxsi %get3A_257, %max3A_259 : vector<16xi32>
        %min3A_261 = arith.constant 102399 : i32
        %min3A_262 = vector.broadcast %min3A_261 : i32 to vector<16xi32>
        %min3A_263 = arith.minsi %max3A_260, %min3A_262 : vector<16xi32>
        %gather3A_264 = tpu.vector_load_idx %arg7[%min3A_263] : memref<102400xf32, #tpu.memory_space<vmem>>[vector<16xi32>], vector<16xf32>,
        %add3A_265 = arith.addi %add3A_132, %add3A_255 : i32
        %get3A_266 = arith.index_cast %add3A_265 : i32 to index
        %get3A_267 = tpu.vector_load %arg7[%get3A_266] {strides = array<i32>} : memref<102400xf32, #tpu.memory_space<vmem>>, vector<16xf32>,
        %sub3A_268 = arith.subf %gather3A_264, %get3A_267 : vector<16xf32>
        %swap3A_269 = arith.index_cast %add3A_255 : i32 to index
        %swap3A_270 = tpu.vector_load %arg11[%swap3A_269] {strides = array<i32>} : memref<5120xf32, #tpu.memory_space<vmem>>, vector<16xf32>,
        tpu.vector_store %arg11[%swap3A_269], %sub3A_268 {strides = array<i32>} : memref<5120xf32, #tpu.memory_space<vmem>>, vector<16xf32>,
      }
      %scan3A_138 = arith.constant 80 : i32
      %add3A_139 = arith.constant 5120 : i32
      %add3A_140 = arith.addi %mul3A_43, %add3A_139 : i32
      %dma_start3A_141 = tpu.memref_slice %arg5[%add3A_140] : memref<100000xi32, #tpu.memory_space<hbm>> -> memref<5120xi32, #tpu.memory_space<hbm>>
      %dma_start3A_142 = tpu.memref_slice %arg5[%add3A_140] : memref<100000xi32, #tpu.memory_space<hbm>> -> memref<5120xi32, #tpu.memory_space<hbm>>
      tpu.enqueue_dma source(%dma_start3A_142 : memref<5120xi32, #tpu.memory_space<hbm>>) target(%arg9 : memref<5120xi32, #tpu.memory_space<vmem>>) target_semaphore(%arg14 : memref<!tpu.dma_semaphore, #tpu.memory_space<semaphore_mem>>)
      %add3A_143 = arith.constant 3 : i32
      %add3A_144 = arith.addi %add3A_143, %min3A_17 : i32
      %mul3A_145 = arith.constant 102400 : i32
      %mul3A_146 = arith.muli %add3A_144, %mul3A_145 : i32
      %add3A_147 = arith.constant 5120 : i32
      %add3A_148 = arith.addi %mul3A_43, %add3A_147 : i32
      %add3A_149 = arith.addi %mul3A_146, %add3A_148 : i32
      %dma_start3A_150 = tpu.memref_slice %arg6[%add3A_149] : memref<921600xf32, #tpu.memory_space<hbm>> -> memref<5120xf32, #tpu.memory_space<hbm>>
      %dma_start3A_151 = tpu.memref_slice %arg6[%add3A_149] : memref<921600xf32, #tpu.memory_space<hbm>> -> memref<5120xf32, #tpu.memory_space<hbm>>
      tpu.enqueue_dma source(%arg11 : memref<5120xf32, #tpu.memory_space<vmem>>) target(%dma_start3A_151 : memref<5120xf32, #tpu.memory_space<hbm>>) target_semaphore(%arg16 : memref<!tpu.dma_semaphore, #tpu.memory_space<semaphore_mem>>)
      %dma_wait3A_152 = tpu.memref_slice %arg5[%add3A_115] : memref<100000xi32, #tpu.memory_space<hbm>> -> memref<5120xi32, #tpu.memory_space<hbm>>
      %dma_wait3A_153 = tpu.memref_slice %arg5[%add3A_115] : memref<100000xi32, #tpu.memory_space<hbm>> -> memref<5120xi32, #tpu.memory_space<hbm>>
      tpu.wait_dma2 semaphore(%arg13 : memref<!tpu.dma_semaphore, #tpu.memory_space<semaphore_mem>>) src(%dma_wait3A_153 : memref<5120xi32, #tpu.memory_space<hbm>>) dst(%arg8 : memref<5120xi32, #tpu.memory_space<vmem>>)
      %dma_wait3A_154 = tpu.memref_slice %arg6[%add3A_124] : memref<921600xf32, #tpu.memory_space<hbm>> -> memref<5120xf32, #tpu.memory_space<hbm>>
      %dma_wait3A_155 = tpu.memref_slice %arg6[%add3A_124] : memref<921600xf32, #tpu.memory_space<hbm>> -> memref<5120xf32, #tpu.memory_space<hbm>>
      tpu.wait_dma2 semaphore(%arg15 : memref<!tpu.dma_semaphore, #tpu.memory_space<semaphore_mem>>) src(%arg10 : memref<5120xf32, #tpu.memory_space<vmem>>) dst(%dma_wait3A_155 : memref<5120xf32, #tpu.memory_space<hbm>>)
      %add3A_156 = arith.constant 0 : i32
      %add3A_157 = arith.addi %mul3A_43, %add3A_156 : i32
      %scan3A_158 = arith.constant 0 : i32
      %scan3A_159 = arith.constant 0 : i32
      %scan3A_160 = arith.constant 80 : i32
      %scan3A_161 = arith.addi %scan3A_159, %scan3A_160 : i32
      %scan3A_162 = arith.constant 1 : i32
      scf.for %scan3A_198 = %scan3A_159 to %scan3A_161 step %scan3A_162  : i32 {
        %mul3A_199 = arith.constant 64 : i32
        %mul3A_200 = arith.muli %scan3A_198, %mul3A_199 : i32
        %add3A_201 = arith.constant 0 : i32
        %add3A_202 = arith.addi %mul3A_200, %add3A_201 : i32
        %get3A = arith.index_cast %add3A_202 : i32 to index
        %get3A_203 = tpu.vector_load %arg8[%get3A] {strides = array<i32>} : memref<5120xi32, #tpu.memory_space<vmem>>, vector<16xi32>,
        %max3A = arith.constant 0 : i32
        %max3A_204 = vector.broadcast %max3A : i32 to vector<16xi32>
        %max3A_205 = arith.maxsi %get3A_203, %max3A_204 : vector<16xi32>
        %min3A_206 = arith.constant 102399 : i32
        %min3A_207 = vector.broadcast %min3A_206 : i32 to vector<16xi32>
        %min3A_208 = arith.minsi %max3A_205, %min3A_207 : vector<16xi32>
        %gather3A = tpu.vector_load_idx %arg7[%min3A_208] : memref<102400xf32, #tpu.memory_space<vmem>>[vector<16xi32>], vector<16xf32>,
        %add3A_209 = arith.addi %add3A_157, %add3A_202 : i32
        %get3A_210 = arith.index_cast %add3A_209 : i32 to index
        %get3A_211 = tpu.vector_load %arg7[%get3A_210] {strides = array<i32>} : memref<102400xf32, #tpu.memory_space<vmem>>, vector<16xf32>,
        %sub3A_212 = arith.subf %gather3A, %get3A_211 : vector<16xf32>
        %swap3A = arith.index_cast %add3A_202 : i32 to index
        %swap3A_213 = tpu.vector_load %arg10[%swap3A] {strides = array<i32>} : memref<5120xf32, #tpu.memory_space<vmem>>, vector<16xf32>,
        tpu.vector_store %arg10[%swap3A], %sub3A_212 {strides = array<i32>} : memref<5120xf32, #tpu.memory_space<vmem>>, vector<16xf32>,
        %mul3A_214 = arith.constant 64 : i32
        %mul3A_215 = arith.muli %scan3A_198, %mul3A_214 : i32
        %add3A_216 = arith.constant 16 : i32
        %add3A_217 = arith.addi %mul3A_215, %add3A_216 : i32
        %get3A_218 = arith.index_cast %add3A_217 : i32 to index
        %get3A_219 = tpu.vector_load %arg8[%get3A_218] {strides = array<i32>} : memref<5120xi32, #tpu.memory_space<vmem>>, vector<16xi32>,
        %max3A_220 = arith.constant 0 : i32
        %max3A_221 = vector.broadcast %max3A_220 : i32 to vector<16xi32>
        %max3A_222 = arith.maxsi %get3A_219, %max3A_221 : vector<16xi32>
        %min3A_223 = arith.constant 102399 : i32
        %min3A_224 = vector.broadcast %min3A_223 : i32 to vector<16xi32>
        %min3A_225 = arith.minsi %max3A_222, %min3A_224 : vector<16xi32>
        %gather3A_226 = tpu.vector_load_idx %arg7[%min3A_225] : memref<102400xf32, #tpu.memory_space<vmem>>[vector<16xi32>], vector<16xf32>,
        %add3A_227 = arith.addi %add3A_157, %add3A_217 : i32
        %get3A_228 = arith.index_cast %add3A_227 : i32 to index
        %get3A_229 = tpu.vector_load %arg7[%get3A_228] {strides = array<i32>} : memref<102400xf32, #tpu.memory_space<vmem>>, vector<16xf32>,
        %sub3A_230 = arith.subf %gather3A_226, %get3A_229 : vector<16xf32>
        %swap3A_231 = arith.index_cast %add3A_217 : i32 to index
        %swap3A_232 = tpu.vector_load %arg10[%swap3A_231] {strides = array<i32>} : memref<5120xf32, #tpu.memory_space<vmem>>, vector<16xf32>,
        tpu.vector_store %arg10[%swap3A_231], %sub3A_230 {strides = array<i32>} : memref<5120xf32, #tpu.memory_space<vmem>>, vector<16xf32>,
        %mul3A_233 = arith.constant 64 : i32
        %mul3A_234 = arith.muli %scan3A_198, %mul3A_233 : i32
        %add3A_235 = arith.constant 32 : i32
        %add3A_236 = arith.addi %mul3A_234, %add3A_235 : i32
        %get3A_237 = arith.index_cast %add3A_236 : i32 to index
        %get3A_238 = tpu.vector_load %arg8[%get3A_237] {strides = array<i32>} : memref<5120xi32, #tpu.memory_space<vmem>>, vector<16xi32>,
        %max3A_239 = arith.constant 0 : i32
        %max3A_240 = vector.broadcast %max3A_239 : i32 to vector<16xi32>
        %max3A_241 = arith.maxsi %get3A_238, %max3A_240 : vector<16xi32>
        %min3A_242 = arith.constant 102399 : i32
        %min3A_243 = vector.broadcast %min3A_242 : i32 to vector<16xi32>
        %min3A_244 = arith.minsi %max3A_241, %min3A_243 : vector<16xi32>
        %gather3A_245 = tpu.vector_load_idx %arg7[%min3A_244] : memref<102400xf32, #tpu.memory_space<vmem>>[vector<16xi32>], vector<16xf32>,
        %add3A_246 = arith.addi %add3A_157, %add3A_236 : i32
        %get3A_247 = arith.index_cast %add3A_246 : i32 to index
        %get3A_248 = tpu.vector_load %arg7[%get3A_247] {strides = array<i32>} : memref<102400xf32, #tpu.memory_space<vmem>>, vector<16xf32>,
        %sub3A_249 = arith.subf %gather3A_245, %get3A_248 : vector<16xf32>
        %swap3A_250 = arith.index_cast %add3A_236 : i32 to index
        %swap3A_251 = tpu.vector_load %arg10[%swap3A_250] {strides = array<i32>} : memref<5120xf32, #tpu.memory_space<vmem>>, vector<16xf32>,
        tpu.vector_store %arg10[%swap3A_250], %sub3A_249 {strides = array<i32>} : memref<5120xf32, #tpu.memory_space<vmem>>, vector<16xf32>,
        %mul3A_252 = arith.constant 64 : i32
        %mul3A_253 = arith.muli %scan3A_198, %mul3A_252 : i32
        %add3A_254 = arith.constant 48 : i32
        %add3A_255 = arith.addi %mul3A_253, %add3A_254 : i32
        %get3A_256 = arith.index_cast %add3A_255 : i32 to index
        %get3A_257 = tpu.vector_load %arg8[%get3A_256] {strides = array<i32>} : memref<5120xi32, #tpu.memory_space<vmem>>, vector<16xi32>,
        %max3A_258 = arith.constant 0 : i32
        %max3A_259 = vector.broadcast %max3A_258 : i32 to vector<16xi32>
        %max3A_260 = arith.maxsi %get3A_257, %max3A_259 : vector<16xi32>
        %min3A_261 = arith.constant 102399 : i32
        %min3A_262 = vector.broadcast %min3A_261 : i32 to vector<16xi32>
        %min3A_263 = arith.minsi %max3A_260, %min3A_262 : vector<16xi32>
        %gather3A_264 = tpu.vector_load_idx %arg7[%min3A_263] : memref<102400xf32, #tpu.memory_space<vmem>>[vector<16xi32>], vector<16xf32>,
        %add3A_265 = arith.addi %add3A_157, %add3A_255 : i32
        %get3A_266 = arith.index_cast %add3A_265 : i32 to index
        %get3A_267 = tpu.vector_load %arg7[%get3A_266] {strides = array<i32>} : memref<102400xf32, #tpu.memory_space<vmem>>, vector<16xf32>,
        %sub3A_268 = arith.subf %gather3A_264, %get3A_267 : vector<16xf32>
        %swap3A_269 = arith.index_cast %add3A_255 : i32 to index
        %swap3A_270 = tpu.vector_load %arg10[%swap3A_269] {strides = array<i32>} : memref<5120xf32, #tpu.memory_space<vmem>>, vector<16xf32>,
        tpu.vector_store %arg10[%swap3A_269], %sub3A_268 {strides = array<i32>} : memref<5120xf32, #tpu.memory_space<vmem>>, vector<16xf32>,
      }
      %scan3A_163 = arith.constant 80 : i32
      %add3A_164 = arith.constant 6 : i32
      %add3A_165 = arith.addi %add3A_164, %min3A_17 : i32
      %mul3A_166 = arith.constant 102400 : i32
      %mul3A_167 = arith.muli %add3A_165, %mul3A_166 : i32
      %add3A_168 = arith.constant 0 : i32
      %add3A_169 = arith.addi %mul3A_43, %add3A_168 : i32
      %add3A_170 = arith.addi %mul3A_167, %add3A_169 : i32
      %dma_start3A_171 = tpu.memref_slice %arg6[%add3A_170] : memref<921600xf32, #tpu.memory_space<hbm>> -> memref<5120xf32, #tpu.memory_space<hbm>>
      %dma_start3A_172 = tpu.memref_slice %arg6[%add3A_170] : memref<921600xf32, #tpu.memory_space<hbm>> -> memref<5120xf32, #tpu.memory_space<hbm>>
      tpu.enqueue_dma source(%arg10 : memref<5120xf32, #tpu.memory_space<vmem>>) target(%dma_start3A_172 : memref<5120xf32, #tpu.memory_space<hbm>>) target_semaphore(%arg15 : memref<!tpu.dma_semaphore, #tpu.memory_space<semaphore_mem>>)
      %dma_wait3A_173 = tpu.memref_slice %arg5[%add3A_140] : memref<100000xi32, #tpu.memory_space<hbm>> -> memref<5120xi32, #tpu.memory_space<hbm>>
      %dma_wait3A_174 = tpu.memref_slice %arg5[%add3A_140] : memref<100000xi32, #tpu.memory_space<hbm>> -> memref<5120xi32, #tpu.memory_space<hbm>>
      tpu.wait_dma2 semaphore(%arg14 : memref<!tpu.dma_semaphore, #tpu.memory_space<semaphore_mem>>) src(%dma_wait3A_174 : memref<5120xi32, #tpu.memory_space<hbm>>) dst(%arg9 : memref<5120xi32, #tpu.memory_space<vmem>>)
      %dma_wait3A_175 = tpu.memref_slice %arg6[%add3A_149] : memref<921600xf32, #tpu.memory_space<hbm>> -> memref<5120xf32, #tpu.memory_space<hbm>>
      %dma_wait3A_176 = tpu.memref_slice %arg6[%add3A_149] : memref<921600xf32, #tpu.memory_space<hbm>> -> memref<5120xf32, #tpu.memory_space<hbm>>
      tpu.wait_dma2 semaphore(%arg16 : memref<!tpu.dma_semaphore, #tpu.memory_space<semaphore_mem>>) src(%arg11 : memref<5120xf32, #tpu.memory_space<vmem>>) dst(%dma_wait3A_176 : memref<5120xf32, #tpu.memory_space<hbm>>)
      %add3A_177 = arith.constant 5120 : i32
      %add3A_178 = arith.addi %mul3A_43, %add3A_177 : i32
      %scan3A_179 = arith.constant 0 : i32
      %scan3A_180 = arith.constant 0 : i32
      %scan3A_181 = arith.constant 80 : i32
      %scan3A_182 = arith.addi %scan3A_180, %scan3A_181 : i32
      %scan3A_183 = arith.constant 1 : i32
      scf.for %scan3A_198 = %scan3A_180 to %scan3A_182 step %scan3A_183  : i32 {
        %mul3A_199 = arith.constant 64 : i32
        %mul3A_200 = arith.muli %scan3A_198, %mul3A_199 : i32
        %add3A_201 = arith.constant 0 : i32
        %add3A_202 = arith.addi %mul3A_200, %add3A_201 : i32
        %get3A = arith.index_cast %add3A_202 : i32 to index
        %get3A_203 = tpu.vector_load %arg9[%get3A] {strides = array<i32>} : memref<5120xi32, #tpu.memory_space<vmem>>, vector<16xi32>,
        %max3A = arith.constant 0 : i32
        %max3A_204 = vector.broadcast %max3A : i32 to vector<16xi32>
        %max3A_205 = arith.maxsi %get3A_203, %max3A_204 : vector<16xi32>
        %min3A_206 = arith.constant 102399 : i32
        %min3A_207 = vector.broadcast %min3A_206 : i32 to vector<16xi32>
        %min3A_208 = arith.minsi %max3A_205, %min3A_207 : vector<16xi32>
        %gather3A = tpu.vector_load_idx %arg7[%min3A_208] : memref<102400xf32, #tpu.memory_space<vmem>>[vector<16xi32>], vector<16xf32>,
        %add3A_209 = arith.addi %add3A_178, %add3A_202 : i32
        %get3A_210 = arith.index_cast %add3A_209 : i32 to index
        %get3A_211 = tpu.vector_load %arg7[%get3A_210] {strides = array<i32>} : memref<102400xf32, #tpu.memory_space<vmem>>, vector<16xf32>,
        %sub3A_212 = arith.subf %gather3A, %get3A_211 : vector<16xf32>
        %swap3A = arith.index_cast %add3A_202 : i32 to index
        %swap3A_213 = tpu.vector_load %arg11[%swap3A] {strides = array<i32>} : memref<5120xf32, #tpu.memory_space<vmem>>, vector<16xf32>,
        tpu.vector_store %arg11[%swap3A], %sub3A_212 {strides = array<i32>} : memref<5120xf32, #tpu.memory_space<vmem>>, vector<16xf32>,
        %mul3A_214 = arith.constant 64 : i32
        %mul3A_215 = arith.muli %scan3A_198, %mul3A_214 : i32
        %add3A_216 = arith.constant 16 : i32
        %add3A_217 = arith.addi %mul3A_215, %add3A_216 : i32
        %get3A_218 = arith.index_cast %add3A_217 : i32 to index
        %get3A_219 = tpu.vector_load %arg9[%get3A_218] {strides = array<i32>} : memref<5120xi32, #tpu.memory_space<vmem>>, vector<16xi32>,
        %max3A_220 = arith.constant 0 : i32
        %max3A_221 = vector.broadcast %max3A_220 : i32 to vector<16xi32>
        %max3A_222 = arith.maxsi %get3A_219, %max3A_221 : vector<16xi32>
        %min3A_223 = arith.constant 102399 : i32
        %min3A_224 = vector.broadcast %min3A_223 : i32 to vector<16xi32>
        %min3A_225 = arith.minsi %max3A_222, %min3A_224 : vector<16xi32>
        %gather3A_226 = tpu.vector_load_idx %arg7[%min3A_225] : memref<102400xf32, #tpu.memory_space<vmem>>[vector<16xi32>], vector<16xf32>,
        %add3A_227 = arith.addi %add3A_178, %add3A_217 : i32
        %get3A_228 = arith.index_cast %add3A_227 : i32 to index
        %get3A_229 = tpu.vector_load %arg7[%get3A_228] {strides = array<i32>} : memref<102400xf32, #tpu.memory_space<vmem>>, vector<16xf32>,
        %sub3A_230 = arith.subf %gather3A_226, %get3A_229 : vector<16xf32>
        %swap3A_231 = arith.index_cast %add3A_217 : i32 to index
        %swap3A_232 = tpu.vector_load %arg11[%swap3A_231] {strides = array<i32>} : memref<5120xf32, #tpu.memory_space<vmem>>, vector<16xf32>,
        tpu.vector_store %arg11[%swap3A_231], %sub3A_230 {strides = array<i32>} : memref<5120xf32, #tpu.memory_space<vmem>>, vector<16xf32>,
        %mul3A_233 = arith.constant 64 : i32
        %mul3A_234 = arith.muli %scan3A_198, %mul3A_233 : i32
        %add3A_235 = arith.constant 32 : i32
        %add3A_236 = arith.addi %mul3A_234, %add3A_235 : i32
        %get3A_237 = arith.index_cast %add3A_236 : i32 to index
        %get3A_238 = tpu.vector_load %arg9[%get3A_237] {strides = array<i32>} : memref<5120xi32, #tpu.memory_space<vmem>>, vector<16xi32>,
        %max3A_239 = arith.constant 0 : i32
        %max3A_240 = vector.broadcast %max3A_239 : i32 to vector<16xi32>
        %max3A_241 = arith.maxsi %get3A_238, %max3A_240 : vector<16xi32>
        %min3A_242 = arith.constant 102399 : i32
        %min3A_243 = vector.broadcast %min3A_242 : i32 to vector<16xi32>
        %min3A_244 = arith.minsi %max3A_241, %min3A_243 : vector<16xi32>
        %gather3A_245 = tpu.vector_load_idx %arg7[%min3A_244] : memref<102400xf32, #tpu.memory_space<vmem>>[vector<16xi32>], vector<16xf32>,
        %add3A_246 = arith.addi %add3A_178, %add3A_236 : i32
        %get3A_247 = arith.index_cast %add3A_246 : i32 to index
        %get3A_248 = tpu.vector_load %arg7[%get3A_247] {strides = array<i32>} : memref<102400xf32, #tpu.memory_space<vmem>>, vector<16xf32>,
        %sub3A_249 = arith.subf %gather3A_245, %get3A_248 : vector<16xf32>
        %swap3A_250 = arith.index_cast %add3A_236 : i32 to index
        %swap3A_251 = tpu.vector_load %arg11[%swap3A_250] {strides = array<i32>} : memref<5120xf32, #tpu.memory_space<vmem>>, vector<16xf32>,
        tpu.vector_store %arg11[%swap3A_250], %sub3A_249 {strides = array<i32>} : memref<5120xf32, #tpu.memory_space<vmem>>, vector<16xf32>,
        %mul3A_252 = arith.constant 64 : i32
        %mul3A_253 = arith.muli %scan3A_198, %mul3A_252 : i32
        %add3A_254 = arith.constant 48 : i32
        %add3A_255 = arith.addi %mul3A_253, %add3A_254 : i32
        %get3A_256 = arith.index_cast %add3A_255 : i32 to index
        %get3A_257 = tpu.vector_load %arg9[%get3A_256] {strides = array<i32>} : memref<5120xi32, #tpu.memory_space<vmem>>, vector<16xi32>,
        %max3A_258 = arith.constant 0 : i32
        %max3A_259 = vector.broadcast %max3A_258 : i32 to vector<16xi32>
        %max3A_260 = arith.maxsi %get3A_257, %max3A_259 : vector<16xi32>
        %min3A_261 = arith.constant 102399 : i32
        %min3A_262 = vector.broadcast %min3A_261 : i32 to vector<16xi32>
        %min3A_263 = arith.minsi %max3A_260, %min3A_262 : vector<16xi32>
        %gather3A_264 = tpu.vector_load_idx %arg7[%min3A_263] : memref<102400xf32, #tpu.memory_space<vmem>>[vector<16xi32>], vector<16xf32>,
        %add3A_265 = arith.addi %add3A_178, %add3A_255 : i32
        %get3A_266 = arith.index_cast %add3A_265 : i32 to index
        %get3A_267 = tpu.vector_load %arg7[%get3A_266] {strides = array<i32>} : memref<102400xf32, #tpu.memory_space<vmem>>, vector<16xf32>,
        %sub3A_268 = arith.subf %gather3A_264, %get3A_267 : vector<16xf32>
        %swap3A_269 = arith.index_cast %add3A_255 : i32 to index
        %swap3A_270 = tpu.vector_load %arg11[%swap3A_269] {strides = array<i32>} : memref<5120xf32, #tpu.memory_space<vmem>>, vector<16xf32>,
        tpu.vector_store %arg11[%swap3A_269], %sub3A_268 {strides = array<i32>} : memref<5120xf32, #tpu.memory_space<vmem>>, vector<16xf32>,
      }
      %scan3A_184 = arith.constant 80 : i32
      %add3A_185 = arith.constant 6 : i32
      %add3A_186 = arith.addi %add3A_185, %min3A_17 : i32
      %mul3A_187 = arith.constant 102400 : i32
      %mul3A_188 = arith.muli %add3A_186, %mul3A_187 : i32
      %add3A_189 = arith.constant 5120 : i32
      %add3A_190 = arith.addi %mul3A_43, %add3A_189 : i32
      %add3A_191 = arith.addi %mul3A_188, %add3A_190 : i32
      %dma_start3A_192 = tpu.memref_slice %arg6[%add3A_191] : memref<921600xf32, #tpu.memory_space<hbm>> -> memref<5120xf32, #tpu.memory_space<hbm>>
      %dma_start3A_193 = tpu.memref_slice %arg6[%add3A_191] : memref<921600xf32, #tpu.memory_space<hbm>> -> memref<5120xf32, #tpu.memory_space<hbm>>
      tpu.enqueue_dma source(%arg11 : memref<5120xf32, #tpu.memory_space<vmem>>) target(%dma_start3A_193 : memref<5120xf32, #tpu.memory_space<hbm>>) target_semaphore(%arg16 : memref<!tpu.dma_semaphore, #tpu.memory_space<semaphore_mem>>)
      %dma_wait3A_194 = tpu.memref_slice %arg6[%add3A_170] : memref<921600xf32, #tpu.memory_space<hbm>> -> memref<5120xf32, #tpu.memory_space<hbm>>
      %dma_wait3A_195 = tpu.memref_slice %arg6[%add3A_170] : memref<921600xf32, #tpu.memory_space<hbm>> -> memref<5120xf32, #tpu.memory_space<hbm>>
      tpu.wait_dma2 semaphore(%arg15 : memref<!tpu.dma_semaphore, #tpu.memory_space<semaphore_mem>>) src(%arg10 : memref<5120xf32, #tpu.memory_space<vmem>>) dst(%dma_wait3A_195 : memref<5120xf32, #tpu.memory_space<hbm>>)
      %dma_wait3A_196 = tpu.memref_slice %arg6[%add3A_191] : memref<921600xf32, #tpu.memory_space<hbm>> -> memref<5120xf32, #tpu.memory_space<hbm>>
      %dma_wait3A_197 = tpu.memref_slice %arg6[%add3A_191] : memref<921600xf32, #tpu.memory_space<hbm>> -> memref<5120xf32, #tpu.memory_space<hbm>>
      tpu.wait_dma2 semaphore(%arg16 : memref<!tpu.dma_semaphore, #tpu.memory_space<semaphore_mem>>) src(%arg11 : memref<5120xf32, #tpu.memory_space<vmem>>) dst(%dma_wait3A_197 : memref<5120xf32, #tpu.memory_space<hbm>>)
    } else {
    }
    return
  }
}

#map = affine_map<(d0, d1) -> (0)>
module attributes {stable_mosaic.version = 14 : i64} {
  func.func @_restride_in_body(%arg0: i32, %arg1: i32, %arg2: memref<900000xf32, #tpu.memory_space<hbm>>, %arg3: memref<300000xf32, #tpu.memory_space<hbm>>, %arg4: memref<100000xi32, #tpu.memory_space<hbm>>, %arg5: memref<921600xf32, #tpu.memory_space<hbm>>, %arg6: memref<307200xf32, #tpu.memory_space<hbm>>, %arg7: memref<102400xi32, #tpu.memory_space<hbm>>, %arg8: memref<3200xf32, #tpu.memory_space<vmem>>, %arg9: memref<3200xf32, #tpu.memory_space<vmem>>, %arg10: memref<3200xf32, #tpu.memory_space<vmem>>, %arg11: memref<3200xf32, #tpu.memory_space<vmem>>, %arg12: memref<3200xf32, #tpu.memory_space<vmem>>, %arg13: memref<3200xf32, #tpu.memory_space<vmem>>, %arg14: memref<3200xf32, #tpu.memory_space<vmem>>, %arg15: memref<3200xf32, #tpu.memory_space<vmem>>, %arg16: memref<3200xf32, #tpu.memory_space<vmem>>, %arg17: memref<3200xf32, #tpu.memory_space<vmem>>, %arg18: memref<3200xf32, #tpu.memory_space<vmem>>, %arg19: memref<3200xf32, #tpu.memory_space<vmem>>, %arg20: memref<3200xi32, #tpu.memory_space<vmem>>, %arg21: memref<!tpu.dma_semaphore, #tpu.memory_space<semaphore_mem>>) attributes {dimension_semantics = [#tpu.dimension_semantics<core_parallel>, #tpu.dimension_semantics<subcore_parallel>], iteration_bounds = array<i64: 2, 16>, scalar_prefetch = 0 : i64, scratch_operands = 14 : i64, tpu.core_type = #tpu.core_type<sc_vector_subcore>, window_params = [{transform_indices = #map}, {transform_indices = #map}, {transform_indices = #map}, {transform_indices = #map}, {transform_indices = #map}, {transform_indices = #map}]} {
    %mul3A = arith.constant 2 : i32
    %mul3A_0 = arith.muli %arg1, %mul3A : i32
    %add3A = arith.addi %mul3A_0, %arg0 : i32
    %mul3A_1 = arith.constant 3200 : i32
    %mul3A_2 = arith.muli %add3A, %mul3A_1 : i32
    %lt3A = arith.constant 31 : i32
    %lt3A_3 = arith.cmpi slt, %add3A, %lt3A : i32
    %convert_element_type3A = arith.extui %lt3A_3 : i1 to i32
    %cond3A = arith.constant 0 : i32
    %cond3A_4 = arith.cmpi ne, %convert_element_type3A, %cond3A : i32
    scf.if %cond3A_4 {
      %add3A_9 = arith.constant 0 : i32
      %add3A_10 = arith.addi %add3A_9, %mul3A_2 : i32
      %dma_start3A = arith.constant 0 : i32
      %dma_start3A_11 = tpu.memref_slice %arg8[%dma_start3A] : memref<3200xf32, #tpu.memory_space<vmem>> -> memref<3200xf32, #tpu.memory_space<vmem>>
      %dma_start3A_12 = tpu.memref_slice %arg2[%add3A_10] : memref<900000xf32, #tpu.memory_space<hbm>> -> memref<3200xf32, #tpu.memory_space<hbm>>
      %dma_start3A_13 = arith.constant 0 : i32
      %dma_start3A_14 = tpu.memref_slice %arg8[%dma_start3A_13] : memref<3200xf32, #tpu.memory_space<vmem>> -> memref<3200xf32, #tpu.memory_space<vmem>>
      %dma_start3A_15 = tpu.memref_slice %arg2[%add3A_10] : memref<900000xf32, #tpu.memory_space<hbm>> -> memref<3200xf32, #tpu.memory_space<hbm>>
      tpu.enqueue_dma source(%dma_start3A_15 : memref<3200xf32, #tpu.memory_space<hbm>>) target(%dma_start3A_14 : memref<3200xf32, #tpu.memory_space<vmem>>) target_semaphore(%arg21 : memref<!tpu.dma_semaphore, #tpu.memory_space<semaphore_mem>>)
      %add3A_16 = arith.constant 100000 : i32
      %add3A_17 = arith.addi %add3A_16, %mul3A_2 : i32
      %dma_start3A_18 = arith.constant 0 : i32
      %dma_start3A_19 = tpu.memref_slice %arg9[%dma_start3A_18] : memref<3200xf32, #tpu.memory_space<vmem>> -> memref<3200xf32, #tpu.memory_space<vmem>>
      %dma_start3A_20 = tpu.memref_slice %arg2[%add3A_17] : memref<900000xf32, #tpu.memory_space<hbm>> -> memref<3200xf32, #tpu.memory_space<hbm>>
      %dma_start3A_21 = arith.constant 0 : i32
      %dma_start3A_22 = tpu.memref_slice %arg9[%dma_start3A_21] : memref<3200xf32, #tpu.memory_space<vmem>> -> memref<3200xf32, #tpu.memory_space<vmem>>
      %dma_start3A_23 = tpu.memref_slice %arg2[%add3A_17] : memref<900000xf32, #tpu.memory_space<hbm>> -> memref<3200xf32, #tpu.memory_space<hbm>>
      tpu.enqueue_dma source(%dma_start3A_23 : memref<3200xf32, #tpu.memory_space<hbm>>) target(%dma_start3A_22 : memref<3200xf32, #tpu.memory_space<vmem>>) target_semaphore(%arg21 : memref<!tpu.dma_semaphore, #tpu.memory_space<semaphore_mem>>)
      %add3A_24 = arith.constant 200000 : i32
      %add3A_25 = arith.addi %add3A_24, %mul3A_2 : i32
      %dma_start3A_26 = arith.constant 0 : i32
      %dma_start3A_27 = tpu.memref_slice %arg10[%dma_start3A_26] : memref<3200xf32, #tpu.memory_space<vmem>> -> memref<3200xf32, #tpu.memory_space<vmem>>
      %dma_start3A_28 = tpu.memref_slice %arg2[%add3A_25] : memref<900000xf32, #tpu.memory_space<hbm>> -> memref<3200xf32, #tpu.memory_space<hbm>>
      %dma_start3A_29 = arith.constant 0 : i32
      %dma_start3A_30 = tpu.memref_slice %arg10[%dma_start3A_29] : memref<3200xf32, #tpu.memory_space<vmem>> -> memref<3200xf32, #tpu.memory_space<vmem>>
      %dma_start3A_31 = tpu.memref_slice %arg2[%add3A_25] : memref<900000xf32, #tpu.memory_space<hbm>> -> memref<3200xf32, #tpu.memory_space<hbm>>
      tpu.enqueue_dma source(%dma_start3A_31 : memref<3200xf32, #tpu.memory_space<hbm>>) target(%dma_start3A_30 : memref<3200xf32, #tpu.memory_space<vmem>>) target_semaphore(%arg21 : memref<!tpu.dma_semaphore, #tpu.memory_space<semaphore_mem>>)
      %add3A_32 = arith.constant 300000 : i32
      %add3A_33 = arith.addi %add3A_32, %mul3A_2 : i32
      %dma_start3A_34 = arith.constant 0 : i32
      %dma_start3A_35 = tpu.memref_slice %arg11[%dma_start3A_34] : memref<3200xf32, #tpu.memory_space<vmem>> -> memref<3200xf32, #tpu.memory_space<vmem>>
      %dma_start3A_36 = tpu.memref_slice %arg2[%add3A_33] : memref<900000xf32, #tpu.memory_space<hbm>> -> memref<3200xf32, #tpu.memory_space<hbm>>
      %dma_start3A_37 = arith.constant 0 : i32
      %dma_start3A_38 = tpu.memref_slice %arg11[%dma_start3A_37] : memref<3200xf32, #tpu.memory_space<vmem>> -> memref<3200xf32, #tpu.memory_space<vmem>>
      %dma_start3A_39 = tpu.memref_slice %arg2[%add3A_33] : memref<900000xf32, #tpu.memory_space<hbm>> -> memref<3200xf32, #tpu.memory_space<hbm>>
      tpu.enqueue_dma source(%dma_start3A_39 : memref<3200xf32, #tpu.memory_space<hbm>>) target(%dma_start3A_38 : memref<3200xf32, #tpu.memory_space<vmem>>) target_semaphore(%arg21 : memref<!tpu.dma_semaphore, #tpu.memory_space<semaphore_mem>>)
      %add3A_40 = arith.constant 400000 : i32
      %add3A_41 = arith.addi %add3A_40, %mul3A_2 : i32
      %dma_start3A_42 = arith.constant 0 : i32
      %dma_start3A_43 = tpu.memref_slice %arg12[%dma_start3A_42] : memref<3200xf32, #tpu.memory_space<vmem>> -> memref<3200xf32, #tpu.memory_space<vmem>>
      %dma_start3A_44 = tpu.memref_slice %arg2[%add3A_41] : memref<900000xf32, #tpu.memory_space<hbm>> -> memref<3200xf32, #tpu.memory_space<hbm>>
      %dma_start3A_45 = arith.constant 0 : i32
      %dma_start3A_46 = tpu.memref_slice %arg12[%dma_start3A_45] : memref<3200xf32, #tpu.memory_space<vmem>> -> memref<3200xf32, #tpu.memory_space<vmem>>
      %dma_start3A_47 = tpu.memref_slice %arg2[%add3A_41] : memref<900000xf32, #tpu.memory_space<hbm>> -> memref<3200xf32, #tpu.memory_space<hbm>>
      tpu.enqueue_dma source(%dma_start3A_47 : memref<3200xf32, #tpu.memory_space<hbm>>) target(%dma_start3A_46 : memref<3200xf32, #tpu.memory_space<vmem>>) target_semaphore(%arg21 : memref<!tpu.dma_semaphore, #tpu.memory_space<semaphore_mem>>)
      %add3A_48 = arith.constant 500000 : i32
      %add3A_49 = arith.addi %add3A_48, %mul3A_2 : i32
      %dma_start3A_50 = arith.constant 0 : i32
      %dma_start3A_51 = tpu.memref_slice %arg13[%dma_start3A_50] : memref<3200xf32, #tpu.memory_space<vmem>> -> memref<3200xf32, #tpu.memory_space<vmem>>
      %dma_start3A_52 = tpu.memref_slice %arg2[%add3A_49] : memref<900000xf32, #tpu.memory_space<hbm>> -> memref<3200xf32, #tpu.memory_space<hbm>>
      %dma_start3A_53 = arith.constant 0 : i32
      %dma_start3A_54 = tpu.memref_slice %arg13[%dma_start3A_53] : memref<3200xf32, #tpu.memory_space<vmem>> -> memref<3200xf32, #tpu.memory_space<vmem>>
      %dma_start3A_55 = tpu.memref_slice %arg2[%add3A_49] : memref<900000xf32, #tpu.memory_space<hbm>> -> memref<3200xf32, #tpu.memory_space<hbm>>
      tpu.enqueue_dma source(%dma_start3A_55 : memref<3200xf32, #tpu.memory_space<hbm>>) target(%dma_start3A_54 : memref<3200xf32, #tpu.memory_space<vmem>>) target_semaphore(%arg21 : memref<!tpu.dma_semaphore, #tpu.memory_space<semaphore_mem>>)
      %add3A_56 = arith.constant 600000 : i32
      %add3A_57 = arith.addi %add3A_56, %mul3A_2 : i32
      %dma_start3A_58 = arith.constant 0 : i32
      %dma_start3A_59 = tpu.memref_slice %arg14[%dma_start3A_58] : memref<3200xf32, #tpu.memory_space<vmem>> -> memref<3200xf32, #tpu.memory_space<vmem>>
      %dma_start3A_60 = tpu.memref_slice %arg2[%add3A_57] : memref<900000xf32, #tpu.memory_space<hbm>> -> memref<3200xf32, #tpu.memory_space<hbm>>
      %dma_start3A_61 = arith.constant 0 : i32
      %dma_start3A_62 = tpu.memref_slice %arg14[%dma_start3A_61] : memref<3200xf32, #tpu.memory_space<vmem>> -> memref<3200xf32, #tpu.memory_space<vmem>>
      %dma_start3A_63 = tpu.memref_slice %arg2[%add3A_57] : memref<900000xf32, #tpu.memory_space<hbm>> -> memref<3200xf32, #tpu.memory_space<hbm>>
      tpu.enqueue_dma source(%dma_start3A_63 : memref<3200xf32, #tpu.memory_space<hbm>>) target(%dma_start3A_62 : memref<3200xf32, #tpu.memory_space<vmem>>) target_semaphore(%arg21 : memref<!tpu.dma_semaphore, #tpu.memory_space<semaphore_mem>>)
      %add3A_64 = arith.constant 700000 : i32
      %add3A_65 = arith.addi %add3A_64, %mul3A_2 : i32
      %dma_start3A_66 = arith.constant 0 : i32
      %dma_start3A_67 = tpu.memref_slice %arg15[%dma_start3A_66] : memref<3200xf32, #tpu.memory_space<vmem>> -> memref<3200xf32, #tpu.memory_space<vmem>>
      %dma_start3A_68 = tpu.memref_slice %arg2[%add3A_65] : memref<900000xf32, #tpu.memory_space<hbm>> -> memref<3200xf32, #tpu.memory_space<hbm>>
      %dma_start3A_69 = arith.constant 0 : i32
      %dma_start3A_70 = tpu.memref_slice %arg15[%dma_start3A_69] : memref<3200xf32, #tpu.memory_space<vmem>> -> memref<3200xf32, #tpu.memory_space<vmem>>
      %dma_start3A_71 = tpu.memref_slice %arg2[%add3A_65] : memref<900000xf32, #tpu.memory_space<hbm>> -> memref<3200xf32, #tpu.memory_space<hbm>>
      tpu.enqueue_dma source(%dma_start3A_71 : memref<3200xf32, #tpu.memory_space<hbm>>) target(%dma_start3A_70 : memref<3200xf32, #tpu.memory_space<vmem>>) target_semaphore(%arg21 : memref<!tpu.dma_semaphore, #tpu.memory_space<semaphore_mem>>)
      %add3A_72 = arith.constant 800000 : i32
      %add3A_73 = arith.addi %add3A_72, %mul3A_2 : i32
      %dma_start3A_74 = arith.constant 0 : i32
      %dma_start3A_75 = tpu.memref_slice %arg16[%dma_start3A_74] : memref<3200xf32, #tpu.memory_space<vmem>> -> memref<3200xf32, #tpu.memory_space<vmem>>
      %dma_start3A_76 = tpu.memref_slice %arg2[%add3A_73] : memref<900000xf32, #tpu.memory_space<hbm>> -> memref<3200xf32, #tpu.memory_space<hbm>>
      %dma_start3A_77 = arith.constant 0 : i32
      %dma_start3A_78 = tpu.memref_slice %arg16[%dma_start3A_77] : memref<3200xf32, #tpu.memory_space<vmem>> -> memref<3200xf32, #tpu.memory_space<vmem>>
      %dma_start3A_79 = tpu.memref_slice %arg2[%add3A_73] : memref<900000xf32, #tpu.memory_space<hbm>> -> memref<3200xf32, #tpu.memory_space<hbm>>
      tpu.enqueue_dma source(%dma_start3A_79 : memref<3200xf32, #tpu.memory_space<hbm>>) target(%dma_start3A_78 : memref<3200xf32, #tpu.memory_space<vmem>>) target_semaphore(%arg21 : memref<!tpu.dma_semaphore, #tpu.memory_space<semaphore_mem>>)
      %add3A_80 = arith.constant 0 : i32
      %add3A_81 = arith.addi %add3A_80, %mul3A_2 : i32
      %dma_start3A_82 = arith.constant 0 : i32
      %dma_start3A_83 = tpu.memref_slice %arg17[%dma_start3A_82] : memref<3200xf32, #tpu.memory_space<vmem>> -> memref<3200xf32, #tpu.memory_space<vmem>>
      %dma_start3A_84 = tpu.memref_slice %arg3[%add3A_81] : memref<300000xf32, #tpu.memory_space<hbm>> -> memref<3200xf32, #tpu.memory_space<hbm>>
      %dma_start3A_85 = arith.constant 0 : i32
      %dma_start3A_86 = tpu.memref_slice %arg17[%dma_start3A_85] : memref<3200xf32, #tpu.memory_space<vmem>> -> memref<3200xf32, #tpu.memory_space<vmem>>
      %dma_start3A_87 = tpu.memref_slice %arg3[%add3A_81] : memref<300000xf32, #tpu.memory_space<hbm>> -> memref<3200xf32, #tpu.memory_space<hbm>>
      tpu.enqueue_dma source(%dma_start3A_87 : memref<3200xf32, #tpu.memory_space<hbm>>) target(%dma_start3A_86 : memref<3200xf32, #tpu.memory_space<vmem>>) target_semaphore(%arg21 : memref<!tpu.dma_semaphore, #tpu.memory_space<semaphore_mem>>)
      %add3A_88 = arith.constant 100000 : i32
      %add3A_89 = arith.addi %add3A_88, %mul3A_2 : i32
      %dma_start3A_90 = arith.constant 0 : i32
      %dma_start3A_91 = tpu.memref_slice %arg18[%dma_start3A_90] : memref<3200xf32, #tpu.memory_space<vmem>> -> memref<3200xf32, #tpu.memory_space<vmem>>
      %dma_start3A_92 = tpu.memref_slice %arg3[%add3A_89] : memref<300000xf32, #tpu.memory_space<hbm>> -> memref<3200xf32, #tpu.memory_space<hbm>>
      %dma_start3A_93 = arith.constant 0 : i32
      %dma_start3A_94 = tpu.memref_slice %arg18[%dma_start3A_93] : memref<3200xf32, #tpu.memory_space<vmem>> -> memref<3200xf32, #tpu.memory_space<vmem>>
      %dma_start3A_95 = tpu.memref_slice %arg3[%add3A_89] : memref<300000xf32, #tpu.memory_space<hbm>> -> memref<3200xf32, #tpu.memory_space<hbm>>
      tpu.enqueue_dma source(%dma_start3A_95 : memref<3200xf32, #tpu.memory_space<hbm>>) target(%dma_start3A_94 : memref<3200xf32, #tpu.memory_space<vmem>>) target_semaphore(%arg21 : memref<!tpu.dma_semaphore, #tpu.memory_space<semaphore_mem>>)
      %add3A_96 = arith.constant 200000 : i32
      %add3A_97 = arith.addi %add3A_96, %mul3A_2 : i32
      %dma_start3A_98 = arith.constant 0 : i32
      %dma_start3A_99 = tpu.memref_slice %arg19[%dma_start3A_98] : memref<3200xf32, #tpu.memory_space<vmem>> -> memref<3200xf32, #tpu.memory_space<vmem>>
      %dma_start3A_100 = tpu.memref_slice %arg3[%add3A_97] : memref<300000xf32, #tpu.memory_space<hbm>> -> memref<3200xf32, #tpu.memory_space<hbm>>
      %dma_start3A_101 = arith.constant 0 : i32
      %dma_start3A_102 = tpu.memref_slice %arg19[%dma_start3A_101] : memref<3200xf32, #tpu.memory_space<vmem>> -> memref<3200xf32, #tpu.memory_space<vmem>>
      %dma_start3A_103 = tpu.memref_slice %arg3[%add3A_97] : memref<300000xf32, #tpu.memory_space<hbm>> -> memref<3200xf32, #tpu.memory_space<hbm>>
      tpu.enqueue_dma source(%dma_start3A_103 : memref<3200xf32, #tpu.memory_space<hbm>>) target(%dma_start3A_102 : memref<3200xf32, #tpu.memory_space<vmem>>) target_semaphore(%arg21 : memref<!tpu.dma_semaphore, #tpu.memory_space<semaphore_mem>>)
      %add3A_104 = arith.constant 0 : i32
      %add3A_105 = arith.addi %add3A_104, %mul3A_2 : i32
      %dma_start3A_106 = arith.constant 0 : i32
      %dma_start3A_107 = tpu.memref_slice %arg20[%dma_start3A_106] : memref<3200xi32, #tpu.memory_space<vmem>> -> memref<3200xi32, #tpu.memory_space<vmem>>
      %dma_start3A_108 = tpu.memref_slice %arg4[%add3A_105] : memref<100000xi32, #tpu.memory_space<hbm>> -> memref<3200xi32, #tpu.memory_space<hbm>>
      %dma_start3A_109 = arith.constant 0 : i32
      %dma_start3A_110 = tpu.memref_slice %arg20[%dma_start3A_109] : memref<3200xi32, #tpu.memory_space<vmem>> -> memref<3200xi32, #tpu.memory_space<vmem>>
      %dma_start3A_111 = tpu.memref_slice %arg4[%add3A_105] : memref<100000xi32, #tpu.memory_space<hbm>> -> memref<3200xi32, #tpu.memory_space<hbm>>
      tpu.enqueue_dma source(%dma_start3A_111 : memref<3200xi32, #tpu.memory_space<hbm>>) target(%dma_start3A_110 : memref<3200xi32, #tpu.memory_space<vmem>>) target_semaphore(%arg21 : memref<!tpu.dma_semaphore, #tpu.memory_space<semaphore_mem>>)
      %dma_wait3A = arith.constant 0 : i32
      %dma_wait3A_112 = tpu.memref_slice %arg8[%dma_wait3A] : memref<3200xf32, #tpu.memory_space<vmem>> -> memref<3200xf32, #tpu.memory_space<vmem>>
      %dma_wait3A_113 = tpu.memref_slice %arg2[%add3A_10] : memref<900000xf32, #tpu.memory_space<hbm>> -> memref<3200xf32, #tpu.memory_space<hbm>>
      %dma_wait3A_114 = arith.constant 0 : i32
      %dma_wait3A_115 = tpu.memref_slice %arg8[%dma_wait3A_114] : memref<3200xf32, #tpu.memory_space<vmem>> -> memref<3200xf32, #tpu.memory_space<vmem>>
      %dma_wait3A_116 = tpu.memref_slice %arg2[%add3A_10] : memref<900000xf32, #tpu.memory_space<hbm>> -> memref<3200xf32, #tpu.memory_space<hbm>>
      tpu.wait_dma2 semaphore(%arg21 : memref<!tpu.dma_semaphore, #tpu.memory_space<semaphore_mem>>) src(%dma_wait3A_116 : memref<3200xf32, #tpu.memory_space<hbm>>) dst(%dma_wait3A_115 : memref<3200xf32, #tpu.memory_space<vmem>>)
      %dma_wait3A_117 = arith.constant 0 : i32
      %dma_wait3A_118 = tpu.memref_slice %arg9[%dma_wait3A_117] : memref<3200xf32, #tpu.memory_space<vmem>> -> memref<3200xf32, #tpu.memory_space<vmem>>
      %dma_wait3A_119 = tpu.memref_slice %arg2[%add3A_17] : memref<900000xf32, #tpu.memory_space<hbm>> -> memref<3200xf32, #tpu.memory_space<hbm>>
      %dma_wait3A_120 = arith.constant 0 : i32
      %dma_wait3A_121 = tpu.memref_slice %arg9[%dma_wait3A_120] : memref<3200xf32, #tpu.memory_space<vmem>> -> memref<3200xf32, #tpu.memory_space<vmem>>
      %dma_wait3A_122 = tpu.memref_slice %arg2[%add3A_17] : memref<900000xf32, #tpu.memory_space<hbm>> -> memref<3200xf32, #tpu.memory_space<hbm>>
      tpu.wait_dma2 semaphore(%arg21 : memref<!tpu.dma_semaphore, #tpu.memory_space<semaphore_mem>>) src(%dma_wait3A_122 : memref<3200xf32, #tpu.memory_space<hbm>>) dst(%dma_wait3A_121 : memref<3200xf32, #tpu.memory_space<vmem>>)
      %dma_wait3A_123 = arith.constant 0 : i32
      %dma_wait3A_124 = tpu.memref_slice %arg10[%dma_wait3A_123] : memref<3200xf32, #tpu.memory_space<vmem>> -> memref<3200xf32, #tpu.memory_space<vmem>>
      %dma_wait3A_125 = tpu.memref_slice %arg2[%add3A_25] : memref<900000xf32, #tpu.memory_space<hbm>> -> memref<3200xf32, #tpu.memory_space<hbm>>
      %dma_wait3A_126 = arith.constant 0 : i32
      %dma_wait3A_127 = tpu.memref_slice %arg10[%dma_wait3A_126] : memref<3200xf32, #tpu.memory_space<vmem>> -> memref<3200xf32, #tpu.memory_space<vmem>>
      %dma_wait3A_128 = tpu.memref_slice %arg2[%add3A_25] : memref<900000xf32, #tpu.memory_space<hbm>> -> memref<3200xf32, #tpu.memory_space<hbm>>
      tpu.wait_dma2 semaphore(%arg21 : memref<!tpu.dma_semaphore, #tpu.memory_space<semaphore_mem>>) src(%dma_wait3A_128 : memref<3200xf32, #tpu.memory_space<hbm>>) dst(%dma_wait3A_127 : memref<3200xf32, #tpu.memory_space<vmem>>)
      %dma_wait3A_129 = arith.constant 0 : i32
      %dma_wait3A_130 = tpu.memref_slice %arg11[%dma_wait3A_129] : memref<3200xf32, #tpu.memory_space<vmem>> -> memref<3200xf32, #tpu.memory_space<vmem>>
      %dma_wait3A_131 = tpu.memref_slice %arg2[%add3A_33] : memref<900000xf32, #tpu.memory_space<hbm>> -> memref<3200xf32, #tpu.memory_space<hbm>>
      %dma_wait3A_132 = arith.constant 0 : i32
      %dma_wait3A_133 = tpu.memref_slice %arg11[%dma_wait3A_132] : memref<3200xf32, #tpu.memory_space<vmem>> -> memref<3200xf32, #tpu.memory_space<vmem>>
      %dma_wait3A_134 = tpu.memref_slice %arg2[%add3A_33] : memref<900000xf32, #tpu.memory_space<hbm>> -> memref<3200xf32, #tpu.memory_space<hbm>>
      tpu.wait_dma2 semaphore(%arg21 : memref<!tpu.dma_semaphore, #tpu.memory_space<semaphore_mem>>) src(%dma_wait3A_134 : memref<3200xf32, #tpu.memory_space<hbm>>) dst(%dma_wait3A_133 : memref<3200xf32, #tpu.memory_space<vmem>>)
      %dma_wait3A_135 = arith.constant 0 : i32
      %dma_wait3A_136 = tpu.memref_slice %arg12[%dma_wait3A_135] : memref<3200xf32, #tpu.memory_space<vmem>> -> memref<3200xf32, #tpu.memory_space<vmem>>
      %dma_wait3A_137 = tpu.memref_slice %arg2[%add3A_41] : memref<900000xf32, #tpu.memory_space<hbm>> -> memref<3200xf32, #tpu.memory_space<hbm>>
      %dma_wait3A_138 = arith.constant 0 : i32
      %dma_wait3A_139 = tpu.memref_slice %arg12[%dma_wait3A_138] : memref<3200xf32, #tpu.memory_space<vmem>> -> memref<3200xf32, #tpu.memory_space<vmem>>
      %dma_wait3A_140 = tpu.memref_slice %arg2[%add3A_41] : memref<900000xf32, #tpu.memory_space<hbm>> -> memref<3200xf32, #tpu.memory_space<hbm>>
      tpu.wait_dma2 semaphore(%arg21 : memref<!tpu.dma_semaphore, #tpu.memory_space<semaphore_mem>>) src(%dma_wait3A_140 : memref<3200xf32, #tpu.memory_space<hbm>>) dst(%dma_wait3A_139 : memref<3200xf32, #tpu.memory_space<vmem>>)
      %dma_wait3A_141 = arith.constant 0 : i32
      %dma_wait3A_142 = tpu.memref_slice %arg13[%dma_wait3A_141] : memref<3200xf32, #tpu.memory_space<vmem>> -> memref<3200xf32, #tpu.memory_space<vmem>>
      %dma_wait3A_143 = tpu.memref_slice %arg2[%add3A_49] : memref<900000xf32, #tpu.memory_space<hbm>> -> memref<3200xf32, #tpu.memory_space<hbm>>
      %dma_wait3A_144 = arith.constant 0 : i32
      %dma_wait3A_145 = tpu.memref_slice %arg13[%dma_wait3A_144] : memref<3200xf32, #tpu.memory_space<vmem>> -> memref<3200xf32, #tpu.memory_space<vmem>>
      %dma_wait3A_146 = tpu.memref_slice %arg2[%add3A_49] : memref<900000xf32, #tpu.memory_space<hbm>> -> memref<3200xf32, #tpu.memory_space<hbm>>
      tpu.wait_dma2 semaphore(%arg21 : memref<!tpu.dma_semaphore, #tpu.memory_space<semaphore_mem>>) src(%dma_wait3A_146 : memref<3200xf32, #tpu.memory_space<hbm>>) dst(%dma_wait3A_145 : memref<3200xf32, #tpu.memory_space<vmem>>)
      %dma_wait3A_147 = arith.constant 0 : i32
      %dma_wait3A_148 = tpu.memref_slice %arg14[%dma_wait3A_147] : memref<3200xf32, #tpu.memory_space<vmem>> -> memref<3200xf32, #tpu.memory_space<vmem>>
      %dma_wait3A_149 = tpu.memref_slice %arg2[%add3A_57] : memref<900000xf32, #tpu.memory_space<hbm>> -> memref<3200xf32, #tpu.memory_space<hbm>>
      %dma_wait3A_150 = arith.constant 0 : i32
      %dma_wait3A_151 = tpu.memref_slice %arg14[%dma_wait3A_150] : memref<3200xf32, #tpu.memory_space<vmem>> -> memref<3200xf32, #tpu.memory_space<vmem>>
      %dma_wait3A_152 = tpu.memref_slice %arg2[%add3A_57] : memref<900000xf32, #tpu.memory_space<hbm>> -> memref<3200xf32, #tpu.memory_space<hbm>>
      tpu.wait_dma2 semaphore(%arg21 : memref<!tpu.dma_semaphore, #tpu.memory_space<semaphore_mem>>) src(%dma_wait3A_152 : memref<3200xf32, #tpu.memory_space<hbm>>) dst(%dma_wait3A_151 : memref<3200xf32, #tpu.memory_space<vmem>>)
      %dma_wait3A_153 = arith.constant 0 : i32
      %dma_wait3A_154 = tpu.memref_slice %arg15[%dma_wait3A_153] : memref<3200xf32, #tpu.memory_space<vmem>> -> memref<3200xf32, #tpu.memory_space<vmem>>
      %dma_wait3A_155 = tpu.memref_slice %arg2[%add3A_65] : memref<900000xf32, #tpu.memory_space<hbm>> -> memref<3200xf32, #tpu.memory_space<hbm>>
      %dma_wait3A_156 = arith.constant 0 : i32
      %dma_wait3A_157 = tpu.memref_slice %arg15[%dma_wait3A_156] : memref<3200xf32, #tpu.memory_space<vmem>> -> memref<3200xf32, #tpu.memory_space<vmem>>
      %dma_wait3A_158 = tpu.memref_slice %arg2[%add3A_65] : memref<900000xf32, #tpu.memory_space<hbm>> -> memref<3200xf32, #tpu.memory_space<hbm>>
      tpu.wait_dma2 semaphore(%arg21 : memref<!tpu.dma_semaphore, #tpu.memory_space<semaphore_mem>>) src(%dma_wait3A_158 : memref<3200xf32, #tpu.memory_space<hbm>>) dst(%dma_wait3A_157 : memref<3200xf32, #tpu.memory_space<vmem>>)
      %dma_wait3A_159 = arith.constant 0 : i32
      %dma_wait3A_160 = tpu.memref_slice %arg16[%dma_wait3A_159] : memref<3200xf32, #tpu.memory_space<vmem>> -> memref<3200xf32, #tpu.memory_space<vmem>>
      %dma_wait3A_161 = tpu.memref_slice %arg2[%add3A_73] : memref<900000xf32, #tpu.memory_space<hbm>> -> memref<3200xf32, #tpu.memory_space<hbm>>
      %dma_wait3A_162 = arith.constant 0 : i32
      %dma_wait3A_163 = tpu.memref_slice %arg16[%dma_wait3A_162] : memref<3200xf32, #tpu.memory_space<vmem>> -> memref<3200xf32, #tpu.memory_space<vmem>>
      %dma_wait3A_164 = tpu.memref_slice %arg2[%add3A_73] : memref<900000xf32, #tpu.memory_space<hbm>> -> memref<3200xf32, #tpu.memory_space<hbm>>
      tpu.wait_dma2 semaphore(%arg21 : memref<!tpu.dma_semaphore, #tpu.memory_space<semaphore_mem>>) src(%dma_wait3A_164 : memref<3200xf32, #tpu.memory_space<hbm>>) dst(%dma_wait3A_163 : memref<3200xf32, #tpu.memory_space<vmem>>)
      %dma_wait3A_165 = arith.constant 0 : i32
      %dma_wait3A_166 = tpu.memref_slice %arg17[%dma_wait3A_165] : memref<3200xf32, #tpu.memory_space<vmem>> -> memref<3200xf32, #tpu.memory_space<vmem>>
      %dma_wait3A_167 = tpu.memref_slice %arg3[%add3A_81] : memref<300000xf32, #tpu.memory_space<hbm>> -> memref<3200xf32, #tpu.memory_space<hbm>>
      %dma_wait3A_168 = arith.constant 0 : i32
      %dma_wait3A_169 = tpu.memref_slice %arg17[%dma_wait3A_168] : memref<3200xf32, #tpu.memory_space<vmem>> -> memref<3200xf32, #tpu.memory_space<vmem>>
      %dma_wait3A_170 = tpu.memref_slice %arg3[%add3A_81] : memref<300000xf32, #tpu.memory_space<hbm>> -> memref<3200xf32, #tpu.memory_space<hbm>>
      tpu.wait_dma2 semaphore(%arg21 : memref<!tpu.dma_semaphore, #tpu.memory_space<semaphore_mem>>) src(%dma_wait3A_170 : memref<3200xf32, #tpu.memory_space<hbm>>) dst(%dma_wait3A_169 : memref<3200xf32, #tpu.memory_space<vmem>>)
      %dma_wait3A_171 = arith.constant 0 : i32
      %dma_wait3A_172 = tpu.memref_slice %arg18[%dma_wait3A_171] : memref<3200xf32, #tpu.memory_space<vmem>> -> memref<3200xf32, #tpu.memory_space<vmem>>
      %dma_wait3A_173 = tpu.memref_slice %arg3[%add3A_89] : memref<300000xf32, #tpu.memory_space<hbm>> -> memref<3200xf32, #tpu.memory_space<hbm>>
      %dma_wait3A_174 = arith.constant 0 : i32
      %dma_wait3A_175 = tpu.memref_slice %arg18[%dma_wait3A_174] : memref<3200xf32, #tpu.memory_space<vmem>> -> memref<3200xf32, #tpu.memory_space<vmem>>
      %dma_wait3A_176 = tpu.memref_slice %arg3[%add3A_89] : memref<300000xf32, #tpu.memory_space<hbm>> -> memref<3200xf32, #tpu.memory_space<hbm>>
      tpu.wait_dma2 semaphore(%arg21 : memref<!tpu.dma_semaphore, #tpu.memory_space<semaphore_mem>>) src(%dma_wait3A_176 : memref<3200xf32, #tpu.memory_space<hbm>>) dst(%dma_wait3A_175 : memref<3200xf32, #tpu.memory_space<vmem>>)
      %dma_wait3A_177 = arith.constant 0 : i32
      %dma_wait3A_178 = tpu.memref_slice %arg19[%dma_wait3A_177] : memref<3200xf32, #tpu.memory_space<vmem>> -> memref<3200xf32, #tpu.memory_space<vmem>>
      %dma_wait3A_179 = tpu.memref_slice %arg3[%add3A_97] : memref<300000xf32, #tpu.memory_space<hbm>> -> memref<3200xf32, #tpu.memory_space<hbm>>
      %dma_wait3A_180 = arith.constant 0 : i32
      %dma_wait3A_181 = tpu.memref_slice %arg19[%dma_wait3A_180] : memref<3200xf32, #tpu.memory_space<vmem>> -> memref<3200xf32, #tpu.memory_space<vmem>>
      %dma_wait3A_182 = tpu.memref_slice %arg3[%add3A_97] : memref<300000xf32, #tpu.memory_space<hbm>> -> memref<3200xf32, #tpu.memory_space<hbm>>
      tpu.wait_dma2 semaphore(%arg21 : memref<!tpu.dma_semaphore, #tpu.memory_space<semaphore_mem>>) src(%dma_wait3A_182 : memref<3200xf32, #tpu.memory_space<hbm>>) dst(%dma_wait3A_181 : memref<3200xf32, #tpu.memory_space<vmem>>)
      %dma_wait3A_183 = arith.constant 0 : i32
      %dma_wait3A_184 = tpu.memref_slice %arg20[%dma_wait3A_183] : memref<3200xi32, #tpu.memory_space<vmem>> -> memref<3200xi32, #tpu.memory_space<vmem>>
      %dma_wait3A_185 = tpu.memref_slice %arg4[%add3A_105] : memref<100000xi32, #tpu.memory_space<hbm>> -> memref<3200xi32, #tpu.memory_space<hbm>>
      %dma_wait3A_186 = arith.constant 0 : i32
      %dma_wait3A_187 = tpu.memref_slice %arg20[%dma_wait3A_186] : memref<3200xi32, #tpu.memory_space<vmem>> -> memref<3200xi32, #tpu.memory_space<vmem>>
      %dma_wait3A_188 = tpu.memref_slice %arg4[%add3A_105] : memref<100000xi32, #tpu.memory_space<hbm>> -> memref<3200xi32, #tpu.memory_space<hbm>>
      tpu.wait_dma2 semaphore(%arg21 : memref<!tpu.dma_semaphore, #tpu.memory_space<semaphore_mem>>) src(%dma_wait3A_188 : memref<3200xi32, #tpu.memory_space<hbm>>) dst(%dma_wait3A_187 : memref<3200xi32, #tpu.memory_space<vmem>>)
      %add3A_189 = arith.constant 0 : i32
      %add3A_190 = arith.addi %add3A_189, %mul3A_2 : i32
      %dma_start3A_191 = arith.constant 0 : i32
      %dma_start3A_192 = tpu.memref_slice %arg8[%dma_start3A_191] : memref<3200xf32, #tpu.memory_space<vmem>> -> memref<3200xf32, #tpu.memory_space<vmem>>
      %dma_start3A_193 = tpu.memref_slice %arg5[%add3A_190] : memref<921600xf32, #tpu.memory_space<hbm>> -> memref<3200xf32, #tpu.memory_space<hbm>>
      %dma_start3A_194 = tpu.memref_slice %arg5[%add3A_190] : memref<921600xf32, #tpu.memory_space<hbm>> -> memref<3200xf32, #tpu.memory_space<hbm>>
      %dma_start3A_195 = arith.constant 0 : i32
      %dma_start3A_196 = tpu.memref_slice %arg8[%dma_start3A_195] : memref<3200xf32, #tpu.memory_space<vmem>> -> memref<3200xf32, #tpu.memory_space<vmem>>
      tpu.enqueue_dma source(%dma_start3A_196 : memref<3200xf32, #tpu.memory_space<vmem>>) target(%dma_start3A_194 : memref<3200xf32, #tpu.memory_space<hbm>>) target_semaphore(%arg21 : memref<!tpu.dma_semaphore, #tpu.memory_space<semaphore_mem>>)
      %add3A_197 = arith.constant 102400 : i32
      %add3A_198 = arith.addi %add3A_197, %mul3A_2 : i32
      %dma_start3A_199 = arith.constant 0 : i32
      %dma_start3A_200 = tpu.memref_slice %arg9[%dma_start3A_199] : memref<3200xf32, #tpu.memory_space<vmem>> -> memref<3200xf32, #tpu.memory_space<vmem>>
      %dma_start3A_201 = tpu.memref_slice %arg5[%add3A_198] : memref<921600xf32, #tpu.memory_space<hbm>> -> memref<3200xf32, #tpu.memory_space<hbm>>
      %dma_start3A_202 = tpu.memref_slice %arg5[%add3A_198] : memref<921600xf32, #tpu.memory_space<hbm>> -> memref<3200xf32, #tpu.memory_space<hbm>>
      %dma_start3A_203 = arith.constant 0 : i32
      %dma_start3A_204 = tpu.memref_slice %arg9[%dma_start3A_203] : memref<3200xf32, #tpu.memory_space<vmem>> -> memref<3200xf32, #tpu.memory_space<vmem>>
      tpu.enqueue_dma source(%dma_start3A_204 : memref<3200xf32, #tpu.memory_space<vmem>>) target(%dma_start3A_202 : memref<3200xf32, #tpu.memory_space<hbm>>) target_semaphore(%arg21 : memref<!tpu.dma_semaphore, #tpu.memory_space<semaphore_mem>>)
      %add3A_205 = arith.constant 204800 : i32
      %add3A_206 = arith.addi %add3A_205, %mul3A_2 : i32
      %dma_start3A_207 = arith.constant 0 : i32
      %dma_start3A_208 = tpu.memref_slice %arg10[%dma_start3A_207] : memref<3200xf32, #tpu.memory_space<vmem>> -> memref<3200xf32, #tpu.memory_space<vmem>>
      %dma_start3A_209 = tpu.memref_slice %arg5[%add3A_206] : memref<921600xf32, #tpu.memory_space<hbm>> -> memref<3200xf32, #tpu.memory_space<hbm>>
      %dma_start3A_210 = tpu.memref_slice %arg5[%add3A_206] : memref<921600xf32, #tpu.memory_space<hbm>> -> memref<3200xf32, #tpu.memory_space<hbm>>
      %dma_start3A_211 = arith.constant 0 : i32
      %dma_start3A_212 = tpu.memref_slice %arg10[%dma_start3A_211] : memref<3200xf32, #tpu.memory_space<vmem>> -> memref<3200xf32, #tpu.memory_space<vmem>>
      tpu.enqueue_dma source(%dma_start3A_212 : memref<3200xf32, #tpu.memory_space<vmem>>) target(%dma_start3A_210 : memref<3200xf32, #tpu.memory_space<hbm>>) target_semaphore(%arg21 : memref<!tpu.dma_semaphore, #tpu.memory_space<semaphore_mem>>)
      %add3A_213 = arith.constant 307200 : i32
      %add3A_214 = arith.addi %add3A_213, %mul3A_2 : i32
      %dma_start3A_215 = arith.constant 0 : i32
      %dma_start3A_216 = tpu.memref_slice %arg11[%dma_start3A_215] : memref<3200xf32, #tpu.memory_space<vmem>> -> memref<3200xf32, #tpu.memory_space<vmem>>
      %dma_start3A_217 = tpu.memref_slice %arg5[%add3A_214] : memref<921600xf32, #tpu.memory_space<hbm>> -> memref<3200xf32, #tpu.memory_space<hbm>>
      %dma_start3A_218 = tpu.memref_slice %arg5[%add3A_214] : memref<921600xf32, #tpu.memory_space<hbm>> -> memref<3200xf32, #tpu.memory_space<hbm>>
      %dma_start3A_219 = arith.constant 0 : i32
      %dma_start3A_220 = tpu.memref_slice %arg11[%dma_start3A_219] : memref<3200xf32, #tpu.memory_space<vmem>> -> memref<3200xf32, #tpu.memory_space<vmem>>
      tpu.enqueue_dma source(%dma_start3A_220 : memref<3200xf32, #tpu.memory_space<vmem>>) target(%dma_start3A_218 : memref<3200xf32, #tpu.memory_space<hbm>>) target_semaphore(%arg21 : memref<!tpu.dma_semaphore, #tpu.memory_space<semaphore_mem>>)
      %add3A_221 = arith.constant 409600 : i32
      %add3A_222 = arith.addi %add3A_221, %mul3A_2 : i32
      %dma_start3A_223 = arith.constant 0 : i32
      %dma_start3A_224 = tpu.memref_slice %arg12[%dma_start3A_223] : memref<3200xf32, #tpu.memory_space<vmem>> -> memref<3200xf32, #tpu.memory_space<vmem>>
      %dma_start3A_225 = tpu.memref_slice %arg5[%add3A_222] : memref<921600xf32, #tpu.memory_space<hbm>> -> memref<3200xf32, #tpu.memory_space<hbm>>
      %dma_start3A_226 = tpu.memref_slice %arg5[%add3A_222] : memref<921600xf32, #tpu.memory_space<hbm>> -> memref<3200xf32, #tpu.memory_space<hbm>>
      %dma_start3A_227 = arith.constant 0 : i32
      %dma_start3A_228 = tpu.memref_slice %arg12[%dma_start3A_227] : memref<3200xf32, #tpu.memory_space<vmem>> -> memref<3200xf32, #tpu.memory_space<vmem>>
      tpu.enqueue_dma source(%dma_start3A_228 : memref<3200xf32, #tpu.memory_space<vmem>>) target(%dma_start3A_226 : memref<3200xf32, #tpu.memory_space<hbm>>) target_semaphore(%arg21 : memref<!tpu.dma_semaphore, #tpu.memory_space<semaphore_mem>>)
      %add3A_229 = arith.constant 512000 : i32
      %add3A_230 = arith.addi %add3A_229, %mul3A_2 : i32
      %dma_start3A_231 = arith.constant 0 : i32
      %dma_start3A_232 = tpu.memref_slice %arg13[%dma_start3A_231] : memref<3200xf32, #tpu.memory_space<vmem>> -> memref<3200xf32, #tpu.memory_space<vmem>>
      %dma_start3A_233 = tpu.memref_slice %arg5[%add3A_230] : memref<921600xf32, #tpu.memory_space<hbm>> -> memref<3200xf32, #tpu.memory_space<hbm>>
      %dma_start3A_234 = tpu.memref_slice %arg5[%add3A_230] : memref<921600xf32, #tpu.memory_space<hbm>> -> memref<3200xf32, #tpu.memory_space<hbm>>
      %dma_start3A_235 = arith.constant 0 : i32
      %dma_start3A_236 = tpu.memref_slice %arg13[%dma_start3A_235] : memref<3200xf32, #tpu.memory_space<vmem>> -> memref<3200xf32, #tpu.memory_space<vmem>>
      tpu.enqueue_dma source(%dma_start3A_236 : memref<3200xf32, #tpu.memory_space<vmem>>) target(%dma_start3A_234 : memref<3200xf32, #tpu.memory_space<hbm>>) target_semaphore(%arg21 : memref<!tpu.dma_semaphore, #tpu.memory_space<semaphore_mem>>)
      %add3A_237 = arith.constant 614400 : i32
      %add3A_238 = arith.addi %add3A_237, %mul3A_2 : i32
      %dma_start3A_239 = arith.constant 0 : i32
      %dma_start3A_240 = tpu.memref_slice %arg14[%dma_start3A_239] : memref<3200xf32, #tpu.memory_space<vmem>> -> memref<3200xf32, #tpu.memory_space<vmem>>
      %dma_start3A_241 = tpu.memref_slice %arg5[%add3A_238] : memref<921600xf32, #tpu.memory_space<hbm>> -> memref<3200xf32, #tpu.memory_space<hbm>>
      %dma_start3A_242 = tpu.memref_slice %arg5[%add3A_238] : memref<921600xf32, #tpu.memory_space<hbm>> -> memref<3200xf32, #tpu.memory_space<hbm>>
      %dma_start3A_243 = arith.constant 0 : i32
      %dma_start3A_244 = tpu.memref_slice %arg14[%dma_start3A_243] : memref<3200xf32, #tpu.memory_space<vmem>> -> memref<3200xf32, #tpu.memory_space<vmem>>
      tpu.enqueue_dma source(%dma_start3A_244 : memref<3200xf32, #tpu.memory_space<vmem>>) target(%dma_start3A_242 : memref<3200xf32, #tpu.memory_space<hbm>>) target_semaphore(%arg21 : memref<!tpu.dma_semaphore, #tpu.memory_space<semaphore_mem>>)
      %add3A_245 = arith.constant 716800 : i32
      %add3A_246 = arith.addi %add3A_245, %mul3A_2 : i32
      %dma_start3A_247 = arith.constant 0 : i32
      %dma_start3A_248 = tpu.memref_slice %arg15[%dma_start3A_247] : memref<3200xf32, #tpu.memory_space<vmem>> -> memref<3200xf32, #tpu.memory_space<vmem>>
      %dma_start3A_249 = tpu.memref_slice %arg5[%add3A_246] : memref<921600xf32, #tpu.memory_space<hbm>> -> memref<3200xf32, #tpu.memory_space<hbm>>
      %dma_start3A_250 = tpu.memref_slice %arg5[%add3A_246] : memref<921600xf32, #tpu.memory_space<hbm>> -> memref<3200xf32, #tpu.memory_space<hbm>>
      %dma_start3A_251 = arith.constant 0 : i32
      %dma_start3A_252 = tpu.memref_slice %arg15[%dma_start3A_251] : memref<3200xf32, #tpu.memory_space<vmem>> -> memref<3200xf32, #tpu.memory_space<vmem>>
      tpu.enqueue_dma source(%dma_start3A_252 : memref<3200xf32, #tpu.memory_space<vmem>>) target(%dma_start3A_250 : memref<3200xf32, #tpu.memory_space<hbm>>) target_semaphore(%arg21 : memref<!tpu.dma_semaphore, #tpu.memory_space<semaphore_mem>>)
      %add3A_253 = arith.constant 819200 : i32
      %add3A_254 = arith.addi %add3A_253, %mul3A_2 : i32
      %dma_start3A_255 = arith.constant 0 : i32
      %dma_start3A_256 = tpu.memref_slice %arg16[%dma_start3A_255] : memref<3200xf32, #tpu.memory_space<vmem>> -> memref<3200xf32, #tpu.memory_space<vmem>>
      %dma_start3A_257 = tpu.memref_slice %arg5[%add3A_254] : memref<921600xf32, #tpu.memory_space<hbm>> -> memref<3200xf32, #tpu.memory_space<hbm>>
      %dma_start3A_258 = tpu.memref_slice %arg5[%add3A_254] : memref<921600xf32, #tpu.memory_space<hbm>> -> memref<3200xf32, #tpu.memory_space<hbm>>
      %dma_start3A_259 = arith.constant 0 : i32
      %dma_start3A_260 = tpu.memref_slice %arg16[%dma_start3A_259] : memref<3200xf32, #tpu.memory_space<vmem>> -> memref<3200xf32, #tpu.memory_space<vmem>>
      tpu.enqueue_dma source(%dma_start3A_260 : memref<3200xf32, #tpu.memory_space<vmem>>) target(%dma_start3A_258 : memref<3200xf32, #tpu.memory_space<hbm>>) target_semaphore(%arg21 : memref<!tpu.dma_semaphore, #tpu.memory_space<semaphore_mem>>)
      %add3A_261 = arith.constant 0 : i32
      %add3A_262 = arith.addi %add3A_261, %mul3A_2 : i32
      %dma_start3A_263 = arith.constant 0 : i32
      %dma_start3A_264 = tpu.memref_slice %arg17[%dma_start3A_263] : memref<3200xf32, #tpu.memory_space<vmem>> -> memref<3200xf32, #tpu.memory_space<vmem>>
      %dma_start3A_265 = tpu.memref_slice %arg6[%add3A_262] : memref<307200xf32, #tpu.memory_space<hbm>> -> memref<3200xf32, #tpu.memory_space<hbm>>
      %dma_start3A_266 = tpu.memref_slice %arg6[%add3A_262] : memref<307200xf32, #tpu.memory_space<hbm>> -> memref<3200xf32, #tpu.memory_space<hbm>>
      %dma_start3A_267 = arith.constant 0 : i32
      %dma_start3A_268 = tpu.memref_slice %arg17[%dma_start3A_267] : memref<3200xf32, #tpu.memory_space<vmem>> -> memref<3200xf32, #tpu.memory_space<vmem>>
      tpu.enqueue_dma source(%dma_start3A_268 : memref<3200xf32, #tpu.memory_space<vmem>>) target(%dma_start3A_266 : memref<3200xf32, #tpu.memory_space<hbm>>) target_semaphore(%arg21 : memref<!tpu.dma_semaphore, #tpu.memory_space<semaphore_mem>>)
      %add3A_269 = arith.constant 102400 : i32
      %add3A_270 = arith.addi %add3A_269, %mul3A_2 : i32
      %dma_start3A_271 = arith.constant 0 : i32
      %dma_start3A_272 = tpu.memref_slice %arg18[%dma_start3A_271] : memref<3200xf32, #tpu.memory_space<vmem>> -> memref<3200xf32, #tpu.memory_space<vmem>>
      %dma_start3A_273 = tpu.memref_slice %arg6[%add3A_270] : memref<307200xf32, #tpu.memory_space<hbm>> -> memref<3200xf32, #tpu.memory_space<hbm>>
      %dma_start3A_274 = tpu.memref_slice %arg6[%add3A_270] : memref<307200xf32, #tpu.memory_space<hbm>> -> memref<3200xf32, #tpu.memory_space<hbm>>
      %dma_start3A_275 = arith.constant 0 : i32
      %dma_start3A_276 = tpu.memref_slice %arg18[%dma_start3A_275] : memref<3200xf32, #tpu.memory_space<vmem>> -> memref<3200xf32, #tpu.memory_space<vmem>>
      tpu.enqueue_dma source(%dma_start3A_276 : memref<3200xf32, #tpu.memory_space<vmem>>) target(%dma_start3A_274 : memref<3200xf32, #tpu.memory_space<hbm>>) target_semaphore(%arg21 : memref<!tpu.dma_semaphore, #tpu.memory_space<semaphore_mem>>)
      %add3A_277 = arith.constant 204800 : i32
      %add3A_278 = arith.addi %add3A_277, %mul3A_2 : i32
      %dma_start3A_279 = arith.constant 0 : i32
      %dma_start3A_280 = tpu.memref_slice %arg19[%dma_start3A_279] : memref<3200xf32, #tpu.memory_space<vmem>> -> memref<3200xf32, #tpu.memory_space<vmem>>
      %dma_start3A_281 = tpu.memref_slice %arg6[%add3A_278] : memref<307200xf32, #tpu.memory_space<hbm>> -> memref<3200xf32, #tpu.memory_space<hbm>>
      %dma_start3A_282 = tpu.memref_slice %arg6[%add3A_278] : memref<307200xf32, #tpu.memory_space<hbm>> -> memref<3200xf32, #tpu.memory_space<hbm>>
      %dma_start3A_283 = arith.constant 0 : i32
      %dma_start3A_284 = tpu.memref_slice %arg19[%dma_start3A_283] : memref<3200xf32, #tpu.memory_space<vmem>> -> memref<3200xf32, #tpu.memory_space<vmem>>
      tpu.enqueue_dma source(%dma_start3A_284 : memref<3200xf32, #tpu.memory_space<vmem>>) target(%dma_start3A_282 : memref<3200xf32, #tpu.memory_space<hbm>>) target_semaphore(%arg21 : memref<!tpu.dma_semaphore, #tpu.memory_space<semaphore_mem>>)
      %add3A_285 = arith.constant 0 : i32
      %add3A_286 = arith.addi %add3A_285, %mul3A_2 : i32
      %dma_start3A_287 = arith.constant 0 : i32
      %dma_start3A_288 = tpu.memref_slice %arg20[%dma_start3A_287] : memref<3200xi32, #tpu.memory_space<vmem>> -> memref<3200xi32, #tpu.memory_space<vmem>>
      %dma_start3A_289 = tpu.memref_slice %arg7[%add3A_286] : memref<102400xi32, #tpu.memory_space<hbm>> -> memref<3200xi32, #tpu.memory_space<hbm>>
      %dma_start3A_290 = tpu.memref_slice %arg7[%add3A_286] : memref<102400xi32, #tpu.memory_space<hbm>> -> memref<3200xi32, #tpu.memory_space<hbm>>
      %dma_start3A_291 = arith.constant 0 : i32
      %dma_start3A_292 = tpu.memref_slice %arg20[%dma_start3A_291] : memref<3200xi32, #tpu.memory_space<vmem>> -> memref<3200xi32, #tpu.memory_space<vmem>>
      tpu.enqueue_dma source(%dma_start3A_292 : memref<3200xi32, #tpu.memory_space<vmem>>) target(%dma_start3A_290 : memref<3200xi32, #tpu.memory_space<hbm>>) target_semaphore(%arg21 : memref<!tpu.dma_semaphore, #tpu.memory_space<semaphore_mem>>)
      %dma_wait3A_293 = arith.constant 0 : i32
      %dma_wait3A_294 = tpu.memref_slice %arg8[%dma_wait3A_293] : memref<3200xf32, #tpu.memory_space<vmem>> -> memref<3200xf32, #tpu.memory_space<vmem>>
      %dma_wait3A_295 = tpu.memref_slice %arg5[%add3A_190] : memref<921600xf32, #tpu.memory_space<hbm>> -> memref<3200xf32, #tpu.memory_space<hbm>>
      %dma_wait3A_296 = tpu.memref_slice %arg5[%add3A_190] : memref<921600xf32, #tpu.memory_space<hbm>> -> memref<3200xf32, #tpu.memory_space<hbm>>
      %dma_wait3A_297 = arith.constant 0 : i32
      %dma_wait3A_298 = tpu.memref_slice %arg8[%dma_wait3A_297] : memref<3200xf32, #tpu.memory_space<vmem>> -> memref<3200xf32, #tpu.memory_space<vmem>>
      tpu.wait_dma2 semaphore(%arg21 : memref<!tpu.dma_semaphore, #tpu.memory_space<semaphore_mem>>) src(%dma_wait3A_298 : memref<3200xf32, #tpu.memory_space<vmem>>) dst(%dma_wait3A_296 : memref<3200xf32, #tpu.memory_space<hbm>>)
      %dma_wait3A_299 = arith.constant 0 : i32
      %dma_wait3A_300 = tpu.memref_slice %arg9[%dma_wait3A_299] : memref<3200xf32, #tpu.memory_space<vmem>> -> memref<3200xf32, #tpu.memory_space<vmem>>
      %dma_wait3A_301 = tpu.memref_slice %arg5[%add3A_198] : memref<921600xf32, #tpu.memory_space<hbm>> -> memref<3200xf32, #tpu.memory_space<hbm>>
      %dma_wait3A_302 = tpu.memref_slice %arg5[%add3A_198] : memref<921600xf32, #tpu.memory_space<hbm>> -> memref<3200xf32, #tpu.memory_space<hbm>>
      %dma_wait3A_303 = arith.constant 0 : i32
      %dma_wait3A_304 = tpu.memref_slice %arg9[%dma_wait3A_303] : memref<3200xf32, #tpu.memory_space<vmem>> -> memref<3200xf32, #tpu.memory_space<vmem>>
      tpu.wait_dma2 semaphore(%arg21 : memref<!tpu.dma_semaphore, #tpu.memory_space<semaphore_mem>>) src(%dma_wait3A_304 : memref<3200xf32, #tpu.memory_space<vmem>>) dst(%dma_wait3A_302 : memref<3200xf32, #tpu.memory_space<hbm>>)
      %dma_wait3A_305 = arith.constant 0 : i32
      %dma_wait3A_306 = tpu.memref_slice %arg10[%dma_wait3A_305] : memref<3200xf32, #tpu.memory_space<vmem>> -> memref<3200xf32, #tpu.memory_space<vmem>>
      %dma_wait3A_307 = tpu.memref_slice %arg5[%add3A_206] : memref<921600xf32, #tpu.memory_space<hbm>> -> memref<3200xf32, #tpu.memory_space<hbm>>
      %dma_wait3A_308 = tpu.memref_slice %arg5[%add3A_206] : memref<921600xf32, #tpu.memory_space<hbm>> -> memref<3200xf32, #tpu.memory_space<hbm>>
      %dma_wait3A_309 = arith.constant 0 : i32
      %dma_wait3A_310 = tpu.memref_slice %arg10[%dma_wait3A_309] : memref<3200xf32, #tpu.memory_space<vmem>> -> memref<3200xf32, #tpu.memory_space<vmem>>
      tpu.wait_dma2 semaphore(%arg21 : memref<!tpu.dma_semaphore, #tpu.memory_space<semaphore_mem>>) src(%dma_wait3A_310 : memref<3200xf32, #tpu.memory_space<vmem>>) dst(%dma_wait3A_308 : memref<3200xf32, #tpu.memory_space<hbm>>)
      %dma_wait3A_311 = arith.constant 0 : i32
      %dma_wait3A_312 = tpu.memref_slice %arg11[%dma_wait3A_311] : memref<3200xf32, #tpu.memory_space<vmem>> -> memref<3200xf32, #tpu.memory_space<vmem>>
      %dma_wait3A_313 = tpu.memref_slice %arg5[%add3A_214] : memref<921600xf32, #tpu.memory_space<hbm>> -> memref<3200xf32, #tpu.memory_space<hbm>>
      %dma_wait3A_314 = tpu.memref_slice %arg5[%add3A_214] : memref<921600xf32, #tpu.memory_space<hbm>> -> memref<3200xf32, #tpu.memory_space<hbm>>
      %dma_wait3A_315 = arith.constant 0 : i32
      %dma_wait3A_316 = tpu.memref_slice %arg11[%dma_wait3A_315] : memref<3200xf32, #tpu.memory_space<vmem>> -> memref<3200xf32, #tpu.memory_space<vmem>>
      tpu.wait_dma2 semaphore(%arg21 : memref<!tpu.dma_semaphore, #tpu.memory_space<semaphore_mem>>) src(%dma_wait3A_316 : memref<3200xf32, #tpu.memory_space<vmem>>) dst(%dma_wait3A_314 : memref<3200xf32, #tpu.memory_space<hbm>>)
      %dma_wait3A_317 = arith.constant 0 : i32
      %dma_wait3A_318 = tpu.memref_slice %arg12[%dma_wait3A_317] : memref<3200xf32, #tpu.memory_space<vmem>> -> memref<3200xf32, #tpu.memory_space<vmem>>
      %dma_wait3A_319 = tpu.memref_slice %arg5[%add3A_222] : memref<921600xf32, #tpu.memory_space<hbm>> -> memref<3200xf32, #tpu.memory_space<hbm>>
      %dma_wait3A_320 = tpu.memref_slice %arg5[%add3A_222] : memref<921600xf32, #tpu.memory_space<hbm>> -> memref<3200xf32, #tpu.memory_space<hbm>>
      %dma_wait3A_321 = arith.constant 0 : i32
      %dma_wait3A_322 = tpu.memref_slice %arg12[%dma_wait3A_321] : memref<3200xf32, #tpu.memory_space<vmem>> -> memref<3200xf32, #tpu.memory_space<vmem>>
      tpu.wait_dma2 semaphore(%arg21 : memref<!tpu.dma_semaphore, #tpu.memory_space<semaphore_mem>>) src(%dma_wait3A_322 : memref<3200xf32, #tpu.memory_space<vmem>>) dst(%dma_wait3A_320 : memref<3200xf32, #tpu.memory_space<hbm>>)
      %dma_wait3A_323 = arith.constant 0 : i32
      %dma_wait3A_324 = tpu.memref_slice %arg13[%dma_wait3A_323] : memref<3200xf32, #tpu.memory_space<vmem>> -> memref<3200xf32, #tpu.memory_space<vmem>>
      %dma_wait3A_325 = tpu.memref_slice %arg5[%add3A_230] : memref<921600xf32, #tpu.memory_space<hbm>> -> memref<3200xf32, #tpu.memory_space<hbm>>
      %dma_wait3A_326 = tpu.memref_slice %arg5[%add3A_230] : memref<921600xf32, #tpu.memory_space<hbm>> -> memref<3200xf32, #tpu.memory_space<hbm>>
      %dma_wait3A_327 = arith.constant 0 : i32
      %dma_wait3A_328 = tpu.memref_slice %arg13[%dma_wait3A_327] : memref<3200xf32, #tpu.memory_space<vmem>> -> memref<3200xf32, #tpu.memory_space<vmem>>
      tpu.wait_dma2 semaphore(%arg21 : memref<!tpu.dma_semaphore, #tpu.memory_space<semaphore_mem>>) src(%dma_wait3A_328 : memref<3200xf32, #tpu.memory_space<vmem>>) dst(%dma_wait3A_326 : memref<3200xf32, #tpu.memory_space<hbm>>)
      %dma_wait3A_329 = arith.constant 0 : i32
      %dma_wait3A_330 = tpu.memref_slice %arg14[%dma_wait3A_329] : memref<3200xf32, #tpu.memory_space<vmem>> -> memref<3200xf32, #tpu.memory_space<vmem>>
      %dma_wait3A_331 = tpu.memref_slice %arg5[%add3A_238] : memref<921600xf32, #tpu.memory_space<hbm>> -> memref<3200xf32, #tpu.memory_space<hbm>>
      %dma_wait3A_332 = tpu.memref_slice %arg5[%add3A_238] : memref<921600xf32, #tpu.memory_space<hbm>> -> memref<3200xf32, #tpu.memory_space<hbm>>
      %dma_wait3A_333 = arith.constant 0 : i32
      %dma_wait3A_334 = tpu.memref_slice %arg14[%dma_wait3A_333] : memref<3200xf32, #tpu.memory_space<vmem>> -> memref<3200xf32, #tpu.memory_space<vmem>>
      tpu.wait_dma2 semaphore(%arg21 : memref<!tpu.dma_semaphore, #tpu.memory_space<semaphore_mem>>) src(%dma_wait3A_334 : memref<3200xf32, #tpu.memory_space<vmem>>) dst(%dma_wait3A_332 : memref<3200xf32, #tpu.memory_space<hbm>>)
      %dma_wait3A_335 = arith.constant 0 : i32
      %dma_wait3A_336 = tpu.memref_slice %arg15[%dma_wait3A_335] : memref<3200xf32, #tpu.memory_space<vmem>> -> memref<3200xf32, #tpu.memory_space<vmem>>
      %dma_wait3A_337 = tpu.memref_slice %arg5[%add3A_246] : memref<921600xf32, #tpu.memory_space<hbm>> -> memref<3200xf32, #tpu.memory_space<hbm>>
      %dma_wait3A_338 = tpu.memref_slice %arg5[%add3A_246] : memref<921600xf32, #tpu.memory_space<hbm>> -> memref<3200xf32, #tpu.memory_space<hbm>>
      %dma_wait3A_339 = arith.constant 0 : i32
      %dma_wait3A_340 = tpu.memref_slice %arg15[%dma_wait3A_339] : memref<3200xf32, #tpu.memory_space<vmem>> -> memref<3200xf32, #tpu.memory_space<vmem>>
      tpu.wait_dma2 semaphore(%arg21 : memref<!tpu.dma_semaphore, #tpu.memory_space<semaphore_mem>>) src(%dma_wait3A_340 : memref<3200xf32, #tpu.memory_space<vmem>>) dst(%dma_wait3A_338 : memref<3200xf32, #tpu.memory_space<hbm>>)
      %dma_wait3A_341 = arith.constant 0 : i32
      %dma_wait3A_342 = tpu.memref_slice %arg16[%dma_wait3A_341] : memref<3200xf32, #tpu.memory_space<vmem>> -> memref<3200xf32, #tpu.memory_space<vmem>>
      %dma_wait3A_343 = tpu.memref_slice %arg5[%add3A_254] : memref<921600xf32, #tpu.memory_space<hbm>> -> memref<3200xf32, #tpu.memory_space<hbm>>
      %dma_wait3A_344 = tpu.memref_slice %arg5[%add3A_254] : memref<921600xf32, #tpu.memory_space<hbm>> -> memref<3200xf32, #tpu.memory_space<hbm>>
      %dma_wait3A_345 = arith.constant 0 : i32
      %dma_wait3A_346 = tpu.memref_slice %arg16[%dma_wait3A_345] : memref<3200xf32, #tpu.memory_space<vmem>> -> memref<3200xf32, #tpu.memory_space<vmem>>
      tpu.wait_dma2 semaphore(%arg21 : memref<!tpu.dma_semaphore, #tpu.memory_space<semaphore_mem>>) src(%dma_wait3A_346 : memref<3200xf32, #tpu.memory_space<vmem>>) dst(%dma_wait3A_344 : memref<3200xf32, #tpu.memory_space<hbm>>)
      %dma_wait3A_347 = arith.constant 0 : i32
      %dma_wait3A_348 = tpu.memref_slice %arg17[%dma_wait3A_347] : memref<3200xf32, #tpu.memory_space<vmem>> -> memref<3200xf32, #tpu.memory_space<vmem>>
      %dma_wait3A_349 = tpu.memref_slice %arg6[%add3A_262] : memref<307200xf32, #tpu.memory_space<hbm>> -> memref<3200xf32, #tpu.memory_space<hbm>>
      %dma_wait3A_350 = tpu.memref_slice %arg6[%add3A_262] : memref<307200xf32, #tpu.memory_space<hbm>> -> memref<3200xf32, #tpu.memory_space<hbm>>
      %dma_wait3A_351 = arith.constant 0 : i32
      %dma_wait3A_352 = tpu.memref_slice %arg17[%dma_wait3A_351] : memref<3200xf32, #tpu.memory_space<vmem>> -> memref<3200xf32, #tpu.memory_space<vmem>>
      tpu.wait_dma2 semaphore(%arg21 : memref<!tpu.dma_semaphore, #tpu.memory_space<semaphore_mem>>) src(%dma_wait3A_352 : memref<3200xf32, #tpu.memory_space<vmem>>) dst(%dma_wait3A_350 : memref<3200xf32, #tpu.memory_space<hbm>>)
      %dma_wait3A_353 = arith.constant 0 : i32
      %dma_wait3A_354 = tpu.memref_slice %arg18[%dma_wait3A_353] : memref<3200xf32, #tpu.memory_space<vmem>> -> memref<3200xf32, #tpu.memory_space<vmem>>
      %dma_wait3A_355 = tpu.memref_slice %arg6[%add3A_270] : memref<307200xf32, #tpu.memory_space<hbm>> -> memref<3200xf32, #tpu.memory_space<hbm>>
      %dma_wait3A_356 = tpu.memref_slice %arg6[%add3A_270] : memref<307200xf32, #tpu.memory_space<hbm>> -> memref<3200xf32, #tpu.memory_space<hbm>>
      %dma_wait3A_357 = arith.constant 0 : i32
      %dma_wait3A_358 = tpu.memref_slice %arg18[%dma_wait3A_357] : memref<3200xf32, #tpu.memory_space<vmem>> -> memref<3200xf32, #tpu.memory_space<vmem>>
      tpu.wait_dma2 semaphore(%arg21 : memref<!tpu.dma_semaphore, #tpu.memory_space<semaphore_mem>>) src(%dma_wait3A_358 : memref<3200xf32, #tpu.memory_space<vmem>>) dst(%dma_wait3A_356 : memref<3200xf32, #tpu.memory_space<hbm>>)
      %dma_wait3A_359 = arith.constant 0 : i32
      %dma_wait3A_360 = tpu.memref_slice %arg19[%dma_wait3A_359] : memref<3200xf32, #tpu.memory_space<vmem>> -> memref<3200xf32, #tpu.memory_space<vmem>>
      %dma_wait3A_361 = tpu.memref_slice %arg6[%add3A_278] : memref<307200xf32, #tpu.memory_space<hbm>> -> memref<3200xf32, #tpu.memory_space<hbm>>
      %dma_wait3A_362 = tpu.memref_slice %arg6[%add3A_278] : memref<307200xf32, #tpu.memory_space<hbm>> -> memref<3200xf32, #tpu.memory_space<hbm>>
      %dma_wait3A_363 = arith.constant 0 : i32
      %dma_wait3A_364 = tpu.memref_slice %arg19[%dma_wait3A_363] : memref<3200xf32, #tpu.memory_space<vmem>> -> memref<3200xf32, #tpu.memory_space<vmem>>
      tpu.wait_dma2 semaphore(%arg21 : memref<!tpu.dma_semaphore, #tpu.memory_space<semaphore_mem>>) src(%dma_wait3A_364 : memref<3200xf32, #tpu.memory_space<vmem>>) dst(%dma_wait3A_362 : memref<3200xf32, #tpu.memory_space<hbm>>)
      %dma_wait3A_365 = arith.constant 0 : i32
      %dma_wait3A_366 = tpu.memref_slice %arg20[%dma_wait3A_365] : memref<3200xi32, #tpu.memory_space<vmem>> -> memref<3200xi32, #tpu.memory_space<vmem>>
      %dma_wait3A_367 = tpu.memref_slice %arg7[%add3A_286] : memref<102400xi32, #tpu.memory_space<hbm>> -> memref<3200xi32, #tpu.memory_space<hbm>>
      %dma_wait3A_368 = tpu.memref_slice %arg7[%add3A_286] : memref<102400xi32, #tpu.memory_space<hbm>> -> memref<3200xi32, #tpu.memory_space<hbm>>
      %dma_wait3A_369 = arith.constant 0 : i32
      %dma_wait3A_370 = tpu.memref_slice %arg20[%dma_wait3A_369] : memref<3200xi32, #tpu.memory_space<vmem>> -> memref<3200xi32, #tpu.memory_space<vmem>>
      tpu.wait_dma2 semaphore(%arg21 : memref<!tpu.dma_semaphore, #tpu.memory_space<semaphore_mem>>) src(%dma_wait3A_370 : memref<3200xi32, #tpu.memory_space<vmem>>) dst(%dma_wait3A_368 : memref<3200xi32, #tpu.memory_space<hbm>>)
    } else {
    }
    %eq3A = arith.constant 31 : i32
    %eq3A_5 = arith.cmpi eq, %add3A, %eq3A : i32
    %convert_element_type3A_6 = arith.extui %eq3A_5 : i1 to i32
    %cond3A_7 = arith.constant 0 : i32
    %cond3A_8 = arith.cmpi ne, %convert_element_type3A_6, %cond3A_7 : i32
    scf.if %cond3A_8 {
      %add3A_9 = arith.constant 0 : i32
      %add3A_10 = arith.addi %add3A_9, %mul3A_2 : i32
      %dma_start3A = arith.constant 0 : i32
      %dma_start3A_11 = tpu.memref_slice %arg8[%dma_start3A] : memref<3200xf32, #tpu.memory_space<vmem>> -> memref<800xf32, #tpu.memory_space<vmem>>
      %dma_start3A_12 = tpu.memref_slice %arg2[%add3A_10] : memref<900000xf32, #tpu.memory_space<hbm>> -> memref<800xf32, #tpu.memory_space<hbm>>
      %dma_start3A_13 = arith.constant 0 : i32
      %dma_start3A_14 = tpu.memref_slice %arg8[%dma_start3A_13] : memref<3200xf32, #tpu.memory_space<vmem>> -> memref<800xf32, #tpu.memory_space<vmem>>
      %dma_start3A_15 = tpu.memref_slice %arg2[%add3A_10] : memref<900000xf32, #tpu.memory_space<hbm>> -> memref<800xf32, #tpu.memory_space<hbm>>
      tpu.enqueue_dma source(%dma_start3A_15 : memref<800xf32, #tpu.memory_space<hbm>>) target(%dma_start3A_14 : memref<800xf32, #tpu.memory_space<vmem>>) target_semaphore(%arg21 : memref<!tpu.dma_semaphore, #tpu.memory_space<semaphore_mem>>)
      %add3A_16 = arith.constant 100000 : i32
      %add3A_17 = arith.addi %add3A_16, %mul3A_2 : i32
      %dma_start3A_18 = arith.constant 0 : i32
      %dma_start3A_19 = tpu.memref_slice %arg9[%dma_start3A_18] : memref<3200xf32, #tpu.memory_space<vmem>> -> memref<800xf32, #tpu.memory_space<vmem>>
      %dma_start3A_20 = tpu.memref_slice %arg2[%add3A_17] : memref<900000xf32, #tpu.memory_space<hbm>> -> memref<800xf32, #tpu.memory_space<hbm>>
      %dma_start3A_21 = arith.constant 0 : i32
      %dma_start3A_22 = tpu.memref_slice %arg9[%dma_start3A_21] : memref<3200xf32, #tpu.memory_space<vmem>> -> memref<800xf32, #tpu.memory_space<vmem>>
      %dma_start3A_23 = tpu.memref_slice %arg2[%add3A_17] : memref<900000xf32, #tpu.memory_space<hbm>> -> memref<800xf32, #tpu.memory_space<hbm>>
      tpu.enqueue_dma source(%dma_start3A_23 : memref<800xf32, #tpu.memory_space<hbm>>) target(%dma_start3A_22 : memref<800xf32, #tpu.memory_space<vmem>>) target_semaphore(%arg21 : memref<!tpu.dma_semaphore, #tpu.memory_space<semaphore_mem>>)
      %add3A_24 = arith.constant 200000 : i32
      %add3A_25 = arith.addi %add3A_24, %mul3A_2 : i32
      %dma_start3A_26 = arith.constant 0 : i32
      %dma_start3A_27 = tpu.memref_slice %arg10[%dma_start3A_26] : memref<3200xf32, #tpu.memory_space<vmem>> -> memref<800xf32, #tpu.memory_space<vmem>>
      %dma_start3A_28 = tpu.memref_slice %arg2[%add3A_25] : memref<900000xf32, #tpu.memory_space<hbm>> -> memref<800xf32, #tpu.memory_space<hbm>>
      %dma_start3A_29 = arith.constant 0 : i32
      %dma_start3A_30 = tpu.memref_slice %arg10[%dma_start3A_29] : memref<3200xf32, #tpu.memory_space<vmem>> -> memref<800xf32, #tpu.memory_space<vmem>>
      %dma_start3A_31 = tpu.memref_slice %arg2[%add3A_25] : memref<900000xf32, #tpu.memory_space<hbm>> -> memref<800xf32, #tpu.memory_space<hbm>>
      tpu.enqueue_dma source(%dma_start3A_31 : memref<800xf32, #tpu.memory_space<hbm>>) target(%dma_start3A_30 : memref<800xf32, #tpu.memory_space<vmem>>) target_semaphore(%arg21 : memref<!tpu.dma_semaphore, #tpu.memory_space<semaphore_mem>>)
      %add3A_32 = arith.constant 300000 : i32
      %add3A_33 = arith.addi %add3A_32, %mul3A_2 : i32
      %dma_start3A_34 = arith.constant 0 : i32
      %dma_start3A_35 = tpu.memref_slice %arg11[%dma_start3A_34] : memref<3200xf32, #tpu.memory_space<vmem>> -> memref<800xf32, #tpu.memory_space<vmem>>
      %dma_start3A_36 = tpu.memref_slice %arg2[%add3A_33] : memref<900000xf32, #tpu.memory_space<hbm>> -> memref<800xf32, #tpu.memory_space<hbm>>
      %dma_start3A_37 = arith.constant 0 : i32
      %dma_start3A_38 = tpu.memref_slice %arg11[%dma_start3A_37] : memref<3200xf32, #tpu.memory_space<vmem>> -> memref<800xf32, #tpu.memory_space<vmem>>
      %dma_start3A_39 = tpu.memref_slice %arg2[%add3A_33] : memref<900000xf32, #tpu.memory_space<hbm>> -> memref<800xf32, #tpu.memory_space<hbm>>
      tpu.enqueue_dma source(%dma_start3A_39 : memref<800xf32, #tpu.memory_space<hbm>>) target(%dma_start3A_38 : memref<800xf32, #tpu.memory_space<vmem>>) target_semaphore(%arg21 : memref<!tpu.dma_semaphore, #tpu.memory_space<semaphore_mem>>)
      %add3A_40 = arith.constant 400000 : i32
      %add3A_41 = arith.addi %add3A_40, %mul3A_2 : i32
      %dma_start3A_42 = arith.constant 0 : i32
      %dma_start3A_43 = tpu.memref_slice %arg12[%dma_start3A_42] : memref<3200xf32, #tpu.memory_space<vmem>> -> memref<800xf32, #tpu.memory_space<vmem>>
      %dma_start3A_44 = tpu.memref_slice %arg2[%add3A_41] : memref<900000xf32, #tpu.memory_space<hbm>> -> memref<800xf32, #tpu.memory_space<hbm>>
      %dma_start3A_45 = arith.constant 0 : i32
      %dma_start3A_46 = tpu.memref_slice %arg12[%dma_start3A_45] : memref<3200xf32, #tpu.memory_space<vmem>> -> memref<800xf32, #tpu.memory_space<vmem>>
      %dma_start3A_47 = tpu.memref_slice %arg2[%add3A_41] : memref<900000xf32, #tpu.memory_space<hbm>> -> memref<800xf32, #tpu.memory_space<hbm>>
      tpu.enqueue_dma source(%dma_start3A_47 : memref<800xf32, #tpu.memory_space<hbm>>) target(%dma_start3A_46 : memref<800xf32, #tpu.memory_space<vmem>>) target_semaphore(%arg21 : memref<!tpu.dma_semaphore, #tpu.memory_space<semaphore_mem>>)
      %add3A_48 = arith.constant 500000 : i32
      %add3A_49 = arith.addi %add3A_48, %mul3A_2 : i32
      %dma_start3A_50 = arith.constant 0 : i32
      %dma_start3A_51 = tpu.memref_slice %arg13[%dma_start3A_50] : memref<3200xf32, #tpu.memory_space<vmem>> -> memref<800xf32, #tpu.memory_space<vmem>>
      %dma_start3A_52 = tpu.memref_slice %arg2[%add3A_49] : memref<900000xf32, #tpu.memory_space<hbm>> -> memref<800xf32, #tpu.memory_space<hbm>>
      %dma_start3A_53 = arith.constant 0 : i32
      %dma_start3A_54 = tpu.memref_slice %arg13[%dma_start3A_53] : memref<3200xf32, #tpu.memory_space<vmem>> -> memref<800xf32, #tpu.memory_space<vmem>>
      %dma_start3A_55 = tpu.memref_slice %arg2[%add3A_49] : memref<900000xf32, #tpu.memory_space<hbm>> -> memref<800xf32, #tpu.memory_space<hbm>>
      tpu.enqueue_dma source(%dma_start3A_55 : memref<800xf32, #tpu.memory_space<hbm>>) target(%dma_start3A_54 : memref<800xf32, #tpu.memory_space<vmem>>) target_semaphore(%arg21 : memref<!tpu.dma_semaphore, #tpu.memory_space<semaphore_mem>>)
      %add3A_56 = arith.constant 600000 : i32
      %add3A_57 = arith.addi %add3A_56, %mul3A_2 : i32
      %dma_start3A_58 = arith.constant 0 : i32
      %dma_start3A_59 = tpu.memref_slice %arg14[%dma_start3A_58] : memref<3200xf32, #tpu.memory_space<vmem>> -> memref<800xf32, #tpu.memory_space<vmem>>
      %dma_start3A_60 = tpu.memref_slice %arg2[%add3A_57] : memref<900000xf32, #tpu.memory_space<hbm>> -> memref<800xf32, #tpu.memory_space<hbm>>
      %dma_start3A_61 = arith.constant 0 : i32
      %dma_start3A_62 = tpu.memref_slice %arg14[%dma_start3A_61] : memref<3200xf32, #tpu.memory_space<vmem>> -> memref<800xf32, #tpu.memory_space<vmem>>
      %dma_start3A_63 = tpu.memref_slice %arg2[%add3A_57] : memref<900000xf32, #tpu.memory_space<hbm>> -> memref<800xf32, #tpu.memory_space<hbm>>
      tpu.enqueue_dma source(%dma_start3A_63 : memref<800xf32, #tpu.memory_space<hbm>>) target(%dma_start3A_62 : memref<800xf32, #tpu.memory_space<vmem>>) target_semaphore(%arg21 : memref<!tpu.dma_semaphore, #tpu.memory_space<semaphore_mem>>)
      %add3A_64 = arith.constant 700000 : i32
      %add3A_65 = arith.addi %add3A_64, %mul3A_2 : i32
      %dma_start3A_66 = arith.constant 0 : i32
      %dma_start3A_67 = tpu.memref_slice %arg15[%dma_start3A_66] : memref<3200xf32, #tpu.memory_space<vmem>> -> memref<800xf32, #tpu.memory_space<vmem>>
      %dma_start3A_68 = tpu.memref_slice %arg2[%add3A_65] : memref<900000xf32, #tpu.memory_space<hbm>> -> memref<800xf32, #tpu.memory_space<hbm>>
      %dma_start3A_69 = arith.constant 0 : i32
      %dma_start3A_70 = tpu.memref_slice %arg15[%dma_start3A_69] : memref<3200xf32, #tpu.memory_space<vmem>> -> memref<800xf32, #tpu.memory_space<vmem>>
      %dma_start3A_71 = tpu.memref_slice %arg2[%add3A_65] : memref<900000xf32, #tpu.memory_space<hbm>> -> memref<800xf32, #tpu.memory_space<hbm>>
      tpu.enqueue_dma source(%dma_start3A_71 : memref<800xf32, #tpu.memory_space<hbm>>) target(%dma_start3A_70 : memref<800xf32, #tpu.memory_space<vmem>>) target_semaphore(%arg21 : memref<!tpu.dma_semaphore, #tpu.memory_space<semaphore_mem>>)
      %add3A_72 = arith.constant 800000 : i32
      %add3A_73 = arith.addi %add3A_72, %mul3A_2 : i32
      %dma_start3A_74 = arith.constant 0 : i32
      %dma_start3A_75 = tpu.memref_slice %arg16[%dma_start3A_74] : memref<3200xf32, #tpu.memory_space<vmem>> -> memref<800xf32, #tpu.memory_space<vmem>>
      %dma_start3A_76 = tpu.memref_slice %arg2[%add3A_73] : memref<900000xf32, #tpu.memory_space<hbm>> -> memref<800xf32, #tpu.memory_space<hbm>>
      %dma_start3A_77 = arith.constant 0 : i32
      %dma_start3A_78 = tpu.memref_slice %arg16[%dma_start3A_77] : memref<3200xf32, #tpu.memory_space<vmem>> -> memref<800xf32, #tpu.memory_space<vmem>>
      %dma_start3A_79 = tpu.memref_slice %arg2[%add3A_73] : memref<900000xf32, #tpu.memory_space<hbm>> -> memref<800xf32, #tpu.memory_space<hbm>>
      tpu.enqueue_dma source(%dma_start3A_79 : memref<800xf32, #tpu.memory_space<hbm>>) target(%dma_start3A_78 : memref<800xf32, #tpu.memory_space<vmem>>) target_semaphore(%arg21 : memref<!tpu.dma_semaphore, #tpu.memory_space<semaphore_mem>>)
      %add3A_80 = arith.constant 0 : i32
      %add3A_81 = arith.addi %add3A_80, %mul3A_2 : i32
      %dma_start3A_82 = arith.constant 0 : i32
      %dma_start3A_83 = tpu.memref_slice %arg17[%dma_start3A_82] : memref<3200xf32, #tpu.memory_space<vmem>> -> memref<800xf32, #tpu.memory_space<vmem>>
      %dma_start3A_84 = tpu.memref_slice %arg3[%add3A_81] : memref<300000xf32, #tpu.memory_space<hbm>> -> memref<800xf32, #tpu.memory_space<hbm>>
      %dma_start3A_85 = arith.constant 0 : i32
      %dma_start3A_86 = tpu.memref_slice %arg17[%dma_start3A_85] : memref<3200xf32, #tpu.memory_space<vmem>> -> memref<800xf32, #tpu.memory_space<vmem>>
      %dma_start3A_87 = tpu.memref_slice %arg3[%add3A_81] : memref<300000xf32, #tpu.memory_space<hbm>> -> memref<800xf32, #tpu.memory_space<hbm>>
      tpu.enqueue_dma source(%dma_start3A_87 : memref<800xf32, #tpu.memory_space<hbm>>) target(%dma_start3A_86 : memref<800xf32, #tpu.memory_space<vmem>>) target_semaphore(%arg21 : memref<!tpu.dma_semaphore, #tpu.memory_space<semaphore_mem>>)
      %add3A_88 = arith.constant 100000 : i32
      %add3A_89 = arith.addi %add3A_88, %mul3A_2 : i32
      %dma_start3A_90 = arith.constant 0 : i32
      %dma_start3A_91 = tpu.memref_slice %arg18[%dma_start3A_90] : memref<3200xf32, #tpu.memory_space<vmem>> -> memref<800xf32, #tpu.memory_space<vmem>>
      %dma_start3A_92 = tpu.memref_slice %arg3[%add3A_89] : memref<300000xf32, #tpu.memory_space<hbm>> -> memref<800xf32, #tpu.memory_space<hbm>>
      %dma_start3A_93 = arith.constant 0 : i32
      %dma_start3A_94 = tpu.memref_slice %arg18[%dma_start3A_93] : memref<3200xf32, #tpu.memory_space<vmem>> -> memref<800xf32, #tpu.memory_space<vmem>>
      %dma_start3A_95 = tpu.memref_slice %arg3[%add3A_89] : memref<300000xf32, #tpu.memory_space<hbm>> -> memref<800xf32, #tpu.memory_space<hbm>>
      tpu.enqueue_dma source(%dma_start3A_95 : memref<800xf32, #tpu.memory_space<hbm>>) target(%dma_start3A_94 : memref<800xf32, #tpu.memory_space<vmem>>) target_semaphore(%arg21 : memref<!tpu.dma_semaphore, #tpu.memory_space<semaphore_mem>>)
      %add3A_96 = arith.constant 200000 : i32
      %add3A_97 = arith.addi %add3A_96, %mul3A_2 : i32
      %dma_start3A_98 = arith.constant 0 : i32
      %dma_start3A_99 = tpu.memref_slice %arg19[%dma_start3A_98] : memref<3200xf32, #tpu.memory_space<vmem>> -> memref<800xf32, #tpu.memory_space<vmem>>
      %dma_start3A_100 = tpu.memref_slice %arg3[%add3A_97] : memref<300000xf32, #tpu.memory_space<hbm>> -> memref<800xf32, #tpu.memory_space<hbm>>
      %dma_start3A_101 = arith.constant 0 : i32
      %dma_start3A_102 = tpu.memref_slice %arg19[%dma_start3A_101] : memref<3200xf32, #tpu.memory_space<vmem>> -> memref<800xf32, #tpu.memory_space<vmem>>
      %dma_start3A_103 = tpu.memref_slice %arg3[%add3A_97] : memref<300000xf32, #tpu.memory_space<hbm>> -> memref<800xf32, #tpu.memory_space<hbm>>
      tpu.enqueue_dma source(%dma_start3A_103 : memref<800xf32, #tpu.memory_space<hbm>>) target(%dma_start3A_102 : memref<800xf32, #tpu.memory_space<vmem>>) target_semaphore(%arg21 : memref<!tpu.dma_semaphore, #tpu.memory_space<semaphore_mem>>)
      %add3A_104 = arith.constant 0 : i32
      %add3A_105 = arith.addi %add3A_104, %mul3A_2 : i32
      %dma_start3A_106 = arith.constant 0 : i32
      %dma_start3A_107 = tpu.memref_slice %arg20[%dma_start3A_106] : memref<3200xi32, #tpu.memory_space<vmem>> -> memref<800xi32, #tpu.memory_space<vmem>>
      %dma_start3A_108 = tpu.memref_slice %arg4[%add3A_105] : memref<100000xi32, #tpu.memory_space<hbm>> -> memref<800xi32, #tpu.memory_space<hbm>>
      %dma_start3A_109 = arith.constant 0 : i32
      %dma_start3A_110 = tpu.memref_slice %arg20[%dma_start3A_109] : memref<3200xi32, #tpu.memory_space<vmem>> -> memref<800xi32, #tpu.memory_space<vmem>>
      %dma_start3A_111 = tpu.memref_slice %arg4[%add3A_105] : memref<100000xi32, #tpu.memory_space<hbm>> -> memref<800xi32, #tpu.memory_space<hbm>>
      tpu.enqueue_dma source(%dma_start3A_111 : memref<800xi32, #tpu.memory_space<hbm>>) target(%dma_start3A_110 : memref<800xi32, #tpu.memory_space<vmem>>) target_semaphore(%arg21 : memref<!tpu.dma_semaphore, #tpu.memory_space<semaphore_mem>>)
      %dma_wait3A = arith.constant 0 : i32
      %dma_wait3A_112 = tpu.memref_slice %arg8[%dma_wait3A] : memref<3200xf32, #tpu.memory_space<vmem>> -> memref<800xf32, #tpu.memory_space<vmem>>
      %dma_wait3A_113 = tpu.memref_slice %arg2[%add3A_10] : memref<900000xf32, #tpu.memory_space<hbm>> -> memref<800xf32, #tpu.memory_space<hbm>>
      %dma_wait3A_114 = arith.constant 0 : i32
      %dma_wait3A_115 = tpu.memref_slice %arg8[%dma_wait3A_114] : memref<3200xf32, #tpu.memory_space<vmem>> -> memref<800xf32, #tpu.memory_space<vmem>>
      %dma_wait3A_116 = tpu.memref_slice %arg2[%add3A_10] : memref<900000xf32, #tpu.memory_space<hbm>> -> memref<800xf32, #tpu.memory_space<hbm>>
      tpu.wait_dma2 semaphore(%arg21 : memref<!tpu.dma_semaphore, #tpu.memory_space<semaphore_mem>>) src(%dma_wait3A_116 : memref<800xf32, #tpu.memory_space<hbm>>) dst(%dma_wait3A_115 : memref<800xf32, #tpu.memory_space<vmem>>)
      %dma_wait3A_117 = arith.constant 0 : i32
      %dma_wait3A_118 = tpu.memref_slice %arg9[%dma_wait3A_117] : memref<3200xf32, #tpu.memory_space<vmem>> -> memref<800xf32, #tpu.memory_space<vmem>>
      %dma_wait3A_119 = tpu.memref_slice %arg2[%add3A_17] : memref<900000xf32, #tpu.memory_space<hbm>> -> memref<800xf32, #tpu.memory_space<hbm>>
      %dma_wait3A_120 = arith.constant 0 : i32
      %dma_wait3A_121 = tpu.memref_slice %arg9[%dma_wait3A_120] : memref<3200xf32, #tpu.memory_space<vmem>> -> memref<800xf32, #tpu.memory_space<vmem>>
      %dma_wait3A_122 = tpu.memref_slice %arg2[%add3A_17] : memref<900000xf32, #tpu.memory_space<hbm>> -> memref<800xf32, #tpu.memory_space<hbm>>
      tpu.wait_dma2 semaphore(%arg21 : memref<!tpu.dma_semaphore, #tpu.memory_space<semaphore_mem>>) src(%dma_wait3A_122 : memref<800xf32, #tpu.memory_space<hbm>>) dst(%dma_wait3A_121 : memref<800xf32, #tpu.memory_space<vmem>>)
      %dma_wait3A_123 = arith.constant 0 : i32
      %dma_wait3A_124 = tpu.memref_slice %arg10[%dma_wait3A_123] : memref<3200xf32, #tpu.memory_space<vmem>> -> memref<800xf32, #tpu.memory_space<vmem>>
      %dma_wait3A_125 = tpu.memref_slice %arg2[%add3A_25] : memref<900000xf32, #tpu.memory_space<hbm>> -> memref<800xf32, #tpu.memory_space<hbm>>
      %dma_wait3A_126 = arith.constant 0 : i32
      %dma_wait3A_127 = tpu.memref_slice %arg10[%dma_wait3A_126] : memref<3200xf32, #tpu.memory_space<vmem>> -> memref<800xf32, #tpu.memory_space<vmem>>
      %dma_wait3A_128 = tpu.memref_slice %arg2[%add3A_25] : memref<900000xf32, #tpu.memory_space<hbm>> -> memref<800xf32, #tpu.memory_space<hbm>>
      tpu.wait_dma2 semaphore(%arg21 : memref<!tpu.dma_semaphore, #tpu.memory_space<semaphore_mem>>) src(%dma_wait3A_128 : memref<800xf32, #tpu.memory_space<hbm>>) dst(%dma_wait3A_127 : memref<800xf32, #tpu.memory_space<vmem>>)
      %dma_wait3A_129 = arith.constant 0 : i32
      %dma_wait3A_130 = tpu.memref_slice %arg11[%dma_wait3A_129] : memref<3200xf32, #tpu.memory_space<vmem>> -> memref<800xf32, #tpu.memory_space<vmem>>
      %dma_wait3A_131 = tpu.memref_slice %arg2[%add3A_33] : memref<900000xf32, #tpu.memory_space<hbm>> -> memref<800xf32, #tpu.memory_space<hbm>>
      %dma_wait3A_132 = arith.constant 0 : i32
      %dma_wait3A_133 = tpu.memref_slice %arg11[%dma_wait3A_132] : memref<3200xf32, #tpu.memory_space<vmem>> -> memref<800xf32, #tpu.memory_space<vmem>>
      %dma_wait3A_134 = tpu.memref_slice %arg2[%add3A_33] : memref<900000xf32, #tpu.memory_space<hbm>> -> memref<800xf32, #tpu.memory_space<hbm>>
      tpu.wait_dma2 semaphore(%arg21 : memref<!tpu.dma_semaphore, #tpu.memory_space<semaphore_mem>>) src(%dma_wait3A_134 : memref<800xf32, #tpu.memory_space<hbm>>) dst(%dma_wait3A_133 : memref<800xf32, #tpu.memory_space<vmem>>)
      %dma_wait3A_135 = arith.constant 0 : i32
      %dma_wait3A_136 = tpu.memref_slice %arg12[%dma_wait3A_135] : memref<3200xf32, #tpu.memory_space<vmem>> -> memref<800xf32, #tpu.memory_space<vmem>>
      %dma_wait3A_137 = tpu.memref_slice %arg2[%add3A_41] : memref<900000xf32, #tpu.memory_space<hbm>> -> memref<800xf32, #tpu.memory_space<hbm>>
      %dma_wait3A_138 = arith.constant 0 : i32
      %dma_wait3A_139 = tpu.memref_slice %arg12[%dma_wait3A_138] : memref<3200xf32, #tpu.memory_space<vmem>> -> memref<800xf32, #tpu.memory_space<vmem>>
      %dma_wait3A_140 = tpu.memref_slice %arg2[%add3A_41] : memref<900000xf32, #tpu.memory_space<hbm>> -> memref<800xf32, #tpu.memory_space<hbm>>
      tpu.wait_dma2 semaphore(%arg21 : memref<!tpu.dma_semaphore, #tpu.memory_space<semaphore_mem>>) src(%dma_wait3A_140 : memref<800xf32, #tpu.memory_space<hbm>>) dst(%dma_wait3A_139 : memref<800xf32, #tpu.memory_space<vmem>>)
      %dma_wait3A_141 = arith.constant 0 : i32
      %dma_wait3A_142 = tpu.memref_slice %arg13[%dma_wait3A_141] : memref<3200xf32, #tpu.memory_space<vmem>> -> memref<800xf32, #tpu.memory_space<vmem>>
      %dma_wait3A_143 = tpu.memref_slice %arg2[%add3A_49] : memref<900000xf32, #tpu.memory_space<hbm>> -> memref<800xf32, #tpu.memory_space<hbm>>
      %dma_wait3A_144 = arith.constant 0 : i32
      %dma_wait3A_145 = tpu.memref_slice %arg13[%dma_wait3A_144] : memref<3200xf32, #tpu.memory_space<vmem>> -> memref<800xf32, #tpu.memory_space<vmem>>
      %dma_wait3A_146 = tpu.memref_slice %arg2[%add3A_49] : memref<900000xf32, #tpu.memory_space<hbm>> -> memref<800xf32, #tpu.memory_space<hbm>>
      tpu.wait_dma2 semaphore(%arg21 : memref<!tpu.dma_semaphore, #tpu.memory_space<semaphore_mem>>) src(%dma_wait3A_146 : memref<800xf32, #tpu.memory_space<hbm>>) dst(%dma_wait3A_145 : memref<800xf32, #tpu.memory_space<vmem>>)
      %dma_wait3A_147 = arith.constant 0 : i32
      %dma_wait3A_148 = tpu.memref_slice %arg14[%dma_wait3A_147] : memref<3200xf32, #tpu.memory_space<vmem>> -> memref<800xf32, #tpu.memory_space<vmem>>
      %dma_wait3A_149 = tpu.memref_slice %arg2[%add3A_57] : memref<900000xf32, #tpu.memory_space<hbm>> -> memref<800xf32, #tpu.memory_space<hbm>>
      %dma_wait3A_150 = arith.constant 0 : i32
      %dma_wait3A_151 = tpu.memref_slice %arg14[%dma_wait3A_150] : memref<3200xf32, #tpu.memory_space<vmem>> -> memref<800xf32, #tpu.memory_space<vmem>>
      %dma_wait3A_152 = tpu.memref_slice %arg2[%add3A_57] : memref<900000xf32, #tpu.memory_space<hbm>> -> memref<800xf32, #tpu.memory_space<hbm>>
      tpu.wait_dma2 semaphore(%arg21 : memref<!tpu.dma_semaphore, #tpu.memory_space<semaphore_mem>>) src(%dma_wait3A_152 : memref<800xf32, #tpu.memory_space<hbm>>) dst(%dma_wait3A_151 : memref<800xf32, #tpu.memory_space<vmem>>)
      %dma_wait3A_153 = arith.constant 0 : i32
      %dma_wait3A_154 = tpu.memref_slice %arg15[%dma_wait3A_153] : memref<3200xf32, #tpu.memory_space<vmem>> -> memref<800xf32, #tpu.memory_space<vmem>>
      %dma_wait3A_155 = tpu.memref_slice %arg2[%add3A_65] : memref<900000xf32, #tpu.memory_space<hbm>> -> memref<800xf32, #tpu.memory_space<hbm>>
      %dma_wait3A_156 = arith.constant 0 : i32
      %dma_wait3A_157 = tpu.memref_slice %arg15[%dma_wait3A_156] : memref<3200xf32, #tpu.memory_space<vmem>> -> memref<800xf32, #tpu.memory_space<vmem>>
      %dma_wait3A_158 = tpu.memref_slice %arg2[%add3A_65] : memref<900000xf32, #tpu.memory_space<hbm>> -> memref<800xf32, #tpu.memory_space<hbm>>
      tpu.wait_dma2 semaphore(%arg21 : memref<!tpu.dma_semaphore, #tpu.memory_space<semaphore_mem>>) src(%dma_wait3A_158 : memref<800xf32, #tpu.memory_space<hbm>>) dst(%dma_wait3A_157 : memref<800xf32, #tpu.memory_space<vmem>>)
      %dma_wait3A_159 = arith.constant 0 : i32
      %dma_wait3A_160 = tpu.memref_slice %arg16[%dma_wait3A_159] : memref<3200xf32, #tpu.memory_space<vmem>> -> memref<800xf32, #tpu.memory_space<vmem>>
      %dma_wait3A_161 = tpu.memref_slice %arg2[%add3A_73] : memref<900000xf32, #tpu.memory_space<hbm>> -> memref<800xf32, #tpu.memory_space<hbm>>
      %dma_wait3A_162 = arith.constant 0 : i32
      %dma_wait3A_163 = tpu.memref_slice %arg16[%dma_wait3A_162] : memref<3200xf32, #tpu.memory_space<vmem>> -> memref<800xf32, #tpu.memory_space<vmem>>
      %dma_wait3A_164 = tpu.memref_slice %arg2[%add3A_73] : memref<900000xf32, #tpu.memory_space<hbm>> -> memref<800xf32, #tpu.memory_space<hbm>>
      tpu.wait_dma2 semaphore(%arg21 : memref<!tpu.dma_semaphore, #tpu.memory_space<semaphore_mem>>) src(%dma_wait3A_164 : memref<800xf32, #tpu.memory_space<hbm>>) dst(%dma_wait3A_163 : memref<800xf32, #tpu.memory_space<vmem>>)
      %dma_wait3A_165 = arith.constant 0 : i32
      %dma_wait3A_166 = tpu.memref_slice %arg17[%dma_wait3A_165] : memref<3200xf32, #tpu.memory_space<vmem>> -> memref<800xf32, #tpu.memory_space<vmem>>
      %dma_wait3A_167 = tpu.memref_slice %arg3[%add3A_81] : memref<300000xf32, #tpu.memory_space<hbm>> -> memref<800xf32, #tpu.memory_space<hbm>>
      %dma_wait3A_168 = arith.constant 0 : i32
      %dma_wait3A_169 = tpu.memref_slice %arg17[%dma_wait3A_168] : memref<3200xf32, #tpu.memory_space<vmem>> -> memref<800xf32, #tpu.memory_space<vmem>>
      %dma_wait3A_170 = tpu.memref_slice %arg3[%add3A_81] : memref<300000xf32, #tpu.memory_space<hbm>> -> memref<800xf32, #tpu.memory_space<hbm>>
      tpu.wait_dma2 semaphore(%arg21 : memref<!tpu.dma_semaphore, #tpu.memory_space<semaphore_mem>>) src(%dma_wait3A_170 : memref<800xf32, #tpu.memory_space<hbm>>) dst(%dma_wait3A_169 : memref<800xf32, #tpu.memory_space<vmem>>)
      %dma_wait3A_171 = arith.constant 0 : i32
      %dma_wait3A_172 = tpu.memref_slice %arg18[%dma_wait3A_171] : memref<3200xf32, #tpu.memory_space<vmem>> -> memref<800xf32, #tpu.memory_space<vmem>>
      %dma_wait3A_173 = tpu.memref_slice %arg3[%add3A_89] : memref<300000xf32, #tpu.memory_space<hbm>> -> memref<800xf32, #tpu.memory_space<hbm>>
      %dma_wait3A_174 = arith.constant 0 : i32
      %dma_wait3A_175 = tpu.memref_slice %arg18[%dma_wait3A_174] : memref<3200xf32, #tpu.memory_space<vmem>> -> memref<800xf32, #tpu.memory_space<vmem>>
      %dma_wait3A_176 = tpu.memref_slice %arg3[%add3A_89] : memref<300000xf32, #tpu.memory_space<hbm>> -> memref<800xf32, #tpu.memory_space<hbm>>
      tpu.wait_dma2 semaphore(%arg21 : memref<!tpu.dma_semaphore, #tpu.memory_space<semaphore_mem>>) src(%dma_wait3A_176 : memref<800xf32, #tpu.memory_space<hbm>>) dst(%dma_wait3A_175 : memref<800xf32, #tpu.memory_space<vmem>>)
      %dma_wait3A_177 = arith.constant 0 : i32
      %dma_wait3A_178 = tpu.memref_slice %arg19[%dma_wait3A_177] : memref<3200xf32, #tpu.memory_space<vmem>> -> memref<800xf32, #tpu.memory_space<vmem>>
      %dma_wait3A_179 = tpu.memref_slice %arg3[%add3A_97] : memref<300000xf32, #tpu.memory_space<hbm>> -> memref<800xf32, #tpu.memory_space<hbm>>
      %dma_wait3A_180 = arith.constant 0 : i32
      %dma_wait3A_181 = tpu.memref_slice %arg19[%dma_wait3A_180] : memref<3200xf32, #tpu.memory_space<vmem>> -> memref<800xf32, #tpu.memory_space<vmem>>
      %dma_wait3A_182 = tpu.memref_slice %arg3[%add3A_97] : memref<300000xf32, #tpu.memory_space<hbm>> -> memref<800xf32, #tpu.memory_space<hbm>>
      tpu.wait_dma2 semaphore(%arg21 : memref<!tpu.dma_semaphore, #tpu.memory_space<semaphore_mem>>) src(%dma_wait3A_182 : memref<800xf32, #tpu.memory_space<hbm>>) dst(%dma_wait3A_181 : memref<800xf32, #tpu.memory_space<vmem>>)
      %dma_wait3A_183 = arith.constant 0 : i32
      %dma_wait3A_184 = tpu.memref_slice %arg20[%dma_wait3A_183] : memref<3200xi32, #tpu.memory_space<vmem>> -> memref<800xi32, #tpu.memory_space<vmem>>
      %dma_wait3A_185 = tpu.memref_slice %arg4[%add3A_105] : memref<100000xi32, #tpu.memory_space<hbm>> -> memref<800xi32, #tpu.memory_space<hbm>>
      %dma_wait3A_186 = arith.constant 0 : i32
      %dma_wait3A_187 = tpu.memref_slice %arg20[%dma_wait3A_186] : memref<3200xi32, #tpu.memory_space<vmem>> -> memref<800xi32, #tpu.memory_space<vmem>>
      %dma_wait3A_188 = tpu.memref_slice %arg4[%add3A_105] : memref<100000xi32, #tpu.memory_space<hbm>> -> memref<800xi32, #tpu.memory_space<hbm>>
      tpu.wait_dma2 semaphore(%arg21 : memref<!tpu.dma_semaphore, #tpu.memory_space<semaphore_mem>>) src(%dma_wait3A_188 : memref<800xi32, #tpu.memory_space<hbm>>) dst(%dma_wait3A_187 : memref<800xi32, #tpu.memory_space<vmem>>)
      %add3A_189 = arith.constant 0 : i32
      %add3A_190 = arith.addi %add3A_189, %mul3A_2 : i32
      %dma_start3A_191 = arith.constant 0 : i32
      %dma_start3A_192 = tpu.memref_slice %arg8[%dma_start3A_191] : memref<3200xf32, #tpu.memory_space<vmem>> -> memref<800xf32, #tpu.memory_space<vmem>>
      %dma_start3A_193 = tpu.memref_slice %arg5[%add3A_190] : memref<921600xf32, #tpu.memory_space<hbm>> -> memref<800xf32, #tpu.memory_space<hbm>>
      %dma_start3A_194 = tpu.memref_slice %arg5[%add3A_190] : memref<921600xf32, #tpu.memory_space<hbm>> -> memref<800xf32, #tpu.memory_space<hbm>>
      %dma_start3A_195 = arith.constant 0 : i32
      %dma_start3A_196 = tpu.memref_slice %arg8[%dma_start3A_195] : memref<3200xf32, #tpu.memory_space<vmem>> -> memref<800xf32, #tpu.memory_space<vmem>>
      tpu.enqueue_dma source(%dma_start3A_196 : memref<800xf32, #tpu.memory_space<vmem>>) target(%dma_start3A_194 : memref<800xf32, #tpu.memory_space<hbm>>) target_semaphore(%arg21 : memref<!tpu.dma_semaphore, #tpu.memory_space<semaphore_mem>>)
      %add3A_197 = arith.constant 102400 : i32
      %add3A_198 = arith.addi %add3A_197, %mul3A_2 : i32
      %dma_start3A_199 = arith.constant 0 : i32
      %dma_start3A_200 = tpu.memref_slice %arg9[%dma_start3A_199] : memref<3200xf32, #tpu.memory_space<vmem>> -> memref<800xf32, #tpu.memory_space<vmem>>
      %dma_start3A_201 = tpu.memref_slice %arg5[%add3A_198] : memref<921600xf32, #tpu.memory_space<hbm>> -> memref<800xf32, #tpu.memory_space<hbm>>
      %dma_start3A_202 = tpu.memref_slice %arg5[%add3A_198] : memref<921600xf32, #tpu.memory_space<hbm>> -> memref<800xf32, #tpu.memory_space<hbm>>
      %dma_start3A_203 = arith.constant 0 : i32
      %dma_start3A_204 = tpu.memref_slice %arg9[%dma_start3A_203] : memref<3200xf32, #tpu.memory_space<vmem>> -> memref<800xf32, #tpu.memory_space<vmem>>
      tpu.enqueue_dma source(%dma_start3A_204 : memref<800xf32, #tpu.memory_space<vmem>>) target(%dma_start3A_202 : memref<800xf32, #tpu.memory_space<hbm>>) target_semaphore(%arg21 : memref<!tpu.dma_semaphore, #tpu.memory_space<semaphore_mem>>)
      %add3A_205 = arith.constant 204800 : i32
      %add3A_206 = arith.addi %add3A_205, %mul3A_2 : i32
      %dma_start3A_207 = arith.constant 0 : i32
      %dma_start3A_208 = tpu.memref_slice %arg10[%dma_start3A_207] : memref<3200xf32, #tpu.memory_space<vmem>> -> memref<800xf32, #tpu.memory_space<vmem>>
      %dma_start3A_209 = tpu.memref_slice %arg5[%add3A_206] : memref<921600xf32, #tpu.memory_space<hbm>> -> memref<800xf32, #tpu.memory_space<hbm>>
      %dma_start3A_210 = tpu.memref_slice %arg5[%add3A_206] : memref<921600xf32, #tpu.memory_space<hbm>> -> memref<800xf32, #tpu.memory_space<hbm>>
      %dma_start3A_211 = arith.constant 0 : i32
      %dma_start3A_212 = tpu.memref_slice %arg10[%dma_start3A_211] : memref<3200xf32, #tpu.memory_space<vmem>> -> memref<800xf32, #tpu.memory_space<vmem>>
      tpu.enqueue_dma source(%dma_start3A_212 : memref<800xf32, #tpu.memory_space<vmem>>) target(%dma_start3A_210 : memref<800xf32, #tpu.memory_space<hbm>>) target_semaphore(%arg21 : memref<!tpu.dma_semaphore, #tpu.memory_space<semaphore_mem>>)
      %add3A_213 = arith.constant 307200 : i32
      %add3A_214 = arith.addi %add3A_213, %mul3A_2 : i32
      %dma_start3A_215 = arith.constant 0 : i32
      %dma_start3A_216 = tpu.memref_slice %arg11[%dma_start3A_215] : memref<3200xf32, #tpu.memory_space<vmem>> -> memref<800xf32, #tpu.memory_space<vmem>>
      %dma_start3A_217 = tpu.memref_slice %arg5[%add3A_214] : memref<921600xf32, #tpu.memory_space<hbm>> -> memref<800xf32, #tpu.memory_space<hbm>>
      %dma_start3A_218 = tpu.memref_slice %arg5[%add3A_214] : memref<921600xf32, #tpu.memory_space<hbm>> -> memref<800xf32, #tpu.memory_space<hbm>>
      %dma_start3A_219 = arith.constant 0 : i32
      %dma_start3A_220 = tpu.memref_slice %arg11[%dma_start3A_219] : memref<3200xf32, #tpu.memory_space<vmem>> -> memref<800xf32, #tpu.memory_space<vmem>>
      tpu.enqueue_dma source(%dma_start3A_220 : memref<800xf32, #tpu.memory_space<vmem>>) target(%dma_start3A_218 : memref<800xf32, #tpu.memory_space<hbm>>) target_semaphore(%arg21 : memref<!tpu.dma_semaphore, #tpu.memory_space<semaphore_mem>>)
      %add3A_221 = arith.constant 409600 : i32
      %add3A_222 = arith.addi %add3A_221, %mul3A_2 : i32
      %dma_start3A_223 = arith.constant 0 : i32
      %dma_start3A_224 = tpu.memref_slice %arg12[%dma_start3A_223] : memref<3200xf32, #tpu.memory_space<vmem>> -> memref<800xf32, #tpu.memory_space<vmem>>
      %dma_start3A_225 = tpu.memref_slice %arg5[%add3A_222] : memref<921600xf32, #tpu.memory_space<hbm>> -> memref<800xf32, #tpu.memory_space<hbm>>
      %dma_start3A_226 = tpu.memref_slice %arg5[%add3A_222] : memref<921600xf32, #tpu.memory_space<hbm>> -> memref<800xf32, #tpu.memory_space<hbm>>
      %dma_start3A_227 = arith.constant 0 : i32
      %dma_start3A_228 = tpu.memref_slice %arg12[%dma_start3A_227] : memref<3200xf32, #tpu.memory_space<vmem>> -> memref<800xf32, #tpu.memory_space<vmem>>
      tpu.enqueue_dma source(%dma_start3A_228 : memref<800xf32, #tpu.memory_space<vmem>>) target(%dma_start3A_226 : memref<800xf32, #tpu.memory_space<hbm>>) target_semaphore(%arg21 : memref<!tpu.dma_semaphore, #tpu.memory_space<semaphore_mem>>)
      %add3A_229 = arith.constant 512000 : i32
      %add3A_230 = arith.addi %add3A_229, %mul3A_2 : i32
      %dma_start3A_231 = arith.constant 0 : i32
      %dma_start3A_232 = tpu.memref_slice %arg13[%dma_start3A_231] : memref<3200xf32, #tpu.memory_space<vmem>> -> memref<800xf32, #tpu.memory_space<vmem>>
      %dma_start3A_233 = tpu.memref_slice %arg5[%add3A_230] : memref<921600xf32, #tpu.memory_space<hbm>> -> memref<800xf32, #tpu.memory_space<hbm>>
      %dma_start3A_234 = tpu.memref_slice %arg5[%add3A_230] : memref<921600xf32, #tpu.memory_space<hbm>> -> memref<800xf32, #tpu.memory_space<hbm>>
      %dma_start3A_235 = arith.constant 0 : i32
      %dma_start3A_236 = tpu.memref_slice %arg13[%dma_start3A_235] : memref<3200xf32, #tpu.memory_space<vmem>> -> memref<800xf32, #tpu.memory_space<vmem>>
      tpu.enqueue_dma source(%dma_start3A_236 : memref<800xf32, #tpu.memory_space<vmem>>) target(%dma_start3A_234 : memref<800xf32, #tpu.memory_space<hbm>>) target_semaphore(%arg21 : memref<!tpu.dma_semaphore, #tpu.memory_space<semaphore_mem>>)
      %add3A_237 = arith.constant 614400 : i32
      %add3A_238 = arith.addi %add3A_237, %mul3A_2 : i32
      %dma_start3A_239 = arith.constant 0 : i32
      %dma_start3A_240 = tpu.memref_slice %arg14[%dma_start3A_239] : memref<3200xf32, #tpu.memory_space<vmem>> -> memref<800xf32, #tpu.memory_space<vmem>>
      %dma_start3A_241 = tpu.memref_slice %arg5[%add3A_238] : memref<921600xf32, #tpu.memory_space<hbm>> -> memref<800xf32, #tpu.memory_space<hbm>>
      %dma_start3A_242 = tpu.memref_slice %arg5[%add3A_238] : memref<921600xf32, #tpu.memory_space<hbm>> -> memref<800xf32, #tpu.memory_space<hbm>>
      %dma_start3A_243 = arith.constant 0 : i32
      %dma_start3A_244 = tpu.memref_slice %arg14[%dma_start3A_243] : memref<3200xf32, #tpu.memory_space<vmem>> -> memref<800xf32, #tpu.memory_space<vmem>>
      tpu.enqueue_dma source(%dma_start3A_244 : memref<800xf32, #tpu.memory_space<vmem>>) target(%dma_start3A_242 : memref<800xf32, #tpu.memory_space<hbm>>) target_semaphore(%arg21 : memref<!tpu.dma_semaphore, #tpu.memory_space<semaphore_mem>>)
      %add3A_245 = arith.constant 716800 : i32
      %add3A_246 = arith.addi %add3A_245, %mul3A_2 : i32
      %dma_start3A_247 = arith.constant 0 : i32
      %dma_start3A_248 = tpu.memref_slice %arg15[%dma_start3A_247] : memref<3200xf32, #tpu.memory_space<vmem>> -> memref<800xf32, #tpu.memory_space<vmem>>
      %dma_start3A_249 = tpu.memref_slice %arg5[%add3A_246] : memref<921600xf32, #tpu.memory_space<hbm>> -> memref<800xf32, #tpu.memory_space<hbm>>
      %dma_start3A_250 = tpu.memref_slice %arg5[%add3A_246] : memref<921600xf32, #tpu.memory_space<hbm>> -> memref<800xf32, #tpu.memory_space<hbm>>
      %dma_start3A_251 = arith.constant 0 : i32
      %dma_start3A_252 = tpu.memref_slice %arg15[%dma_start3A_251] : memref<3200xf32, #tpu.memory_space<vmem>> -> memref<800xf32, #tpu.memory_space<vmem>>
      tpu.enqueue_dma source(%dma_start3A_252 : memref<800xf32, #tpu.memory_space<vmem>>) target(%dma_start3A_250 : memref<800xf32, #tpu.memory_space<hbm>>) target_semaphore(%arg21 : memref<!tpu.dma_semaphore, #tpu.memory_space<semaphore_mem>>)
      %add3A_253 = arith.constant 819200 : i32
      %add3A_254 = arith.addi %add3A_253, %mul3A_2 : i32
      %dma_start3A_255 = arith.constant 0 : i32
      %dma_start3A_256 = tpu.memref_slice %arg16[%dma_start3A_255] : memref<3200xf32, #tpu.memory_space<vmem>> -> memref<800xf32, #tpu.memory_space<vmem>>
      %dma_start3A_257 = tpu.memref_slice %arg5[%add3A_254] : memref<921600xf32, #tpu.memory_space<hbm>> -> memref<800xf32, #tpu.memory_space<hbm>>
      %dma_start3A_258 = tpu.memref_slice %arg5[%add3A_254] : memref<921600xf32, #tpu.memory_space<hbm>> -> memref<800xf32, #tpu.memory_space<hbm>>
      %dma_start3A_259 = arith.constant 0 : i32
      %dma_start3A_260 = tpu.memref_slice %arg16[%dma_start3A_259] : memref<3200xf32, #tpu.memory_space<vmem>> -> memref<800xf32, #tpu.memory_space<vmem>>
      tpu.enqueue_dma source(%dma_start3A_260 : memref<800xf32, #tpu.memory_space<vmem>>) target(%dma_start3A_258 : memref<800xf32, #tpu.memory_space<hbm>>) target_semaphore(%arg21 : memref<!tpu.dma_semaphore, #tpu.memory_space<semaphore_mem>>)
      %add3A_261 = arith.constant 0 : i32
      %add3A_262 = arith.addi %add3A_261, %mul3A_2 : i32
      %dma_start3A_263 = arith.constant 0 : i32
      %dma_start3A_264 = tpu.memref_slice %arg17[%dma_start3A_263] : memref<3200xf32, #tpu.memory_space<vmem>> -> memref<800xf32, #tpu.memory_space<vmem>>
      %dma_start3A_265 = tpu.memref_slice %arg6[%add3A_262] : memref<307200xf32, #tpu.memory_space<hbm>> -> memref<800xf32, #tpu.memory_space<hbm>>
      %dma_start3A_266 = tpu.memref_slice %arg6[%add3A_262] : memref<307200xf32, #tpu.memory_space<hbm>> -> memref<800xf32, #tpu.memory_space<hbm>>
      %dma_start3A_267 = arith.constant 0 : i32
      %dma_start3A_268 = tpu.memref_slice %arg17[%dma_start3A_267] : memref<3200xf32, #tpu.memory_space<vmem>> -> memref<800xf32, #tpu.memory_space<vmem>>
      tpu.enqueue_dma source(%dma_start3A_268 : memref<800xf32, #tpu.memory_space<vmem>>) target(%dma_start3A_266 : memref<800xf32, #tpu.memory_space<hbm>>) target_semaphore(%arg21 : memref<!tpu.dma_semaphore, #tpu.memory_space<semaphore_mem>>)
      %add3A_269 = arith.constant 102400 : i32
      %add3A_270 = arith.addi %add3A_269, %mul3A_2 : i32
      %dma_start3A_271 = arith.constant 0 : i32
      %dma_start3A_272 = tpu.memref_slice %arg18[%dma_start3A_271] : memref<3200xf32, #tpu.memory_space<vmem>> -> memref<800xf32, #tpu.memory_space<vmem>>
      %dma_start3A_273 = tpu.memref_slice %arg6[%add3A_270] : memref<307200xf32, #tpu.memory_space<hbm>> -> memref<800xf32, #tpu.memory_space<hbm>>
      %dma_start3A_274 = tpu.memref_slice %arg6[%add3A_270] : memref<307200xf32, #tpu.memory_space<hbm>> -> memref<800xf32, #tpu.memory_space<hbm>>
      %dma_start3A_275 = arith.constant 0 : i32
      %dma_start3A_276 = tpu.memref_slice %arg18[%dma_start3A_275] : memref<3200xf32, #tpu.memory_space<vmem>> -> memref<800xf32, #tpu.memory_space<vmem>>
      tpu.enqueue_dma source(%dma_start3A_276 : memref<800xf32, #tpu.memory_space<vmem>>) target(%dma_start3A_274 : memref<800xf32, #tpu.memory_space<hbm>>) target_semaphore(%arg21 : memref<!tpu.dma_semaphore, #tpu.memory_space<semaphore_mem>>)
      %add3A_277 = arith.constant 204800 : i32
      %add3A_278 = arith.addi %add3A_277, %mul3A_2 : i32
      %dma_start3A_279 = arith.constant 0 : i32
      %dma_start3A_280 = tpu.memref_slice %arg19[%dma_start3A_279] : memref<3200xf32, #tpu.memory_space<vmem>> -> memref<800xf32, #tpu.memory_space<vmem>>
      %dma_start3A_281 = tpu.memref_slice %arg6[%add3A_278] : memref<307200xf32, #tpu.memory_space<hbm>> -> memref<800xf32, #tpu.memory_space<hbm>>
      %dma_start3A_282 = tpu.memref_slice %arg6[%add3A_278] : memref<307200xf32, #tpu.memory_space<hbm>> -> memref<800xf32, #tpu.memory_space<hbm>>
      %dma_start3A_283 = arith.constant 0 : i32
      %dma_start3A_284 = tpu.memref_slice %arg19[%dma_start3A_283] : memref<3200xf32, #tpu.memory_space<vmem>> -> memref<800xf32, #tpu.memory_space<vmem>>
      tpu.enqueue_dma source(%dma_start3A_284 : memref<800xf32, #tpu.memory_space<vmem>>) target(%dma_start3A_282 : memref<800xf32, #tpu.memory_space<hbm>>) target_semaphore(%arg21 : memref<!tpu.dma_semaphore, #tpu.memory_space<semaphore_mem>>)
      %add3A_285 = arith.constant 0 : i32
      %add3A_286 = arith.addi %add3A_285, %mul3A_2 : i32
      %dma_start3A_287 = arith.constant 0 : i32
      %dma_start3A_288 = tpu.memref_slice %arg20[%dma_start3A_287] : memref<3200xi32, #tpu.memory_space<vmem>> -> memref<800xi32, #tpu.memory_space<vmem>>
      %dma_start3A_289 = tpu.memref_slice %arg7[%add3A_286] : memref<102400xi32, #tpu.memory_space<hbm>> -> memref<800xi32, #tpu.memory_space<hbm>>
      %dma_start3A_290 = tpu.memref_slice %arg7[%add3A_286] : memref<102400xi32, #tpu.memory_space<hbm>> -> memref<800xi32, #tpu.memory_space<hbm>>
      %dma_start3A_291 = arith.constant 0 : i32
      %dma_start3A_292 = tpu.memref_slice %arg20[%dma_start3A_291] : memref<3200xi32, #tpu.memory_space<vmem>> -> memref<800xi32, #tpu.memory_space<vmem>>
      tpu.enqueue_dma source(%dma_start3A_292 : memref<800xi32, #tpu.memory_space<vmem>>) target(%dma_start3A_290 : memref<800xi32, #tpu.memory_space<hbm>>) target_semaphore(%arg21 : memref<!tpu.dma_semaphore, #tpu.memory_space<semaphore_mem>>)
      %dma_wait3A_293 = arith.constant 0 : i32
      %dma_wait3A_294 = tpu.memref_slice %arg8[%dma_wait3A_293] : memref<3200xf32, #tpu.memory_space<vmem>> -> memref<800xf32, #tpu.memory_space<vmem>>
      %dma_wait3A_295 = tpu.memref_slice %arg5[%add3A_190] : memref<921600xf32, #tpu.memory_space<hbm>> -> memref<800xf32, #tpu.memory_space<hbm>>
      %dma_wait3A_296 = tpu.memref_slice %arg5[%add3A_190] : memref<921600xf32, #tpu.memory_space<hbm>> -> memref<800xf32, #tpu.memory_space<hbm>>
      %dma_wait3A_297 = arith.constant 0 : i32
      %dma_wait3A_298 = tpu.memref_slice %arg8[%dma_wait3A_297] : memref<3200xf32, #tpu.memory_space<vmem>> -> memref<800xf32, #tpu.memory_space<vmem>>
      tpu.wait_dma2 semaphore(%arg21 : memref<!tpu.dma_semaphore, #tpu.memory_space<semaphore_mem>>) src(%dma_wait3A_298 : memref<800xf32, #tpu.memory_space<vmem>>) dst(%dma_wait3A_296 : memref<800xf32, #tpu.memory_space<hbm>>)
      %dma_wait3A_299 = arith.constant 0 : i32
      %dma_wait3A_300 = tpu.memref_slice %arg9[%dma_wait3A_299] : memref<3200xf32, #tpu.memory_space<vmem>> -> memref<800xf32, #tpu.memory_space<vmem>>
      %dma_wait3A_301 = tpu.memref_slice %arg5[%add3A_198] : memref<921600xf32, #tpu.memory_space<hbm>> -> memref<800xf32, #tpu.memory_space<hbm>>
      %dma_wait3A_302 = tpu.memref_slice %arg5[%add3A_198] : memref<921600xf32, #tpu.memory_space<hbm>> -> memref<800xf32, #tpu.memory_space<hbm>>
      %dma_wait3A_303 = arith.constant 0 : i32
      %dma_wait3A_304 = tpu.memref_slice %arg9[%dma_wait3A_303] : memref<3200xf32, #tpu.memory_space<vmem>> -> memref<800xf32, #tpu.memory_space<vmem>>
      tpu.wait_dma2 semaphore(%arg21 : memref<!tpu.dma_semaphore, #tpu.memory_space<semaphore_mem>>) src(%dma_wait3A_304 : memref<800xf32, #tpu.memory_space<vmem>>) dst(%dma_wait3A_302 : memref<800xf32, #tpu.memory_space<hbm>>)
      %dma_wait3A_305 = arith.constant 0 : i32
      %dma_wait3A_306 = tpu.memref_slice %arg10[%dma_wait3A_305] : memref<3200xf32, #tpu.memory_space<vmem>> -> memref<800xf32, #tpu.memory_space<vmem>>
      %dma_wait3A_307 = tpu.memref_slice %arg5[%add3A_206] : memref<921600xf32, #tpu.memory_space<hbm>> -> memref<800xf32, #tpu.memory_space<hbm>>
      %dma_wait3A_308 = tpu.memref_slice %arg5[%add3A_206] : memref<921600xf32, #tpu.memory_space<hbm>> -> memref<800xf32, #tpu.memory_space<hbm>>
      %dma_wait3A_309 = arith.constant 0 : i32
      %dma_wait3A_310 = tpu.memref_slice %arg10[%dma_wait3A_309] : memref<3200xf32, #tpu.memory_space<vmem>> -> memref<800xf32, #tpu.memory_space<vmem>>
      tpu.wait_dma2 semaphore(%arg21 : memref<!tpu.dma_semaphore, #tpu.memory_space<semaphore_mem>>) src(%dma_wait3A_310 : memref<800xf32, #tpu.memory_space<vmem>>) dst(%dma_wait3A_308 : memref<800xf32, #tpu.memory_space<hbm>>)
      %dma_wait3A_311 = arith.constant 0 : i32
      %dma_wait3A_312 = tpu.memref_slice %arg11[%dma_wait3A_311] : memref<3200xf32, #tpu.memory_space<vmem>> -> memref<800xf32, #tpu.memory_space<vmem>>
      %dma_wait3A_313 = tpu.memref_slice %arg5[%add3A_214] : memref<921600xf32, #tpu.memory_space<hbm>> -> memref<800xf32, #tpu.memory_space<hbm>>
      %dma_wait3A_314 = tpu.memref_slice %arg5[%add3A_214] : memref<921600xf32, #tpu.memory_space<hbm>> -> memref<800xf32, #tpu.memory_space<hbm>>
      %dma_wait3A_315 = arith.constant 0 : i32
      %dma_wait3A_316 = tpu.memref_slice %arg11[%dma_wait3A_315] : memref<3200xf32, #tpu.memory_space<vmem>> -> memref<800xf32, #tpu.memory_space<vmem>>
      tpu.wait_dma2 semaphore(%arg21 : memref<!tpu.dma_semaphore, #tpu.memory_space<semaphore_mem>>) src(%dma_wait3A_316 : memref<800xf32, #tpu.memory_space<vmem>>) dst(%dma_wait3A_314 : memref<800xf32, #tpu.memory_space<hbm>>)
      %dma_wait3A_317 = arith.constant 0 : i32
      %dma_wait3A_318 = tpu.memref_slice %arg12[%dma_wait3A_317] : memref<3200xf32, #tpu.memory_space<vmem>> -> memref<800xf32, #tpu.memory_space<vmem>>
      %dma_wait3A_319 = tpu.memref_slice %arg5[%add3A_222] : memref<921600xf32, #tpu.memory_space<hbm>> -> memref<800xf32, #tpu.memory_space<hbm>>
      %dma_wait3A_320 = tpu.memref_slice %arg5[%add3A_222] : memref<921600xf32, #tpu.memory_space<hbm>> -> memref<800xf32, #tpu.memory_space<hbm>>
      %dma_wait3A_321 = arith.constant 0 : i32
      %dma_wait3A_322 = tpu.memref_slice %arg12[%dma_wait3A_321] : memref<3200xf32, #tpu.memory_space<vmem>> -> memref<800xf32, #tpu.memory_space<vmem>>
      tpu.wait_dma2 semaphore(%arg21 : memref<!tpu.dma_semaphore, #tpu.memory_space<semaphore_mem>>) src(%dma_wait3A_322 : memref<800xf32, #tpu.memory_space<vmem>>) dst(%dma_wait3A_320 : memref<800xf32, #tpu.memory_space<hbm>>)
      %dma_wait3A_323 = arith.constant 0 : i32
      %dma_wait3A_324 = tpu.memref_slice %arg13[%dma_wait3A_323] : memref<3200xf32, #tpu.memory_space<vmem>> -> memref<800xf32, #tpu.memory_space<vmem>>
      %dma_wait3A_325 = tpu.memref_slice %arg5[%add3A_230] : memref<921600xf32, #tpu.memory_space<hbm>> -> memref<800xf32, #tpu.memory_space<hbm>>
      %dma_wait3A_326 = tpu.memref_slice %arg5[%add3A_230] : memref<921600xf32, #tpu.memory_space<hbm>> -> memref<800xf32, #tpu.memory_space<hbm>>
      %dma_wait3A_327 = arith.constant 0 : i32
      %dma_wait3A_328 = tpu.memref_slice %arg13[%dma_wait3A_327] : memref<3200xf32, #tpu.memory_space<vmem>> -> memref<800xf32, #tpu.memory_space<vmem>>
      tpu.wait_dma2 semaphore(%arg21 : memref<!tpu.dma_semaphore, #tpu.memory_space<semaphore_mem>>) src(%dma_wait3A_328 : memref<800xf32, #tpu.memory_space<vmem>>) dst(%dma_wait3A_326 : memref<800xf32, #tpu.memory_space<hbm>>)
      %dma_wait3A_329 = arith.constant 0 : i32
      %dma_wait3A_330 = tpu.memref_slice %arg14[%dma_wait3A_329] : memref<3200xf32, #tpu.memory_space<vmem>> -> memref<800xf32, #tpu.memory_space<vmem>>
      %dma_wait3A_331 = tpu.memref_slice %arg5[%add3A_238] : memref<921600xf32, #tpu.memory_space<hbm>> -> memref<800xf32, #tpu.memory_space<hbm>>
      %dma_wait3A_332 = tpu.memref_slice %arg5[%add3A_238] : memref<921600xf32, #tpu.memory_space<hbm>> -> memref<800xf32, #tpu.memory_space<hbm>>
      %dma_wait3A_333 = arith.constant 0 : i32
      %dma_wait3A_334 = tpu.memref_slice %arg14[%dma_wait3A_333] : memref<3200xf32, #tpu.memory_space<vmem>> -> memref<800xf32, #tpu.memory_space<vmem>>
      tpu.wait_dma2 semaphore(%arg21 : memref<!tpu.dma_semaphore, #tpu.memory_space<semaphore_mem>>) src(%dma_wait3A_334 : memref<800xf32, #tpu.memory_space<vmem>>) dst(%dma_wait3A_332 : memref<800xf32, #tpu.memory_space<hbm>>)
      %dma_wait3A_335 = arith.constant 0 : i32
      %dma_wait3A_336 = tpu.memref_slice %arg15[%dma_wait3A_335] : memref<3200xf32, #tpu.memory_space<vmem>> -> memref<800xf32, #tpu.memory_space<vmem>>
      %dma_wait3A_337 = tpu.memref_slice %arg5[%add3A_246] : memref<921600xf32, #tpu.memory_space<hbm>> -> memref<800xf32, #tpu.memory_space<hbm>>
      %dma_wait3A_338 = tpu.memref_slice %arg5[%add3A_246] : memref<921600xf32, #tpu.memory_space<hbm>> -> memref<800xf32, #tpu.memory_space<hbm>>
      %dma_wait3A_339 = arith.constant 0 : i32
      %dma_wait3A_340 = tpu.memref_slice %arg15[%dma_wait3A_339] : memref<3200xf32, #tpu.memory_space<vmem>> -> memref<800xf32, #tpu.memory_space<vmem>>
      tpu.wait_dma2 semaphore(%arg21 : memref<!tpu.dma_semaphore, #tpu.memory_space<semaphore_mem>>) src(%dma_wait3A_340 : memref<800xf32, #tpu.memory_space<vmem>>) dst(%dma_wait3A_338 : memref<800xf32, #tpu.memory_space<hbm>>)
      %dma_wait3A_341 = arith.constant 0 : i32
      %dma_wait3A_342 = tpu.memref_slice %arg16[%dma_wait3A_341] : memref<3200xf32, #tpu.memory_space<vmem>> -> memref<800xf32, #tpu.memory_space<vmem>>
      %dma_wait3A_343 = tpu.memref_slice %arg5[%add3A_254] : memref<921600xf32, #tpu.memory_space<hbm>> -> memref<800xf32, #tpu.memory_space<hbm>>
      %dma_wait3A_344 = tpu.memref_slice %arg5[%add3A_254] : memref<921600xf32, #tpu.memory_space<hbm>> -> memref<800xf32, #tpu.memory_space<hbm>>
      %dma_wait3A_345 = arith.constant 0 : i32
      %dma_wait3A_346 = tpu.memref_slice %arg16[%dma_wait3A_345] : memref<3200xf32, #tpu.memory_space<vmem>> -> memref<800xf32, #tpu.memory_space<vmem>>
      tpu.wait_dma2 semaphore(%arg21 : memref<!tpu.dma_semaphore, #tpu.memory_space<semaphore_mem>>) src(%dma_wait3A_346 : memref<800xf32, #tpu.memory_space<vmem>>) dst(%dma_wait3A_344 : memref<800xf32, #tpu.memory_space<hbm>>)
      %dma_wait3A_347 = arith.constant 0 : i32
      %dma_wait3A_348 = tpu.memref_slice %arg17[%dma_wait3A_347] : memref<3200xf32, #tpu.memory_space<vmem>> -> memref<800xf32, #tpu.memory_space<vmem>>
      %dma_wait3A_349 = tpu.memref_slice %arg6[%add3A_262] : memref<307200xf32, #tpu.memory_space<hbm>> -> memref<800xf32, #tpu.memory_space<hbm>>
      %dma_wait3A_350 = tpu.memref_slice %arg6[%add3A_262] : memref<307200xf32, #tpu.memory_space<hbm>> -> memref<800xf32, #tpu.memory_space<hbm>>
      %dma_wait3A_351 = arith.constant 0 : i32
      %dma_wait3A_352 = tpu.memref_slice %arg17[%dma_wait3A_351] : memref<3200xf32, #tpu.memory_space<vmem>> -> memref<800xf32, #tpu.memory_space<vmem>>
      tpu.wait_dma2 semaphore(%arg21 : memref<!tpu.dma_semaphore, #tpu.memory_space<semaphore_mem>>) src(%dma_wait3A_352 : memref<800xf32, #tpu.memory_space<vmem>>) dst(%dma_wait3A_350 : memref<800xf32, #tpu.memory_space<hbm>>)
      %dma_wait3A_353 = arith.constant 0 : i32
      %dma_wait3A_354 = tpu.memref_slice %arg18[%dma_wait3A_353] : memref<3200xf32, #tpu.memory_space<vmem>> -> memref<800xf32, #tpu.memory_space<vmem>>
      %dma_wait3A_355 = tpu.memref_slice %arg6[%add3A_270] : memref<307200xf32, #tpu.memory_space<hbm>> -> memref<800xf32, #tpu.memory_space<hbm>>
      %dma_wait3A_356 = tpu.memref_slice %arg6[%add3A_270] : memref<307200xf32, #tpu.memory_space<hbm>> -> memref<800xf32, #tpu.memory_space<hbm>>
      %dma_wait3A_357 = arith.constant 0 : i32
      %dma_wait3A_358 = tpu.memref_slice %arg18[%dma_wait3A_357] : memref<3200xf32, #tpu.memory_space<vmem>> -> memref<800xf32, #tpu.memory_space<vmem>>
      tpu.wait_dma2 semaphore(%arg21 : memref<!tpu.dma_semaphore, #tpu.memory_space<semaphore_mem>>) src(%dma_wait3A_358 : memref<800xf32, #tpu.memory_space<vmem>>) dst(%dma_wait3A_356 : memref<800xf32, #tpu.memory_space<hbm>>)
      %dma_wait3A_359 = arith.constant 0 : i32
      %dma_wait3A_360 = tpu.memref_slice %arg19[%dma_wait3A_359] : memref<3200xf32, #tpu.memory_space<vmem>> -> memref<800xf32, #tpu.memory_space<vmem>>
      %dma_wait3A_361 = tpu.memref_slice %arg6[%add3A_278] : memref<307200xf32, #tpu.memory_space<hbm>> -> memref<800xf32, #tpu.memory_space<hbm>>
      %dma_wait3A_362 = tpu.memref_slice %arg6[%add3A_278] : memref<307200xf32, #tpu.memory_space<hbm>> -> memref<800xf32, #tpu.memory_space<hbm>>
      %dma_wait3A_363 = arith.constant 0 : i32
      %dma_wait3A_364 = tpu.memref_slice %arg19[%dma_wait3A_363] : memref<3200xf32, #tpu.memory_space<vmem>> -> memref<800xf32, #tpu.memory_space<vmem>>
      tpu.wait_dma2 semaphore(%arg21 : memref<!tpu.dma_semaphore, #tpu.memory_space<semaphore_mem>>) src(%dma_wait3A_364 : memref<800xf32, #tpu.memory_space<vmem>>) dst(%dma_wait3A_362 : memref<800xf32, #tpu.memory_space<hbm>>)
      %dma_wait3A_365 = arith.constant 0 : i32
      %dma_wait3A_366 = tpu.memref_slice %arg20[%dma_wait3A_365] : memref<3200xi32, #tpu.memory_space<vmem>> -> memref<800xi32, #tpu.memory_space<vmem>>
      %dma_wait3A_367 = tpu.memref_slice %arg7[%add3A_286] : memref<102400xi32, #tpu.memory_space<hbm>> -> memref<800xi32, #tpu.memory_space<hbm>>
      %dma_wait3A_368 = tpu.memref_slice %arg7[%add3A_286] : memref<102400xi32, #tpu.memory_space<hbm>> -> memref<800xi32, #tpu.memory_space<hbm>>
      %dma_wait3A_369 = arith.constant 0 : i32
      %dma_wait3A_370 = tpu.memref_slice %arg20[%dma_wait3A_369] : memref<3200xi32, #tpu.memory_space<vmem>> -> memref<800xi32, #tpu.memory_space<vmem>>
      tpu.wait_dma2 semaphore(%arg21 : memref<!tpu.dma_semaphore, #tpu.memory_space<semaphore_mem>>) src(%dma_wait3A_370 : memref<800xi32, #tpu.memory_space<vmem>>) dst(%dma_wait3A_368 : memref<800xi32, #tpu.memory_space<hbm>>)
    } else {
    }
    return
  }
}

module attributes {stable_mosaic.version = 14 : i64} {
  func.func @_math_body(%arg0: i32, %arg1: memref<9x200x128xf32, #tpu.memory_space<vmem>>, %arg2: memref<1x200x128xi32, #tpu.memory_space<vmem>>, %arg3: memref<3x200x128xf32, #tpu.memory_space<vmem>>, %arg4: memref<9x200x128xf32, #tpu.memory_space<vmem>>, %arg5: memref<3x200x128xf32, #tpu.memory_space<vmem>>, %arg6: memref<9x200x128xf32, #tpu.memory_space<vmem>>) attributes {dimension_semantics = [#tpu.dimension_semantics<arbitrary>], iteration_bounds = array<i64: 4>, scalar_prefetch = 0 : i64, scratch_operands = 0 : i64, tpu.core_type = #tpu.core_type<tc>, window_params = [{transform_indices = @transform_0, window_bounds = array<i64: 9, 200, 128>}, {transform_indices = @transform_1, window_bounds = array<i64: 1, 200, 128>}, {transform_indices = @transform_2, window_bounds = array<i64: 3, 200, 128>}, {transform_indices = @transform_3, window_bounds = array<i64: 9, 200, 128>}, {transform_indices = @transform_4, window_bounds = array<i64: 3, 200, 128>}, {transform_indices = @transform_5, window_bounds = array<i64: 9, 200, 128>}]} {
    %get3A = arith.constant 0 : index
    %get3A_0 = arith.constant 0 : index
    %get3A_1 = arith.constant 0 : index
    %get3A_2 = vector.load %arg2[%get3A, %get3A_0, %get3A_1] : memref<1x200x128xi32, #tpu.memory_space<vmem>>, vector<1x200x128xi32>
    %get3A_3 = vector.shape_cast %get3A_2 : vector<1x200x128xi32> to vector<200x128xi32>
    %get3A_4 = arith.constant 0 : index
    %get3A_5 = arith.constant 0 : index
    %get3A_6 = arith.constant 0 : index
    %get3A_7 = vector.load %arg1[%get3A_4, %get3A_5, %get3A_6] : memref<9x200x128xf32, #tpu.memory_space<vmem>>, vector<1x200x128xf32>
    %get3A_8 = vector.shape_cast %get3A_7 : vector<1x200x128xf32> to vector<200x128xf32>
    %get3A_9 = arith.constant 1 : index
    %get3A_10 = arith.constant 0 : index
    %get3A_11 = arith.constant 0 : index
    %get3A_12 = vector.load %arg1[%get3A_9, %get3A_10, %get3A_11] : memref<9x200x128xf32, #tpu.memory_space<vmem>>, vector<1x200x128xf32>
    %get3A_13 = vector.shape_cast %get3A_12 : vector<1x200x128xf32> to vector<200x128xf32>
    %get3A_14 = arith.constant 2 : index
    %get3A_15 = arith.constant 0 : index
    %get3A_16 = arith.constant 0 : index
    %get3A_17 = vector.load %arg1[%get3A_14, %get3A_15, %get3A_16] : memref<9x200x128xf32, #tpu.memory_space<vmem>>, vector<1x200x128xf32>
    %get3A_18 = vector.shape_cast %get3A_17 : vector<1x200x128xf32> to vector<200x128xf32>
    %get3A_19 = arith.constant 3 : index
    %get3A_20 = arith.constant 0 : index
    %get3A_21 = arith.constant 0 : index
    %get3A_22 = vector.load %arg1[%get3A_19, %get3A_20, %get3A_21] : memref<9x200x128xf32, #tpu.memory_space<vmem>>, vector<1x200x128xf32>
    %get3A_23 = vector.shape_cast %get3A_22 : vector<1x200x128xf32> to vector<200x128xf32>
    %get3A_24 = arith.constant 4 : index
    %get3A_25 = arith.constant 0 : index
    %get3A_26 = arith.constant 0 : index
    %get3A_27 = vector.load %arg1[%get3A_24, %get3A_25, %get3A_26] : memref<9x200x128xf32, #tpu.memory_space<vmem>>, vector<1x200x128xf32>
    %get3A_28 = vector.shape_cast %get3A_27 : vector<1x200x128xf32> to vector<200x128xf32>
    %get3A_29 = arith.constant 5 : index
    %get3A_30 = arith.constant 0 : index
    %get3A_31 = arith.constant 0 : index
    %get3A_32 = vector.load %arg1[%get3A_29, %get3A_30, %get3A_31] : memref<9x200x128xf32, #tpu.memory_space<vmem>>, vector<1x200x128xf32>
    %get3A_33 = vector.shape_cast %get3A_32 : vector<1x200x128xf32> to vector<200x128xf32>
    %get3A_34 = arith.constant 6 : index
    %get3A_35 = arith.constant 0 : index
    %get3A_36 = arith.constant 0 : index
    %get3A_37 = vector.load %arg1[%get3A_34, %get3A_35, %get3A_36] : memref<9x200x128xf32, #tpu.memory_space<vmem>>, vector<1x200x128xf32>
    %get3A_38 = vector.shape_cast %get3A_37 : vector<1x200x128xf32> to vector<200x128xf32>
    %get3A_39 = arith.constant 7 : index
    %get3A_40 = arith.constant 0 : index
    %get3A_41 = arith.constant 0 : index
    %get3A_42 = vector.load %arg1[%get3A_39, %get3A_40, %get3A_41] : memref<9x200x128xf32, #tpu.memory_space<vmem>>, vector<1x200x128xf32>
    %get3A_43 = vector.shape_cast %get3A_42 : vector<1x200x128xf32> to vector<200x128xf32>
    %get3A_44 = arith.constant 8 : index
    %get3A_45 = arith.constant 0 : index
    %get3A_46 = arith.constant 0 : index
    %get3A_47 = vector.load %arg1[%get3A_44, %get3A_45, %get3A_46] : memref<9x200x128xf32, #tpu.memory_space<vmem>>, vector<1x200x128xf32>
    %get3A_48 = vector.shape_cast %get3A_47 : vector<1x200x128xf32> to vector<200x128xf32>
    %mul3A = arith.mulf %get3A_8, %get3A_8 : vector<200x128xf32>
    %mul3A_49 = arith.mulf %get3A_13, %get3A_13 : vector<200x128xf32>
    %add3A = arith.addf %mul3A, %mul3A_49 : vector<200x128xf32>
    %mul3A_50 = arith.mulf %get3A_18, %get3A_18 : vector<200x128xf32>
    %add3A_51 = arith.addf %add3A, %mul3A_50 : vector<200x128xf32>
    %gt3A = arith.constant 0.000000e+00 : f32
    %gt3A_52 = vector.broadcast %gt3A : f32 to vector<200x128xf32>
    %gt3A_53 = arith.cmpf ogt, %add3A_51, %gt3A_52 : vector<200x128xf32>
    %rsqrt3A = math.rsqrt %add3A_51 : vector<200x128xf32>
    %jit3A = arith.constant 0.000000e+00 : f32
    %broadcast_in_dim3A = vector.broadcast %jit3A : f32 to vector<200x128xf32>
    %select_n3A = arith.select %gt3A_53, %rsqrt3A, %broadcast_in_dim3A : vector<200x128xi1>, vector<200x128xf32>
    %mul3A_54 = arith.mulf %get3A_8, %select_n3A : vector<200x128xf32>
    %mul3A_55 = arith.mulf %get3A_13, %select_n3A : vector<200x128xf32>
    %mul3A_56 = arith.mulf %get3A_18, %select_n3A : vector<200x128xf32>
    %eq3A = arith.constant 4 : i32
    %eq3A_57 = vector.broadcast %eq3A : i32 to vector<200x128xi32>
    %eq3A_58 = arith.cmpi eq, %get3A_3, %eq3A_57 : vector<200x128xi32>
    %eq3A_59 = arith.constant 5 : i32
    %eq3A_60 = vector.broadcast %eq3A_59 : i32 to vector<200x128xi32>
    %eq3A_61 = arith.cmpi eq, %get3A_3, %eq3A_60 : vector<200x128xi32>
    %or3A = arith.ori %eq3A_58, %eq3A_61 : vector<200x128xi1>
    %mul3A_62 = arith.mulf %get3A_23, %get3A_23 : vector<200x128xf32>
    %mul3A_63 = arith.mulf %get3A_28, %get3A_28 : vector<200x128xf32>
    %add3A_64 = arith.addf %mul3A_62, %mul3A_63 : vector<200x128xf32>
    %mul3A_65 = arith.mulf %get3A_33, %get3A_33 : vector<200x128xf32>
    %add3A_66 = arith.addf %add3A_64, %mul3A_65 : vector<200x128xf32>
    %gt3A_67 = arith.constant 0.000000e+00 : f32
    %gt3A_68 = vector.broadcast %gt3A_67 : f32 to vector<200x128xf32>
    %gt3A_69 = arith.cmpf ogt, %add3A_66, %gt3A_68 : vector<200x128xf32>
    %rsqrt3A_70 = math.rsqrt %add3A_66 : vector<200x128xf32>
    %jit3A_71 = arith.constant 0.000000e+00 : f32
    %broadcast_in_dim3A_72 = vector.broadcast %jit3A_71 : f32 to vector<200x128xf32>
    %select_n3A_73 = arith.select %gt3A_69, %rsqrt3A_70, %broadcast_in_dim3A_72 : vector<200x128xi1>, vector<200x128xf32>
    %mul3A_74 = arith.mulf %get3A_23, %select_n3A_73 : vector<200x128xf32>
    %mul3A_75 = arith.mulf %get3A_28, %select_n3A_73 : vector<200x128xf32>
    %mul3A_76 = arith.mulf %get3A_33, %select_n3A_73 : vector<200x128xf32>
    %sub3A = arith.constant 1.000000e+00 : f32
    %sub3A_77 = vector.broadcast %sub3A : f32 to vector<200x128xf32>
    %sub3A_78 = arith.subf %sub3A_77, %mul3A_54 : vector<200x128xf32>
    %select_n3A_79 = arith.select %or3A, %sub3A_78, %mul3A_74 : vector<200x128xi1>, vector<200x128xf32>
    %select_n3A_80 = arith.select %or3A, %mul3A_54, %mul3A_75 : vector<200x128xi1>, vector<200x128xf32>
    %jit3A_81 = arith.constant 0.000000e+00 : f32
    %broadcast_in_dim3A_82 = vector.broadcast %jit3A_81 : f32 to vector<200x128xf32>
    %select_n3A_83 = arith.select %or3A, %broadcast_in_dim3A_82, %mul3A_76 : vector<200x128xi1>, vector<200x128xf32>
    %eq3A_84 = arith.constant 1 : i32
    %eq3A_85 = vector.broadcast %eq3A_84 : i32 to vector<200x128xi32>
    %eq3A_86 = arith.cmpi eq, %get3A_3, %eq3A_85 : vector<200x128xi32>
    %add3A_87 = arith.addf %mul3A_54, %select_n3A_79 : vector<200x128xf32>
    %select_n3A_88 = arith.select %eq3A_86, %add3A_87, %mul3A_54 : vector<200x128xi1>, vector<200x128xf32>
    %add3A_89 = arith.addf %mul3A_55, %select_n3A_80 : vector<200x128xf32>
    %select_n3A_90 = arith.select %eq3A_86, %add3A_89, %mul3A_55 : vector<200x128xi1>, vector<200x128xf32>
    %add3A_91 = arith.addf %mul3A_56, %select_n3A_83 : vector<200x128xf32>
    %select_n3A_92 = arith.select %eq3A_86, %add3A_91, %mul3A_56 : vector<200x128xi1>, vector<200x128xf32>
    %mul3A_93 = arith.mulf %select_n3A_88, %select_n3A_88 : vector<200x128xf32>
    %mul3A_94 = arith.mulf %select_n3A_90, %select_n3A_90 : vector<200x128xf32>
    %add3A_95 = arith.addf %mul3A_93, %mul3A_94 : vector<200x128xf32>
    %mul3A_96 = arith.mulf %select_n3A_92, %select_n3A_92 : vector<200x128xf32>
    %add3A_97 = arith.addf %add3A_95, %mul3A_96 : vector<200x128xf32>
    %gt3A_98 = arith.constant 0.000000e+00 : f32
    %gt3A_99 = vector.broadcast %gt3A_98 : f32 to vector<200x128xf32>
    %gt3A_100 = arith.cmpf ogt, %add3A_97, %gt3A_99 : vector<200x128xf32>
    %rsqrt3A_101 = math.rsqrt %add3A_97 : vector<200x128xf32>
    %jit3A_102 = arith.constant 0.000000e+00 : f32
    %broadcast_in_dim3A_103 = vector.broadcast %jit3A_102 : f32 to vector<200x128xf32>
    %select_n3A_104 = arith.select %gt3A_100, %rsqrt3A_101, %broadcast_in_dim3A_103 : vector<200x128xi1>, vector<200x128xf32>
    %mul3A_105 = arith.mulf %select_n3A_88, %select_n3A_104 : vector<200x128xf32>
    %mul3A_106 = arith.mulf %select_n3A_90, %select_n3A_104 : vector<200x128xf32>
    %mul3A_107 = arith.mulf %select_n3A_92, %select_n3A_104 : vector<200x128xf32>
    %mul3A_108 = arith.mulf %get3A_38, %get3A_38 : vector<200x128xf32>
    %mul3A_109 = arith.mulf %get3A_43, %get3A_43 : vector<200x128xf32>
    %add3A_110 = arith.addf %mul3A_108, %mul3A_109 : vector<200x128xf32>
    %mul3A_111 = arith.mulf %get3A_48, %get3A_48 : vector<200x128xf32>
    %add3A_112 = arith.addf %add3A_110, %mul3A_111 : vector<200x128xf32>
    %gt3A_113 = arith.constant 0.000000e+00 : f32
    %gt3A_114 = vector.broadcast %gt3A_113 : f32 to vector<200x128xf32>
    %gt3A_115 = arith.cmpf ogt, %add3A_112, %gt3A_114 : vector<200x128xf32>
    %rsqrt3A_116 = math.rsqrt %add3A_112 : vector<200x128xf32>
    %jit3A_117 = arith.constant 0.000000e+00 : f32
    %broadcast_in_dim3A_118 = vector.broadcast %jit3A_117 : f32 to vector<200x128xf32>
    %select_n3A_119 = arith.select %gt3A_115, %rsqrt3A_116, %broadcast_in_dim3A_118 : vector<200x128xi1>, vector<200x128xf32>
    %mul3A_120 = arith.mulf %get3A_38, %select_n3A_119 : vector<200x128xf32>
    %mul3A_121 = arith.mulf %get3A_43, %select_n3A_119 : vector<200x128xf32>
    %mul3A_122 = arith.mulf %get3A_48, %select_n3A_119 : vector<200x128xf32>
    %eq3A_123 = arith.constant 2 : i32
    %eq3A_124 = vector.broadcast %eq3A_123 : i32 to vector<200x128xi32>
    %eq3A_125 = arith.cmpi eq, %get3A_3, %eq3A_124 : vector<200x128xi32>
    %add3A_126 = arith.addf %select_n3A_79, %mul3A_120 : vector<200x128xf32>
    %add3A_127 = arith.addf %select_n3A_80, %mul3A_121 : vector<200x128xf32>
    %add3A_128 = arith.addf %select_n3A_83, %mul3A_122 : vector<200x128xf32>
    %mul3A_129 = arith.mulf %add3A_126, %add3A_126 : vector<200x128xf32>
    %mul3A_130 = arith.mulf %add3A_127, %add3A_127 : vector<200x128xf32>
    %add3A_131 = arith.addf %mul3A_129, %mul3A_130 : vector<200x128xf32>
    %mul3A_132 = arith.mulf %add3A_128, %add3A_128 : vector<200x128xf32>
    %add3A_133 = arith.addf %add3A_131, %mul3A_132 : vector<200x128xf32>
    %gt3A_134 = arith.constant 0.000000e+00 : f32
    %gt3A_135 = vector.broadcast %gt3A_134 : f32 to vector<200x128xf32>
    %gt3A_136 = arith.cmpf ogt, %add3A_133, %gt3A_135 : vector<200x128xf32>
    %rsqrt3A_137 = math.rsqrt %add3A_133 : vector<200x128xf32>
    %jit3A_138 = arith.constant 0.000000e+00 : f32
    %broadcast_in_dim3A_139 = vector.broadcast %jit3A_138 : f32 to vector<200x128xf32>
    %select_n3A_140 = arith.select %gt3A_136, %rsqrt3A_137, %broadcast_in_dim3A_139 : vector<200x128xi1>, vector<200x128xf32>
    %mul3A_141 = arith.mulf %add3A_126, %select_n3A_140 : vector<200x128xf32>
    %mul3A_142 = arith.mulf %add3A_127, %select_n3A_140 : vector<200x128xf32>
    %mul3A_143 = arith.mulf %add3A_128, %select_n3A_140 : vector<200x128xf32>
    %select_n3A_144 = arith.select %eq3A_125, %mul3A_141, %select_n3A_79 : vector<200x128xi1>, vector<200x128xf32>
    %select_n3A_145 = arith.select %eq3A_125, %mul3A_142, %select_n3A_80 : vector<200x128xi1>, vector<200x128xf32>
    %select_n3A_146 = arith.select %eq3A_125, %mul3A_143, %select_n3A_83 : vector<200x128xi1>, vector<200x128xf32>
    %eq3A_147 = arith.constant 3 : i32
    %eq3A_148 = vector.broadcast %eq3A_147 : i32 to vector<200x128xi32>
    %eq3A_149 = arith.cmpi eq, %get3A_3, %eq3A_148 : vector<200x128xi32>
    %add3A_150 = arith.addf %mul3A_105, %select_n3A_144 : vector<200x128xf32>
    %add3A_151 = arith.addf %add3A_150, %mul3A_120 : vector<200x128xf32>
    %add3A_152 = arith.addf %mul3A_106, %select_n3A_145 : vector<200x128xf32>
    %add3A_153 = arith.addf %add3A_152, %mul3A_121 : vector<200x128xf32>
    %add3A_154 = arith.addf %mul3A_107, %select_n3A_146 : vector<200x128xf32>
    %add3A_155 = arith.addf %add3A_154, %mul3A_122 : vector<200x128xf32>
    %mul3A_156 = arith.mulf %add3A_151, %add3A_151 : vector<200x128xf32>
    %mul3A_157 = arith.mulf %add3A_153, %add3A_153 : vector<200x128xf32>
    %add3A_158 = arith.addf %mul3A_156, %mul3A_157 : vector<200x128xf32>
    %mul3A_159 = arith.mulf %add3A_155, %add3A_155 : vector<200x128xf32>
    %add3A_160 = arith.addf %add3A_158, %mul3A_159 : vector<200x128xf32>
    %gt3A_161 = arith.constant 0.000000e+00 : f32
    %gt3A_162 = vector.broadcast %gt3A_161 : f32 to vector<200x128xf32>
    %gt3A_163 = arith.cmpf ogt, %add3A_160, %gt3A_162 : vector<200x128xf32>
    %rsqrt3A_164 = math.rsqrt %add3A_160 : vector<200x128xf32>
    %jit3A_165 = arith.constant 0.000000e+00 : f32
    %broadcast_in_dim3A_166 = vector.broadcast %jit3A_165 : f32 to vector<200x128xf32>
    %select_n3A_167 = arith.select %gt3A_163, %rsqrt3A_164, %broadcast_in_dim3A_166 : vector<200x128xi1>, vector<200x128xf32>
    %mul3A_168 = arith.mulf %add3A_151, %select_n3A_167 : vector<200x128xf32>
    %mul3A_169 = arith.mulf %add3A_153, %select_n3A_167 : vector<200x128xf32>
    %mul3A_170 = arith.mulf %add3A_155, %select_n3A_167 : vector<200x128xf32>
    %select_n3A_171 = arith.select %eq3A_149, %mul3A_168, %mul3A_105 : vector<200x128xi1>, vector<200x128xf32>
    %select_n3A_172 = arith.select %eq3A_149, %mul3A_169, %mul3A_106 : vector<200x128xi1>, vector<200x128xf32>
    %select_n3A_173 = arith.select %eq3A_149, %mul3A_170, %mul3A_107 : vector<200x128xi1>, vector<200x128xf32>
    %mul3A_174 = arith.mulf %select_n3A_171, %select_n3A_144 : vector<200x128xf32>
    %mul3A_175 = arith.mulf %select_n3A_172, %select_n3A_145 : vector<200x128xf32>
    %add3A_176 = arith.addf %mul3A_174, %mul3A_175 : vector<200x128xf32>
    %mul3A_177 = arith.mulf %select_n3A_173, %select_n3A_146 : vector<200x128xf32>
    %add3A_178 = arith.addf %add3A_176, %mul3A_177 : vector<200x128xf32>
    %mul3A_179 = arith.mulf %select_n3A_171, %add3A_178 : vector<200x128xf32>
    %sub3A_180 = arith.subf %select_n3A_144, %mul3A_179 : vector<200x128xf32>
    %mul3A_181 = arith.mulf %select_n3A_172, %add3A_178 : vector<200x128xf32>
    %sub3A_182 = arith.subf %select_n3A_145, %mul3A_181 : vector<200x128xf32>
    %mul3A_183 = arith.mulf %select_n3A_173, %add3A_178 : vector<200x128xf32>
    %sub3A_184 = arith.subf %select_n3A_146, %mul3A_183 : vector<200x128xf32>
    %mul3A_185 = arith.mulf %sub3A_180, %sub3A_180 : vector<200x128xf32>
    %mul3A_186 = arith.mulf %sub3A_182, %sub3A_182 : vector<200x128xf32>
    %add3A_187 = arith.addf %mul3A_185, %mul3A_186 : vector<200x128xf32>
    %mul3A_188 = arith.mulf %sub3A_184, %sub3A_184 : vector<200x128xf32>
    %add3A_189 = arith.addf %add3A_187, %mul3A_188 : vector<200x128xf32>
    %gt3A_190 = arith.constant 0.000000e+00 : f32
    %gt3A_191 = vector.broadcast %gt3A_190 : f32 to vector<200x128xf32>
    %gt3A_192 = arith.cmpf ogt, %add3A_189, %gt3A_191 : vector<200x128xf32>
    %rsqrt3A_193 = math.rsqrt %add3A_189 : vector<200x128xf32>
    %jit3A_194 = arith.constant 0.000000e+00 : f32
    %broadcast_in_dim3A_195 = vector.broadcast %jit3A_194 : f32 to vector<200x128xf32>
    %select_n3A_196 = arith.select %gt3A_192, %rsqrt3A_193, %broadcast_in_dim3A_195 : vector<200x128xi1>, vector<200x128xf32>
    %mul3A_197 = arith.mulf %sub3A_180, %select_n3A_196 : vector<200x128xf32>
    %mul3A_198 = arith.mulf %sub3A_182, %select_n3A_196 : vector<200x128xf32>
    %mul3A_199 = arith.mulf %sub3A_184, %select_n3A_196 : vector<200x128xf32>
    %mul3A_200 = arith.mulf %select_n3A_172, %mul3A_199 : vector<200x128xf32>
    %mul3A_201 = arith.mulf %select_n3A_173, %mul3A_198 : vector<200x128xf32>
    %sub3A_202 = arith.subf %mul3A_200, %mul3A_201 : vector<200x128xf32>
    %mul3A_203 = arith.mulf %select_n3A_173, %mul3A_197 : vector<200x128xf32>
    %mul3A_204 = arith.mulf %select_n3A_171, %mul3A_199 : vector<200x128xf32>
    %sub3A_205 = arith.subf %mul3A_203, %mul3A_204 : vector<200x128xf32>
    %mul3A_206 = arith.mulf %select_n3A_171, %mul3A_198 : vector<200x128xf32>
    %mul3A_207 = arith.mulf %select_n3A_172, %mul3A_197 : vector<200x128xf32>
    %sub3A_208 = arith.subf %mul3A_206, %mul3A_207 : vector<200x128xf32>
    %eq3A_209 = arith.constant 5 : i32
    %eq3A_210 = vector.broadcast %eq3A_209 : i32 to vector<200x128xi32>
    %eq3A_211 = arith.cmpi eq, %get3A_3, %eq3A_210 : vector<200x128xi32>
    %jit3A_212 = arith.constant 0.000000e+00 : f32
    %broadcast_in_dim3A_213 = vector.broadcast %jit3A_212 : f32 to vector<200x128xf32>
    %select_n3A_214 = arith.select %eq3A_211, %broadcast_in_dim3A_213, %select_n3A_171 : vector<200x128xi1>, vector<200x128xf32>
    %jit3A_215 = arith.constant 0.000000e+00 : f32
    %broadcast_in_dim3A_216 = vector.broadcast %jit3A_215 : f32 to vector<200x128xf32>
    %select_n3A_217 = arith.select %eq3A_211, %broadcast_in_dim3A_216, %select_n3A_172 : vector<200x128xi1>, vector<200x128xf32>
    %jit3A_218 = arith.constant 1.000000e+00 : f32
    %broadcast_in_dim3A_219 = vector.broadcast %jit3A_218 : f32 to vector<200x128xf32>
    %select_n3A_220 = arith.select %eq3A_211, %broadcast_in_dim3A_219, %select_n3A_173 : vector<200x128xi1>, vector<200x128xf32>
    %jit3A_221 = arith.constant 1.000000e+00 : f32
    %broadcast_in_dim3A_222 = vector.broadcast %jit3A_221 : f32 to vector<200x128xf32>
    %select_n3A_223 = arith.select %eq3A_211, %broadcast_in_dim3A_222, %mul3A_197 : vector<200x128xi1>, vector<200x128xf32>
    %jit3A_224 = arith.constant 0.000000e+00 : f32
    %broadcast_in_dim3A_225 = vector.broadcast %jit3A_224 : f32 to vector<200x128xf32>
    %select_n3A_226 = arith.select %eq3A_211, %broadcast_in_dim3A_225, %mul3A_198 : vector<200x128xi1>, vector<200x128xf32>
    %jit3A_227 = arith.constant 0.000000e+00 : f32
    %broadcast_in_dim3A_228 = vector.broadcast %jit3A_227 : f32 to vector<200x128xf32>
    %select_n3A_229 = arith.select %eq3A_211, %broadcast_in_dim3A_228, %mul3A_199 : vector<200x128xi1>, vector<200x128xf32>
    %jit3A_230 = arith.constant 0.000000e+00 : f32
    %broadcast_in_dim3A_231 = vector.broadcast %jit3A_230 : f32 to vector<200x128xf32>
    %select_n3A_232 = arith.select %eq3A_211, %broadcast_in_dim3A_231, %sub3A_202 : vector<200x128xi1>, vector<200x128xf32>
    %jit3A_233 = arith.constant 1.000000e+00 : f32
    %broadcast_in_dim3A_234 = vector.broadcast %jit3A_233 : f32 to vector<200x128xf32>
    %select_n3A_235 = arith.select %eq3A_211, %broadcast_in_dim3A_234, %sub3A_205 : vector<200x128xi1>, vector<200x128xf32>
    %jit3A_236 = arith.constant 0.000000e+00 : f32
    %broadcast_in_dim3A_237 = vector.broadcast %jit3A_236 : f32 to vector<200x128xf32>
    %select_n3A_238 = arith.select %eq3A_211, %broadcast_in_dim3A_237, %sub3A_208 : vector<200x128xi1>, vector<200x128xf32>
    %get3A_239 = arith.constant 0 : index
    %get3A_240 = arith.constant 0 : index
    %get3A_241 = arith.constant 0 : index
    %get3A_242 = vector.load %arg3[%get3A_239, %get3A_240, %get3A_241] : memref<3x200x128xf32, #tpu.memory_space<vmem>>, vector<1x200x128xf32>
    %get3A_243 = vector.shape_cast %get3A_242 : vector<1x200x128xf32> to vector<200x128xf32>
    %get3A_244 = arith.constant 1 : index
    %get3A_245 = arith.constant 0 : index
    %get3A_246 = arith.constant 0 : index
    %get3A_247 = vector.load %arg3[%get3A_244, %get3A_245, %get3A_246] : memref<3x200x128xf32, #tpu.memory_space<vmem>>, vector<1x200x128xf32>
    %get3A_248 = vector.shape_cast %get3A_247 : vector<1x200x128xf32> to vector<200x128xf32>
    %get3A_249 = arith.constant 2 : index
    %get3A_250 = arith.constant 0 : index
    %get3A_251 = arith.constant 0 : index
    %get3A_252 = vector.load %arg3[%get3A_249, %get3A_250, %get3A_251] : memref<3x200x128xf32, #tpu.memory_space<vmem>>, vector<1x200x128xf32>
    %get3A_253 = vector.shape_cast %get3A_252 : vector<1x200x128xf32> to vector<200x128xf32>
    %mul3A_254 = arith.mulf %get3A_243, %select_n3A_223 : vector<200x128xf32>
    %mul3A_255 = arith.mulf %get3A_248, %select_n3A_232 : vector<200x128xf32>
    %add3A_256 = arith.addf %mul3A_254, %mul3A_255 : vector<200x128xf32>
    %mul3A_257 = arith.mulf %get3A_253, %select_n3A_214 : vector<200x128xf32>
    %add3A_258 = arith.addf %add3A_256, %mul3A_257 : vector<200x128xf32>
    %swap3A = arith.constant 0 : index
    %swap3A_259 = arith.constant 0 : index
    %swap3A_260 = arith.constant 0 : index
    %swap3A_261 = vector.load %arg5[%swap3A, %swap3A_259, %swap3A_260] : memref<3x200x128xf32, #tpu.memory_space<vmem>>, vector<1x200x128xf32>
    %swap3A_262 = vector.shape_cast %swap3A_261 : vector<1x200x128xf32> to vector<200x128xf32>
    %swap3A_263 = vector.shape_cast %add3A_258 : vector<200x128xf32> to vector<1x200x128xf32>
    tpu.vector_store %arg5[%swap3A, %swap3A_259, %swap3A_260], %swap3A_263 {strides = array<i32>} : memref<3x200x128xf32, #tpu.memory_space<vmem>>, vector<1x200x128xf32>,
    %mul3A_264 = arith.mulf %get3A_243, %select_n3A_226 : vector<200x128xf32>
    %mul3A_265 = arith.mulf %get3A_248, %select_n3A_235 : vector<200x128xf32>
    %add3A_266 = arith.addf %mul3A_264, %mul3A_265 : vector<200x128xf32>
    %mul3A_267 = arith.mulf %get3A_253, %select_n3A_217 : vector<200x128xf32>
    %add3A_268 = arith.addf %add3A_266, %mul3A_267 : vector<200x128xf32>
    %swap3A_269 = arith.constant 1 : index
    %swap3A_270 = arith.constant 0 : index
    %swap3A_271 = arith.constant 0 : index
    %swap3A_272 = vector.load %arg5[%swap3A_269, %swap3A_270, %swap3A_271] : memref<3x200x128xf32, #tpu.memory_space<vmem>>, vector<1x200x128xf32>
    %swap3A_273 = vector.shape_cast %swap3A_272 : vector<1x200x128xf32> to vector<200x128xf32>
    %swap3A_274 = vector.shape_cast %add3A_268 : vector<200x128xf32> to vector<1x200x128xf32>
    tpu.vector_store %arg5[%swap3A_269, %swap3A_270, %swap3A_271], %swap3A_274 {strides = array<i32>} : memref<3x200x128xf32, #tpu.memory_space<vmem>>, vector<1x200x128xf32>,
    %mul3A_275 = arith.mulf %get3A_243, %select_n3A_229 : vector<200x128xf32>
    %mul3A_276 = arith.mulf %get3A_248, %select_n3A_238 : vector<200x128xf32>
    %add3A_277 = arith.addf %mul3A_275, %mul3A_276 : vector<200x128xf32>
    %mul3A_278 = arith.mulf %get3A_253, %select_n3A_220 : vector<200x128xf32>
    %add3A_279 = arith.addf %add3A_277, %mul3A_278 : vector<200x128xf32>
    %swap3A_280 = arith.constant 2 : index
    %swap3A_281 = arith.constant 0 : index
    %swap3A_282 = arith.constant 0 : index
    %swap3A_283 = vector.load %arg5[%swap3A_280, %swap3A_281, %swap3A_282] : memref<3x200x128xf32, #tpu.memory_space<vmem>>, vector<1x200x128xf32>
    %swap3A_284 = vector.shape_cast %swap3A_283 : vector<1x200x128xf32> to vector<200x128xf32>
    %swap3A_285 = vector.shape_cast %add3A_279 : vector<200x128xf32> to vector<1x200x128xf32>
    tpu.vector_store %arg5[%swap3A_280, %swap3A_281, %swap3A_282], %swap3A_285 {strides = array<i32>} : memref<3x200x128xf32, #tpu.memory_space<vmem>>, vector<1x200x128xf32>,
    %get3A_286 = arith.constant 0 : index
    %get3A_287 = arith.constant 0 : index
    %get3A_288 = arith.constant 0 : index
    %get3A_289 = vector.load %arg4[%get3A_286, %get3A_287, %get3A_288] : memref<9x200x128xf32, #tpu.memory_space<vmem>>, vector<1x200x128xf32>
    %get3A_290 = vector.shape_cast %get3A_289 : vector<1x200x128xf32> to vector<200x128xf32>
    %get3A_291 = arith.constant 1 : index
    %get3A_292 = arith.constant 0 : index
    %get3A_293 = arith.constant 0 : index
    %get3A_294 = vector.load %arg4[%get3A_291, %get3A_292, %get3A_293] : memref<9x200x128xf32, #tpu.memory_space<vmem>>, vector<1x200x128xf32>
    %get3A_295 = vector.shape_cast %get3A_294 : vector<1x200x128xf32> to vector<200x128xf32>
    %get3A_296 = arith.constant 2 : index
    %get3A_297 = arith.constant 0 : index
    %get3A_298 = arith.constant 0 : index
    %get3A_299 = vector.load %arg4[%get3A_296, %get3A_297, %get3A_298] : memref<9x200x128xf32, #tpu.memory_space<vmem>>, vector<1x200x128xf32>
    %get3A_300 = vector.shape_cast %get3A_299 : vector<1x200x128xf32> to vector<200x128xf32>
    %get3A_301 = arith.constant 3 : index
    %get3A_302 = arith.constant 0 : index
    %get3A_303 = arith.constant 0 : index
    %get3A_304 = vector.load %arg4[%get3A_301, %get3A_302, %get3A_303] : memref<9x200x128xf32, #tpu.memory_space<vmem>>, vector<1x200x128xf32>
    %get3A_305 = vector.shape_cast %get3A_304 : vector<1x200x128xf32> to vector<200x128xf32>
    %get3A_306 = arith.constant 4 : index
    %get3A_307 = arith.constant 0 : index
    %get3A_308 = arith.constant 0 : index
    %get3A_309 = vector.load %arg4[%get3A_306, %get3A_307, %get3A_308] : memref<9x200x128xf32, #tpu.memory_space<vmem>>, vector<1x200x128xf32>
    %get3A_310 = vector.shape_cast %get3A_309 : vector<1x200x128xf32> to vector<200x128xf32>
    %get3A_311 = arith.constant 5 : index
    %get3A_312 = arith.constant 0 : index
    %get3A_313 = arith.constant 0 : index
    %get3A_314 = vector.load %arg4[%get3A_311, %get3A_312, %get3A_313] : memref<9x200x128xf32, #tpu.memory_space<vmem>>, vector<1x200x128xf32>
    %get3A_315 = vector.shape_cast %get3A_314 : vector<1x200x128xf32> to vector<200x128xf32>
    %get3A_316 = arith.constant 6 : index
    %get3A_317 = arith.constant 0 : index
    %get3A_318 = arith.constant 0 : index
    %get3A_319 = vector.load %arg4[%get3A_316, %get3A_317, %get3A_318] : memref<9x200x128xf32, #tpu.memory_space<vmem>>, vector<1x200x128xf32>
    %get3A_320 = vector.shape_cast %get3A_319 : vector<1x200x128xf32> to vector<200x128xf32>
    %get3A_321 = arith.constant 7 : index
    %get3A_322 = arith.constant 0 : index
    %get3A_323 = arith.constant 0 : index
    %get3A_324 = vector.load %arg4[%get3A_321, %get3A_322, %get3A_323] : memref<9x200x128xf32, #tpu.memory_space<vmem>>, vector<1x200x128xf32>
    %get3A_325 = vector.shape_cast %get3A_324 : vector<1x200x128xf32> to vector<200x128xf32>
    %get3A_326 = arith.constant 8 : index
    %get3A_327 = arith.constant 0 : index
    %get3A_328 = arith.constant 0 : index
    %get3A_329 = vector.load %arg4[%get3A_326, %get3A_327, %get3A_328] : memref<9x200x128xf32, #tpu.memory_space<vmem>>, vector<1x200x128xf32>
    %get3A_330 = vector.shape_cast %get3A_329 : vector<1x200x128xf32> to vector<200x128xf32>
    %mul3A_331 = arith.mulf %get3A_290, %select_n3A_223 : vector<200x128xf32>
    %mul3A_332 = arith.mulf %get3A_295, %select_n3A_232 : vector<200x128xf32>
    %add3A_333 = arith.addf %mul3A_331, %mul3A_332 : vector<200x128xf32>
    %mul3A_334 = arith.mulf %get3A_300, %select_n3A_214 : vector<200x128xf32>
    %add3A_335 = arith.addf %add3A_333, %mul3A_334 : vector<200x128xf32>
    %mul3A_336 = arith.mulf %get3A_290, %select_n3A_226 : vector<200x128xf32>
    %mul3A_337 = arith.mulf %get3A_295, %select_n3A_235 : vector<200x128xf32>
    %add3A_338 = arith.addf %mul3A_336, %mul3A_337 : vector<200x128xf32>
    %mul3A_339 = arith.mulf %get3A_300, %select_n3A_217 : vector<200x128xf32>
    %add3A_340 = arith.addf %add3A_338, %mul3A_339 : vector<200x128xf32>
    %mul3A_341 = arith.mulf %get3A_290, %select_n3A_229 : vector<200x128xf32>
    %mul3A_342 = arith.mulf %get3A_295, %select_n3A_238 : vector<200x128xf32>
    %add3A_343 = arith.addf %mul3A_341, %mul3A_342 : vector<200x128xf32>
    %mul3A_344 = arith.mulf %get3A_300, %select_n3A_220 : vector<200x128xf32>
    %add3A_345 = arith.addf %add3A_343, %mul3A_344 : vector<200x128xf32>
    %mul3A_346 = arith.mulf %get3A_305, %select_n3A_223 : vector<200x128xf32>
    %mul3A_347 = arith.mulf %get3A_310, %select_n3A_232 : vector<200x128xf32>
    %add3A_348 = arith.addf %mul3A_346, %mul3A_347 : vector<200x128xf32>
    %mul3A_349 = arith.mulf %get3A_315, %select_n3A_214 : vector<200x128xf32>
    %add3A_350 = arith.addf %add3A_348, %mul3A_349 : vector<200x128xf32>
    %mul3A_351 = arith.mulf %get3A_305, %select_n3A_226 : vector<200x128xf32>
    %mul3A_352 = arith.mulf %get3A_310, %select_n3A_235 : vector<200x128xf32>
    %add3A_353 = arith.addf %mul3A_351, %mul3A_352 : vector<200x128xf32>
    %mul3A_354 = arith.mulf %get3A_315, %select_n3A_217 : vector<200x128xf32>
    %add3A_355 = arith.addf %add3A_353, %mul3A_354 : vector<200x128xf32>
    %mul3A_356 = arith.mulf %get3A_305, %select_n3A_229 : vector<200x128xf32>
    %mul3A_357 = arith.mulf %get3A_310, %select_n3A_238 : vector<200x128xf32>
    %add3A_358 = arith.addf %mul3A_356, %mul3A_357 : vector<200x128xf32>
    %mul3A_359 = arith.mulf %get3A_315, %select_n3A_220 : vector<200x128xf32>
    %add3A_360 = arith.addf %add3A_358, %mul3A_359 : vector<200x128xf32>
    %mul3A_361 = arith.mulf %get3A_320, %select_n3A_223 : vector<200x128xf32>
    %mul3A_362 = arith.mulf %get3A_325, %select_n3A_232 : vector<200x128xf32>
    %add3A_363 = arith.addf %mul3A_361, %mul3A_362 : vector<200x128xf32>
    %mul3A_364 = arith.mulf %get3A_330, %select_n3A_214 : vector<200x128xf32>
    %add3A_365 = arith.addf %add3A_363, %mul3A_364 : vector<200x128xf32>
    %mul3A_366 = arith.mulf %get3A_320, %select_n3A_226 : vector<200x128xf32>
    %mul3A_367 = arith.mulf %get3A_325, %select_n3A_235 : vector<200x128xf32>
    %add3A_368 = arith.addf %mul3A_366, %mul3A_367 : vector<200x128xf32>
    %mul3A_369 = arith.mulf %get3A_330, %select_n3A_217 : vector<200x128xf32>
    %add3A_370 = arith.addf %add3A_368, %mul3A_369 : vector<200x128xf32>
    %mul3A_371 = arith.mulf %get3A_320, %select_n3A_229 : vector<200x128xf32>
    %mul3A_372 = arith.mulf %get3A_325, %select_n3A_238 : vector<200x128xf32>
    %add3A_373 = arith.addf %mul3A_371, %mul3A_372 : vector<200x128xf32>
    %mul3A_374 = arith.mulf %get3A_330, %select_n3A_220 : vector<200x128xf32>
    %add3A_375 = arith.addf %add3A_373, %mul3A_374 : vector<200x128xf32>
    %mul3A_376 = arith.mulf %select_n3A_223, %add3A_335 : vector<200x128xf32>
    %mul3A_377 = arith.mulf %select_n3A_232, %add3A_350 : vector<200x128xf32>
    %add3A_378 = arith.addf %mul3A_376, %mul3A_377 : vector<200x128xf32>
    %mul3A_379 = arith.mulf %select_n3A_214, %add3A_365 : vector<200x128xf32>
    %add3A_380 = arith.addf %add3A_378, %mul3A_379 : vector<200x128xf32>
    %swap3A_381 = arith.constant 0 : index
    %swap3A_382 = arith.constant 0 : index
    %swap3A_383 = arith.constant 0 : index
    %swap3A_384 = vector.load %arg6[%swap3A_381, %swap3A_382, %swap3A_383] : memref<9x200x128xf32, #tpu.memory_space<vmem>>, vector<1x200x128xf32>
    %swap3A_385 = vector.shape_cast %swap3A_384 : vector<1x200x128xf32> to vector<200x128xf32>
    %swap3A_386 = vector.shape_cast %add3A_380 : vector<200x128xf32> to vector<1x200x128xf32>
    tpu.vector_store %arg6[%swap3A_381, %swap3A_382, %swap3A_383], %swap3A_386 {strides = array<i32>} : memref<9x200x128xf32, #tpu.memory_space<vmem>>, vector<1x200x128xf32>,
    %mul3A_387 = arith.mulf %select_n3A_223, %add3A_340 : vector<200x128xf32>
    %mul3A_388 = arith.mulf %select_n3A_232, %add3A_355 : vector<200x128xf32>
    %add3A_389 = arith.addf %mul3A_387, %mul3A_388 : vector<200x128xf32>
    %mul3A_390 = arith.mulf %select_n3A_214, %add3A_370 : vector<200x128xf32>
    %add3A_391 = arith.addf %add3A_389, %mul3A_390 : vector<200x128xf32>
    %swap3A_392 = arith.constant 1 : index
    %swap3A_393 = arith.constant 0 : index
    %swap3A_394 = arith.constant 0 : index
    %swap3A_395 = vector.load %arg6[%swap3A_392, %swap3A_393, %swap3A_394] : memref<9x200x128xf32, #tpu.memory_space<vmem>>, vector<1x200x128xf32>
    %swap3A_396 = vector.shape_cast %swap3A_395 : vector<1x200x128xf32> to vector<200x128xf32>
    %swap3A_397 = vector.shape_cast %add3A_391 : vector<200x128xf32> to vector<1x200x128xf32>
    tpu.vector_store %arg6[%swap3A_392, %swap3A_393, %swap3A_394], %swap3A_397 {strides = array<i32>} : memref<9x200x128xf32, #tpu.memory_space<vmem>>, vector<1x200x128xf32>,
    %mul3A_398 = arith.mulf %select_n3A_223, %add3A_345 : vector<200x128xf32>
    %mul3A_399 = arith.mulf %select_n3A_232, %add3A_360 : vector<200x128xf32>
    %add3A_400 = arith.addf %mul3A_398, %mul3A_399 : vector<200x128xf32>
    %mul3A_401 = arith.mulf %select_n3A_214, %add3A_375 : vector<200x128xf32>
    %add3A_402 = arith.addf %add3A_400, %mul3A_401 : vector<200x128xf32>
    %swap3A_403 = arith.constant 2 : index
    %swap3A_404 = arith.constant 0 : index
    %swap3A_405 = arith.constant 0 : index
    %swap3A_406 = vector.load %arg6[%swap3A_403, %swap3A_404, %swap3A_405] : memref<9x200x128xf32, #tpu.memory_space<vmem>>, vector<1x200x128xf32>
    %swap3A_407 = vector.shape_cast %swap3A_406 : vector<1x200x128xf32> to vector<200x128xf32>
    %swap3A_408 = vector.shape_cast %add3A_402 : vector<200x128xf32> to vector<1x200x128xf32>
    tpu.vector_store %arg6[%swap3A_403, %swap3A_404, %swap3A_405], %swap3A_408 {strides = array<i32>} : memref<9x200x128xf32, #tpu.memory_space<vmem>>, vector<1x200x128xf32>,
    %mul3A_409 = arith.mulf %select_n3A_226, %add3A_335 : vector<200x128xf32>
    %mul3A_410 = arith.mulf %select_n3A_235, %add3A_350 : vector<200x128xf32>
    %add3A_411 = arith.addf %mul3A_409, %mul3A_410 : vector<200x128xf32>
    %mul3A_412 = arith.mulf %select_n3A_217, %add3A_365 : vector<200x128xf32>
    %add3A_413 = arith.addf %add3A_411, %mul3A_412 : vector<200x128xf32>
    %swap3A_414 = arith.constant 3 : index
    %swap3A_415 = arith.constant 0 : index
    %swap3A_416 = arith.constant 0 : index
    %swap3A_417 = vector.load %arg6[%swap3A_414, %swap3A_415, %swap3A_416] : memref<9x200x128xf32, #tpu.memory_space<vmem>>, vector<1x200x128xf32>
    %swap3A_418 = vector.shape_cast %swap3A_417 : vector<1x200x128xf32> to vector<200x128xf32>
    %swap3A_419 = vector.shape_cast %add3A_413 : vector<200x128xf32> to vector<1x200x128xf32>
    tpu.vector_store %arg6[%swap3A_414, %swap3A_415, %swap3A_416], %swap3A_419 {strides = array<i32>} : memref<9x200x128xf32, #tpu.memory_space<vmem>>, vector<1x200x128xf32>,
    %mul3A_420 = arith.mulf %select_n3A_226, %add3A_340 : vector<200x128xf32>
    %mul3A_421 = arith.mulf %select_n3A_235, %add3A_355 : vector<200x128xf32>
    %add3A_422 = arith.addf %mul3A_420, %mul3A_421 : vector<200x128xf32>
    %mul3A_423 = arith.mulf %select_n3A_217, %add3A_370 : vector<200x128xf32>
    %add3A_424 = arith.addf %add3A_422, %mul3A_423 : vector<200x128xf32>
    %swap3A_425 = arith.constant 4 : index
    %swap3A_426 = arith.constant 0 : index
    %swap3A_427 = arith.constant 0 : index
    %swap3A_428 = vector.load %arg6[%swap3A_425, %swap3A_426, %swap3A_427] : memref<9x200x128xf32, #tpu.memory_space<vmem>>, vector<1x200x128xf32>
    %swap3A_429 = vector.shape_cast %swap3A_428 : vector<1x200x128xf32> to vector<200x128xf32>
    %swap3A_430 = vector.shape_cast %add3A_424 : vector<200x128xf32> to vector<1x200x128xf32>
    tpu.vector_store %arg6[%swap3A_425, %swap3A_426, %swap3A_427], %swap3A_430 {strides = array<i32>} : memref<9x200x128xf32, #tpu.memory_space<vmem>>, vector<1x200x128xf32>,
    %mul3A_431 = arith.mulf %select_n3A_226, %add3A_345 : vector<200x128xf32>
    %mul3A_432 = arith.mulf %select_n3A_235, %add3A_360 : vector<200x128xf32>
    %add3A_433 = arith.addf %mul3A_431, %mul3A_432 : vector<200x128xf32>
    %mul3A_434 = arith.mulf %select_n3A_217, %add3A_375 : vector<200x128xf32>
    %add3A_435 = arith.addf %add3A_433, %mul3A_434 : vector<200x128xf32>
    %swap3A_436 = arith.constant 5 : index
    %swap3A_437 = arith.constant 0 : index
    %swap3A_438 = arith.constant 0 : index
    %swap3A_439 = vector.load %arg6[%swap3A_436, %swap3A_437, %swap3A_438] : memref<9x200x128xf32, #tpu.memory_space<vmem>>, vector<1x200x128xf32>
    %swap3A_440 = vector.shape_cast %swap3A_439 : vector<1x200x128xf32> to vector<200x128xf32>
    %swap3A_441 = vector.shape_cast %add3A_435 : vector<200x128xf32> to vector<1x200x128xf32>
    tpu.vector_store %arg6[%swap3A_436, %swap3A_437, %swap3A_438], %swap3A_441 {strides = array<i32>} : memref<9x200x128xf32, #tpu.memory_space<vmem>>, vector<1x200x128xf32>,
    %mul3A_442 = arith.mulf %select_n3A_229, %add3A_335 : vector<200x128xf32>
    %mul3A_443 = arith.mulf %select_n3A_238, %add3A_350 : vector<200x128xf32>
    %add3A_444 = arith.addf %mul3A_442, %mul3A_443 : vector<200x128xf32>
    %mul3A_445 = arith.mulf %select_n3A_220, %add3A_365 : vector<200x128xf32>
    %add3A_446 = arith.addf %add3A_444, %mul3A_445 : vector<200x128xf32>
    %swap3A_447 = arith.constant 6 : index
    %swap3A_448 = arith.constant 0 : index
    %swap3A_449 = arith.constant 0 : index
    %swap3A_450 = vector.load %arg6[%swap3A_447, %swap3A_448, %swap3A_449] : memref<9x200x128xf32, #tpu.memory_space<vmem>>, vector<1x200x128xf32>
    %swap3A_451 = vector.shape_cast %swap3A_450 : vector<1x200x128xf32> to vector<200x128xf32>
    %swap3A_452 = vector.shape_cast %add3A_446 : vector<200x128xf32> to vector<1x200x128xf32>
    tpu.vector_store %arg6[%swap3A_447, %swap3A_448, %swap3A_449], %swap3A_452 {strides = array<i32>} : memref<9x200x128xf32, #tpu.memory_space<vmem>>, vector<1x200x128xf32>,
    %mul3A_453 = arith.mulf %select_n3A_229, %add3A_340 : vector<200x128xf32>
    %mul3A_454 = arith.mulf %select_n3A_238, %add3A_355 : vector<200x128xf32>
    %add3A_455 = arith.addf %mul3A_453, %mul3A_454 : vector<200x128xf32>
    %mul3A_456 = arith.mulf %select_n3A_220, %add3A_370 : vector<200x128xf32>
    %add3A_457 = arith.addf %add3A_455, %mul3A_456 : vector<200x128xf32>
    %swap3A_458 = arith.constant 7 : index
    %swap3A_459 = arith.constant 0 : index
    %swap3A_460 = arith.constant 0 : index
    %swap3A_461 = vector.load %arg6[%swap3A_458, %swap3A_459, %swap3A_460] : memref<9x200x128xf32, #tpu.memory_space<vmem>>, vector<1x200x128xf32>
    %swap3A_462 = vector.shape_cast %swap3A_461 : vector<1x200x128xf32> to vector<200x128xf32>
    %swap3A_463 = vector.shape_cast %add3A_457 : vector<200x128xf32> to vector<1x200x128xf32>
    tpu.vector_store %arg6[%swap3A_458, %swap3A_459, %swap3A_460], %swap3A_463 {strides = array<i32>} : memref<9x200x128xf32, #tpu.memory_space<vmem>>, vector<1x200x128xf32>,
    %mul3A_464 = arith.mulf %select_n3A_229, %add3A_345 : vector<200x128xf32>
    %mul3A_465 = arith.mulf %select_n3A_238, %add3A_360 : vector<200x128xf32>
    %add3A_466 = arith.addf %mul3A_464, %mul3A_465 : vector<200x128xf32>
    %mul3A_467 = arith.mulf %select_n3A_220, %add3A_375 : vector<200x128xf32>
    %add3A_468 = arith.addf %add3A_466, %mul3A_467 : vector<200x128xf32>
    %swap3A_469 = arith.constant 8 : index
    %swap3A_470 = arith.constant 0 : index
    %swap3A_471 = arith.constant 0 : index
    %swap3A_472 = vector.load %arg6[%swap3A_469, %swap3A_470, %swap3A_471] : memref<9x200x128xf32, #tpu.memory_space<vmem>>, vector<1x200x128xf32>
    %swap3A_473 = vector.shape_cast %swap3A_472 : vector<1x200x128xf32> to vector<200x128xf32>
    %swap3A_474 = vector.shape_cast %add3A_468 : vector<200x128xf32> to vector<1x200x128xf32>
    tpu.vector_store %arg6[%swap3A_469, %swap3A_470, %swap3A_471], %swap3A_474 {strides = array<i32>} : memref<9x200x128xf32, #tpu.memory_space<vmem>>, vector<1x200x128xf32>,
    return
  }
  func.func @transform_0(%arg0: i32) -> (i32, i32, i32) {
    %c0_i32 = arith.constant 0 : i32
    %c0_i32_0 = arith.constant 0 : i32
    %c0_i32_1 = arith.constant 0 : i32
    return %c0_i32, %arg0, %c0_i32_0 : i32, i32, i32
  }
  func.func @transform_1(%arg0: i32) -> (i32, i32, i32) {
    %c0_i32 = arith.constant 0 : i32
    %c0_i32_0 = arith.constant 0 : i32
    %c0_i32_1 = arith.constant 0 : i32
    return %c0_i32, %arg0, %c0_i32_0 : i32, i32, i32
  }
  func.func @transform_2(%arg0: i32) -> (i32, i32, i32) {
    %c0_i32 = arith.constant 0 : i32
    %c0_i32_0 = arith.constant 0 : i32
    %c0_i32_1 = arith.constant 0 : i32
    return %c0_i32, %arg0, %c0_i32_0 : i32, i32, i32
  }
  func.func @transform_3(%arg0: i32) -> (i32, i32, i32) {
    %c0_i32 = arith.constant 0 : i32
    %c0_i32_0 = arith.constant 0 : i32
    %c0_i32_1 = arith.constant 0 : i32
    return %c0_i32, %arg0, %c0_i32_0 : i32, i32, i32
  }
  func.func @transform_4(%arg0: i32) -> (i32, i32, i32) {
    %c0_i32 = arith.constant 0 : i32
    %c0_i32_0 = arith.constant 0 : i32
    %c0_i32_1 = arith.constant 0 : i32
    return %c0_i32, %arg0, %c0_i32_0 : i32, i32, i32
  }
  func.func @transform_5(%arg0: i32) -> (i32, i32, i32) {
    %c0_i32 = arith.constant 0 : i32
    %c0_i32_0 = arith.constant 0 : i32
    %c0_i32_1 = arith.constant 0 : i32
    return %c0_i32, %arg0, %c0_i32_0 : i32, i32, i32
  }
}

</mosaic_0001>

<sc_bundles>
// kernel: kernel.12.cloned.1.call-start
scs
__scs_entry_jumppad:
0x0: {  	(pc) =	sbr.rel $0x88, $3  }
0x1: {  	(tag) =	ssettag $0x0;
	lr =	simm.s32 $0x1  }
0x2: {  	[smem:$0x3F9A] =	sst lr;
	_ =	strace $0xD0000000  }
0x3: {  	_ = 	snop  }
0x4: {  	_ = 	snop  }
0x5: {  	_ = 	snop  }
0x6: {  	_ = 	snop  }
0x7: {  	_ = 	snop  }
__scs_overlays_trampoline_lowered:
0x8: {  	[smem:$0x3FA9] =	sst s0  }
0x9: {  	[smem:$0x3FAA] =	sst s1  }
0xa: {  	[smem:$0x3FAB] =	sst s2  }
0xb: {  	[smem:$0x3FAC] =	sst s3  }
0xc: {  	[smem:$0x3FAD] =	sst s4  }
0xd: {  	[smem:$0x3FAE] =	sst s5  }
0xe: {  	[smem:$0x3FAF] =	sst s6  }
0xf: {  	[smem:$0x3FB0] =	sst s7  }
0x10: {  	[smem:$0x3FB1] =	sst s8  }
0x11: {  	[smem:$0x3FB2] =	sst s9;
	s0 =	simm.s32 @!p0 $0x0  }
0x12: {  	s1 =	sld [smem:$0x3F98];
	s0 =	simm.s32 @p0 $0x1  }
0x13: {  	[smem:$0x3FB3] =	sst s0;
	s0 =	simm.s32 @!p1 $0x0  }
0x14: {  	s2 =	sld [smem:$0x3F97];
	s0 =	simm.s32 @p1 $0x1  }
0x15: {  	[smem:$0x3FB4] =	sst s0;
	s0 =	simm.s32 @!p2 $0x0  }
0x16: {  	s3 =	sld [smem:$0x3FDB];
	s0 =	simm.s32 @p2 $0x1  }
0x17: {  	s4 =	simm.s32 $0x1BF5;
	[smem:$0x3FB6] =	sst s0  }
0x18: {  	s0 =	sld [smem:$0x3F99];
	_ =	swait.ge [sflag:s4], $0x0  }
0x19: {  	s7 =	sld [smem:$0x3F9A]  }
0x1a: {  	s8 =	sadd.s32 $0xFFFFE003, lr  }
0x1b: {  	s9 =	sadd.s32 $0xFFFFFEF7, lr;
	s5 =	simm.s32 $0xFFFFFFFF;
	p2 =	slt.u32 s8, $0xFFFFF086  }
0x1c: {  	p1 =	slt.u32 s9, $0xF7A;
	s5 =	simm.s32 @!p2 $0x0  }
0x1d: {  	s5 =	simm.s32 @p1 $0x1;
	p0 =	seq.s32 s7, s2  }
0x1e: {  	s7 =	smul.u32 @!p0 $0xF7A, s2;
	p2 =	seq.s32 @!p0 s5, $0x0  }
0x1f: {  	s9 =	smul.u32 $0xF7A, s1;
	s8 =	simm.s32 @!p0 $0x1BF5;
	p2 =	por !p2, p0  }
0x20: {  	[sflag:s8] =	ssyncset.s32 @!p0 $0xFFFFF086;
	s6 =	sadd.s32 @!p0 s3, s7;
	s7 =	simm.s32 @!p0 $0x108  }
0x21: {  	s3 =	sadd.s32 s3, s9;
	s6 =	sadd.s32 @!p0 $0x88, s6;
	s7 =	simm.s32 @p2 $0x1082  }
0x22: {  	[simem:s7], [sflag:s8] =	dma.local @!p0 [hbm:s6], $0xF7A  }
0x23: {  	s9 =	sor.u32 $0xD0000000, s2;
	s6 =	simm.s32 $0x108;
	_ =	swait.ge @!p0 [sflag:s8], $0x0  }
0x24: {  	s3 =	sadd.s32 $0x88, s3;
	s6 =	simm.s32 @!p1 $0x1082;
	[sflag:s4] =	ssyncset.s32 $0xFFFFF086  }
0x25: {  	[simem:s6], [sflag:s4] =	dma.local [hbm:s3], $0xF7A  }
0x26: {  	[smem:$0x3F9A] =	sst s1;
	(tag) =	ssettag s2;
	_ =	strace s9  }
0x27: {  	s1 =	sld [smem:$0x3FAA]  }
0x28: {  	s2 =	sld [smem:$0x3FAB]  }
0x29: {  	s4 =	sld [smem:$0x3FAD]  }
0x2a: {  	p0 =	seq.s32 s5, $0x0;
	s5 =	sld [smem:$0x3FAE]  }
0x2b: {  	s6 =	sld [smem:$0x3FAF]  }
0x2c: {  	s7 =	sld [smem:$0x3FB0]  }
0x2d: {  	s3 =	simm.s32 $0x108;
	s8 =	sld [smem:$0x3FB1]  }
0x2e: {  	s3 =	simm.s32 @!p0 $0x1082;
	s9 =	sld [smem:$0x3FB2]  }
0x2f: {  	lr =	sadd.s32 s0, s3;
	s0 =	sld [smem:$0x3FA9]  }
0x30: {  	s3 =	sld [smem:$0x3FAC]  }
0x31: {  	[smem:$0x3FB5] =	sst s10  }
0x32: {  	s10 =	sld [smem:$0x3FB3];
	_ =	sdelay $0x3  }
0x33: {  	p0 =	seq.s32 s10, $0x1;
	s10 =	sld [smem:$0x3FB5];
	_ =	sdelay $0x3  }
0x34: {  	[smem:$0x3FB5] =	sst s10  }
0x35: {  	s10 =	sld [smem:$0x3FB4];
	_ =	sdelay $0x3  }
0x36: {  	p1 =	seq.s32 s10, $0x1;
	s10 =	sld [smem:$0x3FB5];
	_ =	sdelay $0x3  }
0x37: {  	[smem:$0x3FB5] =	sst s10  }
0x38: {  	s10 =	sld [smem:$0x3FB6]  }
0x39: {  	_ = 	snop;
	(pc) =	sbr.ind lr, $3  }
0x3a: {  	_ = 	snop  }
0x3b: {  	_ = 	snop  }
0x3c: {  	p2 =	seq.s32 s10, $0x1;
	s10 =	sld [smem:$0x3FB5]  }
0x3d: {  	_ =	shalt  }
0x3e: {  	_ =	shalt  }
0x3f: {  	_ =	shalt  }
0x40: {  	_ =	shalt  }
0x41: {  	_ =	shalt  }
0x42: {  	_ =	shalt  }
0x43: {  	_ =	shalt  }
0x44: {  	_ =	shalt  }
0x45: {  	_ =	shalt  }
0x46: {  	_ =	shalt  }
0x47: {  	_ =	shalt  }
0x48: {  	_ =	shalt  }
0x49: {  	_ =	shalt  }
0x4a: {  	_ =	shalt  }
0x4b: {  	_ =	shalt  }
0x4c: {  	_ =	shalt  }
0x4d: {  	_ =	shalt  }
0x4e: {  	_ =	shalt  }
0x4f: {  	_ =	shalt  }
0x50: {  	_ =	shalt  }
0x51: {  	_ =	shalt  }
0x52: {  	_ =	shalt  }
0x53: {  	_ =	shalt  }
0x54: {  	_ =	shalt  }
0x55: {  	_ =	shalt  }
0x56: {  	_ =	shalt  }
0x57: {  	_ =	shalt  }
0x58: {  	_ =	shalt  }
0x59: {  	_ =	shalt  }
0x5a: {  	_ =	shalt  }
0x5b: {  	_ =	shalt  }
0x5c: {  	_ =	shalt  }
0x5d: {  	_ =	shalt  }
0x5e: {  	_ =	shalt  }
0x5f: {  	_ =	shalt  }
0x60: {  	_ =	shalt  }
0x61: {  	_ =	shalt  }
0x62: {  	_ =	shalt  }
0x63: {  	_ =	shalt  }
0x64: {  	_ =	shalt  }
0x65: {  	_ =	shalt  }
0x66: {  	_ =	shalt  }
0x67: {  	_ =	shalt  }
0x68: {  	_ =	shalt  }
0x69: {  	_ =	shalt  }
0x6a: {  	_ =	shalt  }
0x6b: {  	_ =	shalt  }
0x6c: {  	_ =	shalt  }
0x6d: {  	_ =	shalt  }
0x6e: {  	_ =	shalt  }
0x6f: {  	_ =	shalt  }
0x70: {  	_ =	shalt  }
0x71: {  	_ =	shalt  }
0x72: {  	_ =	shalt  }
0x73: {  	_ =	shalt  }
0x74: {  	_ =	shalt  }
0x75: {  	_ =	shalt  }
0x76: {  	_ =	shalt  }
0x77: {  	_ =	shalt  }
0x78: {  	_ =	shalt  }
0x79: {  	_ =	shalt  }
0x7a: {  	_ =	shalt  }
0x7b: {  	_ =	shalt  }
0x7c: {  	_ =	shalt  }
0x7d: {  	_ =	shalt  }
0x7e: {  	_ =	shalt  }
0x7f: {  	_ =	shalt  }
0x80: {  	_ =	shalt  }
0x81: {  	_ =	shalt  }
0x82: {  	_ =	shalt  }
0x83: {  	_ =	shalt  }
0x84: {  	_ =	shalt  }
0x85: {  	_ =	shalt  }
0x86: {  	_ =	shalt  }
0x87: {  	_ =	shalt  }
.Lfunc_end0:
.L_simem_size_0:
called_computation.2_lowered:
.L_overlay_start_0:
0x88: {  	s2 =	sld [smem:$0x3FD9]  }
0x89: {  	s3 =	sld [smem:$0x3FFE];
	_ =	sdelay $0x1  }
0x8a: {  	s1 =	srdreg.scid  }
0x8b: {  	s0 =	sand.u32 $0x1, s1  }
0x8c: {  	s14 =	sshll.u32 s0, $0xA;
	s2 =	sadd.s32 s3, s2  }
0x8d: {  	s2 =	sadd.s32 s2, s14  }
0x8e: {  	[smem:$0x3FC1] =	sst s2  }
0x8f: {  	_ = 	snop  }
0x90: {  	s2 =	sld [smem:$0x3FD0];
	_ =	sdelay $0x2  }
0x91: {  	s15 =	simm.s32 $0xB;
	s4 =	simm.s32 $0x10  }
0x92: {  	[smem:s4], [sflag:s15] =	dma.local [hbm:s2], $0x1  }
0x93: {  	_ =	swait.eq [sflag:s15], $0x1  }
0x94: {  	[sflag:s15] =	ssyncset.done $0x0  }
0x95: {  	s16 =	sld [smem:$0x10];
	[sflag:s15] =	ssyncadd.s32 $0xFFFFFFFF  }
0x96: {  	s17 =	sld [smem:$0x11];
	(tm) =	ssettm $0x1  }
0x97: {  	s18 =	sld [smem:$0x3FFB];
	_ =	sdelay $0x3  }
0x98: {  	_ =	strace s18  }
0x99: {  	s4 =	sld [smem:$0x3FFC];
	_ =	sdelay $0x3  }
0x9a: {  	_ =	strace s4  }
0x9b: {  	s4 =	sld [smem:$0x3FFD];
	_ =	sdelay $0x3  }
0x9c: {  	_ =	strace s4  }
0x9d: {  	_ =	strace $0x8FFFFFFF  }
0x9e: {  	s19 =	sld [smem:$0x3FDB];
	_ =	sdelay $0x1  }
0x9f: {  	s5 =	simm.s32 $_scs_section_size  }
0xa0: {  	s6 =	simm.s32 $_size__tile_overlayer_lowered;
	s7 =	simm.s32 $_tile_overlayer_lowered  }
0xa1: {  	s22 =	simm.s32 $0x1BFF;
	s21 =	sshll.u32 s7, $0x1;
	s4 =	sadd.s32 s5, s19  }
0xa2: {  	s8 =	simm.s32 $0x0;
	s20 =	sshll.u32 s6, $0x1;
	s6 =	sadd.s32 s21, s4  }
0xa3: {  	[timem:s8], [sflag:s22] =	dma.local [hbm:s6], s20  }
0xa4: {  	_ =	swait.ge [sflag:s22], s20  }
0xa5: {  	s5 =	ssub.s32 $0x0, s20;
	[sflag:s22] =	ssyncset.done $0x0  }
0xa6: {  	[sflag:s22] =	ssyncadd.s32 s5;
	_ =	sdelay $0x1  }
0xa7: {  	s23 =	simm.s32 $0x1B8B  }
0xa8: {  	_ =	swait.ge [sflag:s23], $0x1  }
0xa9: {  	[sflag:s23] =	ssyncset.done $0x0  }
0xaa: {  	s25 =	simm.s32 $0x1B8E;
	s24 =	sld [smem:$0x3FFE];
	[sflag:s23] =	ssyncadd.s32 $0xFFFFFFFF  }
0xab: {  	s26 =	simm.s32 $execute0_lowered;
	[smem:$0x3FD2] =	sst s25  }
0xac: {  	s6 =	sshll.u32 s26, $0x1;
	_ =	strace $0x8000004C;
	[dreg:$0x1] =	wrdreg $0xFFFFFFFF  }
0xad: {  	s28 =	simm.s32 $_size_execute0_lowered;
	s4 =	sadd.s32 s4, s6;
	[dreg:$0x0] =	wrdreg $0x0  }
0xae: {  	s6 =	sshll.u32 s28, $0x1;
	[dreg:$0x2] =	wrdreg s4  }
0xaf: {  	[dreg:$0x3] =	wrdreg s6  }
0xb0: {  	[dreg:$0x4] =	wrdreg $0xC0  }
0xb1: {  	_ =	task [dreg:s8], $0x5FFFF  }
0xb2: {  	[dreg:$0x1] =	wrdreg $0xFFFFFFFF  }
0xb3: {  	[dreg:$0x0] =	wrdreg $0x60  }
0xb4: {  	[dreg:$0x2] =	wrdreg s16  }
0xb5: {  	[dreg:$0x3] =	wrdreg s17  }
0xb6: {  	[dreg:$0x4] =	wrdreg s24  }
0xb7: {  	[dreg:$0x5] =	wrdreg $0x9  }
0xb8: {  	_ =	task.clear_ibuf [dreg:s8], $0x6FFFF;
	_ =	strace $0x9000004C  }
0xb9: {  	s29 =	simm.s32 $0x9;
	_ =	strace $0x8000004E  }
0xba: {  	_ =	swait.ge [sflag:s29], $0x1  }
0xbb: {  	[sflag:s29] =	ssyncadd.s32 $0xFFFFFFFF  }
0xbc: {  	_ =	strace $0x9000004E  }
0xbd: {  	_ =	sfence  }
0xbe: {  	s30 =	sld [smem:$0x0];
	_ =	sdelay $0x2  }
0xbf: {  	s31 =	sshll.u32 s1, $0xD;
	s1 =	sshrl.u32 s1, $0x2  }
0xc0: {  	s3 =	sand.u32 $0x4000, s31;
	s1 =	sadd.s32 s1, s30  }
0xc1: {  	s0 =	sor.u32 s3, s0;
	s1 =	sshll.u32 s1, $0x11  }
0xc2: {  	s0 =	sor.u32 s1, s0  }
0xc3: {  	s0 =	sadd.s32 $0x8F2B, s0  }
0xc4: {  	[sflag:s0] =	ssyncadd.remote.s32 $0x1  }
0xc5: {  	_ =	sfence.sel $0xFFFF  }
0xc6: {  	[dreg:$0x0] =	wrdreg $0xFFFFFFFF;
	(pc) =	sbr.abs _section_cstart, $3  }
0xc7: {  	[dreg:$0x1] =	wrdreg $0xFFFFFFFF  }
0xc8: {  	_ =	task.clear_ibuf [dreg:s8], $0x2FFFF;
	_ =	strace $0x9FFFFFFF  }
0xc9: {  	(tm) =	ssettm $0x7FFFFFFF  }
tec
execute0_lowered:
.L_overlay_start_1:
0x0: {  	(tag) =	ssettag $0x1  }
0x1: {  	s0 =	rddreg [dreg:$0x0]  }
0x2: {  	s1 =	rddreg [dreg:$0x1];
	s2 =	srdreg.scid  }
0x3: {  	s5 =	stileid.u32;
	s3 =	rddreg [dreg:$0x2];
	s28 =	simm.s32 $0x3200  }
0x4: {  	s29 =	simm.s32 $0x3E80;
	s30 =	simm.s32 $0x4B00;
	s31 =	simm.s32 $0x5780  }
0x5: {  	s4 =	sand.u32 $0x1, s2;
	s5 =	sshll.u32 s5, $0x1;
	s2 =	simm.s32 $0x0  }
0x6: {  	s25 =	sadd.s32 $0x3070, s0;
	s26 =	sadd.s32 $0x6270, s0;
	[smem:$0x7FF] =	sst s2  }
0x7: {  	s13 =	sadd.s32 $0x12A70, s1;
	_ =	strace $0x8000004D;
	[dreg:$0xe] =	wrdreg s25  }
0x8: {  	s14 =	sadd.s32 $0x15C70, s1;
	s5 =	sor.u32 s4, s5;
	[dreg:$0xf] =	wrdreg s26  }
0x9: {  	s4 =	ssub.s32 $0x2, s4;
	s6 =	smul.u32 $0xC80, s5;
	[dreg:$0x16] =	wrdreg s13  }
0xa: {  	s8 =	sshrl.u32 s4, $0x1;
	[dreg:$0x17] =	wrdreg s14;
	s25 =	sadd.s32 $0x1E494, s3  }
0xb: {  	s26 =	sadd.s32 $0x21568, s3;
	s4 =	ssub.s32 s4, s8;
	[smem:$0x7FC] =	sst s25  }
0xc: {  	s8 =	sadd.s32 $0x6270, s1;
	[smem:$0x7FD] =	sst s26;
	s15 =	sshrl.u32 s6, $0x3  }
0xd: {  	s7 =	sadd.s32 $0x2C00, s3;
	[dreg:$0x12] =	wrdreg s8;
	s6 =	sadd.s32 s0, s15  }
0xe: {  	s10 =	sadd.s32 $0x3200, s15;
	s20 =	sadd.s32 s7, s15;
	[dreg:$0x4] =	wrdreg s6  }
0xf: {  	s11 =	sadd.s32 $0x6400, s15;
	s16 =	sadd.s32 s0, s10;
	[dreg:$0x9] =	wrdreg s20  }
0x10: {  	s9 =	sadd.s32 $0xC000, s3;
	s17 =	sadd.s32 s0, s11;
	[dreg:$0x5] =	wrdreg s16  }
0x11: {  	p0 =	seq.s32 s5, $0x1F;
	s10 =	sadd.s32 s1, s10;
	[dreg:$0x6] =	wrdreg s17  }
0x12: {  	s19 =	sadd.s32 $0x30D4, s15;
	s18 =	sadd.s32 s1, s11;
	[dreg:$0x7] =	wrdreg s10  }
0x13: {  	s22 =	sadd.s32 $0x61A8, s15;
	s21 =	sadd.s32 s7, s19;
	[dreg:$0x8] =	wrdreg s18  }
0x14: {  	s5 =	simm.s32 $0x1;
	s7 =	sadd.s32 s7, s22;
	[dreg:$0xa] =	wrdreg s21  }
0x15: {  	s25 =	simm.s32 $0x1900;
	s23 =	sadd.s32 s9, s19;
	[dreg:$0xb] =	wrdreg s7  }
0x16: {  	s26 =	simm.s32 $0x2580;
	s24 =	sadd.s32 s9, s22;
	[dreg:$0xc] =	wrdreg s23  }
0x17: {  	s8 =	sadd.s32 $0x2463C, s3;
	s0 =	sadd.s32 $0x9470, s0;
	[dreg:$0xd] =	wrdreg s24  }
0x18: {  	s12 =	sadd.s32 s9, s15;
	s9 =	sadd.s32 $0x9470, s1;
	[dreg:$0x10] =	wrdreg s0  }
0x19: {  	s6 =	sadd.s32 s1, s15;
	s11 =	sadd.s32 $0xF870, s1;
	[dreg:$0x13] =	wrdreg s9  }
0x1a: {  	s15 =	sadd.s32 $0x18E70, s1;
	s19 =	sadd.s32 $0xBE18, s3;
	[dreg:$0x15] =	wrdreg s11  }
0x1b: {  	s20 =	sadd.s32 $0xF070, s3;
	s22 =	sadd.s32 $0x15218, s3;
	[dreg:$0x18] =	wrdreg s15  }
0x1c: {  	s7 =	sadd.s32 $0x3070, s1;
	s10 =	sadd.s32 $0xC670, s1;
	[dreg:$0x1c] =	wrdreg s19  }
0x1d: {  	s16 =	sadd.s32 $0x1C070, s1;
	s17 =	sadd.s32 $0x5C70, s3;
	[dreg:$0x1d] =	wrdreg s20  }
0x1e: {  	s18 =	sadd.s32 $0x8D44, s3;
	s21 =	sadd.s32 $0x12144, s3;
	[dreg:$0x1f] =	wrdreg s22  }
0x1f: {  	s23 =	sadd.s32 $0x182EC, s3;
	s24 =	sadd.s32 $0x1B3C0, s3;
	[dreg:$0x11] =	wrdreg s7  }
0x20: {  	s9 =	sadd.s32 $0x27710, s3;
	s11 =	sadd.s32 $0x9600, s6;
	[dreg:$0x14] =	wrdreg s10  }
0x21: {  	s13 =	sadd.s32 $0xC800, s6;
	s14 =	sadd.s32 $0xFA00, s6;
	[dreg:$0x19] =	wrdreg s16  }
0x22: {  	s15 =	sadd.s32 $0x12C00, s6;
	s19 =	sadd.s32 $0xC350, s12;
	[dreg:$0x1a] =	wrdreg s17  }
0x23: {  	s20 =	sadd.s32 $0xF424, s12;
	s22 =	sadd.s32 $0x155CC, s12;
	[dreg:$0x1b] =	wrdreg s18  }
.Ltmp0:
0x24: {  	s1 =	simm.s32 $0x6400;
	[dreg:$0x1e] =	wrdreg s21;
	(pc) =	sbr.rel .LBB2_1-.Ltmp0, $4  }
0x25: {  	s0 =	simm.s32 $0x7080;
	s3 =	simm.s32 $0x7D00;
	[smem:$0x7FA] =	sst s23  }
0x26: {  	[smem:$0x7FB] =	sst s24;
	s10 =	smax.u32 s4, $0x1;
	s16 =	sadd.s32 $0x15E00, s6  }
0x27: {  	s17 =	sadd.s32 $0x19000, s6;
	s18 =	sadd.s32 $0x927C, s12;
	s21 =	sadd.s32 $0x124F8, s12  }
0x28: {  	s23 =	sadd.s32 $0x186A0, s12;
	s24 =	simm.s32 $0xC80;
	s4 =	simm.s32 $0x8980  }
.LBB2_3:
0x29: {  	s7 =	rddreg [dreg:$0xe]  }
0x2a: {  	[tilespmem:s2], [sflag:$0x1] =	stream.linear.gather [hbm4b:s7+s2], $0x320, $0x38;
	[tilespmem:$0x9600] =	vst v63  }
0x2b: {  	s7 =	rddreg [dreg:$0xf]  }
0x2c: {  	[tilespmem:s24], [sflag:$0x1] =	stream.linear.gather [hbm4b:s7+s2], $0x320, $0x38;
	[tilespmem:$0x9600] =	vst v63  }
0x2d: {  	s7 =	rddreg [dreg:$0x10]  }
0x2e: {  	[tilespmem:s25], [sflag:$0x1] =	stream.linear.gather [hbm4b:s7+s2], $0x320, $0x38;
	[tilespmem:$0x9600] =	vst v63  }
0x2f: {  	s7 =	rddreg [dreg:$0x11]  }
0x30: {  	[tilespmem:s26], [sflag:$0x1] =	stream.linear.gather [hbm4b:s7+s2], $0x320, $0x38;
	[tilespmem:$0x9600] =	vst v63  }
0x31: {  	s7 =	rddreg [dreg:$0x12]  }
0x32: {  	[tilespmem:s28], [sflag:$0x1] =	stream.linear.gather [hbm4b:s7+s2], $0x320, $0x38;
	[tilespmem:$0x9600] =	vst v63  }
0x33: {  	s7 =	rddreg [dreg:$0x13]  }
0x34: {  	[tilespmem:s29], [sflag:$0x1] =	stream.linear.gather [hbm4b:s7+s2], $0x320, $0x38;
	[tilespmem:$0x9600] =	vst v63  }
0x35: {  	s7 =	rddreg [dreg:$0x14]  }
0x36: {  	[tilespmem:s30], [sflag:$0x1] =	stream.linear.gather [hbm4b:s7+s2], $0x320, $0x38;
	[tilespmem:$0x9600] =	vst v63  }
0x37: {  	s7 =	rddreg [dreg:$0x15]  }
0x38: {  	[tilespmem:s31], [sflag:$0x1] =	stream.linear.gather [hbm4b:s7+s2], $0x320, $0x38;
	[tilespmem:$0x9600] =	vst v63  }
0x39: {  	s7 =	rddreg [dreg:$0x16]  }
0x3a: {  	[tilespmem:s1], [sflag:$0x1] =	stream.linear.gather [hbm4b:s7+s2], $0x320, $0x38;
	[tilespmem:$0x9600] =	vst v63  }
0x3b: {  	s7 =	rddreg [dreg:$0x17]  }
0x3c: {  	[tilespmem:s0], [sflag:$0x1] =	stream.linear.gather [hbm4b:s7+s2], $0x320, $0x38;
	[tilespmem:$0x9600] =	vst v63  }
0x3d: {  	s7 =	rddreg [dreg:$0x18]  }
0x3e: {  	[tilespmem:s3], [sflag:$0x1] =	stream.linear.gather [hbm4b:s7+s2], $0x320, $0x38;
	[tilespmem:$0x9600] =	vst v63  }
0x3f: {  	s7 =	rddreg [dreg:$0x19]  }
0x40: {  	[tilespmem:s4], [sflag:$0x1] =	stream.linear.gather [hbm4b:s7+s2], $0x320, $0x38;
	[tilespmem:$0x9600] =	vst v63  }
0x41: {  	_ =	swait.ge [sflag:s5], $0x320  }
0x42: {  	[sflag:s5] =	ssyncset.done $0x0  }
0x43: {  	[sflag:s5] =	ssyncadd.s32 $0xFFFFFCE0  }
0x44: {  	_ =	swait.ge [sflag:s5], $0x320  }
0x45: {  	[sflag:s5] =	ssyncset.done $0x0  }
0x46: {  	[sflag:s5] =	ssyncadd.s32 $0xFFFFFCE0  }
0x47: {  	_ =	swait.ge [sflag:s5], $0x320  }
0x48: {  	[sflag:s5] =	ssyncset.done $0x0  }
0x49: {  	[sflag:s5] =	ssyncadd.s32 $0xFFFFFCE0  }
0x4a: {  	_ =	swait.ge [sflag:s5], $0x320  }
0x4b: {  	[sflag:s5] =	ssyncset.done $0x0  }
0x4c: {  	[sflag:s5] =	ssyncadd.s32 $0xFFFFFCE0  }
0x4d: {  	_ =	swait.ge [sflag:s5], $0x320  }
0x4e: {  	[sflag:s5] =	ssyncset.done $0x0  }
0x4f: {  	[sflag:s5] =	ssyncadd.s32 $0xFFFFFCE0  }
0x50: {  	_ =	swait.ge [sflag:s5], $0x320  }
0x51: {  	[sflag:s5] =	ssyncset.done $0x0  }
0x52: {  	[sflag:s5] =	ssyncadd.s32 $0xFFFFFCE0  }
0x53: {  	_ =	swait.ge [sflag:s5], $0x320  }
0x54: {  	[sflag:s5] =	ssyncset.done $0x0  }
0x55: {  	[sflag:s5] =	ssyncadd.s32 $0xFFFFFCE0  }
0x56: {  	_ =	swait.ge [sflag:s5], $0x320  }
0x57: {  	[sflag:s5] =	ssyncset.done $0x0  }
0x58: {  	[sflag:s5] =	ssyncadd.s32 $0xFFFFFCE0  }
0x59: {  	_ =	swait.ge [sflag:s5], $0x320  }
0x5a: {  	[sflag:s5] =	ssyncset.done $0x0  }
0x5b: {  	[sflag:s5] =	ssyncadd.s32 $0xFFFFFCE0  }
0x5c: {  	_ =	swait.ge [sflag:s5], $0x320  }
0x5d: {  	[sflag:s5] =	ssyncset.done $0x0  }
0x5e: {  	[sflag:s5] =	ssyncadd.s32 $0xFFFFFCE0  }
0x5f: {  	_ =	swait.ge [sflag:s5], $0x320  }
0x60: {  	[sflag:s5] =	ssyncset.done $0x0  }
0x61: {  	[sflag:s5] =	ssyncadd.s32 $0xFFFFFCE0  }
0x62: {  	_ =	swait.ge [sflag:s5], $0x320  }
0x63: {  	[sflag:s5] =	ssyncset.done $0x0  }
0x64: {  	s7 =	rddreg [dreg:$0x1a];
	[sflag:s5] =	ssyncadd.s32 $0xFFFFFCE0  }
0x65: {  	[hbm4b:s7+s2] =	stream.linear.scatter [tilespmem:s2], [sflag:$0x1], $0x320, $0x38;
	[tilespmem:$0x9600] =	vst v63  }
0x66: {  	s7 =	rddreg [dreg:$0x1b]  }
0x67: {  	[hbm4b:s7+s2] =	stream.linear.scatter [tilespmem:s24], [sflag:$0x1], $0x320, $0x38;
	[tilespmem:$0x9600] =	vst v63  }
0x68: {  	s7 =	rddreg [dreg:$0x1c]  }
0x69: {  	[hbm4b:s7+s2] =	stream.linear.scatter [tilespmem:s25], [sflag:$0x1], $0x320, $0x38;
	[tilespmem:$0x9600] =	vst v63  }
0x6a: {  	s7 =	rddreg [dreg:$0x1d]  }
0x6b: {  	[hbm4b:s7+s2] =	stream.linear.scatter [tilespmem:s26], [sflag:$0x1], $0x320, $0x38;
	[tilespmem:$0x9600] =	vst v63  }
0x6c: {  	s7 =	rddreg [dreg:$0x1e]  }
0x6d: {  	[hbm4b:s7+s2] =	stream.linear.scatter [tilespmem:s28], [sflag:$0x1], $0x320, $0x38;
	[tilespmem:$0x9600] =	vst v63  }
0x6e: {  	s7 =	rddreg [dreg:$0x1f]  }
0x6f: {  	[hbm4b:s7+s2] =	stream.linear.scatter [tilespmem:s29], [sflag:$0x1], $0x320, $0x38;
	[tilespmem:$0x9600] =	vst v63  }
0x70: {  	s7 =	sld [smem:$0x7FA];
	_ =	sdelay $0x2  }
0x71: {  	[hbm4b:s7+s2] =	stream.linear.scatter [tilespmem:s30], [sflag:$0x1], $0x320, $0x38;
	[tilespmem:$0x9600] =	vst v63  }
0x72: {  	s7 =	sld [smem:$0x7FB];
	_ =	sdelay $0x2  }
0x73: {  	[hbm4b:s7+s2] =	stream.linear.scatter [tilespmem:s31], [sflag:$0x1], $0x320, $0x38;
	[tilespmem:$0x9600] =	vst v63  }
0x74: {  	s7 =	sld [smem:$0x7FC];
	_ =	sdelay $0x2  }
0x75: {  	[hbm4b:s7+s2] =	stream.linear.scatter [tilespmem:s1], [sflag:$0x1], $0x320, $0x38;
	[tilespmem:$0x9600] =	vst v63  }
0x76: {  	s7 =	sld [smem:$0x7FD];
	_ =	sdelay $0x2  }
0x77: {  	[hbm4b:s7+s2] =	stream.linear.scatter [tilespmem:s0], [sflag:$0x1], $0x320, $0x38;
	[tilespmem:$0x9600] =	vst v63  }
0x78: {  	_ = 	snop  }
0x79: {  	[hbm4b:s8+s2] =	stream.linear.scatter [tilespmem:s3], [sflag:$0x1], $0x320, $0x38;
	[tilespmem:$0x9600] =	vst v63  }
0x7a: {  	_ = 	snop  }
0x7b: {  	[hbm4b:s9+s2] =	stream.linear.scatter [tilespmem:s4], [sflag:$0x1], $0x320, $0x38;
	[tilespmem:$0x9600] =	vst v63  }
0x7c: {  	_ =	swait.ge [sflag:s5], $0x320  }
0x7d: {  	[sflag:s5] =	ssyncset.done $0x0  }
0x7e: {  	[sflag:s5] =	ssyncadd.s32 $0xFFFFFCE0  }
0x7f: {  	_ =	swait.ge [sflag:s5], $0x320  }
0x80: {  	[sflag:s5] =	ssyncset.done $0x0  }
0x81: {  	[sflag:s5] =	ssyncadd.s32 $0xFFFFFCE0  }
0x82: {  	_ =	swait.ge [sflag:s5], $0x320  }
0x83: {  	[sflag:s5] =	ssyncset.done $0x0  }
0x84: {  	[sflag:s5] =	ssyncadd.s32 $0xFFFFFCE0  }
0x85: {  	_ =	swait.ge [sflag:s5], $0x320  }
0x86: {  	[sflag:s5] =	ssyncset.done $0x0  }
0x87: {  	[sflag:s5] =	ssyncadd.s32 $0xFFFFFCE0  }
0x88: {  	_ =	swait.ge [sflag:s5], $0x320  }
0x89: {  	[sflag:s5] =	ssyncset.done $0x0  }
0x8a: {  	[sflag:s5] =	ssyncadd.s32 $0xFFFFFCE0  }
0x8b: {  	_ =	swait.ge [sflag:s5], $0x320  }
0x8c: {  	[sflag:s5] =	ssyncset.done $0x0  }
0x8d: {  	[sflag:s5] =	ssyncadd.s32 $0xFFFFFCE0  }
0x8e: {  	_ =	swait.ge [sflag:s5], $0x320  }
0x8f: {  	[sflag:s5] =	ssyncset.done $0x0  }
0x90: {  	[sflag:s5] =	ssyncadd.s32 $0xFFFFFCE0  }
0x91: {  	_ =	swait.ge [sflag:s5], $0x320  }
0x92: {  	[sflag:s5] =	ssyncset.done $0x0  }
0x93: {  	[sflag:s5] =	ssyncadd.s32 $0xFFFFFCE0  }
0x94: {  	_ =	swait.ge [sflag:s5], $0x320  }
0x95: {  	[sflag:s5] =	ssyncset.done $0x0  }
0x96: {  	[sflag:s5] =	ssyncadd.s32 $0xFFFFFCE0  }
0x97: {  	_ =	swait.ge [sflag:s5], $0x320  }
0x98: {  	[sflag:s5] =	ssyncset.done $0x0  }
0x99: {  	[sflag:s5] =	ssyncadd.s32 $0xFFFFFCE0  }
0x9a: {  	_ =	swait.ge [sflag:s5], $0x320  }
0x9b: {  	[sflag:s5] =	ssyncset.done $0x0  }
0x9c: {  	[sflag:s5] =	ssyncadd.s32 $0xFFFFFCE0  }
0x9d: {  	_ =	swait.ge [sflag:s5], $0x320  }
0x9e: {  	[sflag:s5] =	ssyncset.done $0x0  }
0x9f: {  	[sflag:s5] =	ssyncadd.s32 $0xFFFFFCE0  }
.LBB2_4:
0xa0: {  	s10 =	sadd.s32 $0xFFFFFFFF, s10  }
0xa1: {  	p1 =	sne.s32 s10, $0x0  }
.Ltmp1:
0xa2: {  	_ = 	snop;
	(pc) =	sbr.rel @!p1 .LBB2_5-.Ltmp1, $1  }
0xa3: {  	_ =	sdelay $0x3  }
.LBB2_1:
.Ltmp2:
0xa4: {  	(pc) =	sbr.rel @p0 .LBB2_3-.Ltmp2, $1  }
0xa5: {  	_ =	sdelay $0x3  }
0xa6: {  	s7 =	rddreg [dreg:$0x4]  }
0xa7: {  	[tilespmem:s2], [sflag:$0x1] =	stream.linear.gather [hbm4b:s7+s2], $0xC80, $0x38;
	[tilespmem:$0x9600] =	vst v63  }
0xa8: {  	s7 =	rddreg [dreg:$0x5]  }
0xa9: {  	[tilespmem:s24], [sflag:$0x1] =	stream.linear.gather [hbm4b:s7+s2], $0xC80, $0x38;
	[tilespmem:$0x9600] =	vst v63  }
0xaa: {  	s7 =	rddreg [dreg:$0x6]  }
0xab: {  	[tilespmem:s25], [sflag:$0x1] =	stream.linear.gather [hbm4b:s7+s2], $0xC80, $0x38;
	[tilespmem:$0x9600] =	vst v63  }
0xac: {  	_ = 	snop  }
0xad: {  	[tilespmem:s26], [sflag:$0x1] =	stream.linear.gather [hbm4b:s6+s2], $0xC80, $0x38;
	[tilespmem:$0x9600] =	vst v63  }
0xae: {  	s7 =	rddreg [dreg:$0x7]  }
0xaf: {  	[tilespmem:s28], [sflag:$0x1] =	stream.linear.gather [hbm4b:s7+s2], $0xC80, $0x38;
	[tilespmem:$0x9600] =	vst v63  }
0xb0: {  	s7 =	rddreg [dreg:$0x8]  }
0xb1: {  	[tilespmem:s29], [sflag:$0x1] =	stream.linear.gather [hbm4b:s7+s2], $0xC80, $0x38;
	[tilespmem:$0x9600] =	vst v63  }
0xb2: {  	_ = 	snop  }
0xb3: {  	[tilespmem:s30], [sflag:$0x1] =	stream.linear.gather [hbm4b:s11+s2], $0xC80, $0x38;
	[tilespmem:$0x9600] =	vst v63  }
0xb4: {  	_ = 	snop  }
0xb5: {  	[tilespmem:s31], [sflag:$0x1] =	stream.linear.gather [hbm4b:s13+s2], $0xC80, $0x38;
	[tilespmem:$0x9600] =	vst v63  }
0xb6: {  	_ = 	snop  }
0xb7: {  	[tilespmem:s1], [sflag:$0x1] =	stream.linear.gather [hbm4b:s14+s2], $0xC80, $0x38;
	[tilespmem:$0x9600] =	vst v63  }
0xb8: {  	_ = 	snop  }
0xb9: {  	[tilespmem:s0], [sflag:$0x1] =	stream.linear.gather [hbm4b:s15+s2], $0xC80, $0x38;
	[tilespmem:$0x9600] =	vst v63  }
0xba: {  	_ = 	snop  }
0xbb: {  	[tilespmem:s3], [sflag:$0x1] =	stream.linear.gather [hbm4b:s16+s2], $0xC80, $0x38;
	[tilespmem:$0x9600] =	vst v63  }
0xbc: {  	_ = 	snop  }
0xbd: {  	[tilespmem:s4], [sflag:$0x1] =	stream.linear.gather [hbm4b:s17+s2], $0xC80, $0x38;
	[tilespmem:$0x9600] =	vst v63  }
0xbe: {  	_ =	swait.ge [sflag:s5], $0xC80  }
0xbf: {  	[sflag:s5] =	ssyncset.done $0x0  }
0xc0: {  	[sflag:s5] =	ssyncadd.s32 $0xFFFFF380  }
0xc1: {  	_ =	swait.ge [sflag:s5], $0xC80  }
0xc2: {  	[sflag:s5] =	ssyncset.done $0x0  }
0xc3: {  	[sflag:s5] =	ssyncadd.s32 $0xFFFFF380  }
0xc4: {  	_ =	swait.ge [sflag:s5], $0xC80  }
0xc5: {  	[sflag:s5] =	ssyncset.done $0x0  }
0xc6: {  	[sflag:s5] =	ssyncadd.s32 $0xFFFFF380  }
0xc7: {  	_ =	swait.ge [sflag:s5], $0xC80  }
0xc8: {  	[sflag:s5] =	ssyncset.done $0x0  }
0xc9: {  	[sflag:s5] =	ssyncadd.s32 $0xFFFFF380  }
0xca: {  	_ =	swait.ge [sflag:s5], $0xC80  }
0xcb: {  	[sflag:s5] =	ssyncset.done $0x0  }
0xcc: {  	[sflag:s5] =	ssyncadd.s32 $0xFFFFF380  }
0xcd: {  	_ =	swait.ge [sflag:s5], $0xC80  }
0xce: {  	[sflag:s5] =	ssyncset.done $0x0  }
0xcf: {  	[sflag:s5] =	ssyncadd.s32 $0xFFFFF380  }
0xd0: {  	_ =	swait.ge [sflag:s5], $0xC80  }
0xd1: {  	[sflag:s5] =	ssyncset.done $0x0  }
0xd2: {  	[sflag:s5] =	ssyncadd.s32 $0xFFFFF380  }
0xd3: {  	_ =	swait.ge [sflag:s5], $0xC80  }
0xd4: {  	[sflag:s5] =	ssyncset.done $0x0  }
0xd5: {  	[sflag:s5] =	ssyncadd.s32 $0xFFFFF380  }
0xd6: {  	_ =	swait.ge [sflag:s5], $0xC80  }
0xd7: {  	[sflag:s5] =	ssyncset.done $0x0  }
0xd8: {  	[sflag:s5] =	ssyncadd.s32 $0xFFFFF380  }
0xd9: {  	_ =	swait.ge [sflag:s5], $0xC80  }
0xda: {  	[sflag:s5] =	ssyncset.done $0x0  }
0xdb: {  	[sflag:s5] =	ssyncadd.s32 $0xFFFFF380  }
0xdc: {  	_ =	swait.ge [sflag:s5], $0xC80  }
0xdd: {  	[sflag:s5] =	ssyncset.done $0x0  }
0xde: {  	[sflag:s5] =	ssyncadd.s32 $0xFFFFF380  }
0xdf: {  	_ =	swait.ge [sflag:s5], $0xC80  }
0xe0: {  	[sflag:s5] =	ssyncset.done $0x0  }
0xe1: {  	s7 =	rddreg [dreg:$0x9];
	[sflag:s5] =	ssyncadd.s32 $0xFFFFF380  }
0xe2: {  	[hbm4b:s7+s2] =	stream.linear.scatter [tilespmem:s2], [sflag:$0x1], $0xC80, $0x38;
	[tilespmem:$0x9600] =	vst v63  }
0xe3: {  	s7 =	rddreg [dreg:$0xa]  }
0xe4: {  	[hbm4b:s7+s2] =	stream.linear.scatter [tilespmem:s24], [sflag:$0x1], $0xC80, $0x38;
	[tilespmem:$0x9600] =	vst v63  }
0xe5: {  	s7 =	rddreg [dreg:$0xb]  }
0xe6: {  	[hbm4b:s7+s2] =	stream.linear.scatter [tilespmem:s25], [sflag:$0x1], $0xC80, $0x38;
	[tilespmem:$0x9600] =	vst v63  }
0xe7: {  	_ = 	snop  }
0xe8: {  	[hbm4b:s12+s2] =	stream.linear.scatter [tilespmem:s26], [sflag:$0x1], $0xC80, $0x38;
	[tilespmem:$0x9600] =	vst v63  }
0xe9: {  	s7 =	rddreg [dreg:$0xc]  }
0xea: {  	[hbm4b:s7+s2] =	stream.linear.scatter [tilespmem:s28], [sflag:$0x1], $0xC80, $0x38;
	[tilespmem:$0x9600] =	vst v63  }
0xeb: {  	s7 =	rddreg [dreg:$0xd]  }
0xec: {  	[hbm4b:s7+s2] =	stream.linear.scatter [tilespmem:s29], [sflag:$0x1], $0xC80, $0x38;
	[tilespmem:$0x9600] =	vst v63  }
0xed: {  	_ = 	snop  }
0xee: {  	[hbm4b:s18+s2] =	stream.linear.scatter [tilespmem:s30], [sflag:$0x1], $0xC80, $0x38;
	[tilespmem:$0x9600] =	vst v63  }
0xef: {  	_ = 	snop  }
0xf0: {  	[hbm4b:s19+s2] =	stream.linear.scatter [tilespmem:s31], [sflag:$0x1], $0xC80, $0x38;
	[tilespmem:$0x9600] =	vst v63  }
0xf1: {  	_ = 	snop  }
0xf2: {  	[hbm4b:s20+s2] =	stream.linear.scatter [tilespmem:s1], [sflag:$0x1], $0xC80, $0x38;
	[tilespmem:$0x9600] =	vst v63  }
0xf3: {  	_ = 	snop  }
0xf4: {  	[hbm4b:s21+s2] =	stream.linear.scatter [tilespmem:s0], [sflag:$0x1], $0xC80, $0x38;
	[tilespmem:$0x9600] =	vst v63  }
0xf5: {  	_ = 	snop  }
0xf6: {  	[hbm4b:s22+s2] =	stream.linear.scatter [tilespmem:s3], [sflag:$0x1], $0xC80, $0x38;
	[tilespmem:$0x9600] =	vst v63  }
0xf7: {  	_ = 	snop  }
0xf8: {  	[hbm4b:s23+s2] =	stream.linear.scatter [tilespmem:s4], [sflag:$0x1], $0xC80, $0x38;
	[tilespmem:$0x9600] =	vst v63  }
0xf9: {  	_ =	swait.ge [sflag:s5], $0xC80  }
0xfa: {  	[sflag:s5] =	ssyncset.done $0x0  }
0xfb: {  	[sflag:s5] =	ssyncadd.s32 $0xFFFFF380  }
0xfc: {  	_ =	swait.ge [sflag:s5], $0xC80  }
0xfd: {  	[sflag:s5] =	ssyncset.done $0x0  }
0xfe: {  	[sflag:s5] =	ssyncadd.s32 $0xFFFFF380  }
0xff: {  	_ =	swait.ge [sflag:s5], $0xC80  }
0x100: {  	[sflag:s5] =	ssyncset.done $0x0  }
0x101: {  	[sflag:s5] =	ssyncadd.s32 $0xFFFFF380  }
0x102: {  	_ =	swait.ge [sflag:s5], $0xC80  }
0x103: {  	[sflag:s5] =	ssyncset.done $0x0  }
0x104: {  	[sflag:s5] =	ssyncadd.s32 $0xFFFFF380  }
0x105: {  	_ =	swait.ge [sflag:s5], $0xC80  }
0x106: {  	[sflag:s5] =	ssyncset.done $0x0  }
0x107: {  	[sflag:s5] =	ssyncadd.s32 $0xFFFFF380  }
0x108: {  	_ =	swait.ge [sflag:s5], $0xC80  }
0x109: {  	[sflag:s5] =	ssyncset.done $0x0  }
0x10a: {  	[sflag:s5] =	ssyncadd.s32 $0xFFFFF380  }
0x10b: {  	_ =	swait.ge [sflag:s5], $0xC80  }
0x10c: {  	[sflag:s5] =	ssyncset.done $0x0  }
0x10d: {  	[sflag:s5] =	ssyncadd.s32 $0xFFFFF380  }
0x10e: {  	_ =	swait.ge [sflag:s5], $0xC80  }
0x10f: {  	[sflag:s5] =	ssyncset.done $0x0  }
0x110: {  	[sflag:s5] =	ssyncadd.s32 $0xFFFFF380  }
0x111: {  	_ =	swait.ge [sflag:s5], $0xC80  }
0x112: {  	[sflag:s5] =	ssyncset.done $0x0  }
0x113: {  	[sflag:s5] =	ssyncadd.s32 $0xFFFFF380  }
0x114: {  	_ =	swait.ge [sflag:s5], $0xC80  }
0x115: {  	[sflag:s5] =	ssyncset.done $0x0  }
0x116: {  	[sflag:s5] =	ssyncadd.s32 $0xFFFFF380  }
0x117: {  	_ =	swait.ge [sflag:s5], $0xC80  }
.Ltmp3:
0x118: {  	[sflag:s5] =	ssyncset.done $0x0;
	(pc) =	sbr.rel .LBB2_4-.Ltmp3, $4  }
0x119: {  	[sflag:s5] =	ssyncadd.s32 $0xFFFFF380  }
0x11a: {  	_ =	swait.ge [sflag:s5], $0xC80  }
0x11b: {  	[sflag:s5] =	ssyncset.done $0x0  }
0x11c: {  	[sflag:s5] =	ssyncadd.s32 $0xFFFFF380  }
.LBB2_5:
0x11d: {  	_ =	sfence.sel $0x180000  }
0x11e: {  	[bflag:$0x0] =	sbarrier.arrive $0xFFFF  }
0x11f: {  	_ =	strace $0x9000004D  }
0x120: {  	s0 =	stileid.u32;
	[bflag:$0x2] =	sbarrier.arrive $0xFFFF  }
0x121: {  	p0 =	sne.s32 s0, $0x0;
	s0 =	rddreg [dreg:$0x3]  }
0x122: {  	s0 =	sadd.s32 @!p0 $0x100000, s0  }
0x123: {  	[sflag:s0] =	ssyncadd.tile.s32 @!p0 $0x1;
	_ =	shalt  }
.Lfunc_end2:
_tile_overlayer_lowered:
.L_overlay_start_2:
0x124: {  	(tag) =	ssettag $0x2  }
0x125: {  	s0 =	rddreg [dreg:$0x0];
	s2 =	stileid.u32  }
0x126: {  	s1 =	rddreg [dreg:$0x1];
	p0 =	sne.s32 s2, $0x0  }
0x127: {  	s3 =	rddreg [dreg:$0x2];
	[bflag:$0x3] =	sbarrier.arrive $0xFFFF;
	s2 =	simm.s32 @!p0 $0x1C02  }
0x128: {  	[timem:s3], [sflag:s2] =	dma.local @!p0 [hbm:s0], s1  }
0x129: {  	s0 =	simm.s32 @!p0 $0x2  }
0x12a: {  	_ =	swait.ge @!p0 [sflag:s0], s1  }
0x12b: {  	s1 =	ssub.s32 @!p0 $0x0, s1;
	[sflag:s0] =	ssyncset.done @!p0 $0x0  }
0x12c: {  	[sflag:s0] =	ssyncadd.s32 @!p0 s1  }
0x12d: {  	[bflag:$0x3] =	sbarrier.arrive $0xFFFF  }
0x12e: {  	_ =	shalt  }

// kernel: kernel.6.cloned.1.call-start
scs
__scs_entry_jumppad:
0x0: {  	(pc) =	sbr.rel $0x88, $3  }
0x1: {  	(tag) =	ssettag $0x0;
	lr =	simm.s32 $0x1  }
0x2: {  	[smem:$0x3F9A] =	sst lr;
	_ =	strace $0xD0000000  }
0x3: {  	_ = 	snop  }
0x4: {  	_ = 	snop  }
0x5: {  	_ = 	snop  }
0x6: {  	_ = 	snop  }
0x7: {  	_ = 	snop  }
__scs_overlays_trampoline_lowered:
0x8: {  	[smem:$0x3FA9] =	sst s0  }
0x9: {  	[smem:$0x3FAA] =	sst s1  }
0xa: {  	[smem:$0x3FAB] =	sst s2  }
0xb: {  	[smem:$0x3FAC] =	sst s3  }
0xc: {  	[smem:$0x3FAD] =	sst s4  }
0xd: {  	[smem:$0x3FAE] =	sst s5  }
0xe: {  	[smem:$0x3FAF] =	sst s6  }
0xf: {  	[smem:$0x3FB0] =	sst s7  }
0x10: {  	[smem:$0x3FB1] =	sst s8  }
0x11: {  	[smem:$0x3FB2] =	sst s9;
	s0 =	simm.s32 @!p0 $0x0  }
0x12: {  	s1 =	sld [smem:$0x3F98];
	s0 =	simm.s32 @p0 $0x1  }
0x13: {  	[smem:$0x3FB3] =	sst s0;
	s0 =	simm.s32 @!p1 $0x0  }
0x14: {  	s2 =	sld [smem:$0x3F97];
	s0 =	simm.s32 @p1 $0x1  }
0x15: {  	[smem:$0x3FB4] =	sst s0;
	s0 =	simm.s32 @!p2 $0x0  }
0x16: {  	s3 =	sld [smem:$0x3FDB];
	s0 =	simm.s32 @p2 $0x1  }
0x17: {  	s4 =	simm.s32 $0x1BF5;
	[smem:$0x3FB6] =	sst s0  }
0x18: {  	s0 =	sld [smem:$0x3F99];
	_ =	swait.ge [sflag:s4], $0x0  }
0x19: {  	s7 =	sld [smem:$0x3F9A]  }
0x1a: {  	s8 =	sadd.s32 $0xFFFFE003, lr  }
0x1b: {  	s9 =	sadd.s32 $0xFFFFFEF7, lr;
	s5 =	simm.s32 $0xFFFFFFFF;
	p2 =	slt.u32 s8, $0xFFFFF086  }
0x1c: {  	p1 =	slt.u32 s9, $0xF7A;
	s5 =	simm.s32 @!p2 $0x0  }
0x1d: {  	s5 =	simm.s32 @p1 $0x1;
	p0 =	seq.s32 s7, s2  }
0x1e: {  	s7 =	smul.u32 @!p0 $0xF7A, s2;
	p2 =	seq.s32 @!p0 s5, $0x0  }
0x1f: {  	s9 =	smul.u32 $0xF7A, s1;
	s8 =	simm.s32 @!p0 $0x1BF5;
	p2 =	por !p2, p0  }
0x20: {  	[sflag:s8] =	ssyncset.s32 @!p0 $0xFFFFF086;
	s6 =	sadd.s32 @!p0 s3, s7;
	s7 =	simm.s32 @!p0 $0x108  }
0x21: {  	s3 =	sadd.s32 s3, s9;
	s6 =	sadd.s32 @!p0 $0x88, s6;
	s7 =	simm.s32 @p2 $0x1082  }
0x22: {  	[simem:s7], [sflag:s8] =	dma.local @!p0 [hbm:s6], $0xF7A  }
0x23: {  	s9 =	sor.u32 $0xD0000000, s2;
	s6 =	simm.s32 $0x108;
	_ =	swait.ge @!p0 [sflag:s8], $0x0  }
0x24: {  	s3 =	sadd.s32 $0x88, s3;
	s6 =	simm.s32 @!p1 $0x1082;
	[sflag:s4] =	ssyncset.s32 $0xFFFFF086  }
0x25: {  	[simem:s6], [sflag:s4] =	dma.local [hbm:s3], $0xF7A  }
0x26: {  	[smem:$0x3F9A] =	sst s1;
	(tag) =	ssettag s2;
	_ =	strace s9  }
0x27: {  	s1 =	sld [smem:$0x3FAA]  }
0x28: {  	s2 =	sld [smem:$0x3FAB]  }
0x29: {  	s4 =	sld [smem:$0x3FAD]  }
0x2a: {  	p0 =	seq.s32 s5, $0x0;
	s5 =	sld [smem:$0x3FAE]  }
0x2b: {  	s6 =	sld [smem:$0x3FAF]  }
0x2c: {  	s7 =	sld [smem:$0x3FB0]  }
0x2d: {  	s3 =	simm.s32 $0x108;
	s8 =	sld [smem:$0x3FB1]  }
0x2e: {  	s3 =	simm.s32 @!p0 $0x1082;
	s9 =	sld [smem:$0x3FB2]  }
0x2f: {  	lr =	sadd.s32 s0, s3;
	s0 =	sld [smem:$0x3FA9]  }
0x30: {  	s3 =	sld [smem:$0x3FAC]  }
0x31: {  	[smem:$0x3FB5] =	sst s10  }
0x32: {  	s10 =	sld [smem:$0x3FB3];
	_ =	sdelay $0x3  }
0x33: {  	p0 =	seq.s32 s10, $0x1;
	s10 =	sld [smem:$0x3FB5];
	_ =	sdelay $0x3  }
0x34: {  	[smem:$0x3FB5] =	sst s10  }
0x35: {  	s10 =	sld [smem:$0x3FB4];
	_ =	sdelay $0x3  }
0x36: {  	p1 =	seq.s32 s10, $0x1;
	s10 =	sld [smem:$0x3FB5];
	_ =	sdelay $0x3  }
0x37: {  	[smem:$0x3FB5] =	sst s10  }
0x38: {  	s10 =	sld [smem:$0x3FB6]  }
0x39: {  	_ = 	snop;
	(pc) =	sbr.ind lr, $3  }
0x3a: {  	_ = 	snop  }
0x3b: {  	_ = 	snop  }
0x3c: {  	p2 =	seq.s32 s10, $0x1;
	s10 =	sld [smem:$0x3FB5]  }
0x3d: {  	_ =	shalt  }
0x3e: {  	_ =	shalt  }
0x3f: {  	_ =	shalt  }
0x40: {  	_ =	shalt  }
0x41: {  	_ =	shalt  }
0x42: {  	_ =	shalt  }
0x43: {  	_ =	shalt  }
0x44: {  	_ =	shalt  }
0x45: {  	_ =	shalt  }
0x46: {  	_ =	shalt  }
0x47: {  	_ =	shalt  }
0x48: {  	_ =	shalt  }
0x49: {  	_ =	shalt  }
0x4a: {  	_ =	shalt  }
0x4b: {  	_ =	shalt  }
0x4c: {  	_ =	shalt  }
0x4d: {  	_ =	shalt  }
0x4e: {  	_ =	shalt  }
0x4f: {  	_ =	shalt  }
0x50: {  	_ =	shalt  }
0x51: {  	_ =	shalt  }
0x52: {  	_ =	shalt  }
0x53: {  	_ =	shalt  }
0x54: {  	_ =	shalt  }
0x55: {  	_ =	shalt  }
0x56: {  	_ =	shalt  }
0x57: {  	_ =	shalt  }
0x58: {  	_ =	shalt  }
0x59: {  	_ =	shalt  }
0x5a: {  	_ =	shalt  }
0x5b: {  	_ =	shalt  }
0x5c: {  	_ =	shalt  }
0x5d: {  	_ =	shalt  }
0x5e: {  	_ =	shalt  }
0x5f: {  	_ =	shalt  }
0x60: {  	_ =	shalt  }
0x61: {  	_ =	shalt  }
0x62: {  	_ =	shalt  }
0x63: {  	_ =	shalt  }
0x64: {  	_ =	shalt  }
0x65: {  	_ =	shalt  }
0x66: {  	_ =	shalt  }
0x67: {  	_ =	shalt  }
0x68: {  	_ =	shalt  }
0x69: {  	_ =	shalt  }
0x6a: {  	_ =	shalt  }
0x6b: {  	_ =	shalt  }
0x6c: {  	_ =	shalt  }
0x6d: {  	_ =	shalt  }
0x6e: {  	_ =	shalt  }
0x6f: {  	_ =	shalt  }
0x70: {  	_ =	shalt  }
0x71: {  	_ =	shalt  }
0x72: {  	_ =	shalt  }
0x73: {  	_ =	shalt  }
0x74: {  	_ =	shalt  }
0x75: {  	_ =	shalt  }
0x76: {  	_ =	shalt  }
0x77: {  	_ =	shalt  }
0x78: {  	_ =	shalt  }
0x79: {  	_ =	shalt  }
0x7a: {  	_ =	shalt  }
0x7b: {  	_ =	shalt  }
0x7c: {  	_ =	shalt  }
0x7d: {  	_ =	shalt  }
0x7e: {  	_ =	shalt  }
0x7f: {  	_ =	shalt  }
0x80: {  	_ =	shalt  }
0x81: {  	_ =	shalt  }
0x82: {  	_ =	shalt  }
0x83: {  	_ =	shalt  }
0x84: {  	_ =	shalt  }
0x85: {  	_ =	shalt  }
0x86: {  	_ =	shalt  }
0x87: {  	_ =	shalt  }
.Lfunc_end0:
.L_simem_size_0:
called_computation_lowered:
.L_overlay_start_0:
0x88: {  	s2 =	sld [smem:$0x3FD9]  }
0x89: {  	s3 =	sld [smem:$0x3FFE];
	_ =	sdelay $0x1  }
0x8a: {  	s1 =	srdreg.scid  }
0x8b: {  	s0 =	sand.u32 $0x1, s1  }
0x8c: {  	s15 =	sshll.u32 s0, $0xA;
	s2 =	sadd.s32 s3, s2  }
0x8d: {  	s2 =	sadd.s32 s2, s15  }
0x8e: {  	[smem:$0x3FC1] =	sst s2  }
0x8f: {  	_ = 	snop  }
0x90: {  	s16 =	sld [smem:$0x3FD0];
	_ =	sdelay $0x2  }
0x91: {  	s5 =	simm.s32 $0xB;
	s4 =	simm.s32 $0x10;
	s2 =	sld [smem:$0x3FC5]  }
0x92: {  	[smem:s4], [sflag:s5] =	dma.local [hbm:s16], $0x1  }
0x93: {  	_ =	swait.eq [sflag:s5], $0x1  }
0x94: {  	[sflag:s5] =	ssyncset.done $0x0  }
0x95: {  	s17 =	sld [smem:$0x10];
	[sflag:s5] =	ssyncadd.s32 $0xFFFFFFFF  }
0x96: {  	s18 =	sld [smem:$0x11];
	(tm) =	ssettm $0x1  }
0x97: {  	s19 =	sld [smem:$0x3FFB];
	_ =	sdelay $0x3  }
0x98: {  	_ =	strace s19  }
0x99: {  	s3 =	sld [smem:$0x3FFC];
	_ =	sdelay $0x3  }
0x9a: {  	_ =	strace s3  }
0x9b: {  	s3 =	sld [smem:$0x3FFD];
	_ =	sdelay $0x3  }
0x9c: {  	_ =	strace s3  }
0x9d: {  	_ =	strace $0x8FFFFFFF  }
0x9e: {  	s20 =	sld [smem:$0x3FDB];
	_ =	sdelay $0x1  }
0x9f: {  	s6 =	simm.s32 $_scs_section_size  }
0xa0: {  	s7 =	simm.s32 $_size__tile_overlayer_lowered;
	s8 =	simm.s32 $_tile_overlayer_lowered  }
0xa1: {  	s9 =	simm.s32 $0x1BFF;
	s21 =	sshll.u32 s8, $0x1;
	s6 =	sadd.s32 s6, s20  }
0xa2: {  	s22 =	simm.s32 $0x0;
	s7 =	sshll.u32 s7, $0x1;
	s8 =	sadd.s32 s21, s6  }
0xa3: {  	[timem:s22], [sflag:s9] =	dma.local [hbm:s8], s7  }
0xa4: {  	_ =	swait.ge [sflag:s9], s7  }
0xa5: {  	s7 =	ssub.s32 $0x0, s7;
	[sflag:s9] =	ssyncset.done $0x0  }
0xa6: {  	[sflag:s9] =	ssyncadd.s32 s7;
	_ =	sdelay $0x1  }
0xa7: {  	s23 =	simm.s32 $0x1B8B  }
0xa8: {  	_ =	swait.ge [sflag:s23], $0x1  }
0xa9: {  	[sflag:s23] =	ssyncset.done $0x0  }
0xaa: {  	[sflag:s23] =	ssyncadd.s32 $0xFFFFFFFF  }
0xab: {  	s7 =	sld [smem:$0x0]  }
0xac: {  	s8 =	sand.u32 $0xFFFFFFFE, s1  }
0xad: {  	p0 =	sne.s32 s1, s8  }
0xae: {  	s8 =	sshll.u32 @p0 s8, $0xE  }
0xaf: {  	s8 =	sadd.s32 @p0 $0x11B8D, s8;
	s9 =	sshll.u32 @p0 s7, $0x11  }
0xb0: {  	s8 =	sor.u32 @p0 s9, s8  }
0xb1: {  	[sflag:s8] =	ssyncadd.remote.s32 @p0 $0x1;
	_ =	sdelay $0x1  }
0xb2: {  	s8 =	simm.s32 @p0 $0x1B8D  }
0xb3: {  	_ =	swait.eq @p0 [sflag:s8], $0x1  }
0xb4: {  	[sflag:s8] =	ssyncadd.s32 @p0 $0xFFFFFFFF  }
0xb5: {  	s9 =	sshll.u32 @!p0 s1, $0xE  }
0xb6: {  	s9 =	sor.u32 @!p0 $0x4000, s9;
	s8 =	simm.s32 @!p0 $0x1B8D  }
0xb7: {  	s7 =	sshll.u32 @!p0 s7, $0x11;
	s9 =	sadd.s32 @!p0 $0x11B8D, s9;
	_ =	swait.eq @!p0 [sflag:s8], $0x1  }
0xb8: {  	s7 =	sor.u32 @!p0 s7, s9;
	[sflag:s8] =	ssyncadd.s32 @!p0 $0xFFFFFFFF  }
0xb9: {  	s25 =	simm.s32 $0x1B8E;
	s24 =	sld [smem:$0x3FFE];
	[sflag:s7] =	ssyncadd.remote.s32 @!p0 $0x1  }
0xba: {  	s26 =	simm.s32 $execute0_lowered;
	[smem:$0x3FD2] =	sst s25  }
0xbb: {  	s8 =	sshll.u32 s26, $0x1;
	_ =	strace $0x80000049;
	[dreg:$0x1] =	wrdreg $0xFFFFFFFF  }
0xbc: {  	s28 =	simm.s32 $_size_execute0_lowered;
	s6 =	sadd.s32 s6, s8;
	[dreg:$0x0] =	wrdreg $0x0  }
0xbd: {  	s8 =	sshll.u32 s28, $0x1;
	[dreg:$0x2] =	wrdreg s6  }
0xbe: {  	[dreg:$0x3] =	wrdreg s8  }
0xbf: {  	[dreg:$0x4] =	wrdreg $0xC0  }
0xc0: {  	_ =	task [dreg:s22], $0x5FFFF  }
0xc1: {  	[dreg:$0x1] =	wrdreg $0xFFFFFFFF  }
0xc2: {  	[dreg:$0x0] =	wrdreg $0x60  }
0xc3: {  	[dreg:$0x2] =	wrdreg s24  }
0xc4: {  	[dreg:$0x3] =	wrdreg s2  }
0xc5: {  	[dreg:$0x4] =	wrdreg s18  }
0xc6: {  	[dreg:$0x5] =	wrdreg s17  }
0xc7: {  	[dreg:$0x6] =	wrdreg $0x9  }
0xc8: {  	_ =	task.clear_ibuf [dreg:s22], $0x7FFFF;
	_ =	strace $0x90000049  }
0xc9: {  	s29 =	simm.s32 $0x9;
	_ =	strace $0x8000004B  }
0xca: {  	_ =	swait.ge [sflag:s29], $0x1  }
0xcb: {  	[sflag:s29] =	ssyncadd.s32 $0xFFFFFFFF  }
0xcc: {  	_ =	strace $0x9000004B  }
0xcd: {  	_ =	sfence  }
0xce: {  	s30 =	sld [smem:$0x0];
	_ =	sdelay $0x2  }
0xcf: {  	s31 =	sshll.u32 s1, $0xD;
	s1 =	sshrl.u32 s1, $0x2  }
0xd0: {  	s4 =	sand.u32 $0x4000, s31;
	s1 =	sadd.s32 s1, s30  }
0xd1: {  	s0 =	sor.u32 s4, s0;
	s1 =	sshll.u32 s1, $0x11  }
0xd2: {  	s0 =	sor.u32 s1, s0  }
0xd3: {  	s0 =	sadd.s32 $0x8F2B, s0  }
0xd4: {  	[sflag:s0] =	ssyncadd.remote.s32 $0x1  }
0xd5: {  	_ =	sfence.sel $0xFFFF  }
0xd6: {  	[dreg:$0x0] =	wrdreg $0xFFFFFFFF;
	(pc) =	sbr.abs _section_cstart, $3  }
0xd7: {  	[dreg:$0x1] =	wrdreg $0xFFFFFFFF  }
0xd8: {  	_ =	task.clear_ibuf [dreg:s22], $0x2FFFF;
	_ =	strace $0x9FFFFFFF  }
0xd9: {  	(tm) =	ssettm $0x7FFFFFFF  }
tec
execute0_lowered:
.L_overlay_start_1:
0x0: {  	(tag) =	ssettag $0x1  }
0x1: {  	s0 =	rddreg [dreg:$0x0]  }
0x2: {  	s1 =	rddreg [dreg:$0x1]  }
0x3: {  	s4 =	rddreg [dreg:$0x2];
	s2 =	srdreg.scid  }
0x4: {  	s6 =	stileid.u32;
	s5 =	rddreg [dreg:$0x3]  }
0x5: {  	s3 =	sand.u32 $0x1, s2;
	s6 =	sshll.u32 s6, $0x1;
	s2 =	simm.s32 $0x0  }
0x6: {  	s8 =	sadd.s32 $0x31600, s0;
	s9 =	sadd.s32 $0x28200, s0;
	s22 =	sadd.s32 $0x3070, s4  }
0x7: {  	s23 =	sadd.s32 $0x6270, s4;
	s24 =	sadd.s32 $0x9470, s4;
	[smem:$0x7FF] =	sst s2  }
0x8: {  	s6 =	sor.u32 s3, s6;
	_ =	strace $0x8000004A;
	[dreg:$0x12] =	wrdreg s22  }
0x9: {  	s3 =	ssub.s32 $0x2, s3;
	s7 =	smul.u32 $0xC80, s6;
	[dreg:$0x13] =	wrdreg s23  }
0xa: {  	[dreg:$0x14] =	wrdreg s24;
	p0 =	seq.s32 s6, $0x1F;
	s6 =	sadd.s32 $0x12A70, s4  }
0xb: {  	s10 =	sshrl.u32 s3, $0x1;
	s22 =	sadd.s32 $0x49C3C, s0;
	[dreg:$0x17] =	wrdreg s6  }
0xc: {  	s23 =	sadd.s32 $0x4CD10, s0;
	s24 =	sadd.s32 $0x2B270, s0;
	[smem:$0x7F9] =	sst s22  }
0xd: {  	s12 =	ssub.s32 s3, s10;
	[smem:$0x7FA] =	sst s23;
	s7 =	sshrl.u32 s7, $0x3  }
0xe: {  	[smem:$0x7FB] =	sst s24;
	s25 =	sadd.s32 $0x30D4, s7;
	s26 =	sadd.s32 s9, s7  }
0xf: {  	s13 =	sadd.s32 $0x61A8, s7;
	s14 =	sadd.s32 s8, s25;
	[dreg:$0x7] =	wrdreg s26  }
0x10: {  	s3 =	sadd.s32 s8, s7;
	s8 =	sadd.s32 s8, s13;
	[dreg:$0x5] =	wrdreg s14  }
0x11: {  	s10 =	sadd.s32 s9, s25;
	[dreg:$0x6] =	wrdreg s8  }
0x12: {  	s15 =	sadd.s32 $0x3200, s7;
	s13 =	sadd.s32 s9, s13;
	[dreg:$0x8] =	wrdreg s10  }
0x13: {  	s16 =	sadd.s32 $0x6400, s7;
	s17 =	sadd.s32 s4, s15;
	[dreg:$0x9] =	wrdreg s13  }
0x14: {  	s18 =	sadd.s32 s4, s16;
	[dreg:$0xb] =	wrdreg s17  }
0x15: {  	s19 =	sadd.s32 s5, s15;
	[dreg:$0xc] =	wrdreg s18  }
0x16: {  	s11 =	sadd.s32 s7, s0;
	s20 =	sadd.s32 s5, s16;
	[dreg:$0xe] =	wrdreg s19  }
0x17: {  	s21 =	sadd.s32 $0x4CE00, s11;
	[dreg:$0xf] =	wrdreg s20  }
0x18: {  	s25 =	sadd.s32 $0xC670, s4;
	[dreg:$0x10] =	wrdreg s21  }
0x19: {  	s26 =	sadd.s32 $0xF870, s4;
	[dreg:$0x15] =	wrdreg s25  }
0x1a: {  	s9 =	sadd.s32 $0x1C070, s4;
	[dreg:$0x16] =	wrdreg s26  }
0x1b: {  	s11 =	sadd.s32 $0x3070, s5;
	[dreg:$0x1a] =	wrdreg s9  }
0x1c: {  	s15 =	sadd.s32 $0x34670, s0;
	[dreg:$0x1b] =	wrdreg s11  }
0x1d: {  	s16 =	sadd.s32 $0x37744, s0;
	[dreg:$0x1e] =	wrdreg s15  }
0x1e: {  	s14 =	sadd.s32 s1, s7;
	[dreg:$0x1f] =	wrdreg s16  }
0x1f: {  	s10 =	sadd.s32 s4, s7;
	s7 =	sadd.s32 s5, s7;
	[dreg:$0xa] =	wrdreg s14  }
0x20: {  	s1 =	sadd.s32 $0x3070, s1;
	[dreg:$0xd] =	wrdreg s7  }
0x21: {  	s29 =	simm.s32 $0xC80;
	s8 =	sadd.s32 $0x18E70, s4;
	[dreg:$0x11] =	wrdreg s1  }
0x22: {  	s30 =	simm.s32 $0x1900;
	s13 =	sadd.s32 $0x6270, s5;
	[dreg:$0x19] =	wrdreg s8  }
0x23: {  	s31 =	simm.s32 $0x2580;
	s17 =	sadd.s32 $0x3A818, s0;
	[dreg:$0x1c] =	wrdreg s13  }
0x24: {  	s6 =	simm.s32 $0x6400;
	s18 =	sadd.s32 $0x3D8EC, s0;
	[smem:$0x7F4] =	sst s17  }
0x25: {  	s19 =	sadd.s32 $0x409C0, s0;
	s20 =	sadd.s32 $0x43A94, s0;
	[smem:$0x7F5] =	sst s18  }
0x26: {  	s21 =	sadd.s32 $0x46B68, s0;
	s25 =	sadd.s32 $0x2E344, s0;
	[smem:$0x7F6] =	sst s19  }
0x27: {  	s26 =	sadd.s32 $0x31418, s0;
	s15 =	smax.u32 s12, $0x1;
	[smem:$0x7F7] =	sst s20  }
0x28: {  	s16 =	sadd.s32 $0x927C, s3;
	s9 =	simm.s32 $0x8980;
	[smem:$0x7F8] =	sst s21  }
0x29: {  	s11 =	simm.s32 $0x9600;
	s12 =	simm.s32 $0x1;
	[smem:$0x7FC] =	sst s25  }
0x2a: {  	s7 =	sadd.s32 $0x15C70, s4;
	s14 =	sadd.s32 $0x9470, s5;
	[smem:$0x7FD] =	sst s26  }
0x2b: {  	s17 =	sadd.s32 $0xC350, s3;
	s18 =	sadd.s32 $0xF424, s3;
	s19 =	sadd.s32 $0x124F8, s3  }
0x2c: {  	s20 =	sadd.s32 $0x155CC, s3;
	s21 =	sadd.s32 $0x186A0, s3;
	s22 =	sadd.s32 $0x9600, s10  }
.Ltmp0:
0x2d: {  	s23 =	sadd.s32 $0xC800, s10;
	s24 =	sadd.s32 $0xFA00, s10;
	(pc) =	sbr.rel .LBB2_1-.Ltmp0, $4  }
0x2e: {  	s25 =	sadd.s32 $0x12C00, s10;
	s26 =	sadd.s32 $0x15E00, s10;
	s28 =	sadd.s32 $0x19000, s10  }
0x2f: {  	s1 =	simm.s32 $0x3200;
	s4 =	simm.s32 $0x4B00;
	[dreg:$0x18] =	wrdreg s7  }
0x30: {  	s5 =	simm.s32 $0x5780;
	s8 =	simm.s32 $0x7D00;
	[dreg:$0x1d] =	wrdreg s14  }
0x31: {  	s14 =	sadd.s32 $0x4FE70, s0;
	s0 =	simm.s32 $0x3E80;
	s7 =	simm.s32 $0x7080  }
.LBB2_3:
0x32: {  	s13 =	rddreg [dreg:$0x1e]  }
0x33: {  	[tilespmem:s2], [sflag:$0x1] =	stream.linear.gather [hbm4b:s13+s2], $0x320, $0x38;
	[tilespmem:$0xA280] =	vst v63  }
0x34: {  	s13 =	rddreg [dreg:$0x1f]  }
0x35: {  	[tilespmem:s29], [sflag:$0x1] =	stream.linear.gather [hbm4b:s13+s2], $0x320, $0x38;
	[tilespmem:$0xA280] =	vst v63  }
0x36: {  	s13 =	sld [smem:$0x7F4];
	_ =	sdelay $0x2  }
0x37: {  	[tilespmem:s30], [sflag:$0x1] =	stream.linear.gather [hbm4b:s13+s2], $0x320, $0x38;
	[tilespmem:$0xA280] =	vst v63  }
0x38: {  	s13 =	sld [smem:$0x7F5];
	_ =	sdelay $0x2  }
0x39: {  	[tilespmem:s31], [sflag:$0x1] =	stream.linear.gather [hbm4b:s13+s2], $0x320, $0x38;
	[tilespmem:$0xA280] =	vst v63  }
0x3a: {  	s13 =	sld [smem:$0x7F6];
	_ =	sdelay $0x2  }
0x3b: {  	[tilespmem:s1], [sflag:$0x1] =	stream.linear.gather [hbm4b:s13+s2], $0x320, $0x38;
	[tilespmem:$0xA280] =	vst v63  }
0x3c: {  	s13 =	sld [smem:$0x7F7];
	_ =	sdelay $0x2  }
0x3d: {  	[tilespmem:s0], [sflag:$0x1] =	stream.linear.gather [hbm4b:s13+s2], $0x320, $0x38;
	[tilespmem:$0xA280] =	vst v63  }
0x3e: {  	s13 =	sld [smem:$0x7F8];
	_ =	sdelay $0x2  }
0x3f: {  	[tilespmem:s4], [sflag:$0x1] =	stream.linear.gather [hbm4b:s13+s2], $0x320, $0x38;
	[tilespmem:$0xA280] =	vst v63  }
0x40: {  	s13 =	sld [smem:$0x7F9];
	_ =	sdelay $0x2  }
0x41: {  	[tilespmem:s5], [sflag:$0x1] =	stream.linear.gather [hbm4b:s13+s2], $0x320, $0x38;
	[tilespmem:$0xA280] =	vst v63  }
0x42: {  	s13 =	sld [smem:$0x7FA];
	_ =	sdelay $0x2  }
0x43: {  	[tilespmem:s6], [sflag:$0x1] =	stream.linear.gather [hbm4b:s13+s2], $0x320, $0x38;
	[tilespmem:$0xA280] =	vst v63  }
0x44: {  	s13 =	sld [smem:$0x7FB];
	_ =	sdelay $0x2  }
0x45: {  	[tilespmem:s7], [sflag:$0x1] =	stream.linear.gather [hbm4b:s13+s2], $0x320, $0x38;
	[tilespmem:$0xA280] =	vst v63  }
0x46: {  	s13 =	sld [smem:$0x7FC];
	_ =	sdelay $0x2  }
0x47: {  	[tilespmem:s8], [sflag:$0x1] =	stream.linear.gather [hbm4b:s13+s2], $0x320, $0x38;
	[tilespmem:$0xA280] =	vst v63  }
0x48: {  	s13 =	sld [smem:$0x7FD];
	_ =	sdelay $0x2  }
0x49: {  	[tilespmem:s9], [sflag:$0x1] =	stream.linear.gather [hbm4b:s13+s2], $0x320, $0x38;
	[tilespmem:$0xA280] =	vst v63  }
0x4a: {  	s13 =	rddreg [dreg:$0x11]  }
0x4b: {  	[tilespmem:s11], [sflag:$0x1] =	stream.linear.gather [hbm4b:s13+s2], $0x320, $0x38;
	[tilespmem:$0xA280] =	vst v63  }
0x4c: {  	_ =	swait.ge [sflag:s12], $0x320  }
0x4d: {  	[sflag:s12] =	ssyncset.done $0x0  }
0x4e: {  	[sflag:s12] =	ssyncadd.s32 $0xFFFFFCE0  }
0x4f: {  	_ =	swait.ge [sflag:s12], $0x320  }
0x50: {  	[sflag:s12] =	ssyncset.done $0x0  }
0x51: {  	[sflag:s12] =	ssyncadd.s32 $0xFFFFFCE0  }
0x52: {  	_ =	swait.ge [sflag:s12], $0x320  }
0x53: {  	[sflag:s12] =	ssyncset.done $0x0  }
0x54: {  	[sflag:s12] =	ssyncadd.s32 $0xFFFFFCE0  }
0x55: {  	_ =	swait.ge [sflag:s12], $0x320  }
0x56: {  	[sflag:s12] =	ssyncset.done $0x0  }
0x57: {  	[sflag:s12] =	ssyncadd.s32 $0xFFFFFCE0  }
0x58: {  	_ =	swait.ge [sflag:s12], $0x320  }
0x59: {  	[sflag:s12] =	ssyncset.done $0x0  }
0x5a: {  	[sflag:s12] =	ssyncadd.s32 $0xFFFFFCE0  }
0x5b: {  	_ =	swait.ge [sflag:s12], $0x320  }
0x5c: {  	[sflag:s12] =	ssyncset.done $0x0  }
0x5d: {  	[sflag:s12] =	ssyncadd.s32 $0xFFFFFCE0  }
0x5e: {  	_ =	swait.ge [sflag:s12], $0x320  }
0x5f: {  	[sflag:s12] =	ssyncset.done $0x0  }
0x60: {  	[sflag:s12] =	ssyncadd.s32 $0xFFFFFCE0  }
0x61: {  	_ =	swait.ge [sflag:s12], $0x320  }
0x62: {  	[sflag:s12] =	ssyncset.done $0x0  }
0x63: {  	[sflag:s12] =	ssyncadd.s32 $0xFFFFFCE0  }
0x64: {  	_ =	swait.ge [sflag:s12], $0x320  }
0x65: {  	[sflag:s12] =	ssyncset.done $0x0  }
0x66: {  	[sflag:s12] =	ssyncadd.s32 $0xFFFFFCE0  }
0x67: {  	_ =	swait.ge [sflag:s12], $0x320  }
0x68: {  	[sflag:s12] =	ssyncset.done $0x0  }
0x69: {  	[sflag:s12] =	ssyncadd.s32 $0xFFFFFCE0  }
0x6a: {  	_ =	swait.ge [sflag:s12], $0x320  }
0x6b: {  	[sflag:s12] =	ssyncset.done $0x0  }
0x6c: {  	[sflag:s12] =	ssyncadd.s32 $0xFFFFFCE0  }
0x6d: {  	_ =	swait.ge [sflag:s12], $0x320  }
0x6e: {  	[sflag:s12] =	ssyncset.done $0x0  }
0x6f: {  	[sflag:s12] =	ssyncadd.s32 $0xFFFFFCE0  }
0x70: {  	_ =	swait.ge [sflag:s12], $0x320  }
0x71: {  	[sflag:s12] =	ssyncset.done $0x0  }
0x72: {  	s13 =	rddreg [dreg:$0x12];
	[sflag:s12] =	ssyncadd.s32 $0xFFFFFCE0  }
0x73: {  	[hbm4b:s13+s2] =	stream.linear.scatter [tilespmem:s2], [sflag:$0x1], $0x320, $0x38;
	[tilespmem:$0xA280] =	vst v63  }
0x74: {  	s13 =	rddreg [dreg:$0x13]  }
0x75: {  	[hbm4b:s13+s2] =	stream.linear.scatter [tilespmem:s29], [sflag:$0x1], $0x320, $0x38;
	[tilespmem:$0xA280] =	vst v63  }
0x76: {  	s13 =	rddreg [dreg:$0x14]  }
0x77: {  	[hbm4b:s13+s2] =	stream.linear.scatter [tilespmem:s30], [sflag:$0x1], $0x320, $0x38;
	[tilespmem:$0xA280] =	vst v63  }
0x78: {  	s13 =	rddreg [dreg:$0x15]  }
0x79: {  	[hbm4b:s13+s2] =	stream.linear.scatter [tilespmem:s31], [sflag:$0x1], $0x320, $0x38;
	[tilespmem:$0xA280] =	vst v63  }
0x7a: {  	s13 =	rddreg [dreg:$0x16]  }
0x7b: {  	[hbm4b:s13+s2] =	stream.linear.scatter [tilespmem:s1], [sflag:$0x1], $0x320, $0x38;
	[tilespmem:$0xA280] =	vst v63  }
0x7c: {  	s13 =	rddreg [dreg:$0x17]  }
0x7d: {  	[hbm4b:s13+s2] =	stream.linear.scatter [tilespmem:s0], [sflag:$0x1], $0x320, $0x38;
	[tilespmem:$0xA280] =	vst v63  }
0x7e: {  	s13 =	rddreg [dreg:$0x18]  }
0x7f: {  	[hbm4b:s13+s2] =	stream.linear.scatter [tilespmem:s4], [sflag:$0x1], $0x320, $0x38;
	[tilespmem:$0xA280] =	vst v63  }
0x80: {  	s13 =	rddreg [dreg:$0x19]  }
0x81: {  	[hbm4b:s13+s2] =	stream.linear.scatter [tilespmem:s5], [sflag:$0x1], $0x320, $0x38;
	[tilespmem:$0xA280] =	vst v63  }
0x82: {  	s13 =	rddreg [dreg:$0x1a]  }
0x83: {  	[hbm4b:s13+s2] =	stream.linear.scatter [tilespmem:s6], [sflag:$0x1], $0x320, $0x38;
	[tilespmem:$0xA280] =	vst v63  }
0x84: {  	s13 =	rddreg [dreg:$0x1b]  }
0x85: {  	[hbm4b:s13+s2] =	stream.linear.scatter [tilespmem:s7], [sflag:$0x1], $0x320, $0x38;
	[tilespmem:$0xA280] =	vst v63  }
0x86: {  	s13 =	rddreg [dreg:$0x1c]  }
0x87: {  	[hbm4b:s13+s2] =	stream.linear.scatter [tilespmem:s8], [sflag:$0x1], $0x320, $0x38;
	[tilespmem:$0xA280] =	vst v63  }
0x88: {  	s13 =	rddreg [dreg:$0x1d]  }
0x89: {  	[hbm4b:s13+s2] =	stream.linear.scatter [tilespmem:s9], [sflag:$0x1], $0x320, $0x38;
	[tilespmem:$0xA280] =	vst v63  }
0x8a: {  	_ = 	snop  }
0x8b: {  	[hbm4b:s14+s2] =	stream.linear.scatter [tilespmem:s11], [sflag:$0x1], $0x320, $0x38;
	[tilespmem:$0xA280] =	vst v63  }
0x8c: {  	_ =	swait.ge [sflag:s12], $0x320  }
0x8d: {  	[sflag:s12] =	ssyncset.done $0x0  }
0x8e: {  	[sflag:s12] =	ssyncadd.s32 $0xFFFFFCE0  }
0x8f: {  	_ =	swait.ge [sflag:s12], $0x320  }
0x90: {  	[sflag:s12] =	ssyncset.done $0x0  }
0x91: {  	[sflag:s12] =	ssyncadd.s32 $0xFFFFFCE0  }
0x92: {  	_ =	swait.ge [sflag:s12], $0x320  }
0x93: {  	[sflag:s12] =	ssyncset.done $0x0  }
0x94: {  	[sflag:s12] =	ssyncadd.s32 $0xFFFFFCE0  }
0x95: {  	_ =	swait.ge [sflag:s12], $0x320  }
0x96: {  	[sflag:s12] =	ssyncset.done $0x0  }
0x97: {  	[sflag:s12] =	ssyncadd.s32 $0xFFFFFCE0  }
0x98: {  	_ =	swait.ge [sflag:s12], $0x320  }
0x99: {  	[sflag:s12] =	ssyncset.done $0x0  }
0x9a: {  	[sflag:s12] =	ssyncadd.s32 $0xFFFFFCE0  }
0x9b: {  	_ =	swait.ge [sflag:s12], $0x320  }
0x9c: {  	[sflag:s12] =	ssyncset.done $0x0  }
0x9d: {  	[sflag:s12] =	ssyncadd.s32 $0xFFFFFCE0  }
0x9e: {  	_ =	swait.ge [sflag:s12], $0x320  }
0x9f: {  	[sflag:s12] =	ssyncset.done $0x0  }
0xa0: {  	[sflag:s12] =	ssyncadd.s32 $0xFFFFFCE0  }
0xa1: {  	_ =	swait.ge [sflag:s12], $0x320  }
0xa2: {  	[sflag:s12] =	ssyncset.done $0x0  }
0xa3: {  	[sflag:s12] =	ssyncadd.s32 $0xFFFFFCE0  }
0xa4: {  	_ =	swait.ge [sflag:s12], $0x320  }
0xa5: {  	[sflag:s12] =	ssyncset.done $0x0  }
0xa6: {  	[sflag:s12] =	ssyncadd.s32 $0xFFFFFCE0  }
0xa7: {  	_ =	swait.ge [sflag:s12], $0x320  }
0xa8: {  	[sflag:s12] =	ssyncset.done $0x0  }
0xa9: {  	[sflag:s12] =	ssyncadd.s32 $0xFFFFFCE0  }
0xaa: {  	_ =	swait.ge [sflag:s12], $0x320  }
0xab: {  	[sflag:s12] =	ssyncset.done $0x0  }
0xac: {  	[sflag:s12] =	ssyncadd.s32 $0xFFFFFCE0  }
0xad: {  	_ =	swait.ge [sflag:s12], $0x320  }
0xae: {  	[sflag:s12] =	ssyncset.done $0x0  }
0xaf: {  	[sflag:s12] =	ssyncadd.s32 $0xFFFFFCE0  }
0xb0: {  	_ =	swait.ge [sflag:s12], $0x320  }
0xb1: {  	[sflag:s12] =	ssyncset.done $0x0  }
0xb2: {  	[sflag:s12] =	ssyncadd.s32 $0xFFFFFCE0  }
.LBB2_4:
0xb3: {  	s15 =	sadd.s32 $0xFFFFFFFF, s15  }
0xb4: {  	p1 =	sne.s32 s15, $0x0  }
.Ltmp1:
0xb5: {  	_ = 	snop;
	(pc) =	sbr.rel @!p1 .LBB2_5-.Ltmp1, $1  }
0xb6: {  	_ =	sdelay $0x3  }
.LBB2_1:
.Ltmp2:
0xb7: {  	(pc) =	sbr.rel @p0 .LBB2_3-.Ltmp2, $1  }
0xb8: {  	_ =	sdelay $0x3  }
0xb9: {  	[tilespmem:s2], [sflag:$0x1] =	stream.linear.gather [hbm4b:s3+s2], $0xC80, $0x38;
	[tilespmem:$0xA280] =	vst v63  }
0xba: {  	s13 =	rddreg [dreg:$0x5]  }
0xbb: {  	[tilespmem:s29], [sflag:$0x1] =	stream.linear.gather [hbm4b:s13+s2], $0xC80, $0x38;
	[tilespmem:$0xA280] =	vst v63  }
0xbc: {  	s13 =	rddreg [dreg:$0x6]  }
0xbd: {  	[tilespmem:s30], [sflag:$0x1] =	stream.linear.gather [hbm4b:s13+s2], $0xC80, $0x38;
	[tilespmem:$0xA280] =	vst v63  }
0xbe: {  	_ = 	snop  }
0xbf: {  	[tilespmem:s31], [sflag:$0x1] =	stream.linear.gather [hbm4b:s16+s2], $0xC80, $0x38;
	[tilespmem:$0xA280] =	vst v63  }
0xc0: {  	_ = 	snop  }
0xc1: {  	[tilespmem:s1], [sflag:$0x1] =	stream.linear.gather [hbm4b:s17+s2], $0xC80, $0x38;
	[tilespmem:$0xA280] =	vst v63  }
0xc2: {  	_ = 	snop  }
0xc3: {  	[tilespmem:s0], [sflag:$0x1] =	stream.linear.gather [hbm4b:s18+s2], $0xC80, $0x38;
	[tilespmem:$0xA280] =	vst v63  }
0xc4: {  	_ = 	snop  }
0xc5: {  	[tilespmem:s4], [sflag:$0x1] =	stream.linear.gather [hbm4b:s19+s2], $0xC80, $0x38;
	[tilespmem:$0xA280] =	vst v63  }
0xc6: {  	_ = 	snop  }
0xc7: {  	[tilespmem:s5], [sflag:$0x1] =	stream.linear.gather [hbm4b:s20+s2], $0xC80, $0x38;
	[tilespmem:$0xA280] =	vst v63  }
0xc8: {  	_ = 	snop  }
0xc9: {  	[tilespmem:s6], [sflag:$0x1] =	stream.linear.gather [hbm4b:s21+s2], $0xC80, $0x38;
	[tilespmem:$0xA280] =	vst v63  }
0xca: {  	s13 =	rddreg [dreg:$0x7]  }
0xcb: {  	[tilespmem:s7], [sflag:$0x1] =	stream.linear.gather [hbm4b:s13+s2], $0xC80, $0x38;
	[tilespmem:$0xA280] =	vst v63  }
0xcc: {  	s13 =	rddreg [dreg:$0x8]  }
0xcd: {  	[tilespmem:s8], [sflag:$0x1] =	stream.linear.gather [hbm4b:s13+s2], $0xC80, $0x38;
	[tilespmem:$0xA280] =	vst v63  }
0xce: {  	s13 =	rddreg [dreg:$0x9]  }
0xcf: {  	[tilespmem:s9], [sflag:$0x1] =	stream.linear.gather [hbm4b:s13+s2], $0xC80, $0x38;
	[tilespmem:$0xA280] =	vst v63  }
0xd0: {  	s13 =	rddreg [dreg:$0xa]  }
0xd1: {  	[tilespmem:s11], [sflag:$0x1] =	stream.linear.gather [hbm4b:s13+s2], $0xC80, $0x38;
	[tilespmem:$0xA280] =	vst v63  }
0xd2: {  	_ =	swait.ge [sflag:s12], $0xC80  }
0xd3: {  	[sflag:s12] =	ssyncset.done $0x0  }
0xd4: {  	[sflag:s12] =	ssyncadd.s32 $0xFFFFF380  }
0xd5: {  	_ =	swait.ge [sflag:s12], $0xC80  }
0xd6: {  	[sflag:s12] =	ssyncset.done $0x0  }
0xd7: {  	[sflag:s12] =	ssyncadd.s32 $0xFFFFF380  }
0xd8: {  	_ =	swait.ge [sflag:s12], $0xC80  }
0xd9: {  	[sflag:s12] =	ssyncset.done $0x0  }
0xda: {  	[sflag:s12] =	ssyncadd.s32 $0xFFFFF380  }
0xdb: {  	_ =	swait.ge [sflag:s12], $0xC80  }
0xdc: {  	[sflag:s12] =	ssyncset.done $0x0  }
0xdd: {  	[sflag:s12] =	ssyncadd.s32 $0xFFFFF380  }
0xde: {  	_ =	swait.ge [sflag:s12], $0xC80  }
0xdf: {  	[sflag:s12] =	ssyncset.done $0x0  }
0xe0: {  	[sflag:s12] =	ssyncadd.s32 $0xFFFFF380  }
0xe1: {  	_ =	swait.ge [sflag:s12], $0xC80  }
0xe2: {  	[sflag:s12] =	ssyncset.done $0x0  }
0xe3: {  	[sflag:s12] =	ssyncadd.s32 $0xFFFFF380  }
0xe4: {  	_ =	swait.ge [sflag:s12], $0xC80  }
0xe5: {  	[sflag:s12] =	ssyncset.done $0x0  }
0xe6: {  	[sflag:s12] =	ssyncadd.s32 $0xFFFFF380  }
0xe7: {  	_ =	swait.ge [sflag:s12], $0xC80  }
0xe8: {  	[sflag:s12] =	ssyncset.done $0x0  }
0xe9: {  	[sflag:s12] =	ssyncadd.s32 $0xFFFFF380  }
0xea: {  	_ =	swait.ge [sflag:s12], $0xC80  }
0xeb: {  	[sflag:s12] =	ssyncset.done $0x0  }
0xec: {  	[sflag:s12] =	ssyncadd.s32 $0xFFFFF380  }
0xed: {  	_ =	swait.ge [sflag:s12], $0xC80  }
0xee: {  	[sflag:s12] =	ssyncset.done $0x0  }
0xef: {  	[sflag:s12] =	ssyncadd.s32 $0xFFFFF380  }
0xf0: {  	_ =	swait.ge [sflag:s12], $0xC80  }
0xf1: {  	[sflag:s12] =	ssyncset.done $0x0  }
0xf2: {  	[sflag:s12] =	ssyncadd.s32 $0xFFFFF380  }
0xf3: {  	_ =	swait.ge [sflag:s12], $0xC80  }
0xf4: {  	[sflag:s12] =	ssyncset.done $0x0  }
0xf5: {  	[sflag:s12] =	ssyncadd.s32 $0xFFFFF380  }
0xf6: {  	_ =	swait.ge [sflag:s12], $0xC80  }
0xf7: {  	[sflag:s12] =	ssyncset.done $0x0  }
0xf8: {  	[sflag:s12] =	ssyncadd.s32 $0xFFFFF380  }
0xf9: {  	[hbm4b:s10+s2] =	stream.linear.scatter [tilespmem:s2], [sflag:$0x1], $0xC80, $0x38;
	[tilespmem:$0xA280] =	vst v63  }
0xfa: {  	s13 =	rddreg [dreg:$0xb]  }
0xfb: {  	[hbm4b:s13+s2] =	stream.linear.scatter [tilespmem:s29], [sflag:$0x1], $0xC80, $0x38;
	[tilespmem:$0xA280] =	vst v63  }
0xfc: {  	s13 =	rddreg [dreg:$0xc]  }
0xfd: {  	[hbm4b:s13+s2] =	stream.linear.scatter [tilespmem:s30], [sflag:$0x1], $0xC80, $0x38;
	[tilespmem:$0xA280] =	vst v63  }
0xfe: {  	_ = 	snop  }
0xff: {  	[hbm4b:s22+s2] =	stream.linear.scatter [tilespmem:s31], [sflag:$0x1], $0xC80, $0x38;
	[tilespmem:$0xA280] =	vst v63  }
0x100: {  	_ = 	snop  }
0x101: {  	[hbm4b:s23+s2] =	stream.linear.scatter [tilespmem:s1], [sflag:$0x1], $0xC80, $0x38;
	[tilespmem:$0xA280] =	vst v63  }
0x102: {  	_ = 	snop  }
0x103: {  	[hbm4b:s24+s2] =	stream.linear.scatter [tilespmem:s0], [sflag:$0x1], $0xC80, $0x38;
	[tilespmem:$0xA280] =	vst v63  }
0x104: {  	_ = 	snop  }
0x105: {  	[hbm4b:s25+s2] =	stream.linear.scatter [tilespmem:s4], [sflag:$0x1], $0xC80, $0x38;
	[tilespmem:$0xA280] =	vst v63  }
0x106: {  	_ = 	snop  }
0x107: {  	[hbm4b:s26+s2] =	stream.linear.scatter [tilespmem:s5], [sflag:$0x1], $0xC80, $0x38;
	[tilespmem:$0xA280] =	vst v63  }
0x108: {  	_ = 	snop  }
0x109: {  	[hbm4b:s28+s2] =	stream.linear.scatter [tilespmem:s6], [sflag:$0x1], $0xC80, $0x38;
	[tilespmem:$0xA280] =	vst v63  }
0x10a: {  	s13 =	rddreg [dreg:$0xd]  }
0x10b: {  	[hbm4b:s13+s2] =	stream.linear.scatter [tilespmem:s7], [sflag:$0x1], $0xC80, $0x38;
	[tilespmem:$0xA280] =	vst v63  }
0x10c: {  	s13 =	rddreg [dreg:$0xe]  }
0x10d: {  	[hbm4b:s13+s2] =	stream.linear.scatter [tilespmem:s8], [sflag:$0x1], $0xC80, $0x38;
	[tilespmem:$0xA280] =	vst v63  }
0x10e: {  	s13 =	rddreg [dreg:$0xf]  }
0x10f: {  	[hbm4b:s13+s2] =	stream.linear.scatter [tilespmem:s9], [sflag:$0x1], $0xC80, $0x38;
	[tilespmem:$0xA280] =	vst v63  }
0x110: {  	s13 =	rddreg [dreg:$0x10]  }
0x111: {  	[hbm4b:s13+s2] =	stream.linear.scatter [tilespmem:s11], [sflag:$0x1], $0xC80, $0x38;
	[tilespmem:$0xA280] =	vst v63  }
0x112: {  	_ =	swait.ge [sflag:s12], $0xC80  }
0x113: {  	[sflag:s12] =	ssyncset.done $0x0  }
0x114: {  	[sflag:s12] =	ssyncadd.s32 $0xFFFFF380  }
0x115: {  	_ =	swait.ge [sflag:s12], $0xC80  }
0x116: {  	[sflag:s12] =	ssyncset.done $0x0  }
0x117: {  	[sflag:s12] =	ssyncadd.s32 $0xFFFFF380  }
0x118: {  	_ =	swait.ge [sflag:s12], $0xC80  }
0x119: {  	[sflag:s12] =	ssyncset.done $0x0  }
0x11a: {  	[sflag:s12] =	ssyncadd.s32 $0xFFFFF380  }
0x11b: {  	_ =	swait.ge [sflag:s12], $0xC80  }
0x11c: {  	[sflag:s12] =	ssyncset.done $0x0  }
0x11d: {  	[sflag:s12] =	ssyncadd.s32 $0xFFFFF380  }
0x11e: {  	_ =	swait.ge [sflag:s12], $0xC80  }
0x11f: {  	[sflag:s12] =	ssyncset.done $0x0  }
0x120: {  	[sflag:s12] =	ssyncadd.s32 $0xFFFFF380  }
0x121: {  	_ =	swait.ge [sflag:s12], $0xC80  }
0x122: {  	[sflag:s12] =	ssyncset.done $0x0  }
0x123: {  	[sflag:s12] =	ssyncadd.s32 $0xFFFFF380  }
0x124: {  	_ =	swait.ge [sflag:s12], $0xC80  }
0x125: {  	[sflag:s12] =	ssyncset.done $0x0  }
0x126: {  	[sflag:s12] =	ssyncadd.s32 $0xFFFFF380  }
0x127: {  	_ =	swait.ge [sflag:s12], $0xC80  }
0x128: {  	[sflag:s12] =	ssyncset.done $0x0  }
0x129: {  	[sflag:s12] =	ssyncadd.s32 $0xFFFFF380  }
0x12a: {  	_ =	swait.ge [sflag:s12], $0xC80  }
0x12b: {  	[sflag:s12] =	ssyncset.done $0x0  }
0x12c: {  	[sflag:s12] =	ssyncadd.s32 $0xFFFFF380  }
0x12d: {  	_ =	swait.ge [sflag:s12], $0xC80  }
0x12e: {  	[sflag:s12] =	ssyncset.done $0x0  }
0x12f: {  	[sflag:s12] =	ssyncadd.s32 $0xFFFFF380  }
0x130: {  	_ =	swait.ge [sflag:s12], $0xC80  }
0x131: {  	[sflag:s12] =	ssyncset.done $0x0  }
0x132: {  	[sflag:s12] =	ssyncadd.s32 $0xFFFFF380  }
0x133: {  	_ =	swait.ge [sflag:s12], $0xC80  }
.Ltmp3:
0x134: {  	[sflag:s12] =	ssyncset.done $0x0;
	(pc) =	sbr.rel .LBB2_4-.Ltmp3, $4  }
0x135: {  	[sflag:s12] =	ssyncadd.s32 $0xFFFFF380  }
0x136: {  	_ =	swait.ge [sflag:s12], $0xC80  }
0x137: {  	[sflag:s12] =	ssyncset.done $0x0  }
0x138: {  	[sflag:s12] =	ssyncadd.s32 $0xFFFFF380  }
.LBB2_5:
0x139: {  	_ =	sfence.sel $0x180000  }
0x13a: {  	[bflag:$0x0] =	sbarrier.arrive $0xFFFF  }
0x13b: {  	_ =	strace $0x9000004A  }
0x13c: {  	s0 =	stileid.u32;
	[bflag:$0x2] =	sbarrier.arrive $0xFFFF  }
0x13d: {  	p0 =	sne.s32 s0, $0x0;
	s0 =	rddreg [dreg:$0x4]  }
0x13e: {  	s0 =	sadd.s32 @!p0 $0x100000, s0  }
0x13f: {  	[sflag:s0] =	ssyncadd.tile.s32 @!p0 $0x1;
	_ =	shalt  }
.Lfunc_end2:
_tile_overlayer_lowered:
.L_overlay_start_2:
0x140: {  	(tag) =	ssettag $0x2  }
0x141: {  	s0 =	rddreg [dreg:$0x0];
	s2 =	stileid.u32  }
0x142: {  	s1 =	rddreg [dreg:$0x1];
	p0 =	sne.s32 s2, $0x0  }
0x143: {  	s3 =	rddreg [dreg:$0x2];
	[bflag:$0x3] =	sbarrier.arrive $0xFFFF;
	s2 =	simm.s32 @!p0 $0x1C02  }
0x144: {  	[timem:s3], [sflag:s2] =	dma.local @!p0 [hbm:s0], s1  }
0x145: {  	s0 =	simm.s32 @!p0 $0x2  }
0x146: {  	_ =	swait.ge @!p0 [sflag:s0], s1  }
0x147: {  	s1 =	ssub.s32 @!p0 $0x0, s1;
	[sflag:s0] =	ssyncset.done @!p0 $0x0  }
0x148: {  	[sflag:s0] =	ssyncadd.s32 @!p0 s1  }
0x149: {  	[bflag:$0x3] =	sbarrier.arrive $0xFFFF  }
0x14a: {  	_ =	shalt  }

// kernel: kernel.9.cloned.1.call-start
scs
__scs_entry_jumppad:
0x0: {  	(pc) =	sbr.rel $0x88, $3  }
0x1: {  	(tag) =	ssettag $0x0;
	lr =	simm.s32 $0x1  }
0x2: {  	[smem:$0x3F9A] =	sst lr;
	_ =	strace $0xD0000000  }
0x3: {  	_ = 	snop  }
0x4: {  	_ = 	snop  }
0x5: {  	_ = 	snop  }
0x6: {  	_ = 	snop  }
0x7: {  	_ = 	snop  }
__scs_overlays_trampoline_lowered:
0x8: {  	[smem:$0x3FA9] =	sst s0  }
0x9: {  	[smem:$0x3FAA] =	sst s1  }
0xa: {  	[smem:$0x3FAB] =	sst s2  }
0xb: {  	[smem:$0x3FAC] =	sst s3  }
0xc: {  	[smem:$0x3FAD] =	sst s4  }
0xd: {  	[smem:$0x3FAE] =	sst s5  }
0xe: {  	[smem:$0x3FAF] =	sst s6  }
0xf: {  	[smem:$0x3FB0] =	sst s7  }
0x10: {  	[smem:$0x3FB1] =	sst s8  }
0x11: {  	[smem:$0x3FB2] =	sst s9;
	s0 =	simm.s32 @!p0 $0x0  }
0x12: {  	s1 =	sld [smem:$0x3F98];
	s0 =	simm.s32 @p0 $0x1  }
0x13: {  	[smem:$0x3FB3] =	sst s0;
	s0 =	simm.s32 @!p1 $0x0  }
0x14: {  	s2 =	sld [smem:$0x3F97];
	s0 =	simm.s32 @p1 $0x1  }
0x15: {  	[smem:$0x3FB4] =	sst s0;
	s0 =	simm.s32 @!p2 $0x0  }
0x16: {  	s3 =	sld [smem:$0x3FDB];
	s0 =	simm.s32 @p2 $0x1  }
0x17: {  	s4 =	simm.s32 $0x1BF5;
	[smem:$0x3FB6] =	sst s0  }
0x18: {  	s0 =	sld [smem:$0x3F99];
	_ =	swait.ge [sflag:s4], $0x0  }
0x19: {  	s7 =	sld [smem:$0x3F9A]  }
0x1a: {  	s8 =	sadd.s32 $0xFFFFE003, lr  }
0x1b: {  	s9 =	sadd.s32 $0xFFFFFEF7, lr;
	s5 =	simm.s32 $0xFFFFFFFF;
	p2 =	slt.u32 s8, $0xFFFFF086  }
0x1c: {  	p1 =	slt.u32 s9, $0xF7A;
	s5 =	simm.s32 @!p2 $0x0  }
0x1d: {  	s5 =	simm.s32 @p1 $0x1;
	p0 =	seq.s32 s7, s2  }
0x1e: {  	s7 =	smul.u32 @!p0 $0xF7A, s2;
	p2 =	seq.s32 @!p0 s5, $0x0  }
0x1f: {  	s9 =	smul.u32 $0xF7A, s1;
	s8 =	simm.s32 @!p0 $0x1BF5;
	p2 =	por !p2, p0  }
0x20: {  	[sflag:s8] =	ssyncset.s32 @!p0 $0xFFFFF086;
	s6 =	sadd.s32 @!p0 s3, s7;
	s7 =	simm.s32 @!p0 $0x108  }
0x21: {  	s3 =	sadd.s32 s3, s9;
	s6 =	sadd.s32 @!p0 $0x88, s6;
	s7 =	simm.s32 @p2 $0x1082  }
0x22: {  	[simem:s7], [sflag:s8] =	dma.local @!p0 [hbm:s6], $0xF7A  }
0x23: {  	s9 =	sor.u32 $0xD0000000, s2;
	s6 =	simm.s32 $0x108;
	_ =	swait.ge @!p0 [sflag:s8], $0x0  }
0x24: {  	s3 =	sadd.s32 $0x88, s3;
	s6 =	simm.s32 @!p1 $0x1082;
	[sflag:s4] =	ssyncset.s32 $0xFFFFF086  }
0x25: {  	[simem:s6], [sflag:s4] =	dma.local [hbm:s3], $0xF7A  }
0x26: {  	[smem:$0x3F9A] =	sst s1;
	(tag) =	ssettag s2;
	_ =	strace s9  }
0x27: {  	s1 =	sld [smem:$0x3FAA]  }
0x28: {  	s2 =	sld [smem:$0x3FAB]  }
0x29: {  	s4 =	sld [smem:$0x3FAD]  }
0x2a: {  	p0 =	seq.s32 s5, $0x0;
	s5 =	sld [smem:$0x3FAE]  }
0x2b: {  	s6 =	sld [smem:$0x3FAF]  }
0x2c: {  	s7 =	sld [smem:$0x3FB0]  }
0x2d: {  	s3 =	simm.s32 $0x108;
	s8 =	sld [smem:$0x3FB1]  }
0x2e: {  	s3 =	simm.s32 @!p0 $0x1082;
	s9 =	sld [smem:$0x3FB2]  }
0x2f: {  	lr =	sadd.s32 s0, s3;
	s0 =	sld [smem:$0x3FA9]  }
0x30: {  	s3 =	sld [smem:$0x3FAC]  }
0x31: {  	[smem:$0x3FB5] =	sst s10  }
0x32: {  	s10 =	sld [smem:$0x3FB3];
	_ =	sdelay $0x3  }
0x33: {  	p0 =	seq.s32 s10, $0x1;
	s10 =	sld [smem:$0x3FB5];
	_ =	sdelay $0x3  }
0x34: {  	[smem:$0x3FB5] =	sst s10  }
0x35: {  	s10 =	sld [smem:$0x3FB4];
	_ =	sdelay $0x3  }
0x36: {  	p1 =	seq.s32 s10, $0x1;
	s10 =	sld [smem:$0x3FB5];
	_ =	sdelay $0x3  }
0x37: {  	[smem:$0x3FB5] =	sst s10  }
0x38: {  	s10 =	sld [smem:$0x3FB6]  }
0x39: {  	_ = 	snop;
	(pc) =	sbr.ind lr, $3  }
0x3a: {  	_ = 	snop  }
0x3b: {  	_ = 	snop  }
0x3c: {  	p2 =	seq.s32 s10, $0x1;
	s10 =	sld [smem:$0x3FB5]  }
0x3d: {  	_ =	shalt  }
0x3e: {  	_ =	shalt  }
0x3f: {  	_ =	shalt  }
0x40: {  	_ =	shalt  }
0x41: {  	_ =	shalt  }
0x42: {  	_ =	shalt  }
0x43: {  	_ =	shalt  }
0x44: {  	_ =	shalt  }
0x45: {  	_ =	shalt  }
0x46: {  	_ =	shalt  }
0x47: {  	_ =	shalt  }
0x48: {  	_ =	shalt  }
0x49: {  	_ =	shalt  }
0x4a: {  	_ =	shalt  }
0x4b: {  	_ =	shalt  }
0x4c: {  	_ =	shalt  }
0x4d: {  	_ =	shalt  }
0x4e: {  	_ =	shalt  }
0x4f: {  	_ =	shalt  }
0x50: {  	_ =	shalt  }
0x51: {  	_ =	shalt  }
0x52: {  	_ =	shalt  }
0x53: {  	_ =	shalt  }
0x54: {  	_ =	shalt  }
0x55: {  	_ =	shalt  }
0x56: {  	_ =	shalt  }
0x57: {  	_ =	shalt  }
0x58: {  	_ =	shalt  }
0x59: {  	_ =	shalt  }
0x5a: {  	_ =	shalt  }
0x5b: {  	_ =	shalt  }
0x5c: {  	_ =	shalt  }
0x5d: {  	_ =	shalt  }
0x5e: {  	_ =	shalt  }
0x5f: {  	_ =	shalt  }
0x60: {  	_ =	shalt  }
0x61: {  	_ =	shalt  }
0x62: {  	_ =	shalt  }
0x63: {  	_ =	shalt  }
0x64: {  	_ =	shalt  }
0x65: {  	_ =	shalt  }
0x66: {  	_ =	shalt  }
0x67: {  	_ =	shalt  }
0x68: {  	_ =	shalt  }
0x69: {  	_ =	shalt  }
0x6a: {  	_ =	shalt  }
0x6b: {  	_ =	shalt  }
0x6c: {  	_ =	shalt  }
0x6d: {  	_ =	shalt  }
0x6e: {  	_ =	shalt  }
0x6f: {  	_ =	shalt  }
0x70: {  	_ =	shalt  }
0x71: {  	_ =	shalt  }
0x72: {  	_ =	shalt  }
0x73: {  	_ =	shalt  }
0x74: {  	_ =	shalt  }
0x75: {  	_ =	shalt  }
0x76: {  	_ =	shalt  }
0x77: {  	_ =	shalt  }
0x78: {  	_ =	shalt  }
0x79: {  	_ =	shalt  }
0x7a: {  	_ =	shalt  }
0x7b: {  	_ =	shalt  }
0x7c: {  	_ =	shalt  }
0x7d: {  	_ =	shalt  }
0x7e: {  	_ =	shalt  }
0x7f: {  	_ =	shalt  }
0x80: {  	_ =	shalt  }
0x81: {  	_ =	shalt  }
0x82: {  	_ =	shalt  }
0x83: {  	_ =	shalt  }
0x84: {  	_ =	shalt  }
0x85: {  	_ =	shalt  }
0x86: {  	_ =	shalt  }
0x87: {  	_ =	shalt  }
.Lfunc_end0:
.L_simem_size_0:
called_computation.1_lowered:
.L_overlay_start_0:
0x88: {  	s2 =	sld [smem:$0x3FD9]  }
0x89: {  	s3 =	sld [smem:$0x3FFE];
	_ =	sdelay $0x1  }
0x8a: {  	s1 =	srdreg.scid  }
0x8b: {  	s0 =	sand.u32 $0x1, s1  }
0x8c: {  	s17 =	sshll.u32 s0, $0xA;
	s2 =	sadd.s32 s3, s2  }
0x8d: {  	s2 =	sadd.s32 s2, s17  }
0x8e: {  	[smem:$0x3FC1] =	sst s2  }
0x8f: {  	_ = 	snop  }
0x90: {  	s2 =	sld [smem:$0x3FC8]  }
0x91: {  	s18 =	sld [smem:$0x3FC7]  }
0x92: {  	s4 =	sld [smem:$0x3FC6];
	(tm) =	ssettm $0x1  }
0x93: {  	s5 =	sld [smem:$0x3FFB];
	_ =	sdelay $0x3  }
0x94: {  	_ =	strace s5  }
0x95: {  	s5 =	sld [smem:$0x3FFC];
	_ =	sdelay $0x3  }
0x96: {  	_ =	strace s5  }
0x97: {  	s5 =	sld [smem:$0x3FFD];
	_ =	sdelay $0x3  }
0x98: {  	_ =	strace s5  }
0x99: {  	_ =	strace $0x8FFFFFFF  }
0x9a: {  	s19 =	sld [smem:$0x3FDB];
	_ =	sdelay $0x1  }
0x9b: {  	s6 =	simm.s32 $_scs_section_size  }
0x9c: {  	s7 =	simm.s32 $_size__tile_overlayer_lowered;
	s8 =	simm.s32 $_tile_overlayer_lowered  }
0x9d: {  	s22 =	simm.s32 $0x1BFF;
	s21 =	sshll.u32 s8, $0x1;
	s5 =	sadd.s32 s6, s19  }
0x9e: {  	s9 =	simm.s32 $0x0;
	s20 =	sshll.u32 s7, $0x1;
	s7 =	sadd.s32 s21, s5  }
0x9f: {  	[timem:s9], [sflag:s22] =	dma.local [hbm:s7], s20  }
0xa0: {  	_ =	swait.ge [sflag:s22], s20  }
0xa1: {  	s6 =	ssub.s32 $0x0, s20;
	[sflag:s22] =	ssyncset.done $0x0  }
0xa2: {  	[sflag:s22] =	ssyncadd.s32 s6;
	_ =	sdelay $0x1  }
0xa3: {  	s23 =	simm.s32 $0x1B8B  }
0xa4: {  	_ =	swait.ge [sflag:s23], $0x1  }
0xa5: {  	[sflag:s23] =	ssyncset.done $0x0  }
0xa6: {  	s25 =	simm.s32 $0x1B8E;
	s24 =	sld [smem:$0x3FFE];
	[sflag:s23] =	ssyncadd.s32 $0xFFFFFFFF  }
0xa7: {  	s26 =	simm.s32 $execute0_lowered;
	[smem:$0x3FD2] =	sst s25  }
0xa8: {  	s7 =	sshll.u32 s26, $0x1;
	_ =	strace $0x80000046;
	[dreg:$0x1] =	wrdreg $0xFFFFFFFF  }
0xa9: {  	s28 =	simm.s32 $_size_execute0_lowered;
	s5 =	sadd.s32 s5, s7;
	[dreg:$0x0] =	wrdreg $0x0  }
0xaa: {  	s7 =	sshll.u32 s28, $0x1;
	[dreg:$0x2] =	wrdreg s5  }
0xab: {  	[dreg:$0x3] =	wrdreg s7  }
0xac: {  	[dreg:$0x4] =	wrdreg $0xC0  }
0xad: {  	_ =	task [dreg:s9], $0x5FFFF  }
0xae: {  	[dreg:$0x1] =	wrdreg $0xFFFFFFFF  }
0xaf: {  	[dreg:$0x0] =	wrdreg $0x60  }
0xb0: {  	[dreg:$0x2] =	wrdreg s24  }
0xb1: {  	[dreg:$0x3] =	wrdreg s2  }
0xb2: {  	[dreg:$0x4] =	wrdreg s18  }
0xb3: {  	[dreg:$0x5] =	wrdreg s4  }
0xb4: {  	[dreg:$0x6] =	wrdreg $0xA  }
0xb5: {  	_ =	task.clear_ibuf [dreg:s9], $0x7FFFF;
	_ =	strace $0x90000046  }
0xb6: {  	s29 =	simm.s32 $0xA;
	_ =	strace $0x80000048  }
0xb7: {  	_ =	swait.ge [sflag:s29], $0x1  }
0xb8: {  	[sflag:s29] =	ssyncadd.s32 $0xFFFFFFFF  }
0xb9: {  	_ =	strace $0x90000048  }
0xba: {  	_ =	sfence  }
0xbb: {  	s30 =	sld [smem:$0x0];
	_ =	sdelay $0x2  }
0xbc: {  	s31 =	sshll.u32 s1, $0xD;
	s1 =	sshrl.u32 s1, $0x2  }
0xbd: {  	s3 =	sand.u32 $0x4000, s31;
	s1 =	sadd.s32 s1, s30  }
0xbe: {  	s0 =	sor.u32 s3, s0;
	s1 =	sshll.u32 s1, $0x11  }
0xbf: {  	s0 =	sor.u32 s1, s0  }
0xc0: {  	s0 =	sadd.s32 $0x8F2B, s0  }
0xc1: {  	[sflag:s0] =	ssyncadd.remote.s32 $0x1  }
0xc2: {  	_ =	sfence.sel $0xFFFF  }
0xc3: {  	[dreg:$0x0] =	wrdreg $0xFFFFFFFF;
	(pc) =	sbr.abs _section_cstart, $3  }
0xc4: {  	[dreg:$0x1] =	wrdreg $0xFFFFFFFF  }
0xc5: {  	_ =	task.clear_ibuf [dreg:s9], $0x2FFFF;
	_ =	strace $0x9FFFFFFF  }
0xc6: {  	(tm) =	ssettm $0x7FFFFFFF  }
0xc7: {  	_ =	shalt  }
tec
execute0_lowered:
.L_overlay_start_1:
0x0: {  	(tag) =	ssettag $0x1  }
0x1: {  	s1 =	stileid.u32  }
0x2: {  	s3 =	rddreg [dreg:$0x0];
	p0 =	seq.s32 s1, $0xF  }
.Ltmp0:
0x3: {  	s14 =	rddreg [dreg:$0x1];
	(pc) =	sbr.rel @p0 .LBB2_15-.Ltmp0, $4  }
0x4: {  	s5 =	rddreg [dreg:$0x2]  }
0x5: {  	s9 =	rddreg [dreg:$0x3];
	s2 =	simm.s32 $0x0  }
0x6: {  	[smem:$0x7FF] =	sst s2  }
0x7: {  	s0 =	rddreg [dreg:$0x4];
	_ =	strace $0x80000047  }
0x8: {  	s4 =	srdreg.scid  }
0x9: {  	s22 =	sshll.u32 s1, $0x1;
	s12 =	sand.u32 $0x1, s4  }
0xa: {  	s4 =	sor.u32 s12, s22  }
0xb: {  	s6 =	smul.u32 $0x1A, s4  }
0xc: {  	s7 =	smul.u32 $0x34, s1  }
0xd: {  	s6 =	sshrl.u32 s6, $0x8  }
0xe: {  	s23 =	sshrl.u32 s7, $0x8;
	s6 =	smul.u32 $0xA, s6  }
0xf: {  	s16 =	sadd.s32 $0x2C00, s3;
	s15 =	smin.u32 s23, $0x2  }
0x10: {  	s17 =	sadd.s32 $0xC000, s3;
	s8 =	smul.u32 $0x19000, s15;
	s4 =	ssub.s32 s4, s6  }
0x11: {  	s28 =	ssub.s32 $0x2, s12;
	s15 =	smul.u32 $0x30D4, s15;
	s13 =	sand.u32 $0xFF, s4  }
0x12: {  	s29 =	sshrl.u32 s28, $0x1;
	s23 =	simm.s32 $0x1CC00;
	s10 =	smul.u32 $0x2800, s13  }
0x13: {  	s11 =	sadd.s32 $0x4B000, s8;
	s22 =	sadd.s32 $0x96000, s8;
	s15 =	sadd.s32 s16, s15  }
0x14: {  	s30 =	smul.u32 $0xA000, s13;
	s18 =	sadd.s32 $0x1400, s10;
	s19 =	sshrl.u32 s10, $0x3  }
0x15: {  	s24 =	sadd.s32 s8, s10;
	s21 =	sadd.s32 s10, s11;
	s10 =	sadd.s32 s10, s22  }
0x16: {  	s31 =	sshrl.u32 s30, $0x2;
	s20 =	sshrl.u32 s18, $0x3;
	s3 =	sadd.s32 s5, s19  }
0x17: {  	s4 =	sshrl.u32 s24, $0x3;
	s25 =	sadd.s32 s8, s18;
	s7 =	sadd.s32 s9, s19  }
0x18: {  	s21 =	sshrl.u32 s21, $0x3;
	s11 =	sadd.s32 s11, s18;
	s26 =	sshrl.u32 s10, $0x3  }
0x19: {  	s18 =	sadd.s32 s22, s18;
	s22 =	simm.s32 $0x3;
	s24 =	simm.s32 $0x4  }
0x1a: {  	s4 =	sadd.s32 s17, s4;
	s6 =	sshrl.u32 s25, $0x3;
	s5 =	sadd.s32 s5, s20  }
0x1b: {  	s8 =	sadd.s32 s17, s21;
	s9 =	sadd.s32 s9, s20;
	s11 =	sshrl.u32 s11, $0x3  }
0x1c: {  	s18 =	sshrl.u32 s18, $0x3;
	s13 =	sadd.s32 s14, s20;
	s14 =	sadd.s32 s14, s19  }
0x1d: {  	s19 =	simm.s32 $0x1;
	s20 =	simm.s32 $0x2;
	s21 =	simm.s32 $0x1B800  }
0x1e: {  	s25 =	simm.s32 $0x5;
	s6 =	sadd.s32 s17, s6;
	s10 =	sadd.s32 s17, s11  }
0x1f: {  	s11 =	sadd.s32 s17, s26;
	s12 =	sadd.s32 s17, s18;
	s17 =	ssub.s32 s28, s29  }
0x20: {  	s26 =	sor.u32 $0x20, s31;
	s28 =	sadd.s32 $0x1400, s31;
	s18 =	simm.s32 $0x1A400  }
0x21: {  	s16 =	smax.u32 s17, $0x1;
	s17 =	simm.s32 $0x19000;
	v0 =	vmov s26;
	v1 =	vmov s28;
	s26 =	simm.s32 $0x0  }
.LBB2_2:
0x22: {  	s28 =	simm.s32 $0x0  }
0x23: {  	[tilespmem:s28], [sflag:$0x1] =	stream.linear.gather [hbm4b:s15+s28], $0x186A0, $0x38;
	[tilespmem:$0x1E000] =	vst v63  }
0x24: {  	_ = 	snop  }
0x25: {  	[tilespmem:s17], [sflag:$0x2] =	stream.linear.gather [hbm4b:s14+s28], $0x1400, $0x38;
	[tilespmem:$0x1E000] =	vst v63  }
0x26: {  	_ = 	snop  }
0x27: {  	[tilespmem:s18], [sflag:$0x3] =	stream.linear.gather [hbm4b:s13+s28], $0x1400, $0x38;
	[tilespmem:$0x1E000] =	vst v63  }
0x28: {  	_ =	swait.ge [sflag:s19], $0x186A0  }
0x29: {  	[sflag:s19] =	ssyncset.done $0x0  }
0x2a: {  	[sflag:s19] =	ssyncadd.s32 $0xFFFE7960  }
0x2b: {  	_ =	swait.ge [sflag:s20], $0x1400  }
0x2c: {  	[sflag:s20] =	ssyncset.done $0x0  }
0x2d: {  	s28 =	simm.s32 $0x0;
	[sflag:s20] =	ssyncadd.s32 $0xFFFFEC00  }
0x2e: {  	v2 =	vld [tilespmem:s28+$0x19000];
	_ =	sdelay $0x4  }
0x2f: {  	vm0 =	vgt.s32 v2, $0x0  }
0x30: {  	v2 =	vnsel vm0, $0x0, v2  }
0x31: {  	v2 =	vmin.u32 v2, $0x18FFF  }
0x32: {  	v3 =	vld [tilespmem:s28+$0x19010];
	_ =	sdelay $0x2  }
0x33: {  	v4 =	vld.idx.msk [tilespmem:v0+s28+$0xFFFFFFE0 ss:$0x1], $0xffff  }
0x34: {  	v2 =	vld.idx.msk [tilespmem:v2+s2+$0x0], $0xffff  }
0x35: {  	vm12 =	vgt.s32 v3, $0x0  }
0x36: {  	v3 =	vnsel vm12, $0x0, v3  }
0x37: {  	v3 =	vmin.u32 v3, $0x18FFF;
	_ =	sdelay $0x1  }
0x38: {  	v5 =	vld [tilespmem:s28+$0x19020];
	v2 =	vsub.f32 v2, v4;
	_ =	sdelay $0x1  }
0x39: {  	[tilespmem:s28+$0x1B800] =	vst v2  }
0x3a: {  	v2 =	vld.idx.msk [tilespmem:v3+s2+$0x0], $0xffff  }
0x3b: {  	v3 =	vld.idx.msk [tilespmem:v0+s28+$0xFFFFFFF0 ss:$0x1], $0xffff  }
0x3c: {  	vm13 =	vgt.s32 v5, $0x0  }
0x3d: {  	v5 =	vnsel vm13, $0x0, v5  }
0x3e: {  	v5 =	vmin.u32 v5, $0x18FFF;
	_ =	sdelay $0x1  }
0x3f: {  	v4 =	vld [tilespmem:s28+$0x19030];
	v2 =	vsub.f32 v2, v3;
	_ =	sdelay $0x1  }
0x40: {  	[tilespmem:s28+$0x1B810] =	vst v2  }
0x41: {  	v2 =	vld.idx.msk [tilespmem:v5+s2+$0x0], $0xffff  }
0x42: {  	v3 =	vld.idx.msk [tilespmem:v0+s28+$0x0 ss:$0x1], $0xffff  }
0x43: {  	vm14 =	vgt.s32 v4, $0x0  }
0x44: {  	v4 =	vnsel vm14, $0x0, v4  }
0x45: {  	v4 =	vmin.u32 v4, $0x18FFF;
	_ =	sdelay $0x1  }
0x46: {  	v2 =	vsub.f32 v2, v3  }
0x47: {  	s30 =	simm.s32 $0x40  }
0x48: {  	v7 =	vld [tilespmem:s30+$0x19000];
	[tilespmem:s28+$0x1B820] =	vst v2  }
0x49: {  	v5 =	vld.idx.msk [tilespmem:v4+s2+$0x0], $0xffff  }
0x4a: {  	v6 =	vld.idx.msk [tilespmem:v0+s28+$0x10 ss:$0x1], $0xffff  }
0x4b: {  	v4 =	vld [tilespmem:s30+$0x19010]  }
0x4c: {  	v3 =	vld [tilespmem:s30+$0x19020]  }
0x4d: {  	vm15 =	vgt.s32 v7, $0x0;
	v2 =	vld [tilespmem:s30+$0x19030]  }
0x4e: {  	s29 =	simm.s32 $0x200;
	v7 =	vnsel vm15, $0x0, v7  }
.LBB2_3:
0x4f: {  	p0 =	sne.s32 s29, $0x4F00;
	v7 =	vmin.u32 v7, $0x18FFF;
	s31 =	smov.u32 s29;
	s29 =	sadd.s32 $0x100, s29  }
0x50: {  	v5 =	vsub.f32 v5, v6;
	vm0 =	vgt.s32 v4, $0x0  }
0x51: {  	v4 =	vnsel vm0, $0x0, v4;
	vm0 =	vgt.s32 v3, $0x0  }
0x52: {  	v3 =	vnsel vm0, $0x0, v3;
	vm0 =	vgt.s32 v2, $0x0;
	[tilespmem:s28+$0x1B830] =	vst v5;
	s28 =	smov.u32 s30  }
0x53: {  	v5 =	vld.idx.msk [tilespmem:v0+s28+$0xFFFFFFE0 ss:$0x1], $0xffff;
	v2 =	vnsel vm0, $0x0, v2  }
0x54: {  	v6 =	vld.idx.msk [tilespmem:v7+s2+$0x0], $0xffff;
	_ =	sdelay $0x3  }
0x55: {  	v4 =	vmin.u32 v4, $0x18FFF;
	_ =	sdelay $0x1  }
0x56: {  	v5 =	vsub.f32 v6, v5;
	_ =	sdelay $0x1  }
0x57: {  	[tilespmem:s28+$0x1B800] =	vst v5  }
0x58: {  	v4 =	vld.idx.msk [tilespmem:v4+s2+$0x0], $0xffff  }
0x59: {  	v5 =	vld.idx.msk [tilespmem:v0+s28+$0xFFFFFFF0 ss:$0x1], $0xffff;
	_ =	sdelay $0x3  }
0x5a: {  	v3 =	vmin.u32 v3, $0x18FFF;
	_ =	sdelay $0x1  }
0x5b: {  	v4 =	vsub.f32 v4, v5;
	_ =	sdelay $0x1  }
0x5c: {  	[tilespmem:s28+$0x1B810] =	vst v4  }
0x5d: {  	v3 =	vld.idx.msk [tilespmem:v3+s2+$0x0], $0xffff  }
0x5e: {  	v4 =	vld.idx.msk [tilespmem:v0+s28+$0x0 ss:$0x1], $0xffff;
	_ =	sdelay $0x3  }
0x5f: {  	v2 =	vmin.u32 v2, $0x18FFF;
	_ =	sdelay $0x1  }
0x60: {  	v3 =	vsub.f32 v3, v4  }
0x61: {  	s30 =	sshra.s32 s31, $0x2  }
0x62: {  	v7 =	vld [tilespmem:s30+$0x19000];
	[tilespmem:s28+$0x1B820] =	vst v3  }
0x63: {  	v5 =	vld.idx.msk [tilespmem:v2+s2+$0x0], $0xffff  }
.Ltmp1:
0x64: {  	v6 =	vld.idx.msk [tilespmem:v0+s28+$0x10 ss:$0x1], $0xffff;
	(pc) =	sbr.rel @p0 .LBB2_3-.Ltmp1, $4  }
0x65: {  	v4 =	vld [tilespmem:s30+$0x19010]  }
0x66: {  	v3 =	vld [tilespmem:s30+$0x19020]  }
0x67: {  	vm0 =	vgt.s32 v7, $0x0;
	v2 =	vld [tilespmem:s30+$0x19030]  }
0x68: {  	v7 =	vnsel vm0, $0x0, v7  }
0x69: {  	v7 =	vmin.u32 v7, $0x18FFF  }
0x6a: {  	v5 =	vsub.f32 v5, v6;
	_ =	sdelay $0x1  }
0x6b: {  	[tilespmem:s28+$0x1B830] =	vst v5  }
0x6c: {  	v5 =	vld.idx.msk [tilespmem:v0+s30+$0xFFFFFFE0 ss:$0x1], $0xffff  }
0x6d: {  	v6 =	vld.idx.msk [tilespmem:v7+s2+$0x0], $0xffff  }
0x6e: {  	vm0 =	vgt.s32 v4, $0x0  }
0x6f: {  	v4 =	vnsel vm0, $0x0, v4  }
0x70: {  	v4 =	vmin.u32 v4, $0x18FFF;
	_ =	sdelay $0x1  }
0x71: {  	v5 =	vsub.f32 v6, v5;
	_ =	sdelay $0x1  }
0x72: {  	[tilespmem:s30+$0x1B800] =	vst v5  }
0x73: {  	v4 =	vld.idx.msk [tilespmem:v4+s2+$0x0], $0xffff  }
0x74: {  	v5 =	vld.idx.msk [tilespmem:v0+s30+$0xFFFFFFF0 ss:$0x1], $0xffff  }
0x75: {  	vm9 =	vgt.s32 v3, $0x0  }
0x76: {  	v3 =	vnsel vm9, $0x0, v3  }
0x77: {  	v3 =	vmin.u32 v3, $0x18FFF;
	_ =	sdelay $0x1  }
0x78: {  	v4 =	vsub.f32 v4, v5;
	_ =	sdelay $0x1  }
0x79: {  	[tilespmem:s30+$0x1B810] =	vst v4  }
0x7a: {  	v3 =	vld.idx.msk [tilespmem:v3+s2+$0x0], $0xffff  }
0x7b: {  	v4 =	vld.idx.msk [tilespmem:v0+s30+$0x0 ss:$0x1], $0xffff  }
0x7c: {  	vm10 =	vgt.s32 v2, $0x0  }
0x7d: {  	v2 =	vnsel vm10, $0x0, v2  }
0x7e: {  	v2 =	vmin.u32 v2, $0x18FFF;
	_ =	sdelay $0x1  }
0x7f: {  	v3 =	vsub.f32 v3, v4;
	_ =	sdelay $0x1  }
0x80: {  	[tilespmem:s30+$0x1B820] =	vst v3  }
0x81: {  	v2 =	vld.idx.msk [tilespmem:v2+s2+$0x0], $0xffff  }
0x82: {  	v3 =	vld.idx.msk [tilespmem:v0+s30+$0x10 ss:$0x1], $0xffff;
	_ =	sdelay $0x4  }
0x83: {  	v2 =	vsub.f32 v2, v3;
	_ =	sdelay $0x1  }
0x84: {  	s28 =	simm.s32 $0x0;
	[tilespmem:s30+$0x1B830] =	vst v2  }
0x85: {  	[tilespmem:s17], [sflag:$0x2] =	stream.linear.gather [hbm4b:s3+s28], $0x1400, $0x38;
	[tilespmem:$0x1E000] =	vst v63  }
0x86: {  	_ = 	snop  }
0x87: {  	[hbm4b:s4+s28] =	stream.linear.scatter [tilespmem:s21], [sflag:$0x4], $0x1400, $0x38;
	[tilespmem:$0x1E000] =	vst v63  }
0x88: {  	_ =	swait.ge [sflag:s22], $0x1400  }
0x89: {  	[sflag:s22] =	ssyncset.done $0x0  }
0x8a: {  	s28 =	simm.s32 $0x0;
	[sflag:s22] =	ssyncadd.s32 $0xFFFFEC00  }
0x8b: {  	v2 =	vld [tilespmem:s28+$0x1A400];
	_ =	sdelay $0x4  }
0x8c: {  	vm11 =	vgt.s32 v2, $0x0  }
0x8d: {  	v2 =	vnsel vm11, $0x0, v2  }
0x8e: {  	v2 =	vmin.u32 v2, $0x18FFF  }
0x8f: {  	v3 =	vld [tilespmem:s28+$0x1A410];
	_ =	sdelay $0x2  }
0x90: {  	v4 =	vld.idx.msk [tilespmem:v1+s28+$0x0 ss:$0x1], $0xffff  }
0x91: {  	v2 =	vld.idx.msk [tilespmem:v2+s2+$0x0], $0xffff  }
0x92: {  	vm12 =	vgt.s32 v3, $0x0  }
0x93: {  	v3 =	vnsel vm12, $0x0, v3  }
0x94: {  	v3 =	vmin.u32 v3, $0x18FFF;
	_ =	sdelay $0x1  }
0x95: {  	v5 =	vld [tilespmem:s28+$0x1A420];
	v2 =	vsub.f32 v2, v4;
	_ =	sdelay $0x1  }
0x96: {  	[tilespmem:s28+$0x1CC00] =	vst v2  }
0x97: {  	v2 =	vld.idx.msk [tilespmem:v3+s2+$0x0], $0xffff  }
0x98: {  	v3 =	vld.idx.msk [tilespmem:v1+s28+$0x10 ss:$0x1], $0xffff  }
0x99: {  	vm13 =	vgt.s32 v5, $0x0  }
0x9a: {  	v5 =	vnsel vm13, $0x0, v5  }
0x9b: {  	v5 =	vmin.u32 v5, $0x18FFF;
	_ =	sdelay $0x1  }
0x9c: {  	v4 =	vld [tilespmem:s28+$0x1A430];
	v2 =	vsub.f32 v2, v3;
	_ =	sdelay $0x1  }
0x9d: {  	[tilespmem:s28+$0x1CC10] =	vst v2  }
0x9e: {  	v2 =	vld.idx.msk [tilespmem:v5+s2+$0x0], $0xffff  }
0x9f: {  	v3 =	vld.idx.msk [tilespmem:v1+s28+$0x20 ss:$0x1], $0xffff  }
0xa0: {  	vm14 =	vgt.s32 v4, $0x0  }
0xa1: {  	v4 =	vnsel vm14, $0x0, v4  }
0xa2: {  	v4 =	vmin.u32 v4, $0x18FFF;
	_ =	sdelay $0x1  }
0xa3: {  	v2 =	vsub.f32 v2, v3  }
0xa4: {  	s30 =	simm.s32 $0x40  }
0xa5: {  	v7 =	vld [tilespmem:s30+$0x1A400];
	[tilespmem:s28+$0x1CC20] =	vst v2  }
0xa6: {  	v5 =	vld.idx.msk [tilespmem:v4+s2+$0x0], $0xffff  }
0xa7: {  	v6 =	vld.idx.msk [tilespmem:v1+s28+$0x30 ss:$0x1], $0xffff  }
0xa8: {  	v4 =	vld [tilespmem:s30+$0x1A410]  }
0xa9: {  	v3 =	vld [tilespmem:s30+$0x1A420]  }
0xaa: {  	vm15 =	vgt.s32 v7, $0x0;
	v2 =	vld [tilespmem:s30+$0x1A430]  }
0xab: {  	s29 =	simm.s32 $0x200;
	v7 =	vnsel vm15, $0x0, v7  }
.LBB2_5:
0xac: {  	p0 =	sne.s32 s29, $0x4F00;
	v7 =	vmin.u32 v7, $0x18FFF;
	s31 =	smov.u32 s29;
	s29 =	sadd.s32 $0x100, s29  }
0xad: {  	v5 =	vsub.f32 v5, v6;
	vm0 =	vgt.s32 v4, $0x0  }
0xae: {  	v4 =	vnsel vm0, $0x0, v4;
	vm0 =	vgt.s32 v3, $0x0  }
0xaf: {  	v3 =	vnsel vm0, $0x0, v3;
	vm0 =	vgt.s32 v2, $0x0;
	[tilespmem:s28+$0x1CC30] =	vst v5;
	s28 =	smov.u32 s30  }
0xb0: {  	v5 =	vld.idx.msk [tilespmem:v1+s28+$0x0 ss:$0x1], $0xffff;
	v2 =	vnsel vm0, $0x0, v2  }
0xb1: {  	v6 =	vld.idx.msk [tilespmem:v7+s2+$0x0], $0xffff;
	_ =	sdelay $0x3  }
0xb2: {  	v4 =	vmin.u32 v4, $0x18FFF;
	_ =	sdelay $0x1  }
0xb3: {  	v5 =	vsub.f32 v6, v5;
	_ =	sdelay $0x1  }
0xb4: {  	[tilespmem:s28+$0x1CC00] =	vst v5  }
0xb5: {  	v4 =	vld.idx.msk [tilespmem:v4+s2+$0x0], $0xffff  }
0xb6: {  	v5 =	vld.idx.msk [tilespmem:v1+s28+$0x10 ss:$0x1], $0xffff;
	_ =	sdelay $0x3  }
0xb7: {  	v3 =	vmin.u32 v3, $0x18FFF;
	_ =	sdelay $0x1  }
0xb8: {  	v4 =	vsub.f32 v4, v5;
	_ =	sdelay $0x1  }
0xb9: {  	[tilespmem:s28+$0x1CC10] =	vst v4  }
0xba: {  	v3 =	vld.idx.msk [tilespmem:v3+s2+$0x0], $0xffff  }
0xbb: {  	v4 =	vld.idx.msk [tilespmem:v1+s28+$0x20 ss:$0x1], $0xffff;
	_ =	sdelay $0x3  }
0xbc: {  	v2 =	vmin.u32 v2, $0x18FFF;
	_ =	sdelay $0x1  }
0xbd: {  	v3 =	vsub.f32 v3, v4  }
0xbe: {  	s30 =	sshra.s32 s31, $0x2  }
0xbf: {  	v7 =	vld [tilespmem:s30+$0x1A400];
	[tilespmem:s28+$0x1CC20] =	vst v3  }
0xc0: {  	v5 =	vld.idx.msk [tilespmem:v2+s2+$0x0], $0xffff  }
.Ltmp2:
0xc1: {  	v6 =	vld.idx.msk [tilespmem:v1+s28+$0x30 ss:$0x1], $0xffff;
	(pc) =	sbr.rel @p0 .LBB2_5-.Ltmp2, $4  }
0xc2: {  	v4 =	vld [tilespmem:s30+$0x1A410]  }
0xc3: {  	v3 =	vld [tilespmem:s30+$0x1A420]  }
0xc4: {  	vm0 =	vgt.s32 v7, $0x0;
	v2 =	vld [tilespmem:s30+$0x1A430]  }
0xc5: {  	v7 =	vnsel vm0, $0x0, v7  }
0xc6: {  	v7 =	vmin.u32 v7, $0x18FFF  }
0xc7: {  	v5 =	vsub.f32 v5, v6;
	_ =	sdelay $0x1  }
0xc8: {  	[tilespmem:s28+$0x1CC30] =	vst v5  }
0xc9: {  	v5 =	vld.idx.msk [tilespmem:v1+s30+$0x0 ss:$0x1], $0xffff  }
0xca: {  	v6 =	vld.idx.msk [tilespmem:v7+s2+$0x0], $0xffff  }
0xcb: {  	vm0 =	vgt.s32 v4, $0x0  }
0xcc: {  	v4 =	vnsel vm0, $0x0, v4  }
0xcd: {  	v4 =	vmin.u32 v4, $0x18FFF;
	_ =	sdelay $0x1  }
0xce: {  	v5 =	vsub.f32 v6, v5;
	_ =	sdelay $0x1  }
0xcf: {  	[tilespmem:s30+$0x1CC00] =	vst v5  }
0xd0: {  	v4 =	vld.idx.msk [tilespmem:v4+s2+$0x0], $0xffff  }
0xd1: {  	v5 =	vld.idx.msk [tilespmem:v1+s30+$0x10 ss:$0x1], $0xffff  }
0xd2: {  	vm9 =	vgt.s32 v3, $0x0  }
0xd3: {  	v3 =	vnsel vm9, $0x0, v3  }
0xd4: {  	v3 =	vmin.u32 v3, $0x18FFF;
	_ =	sdelay $0x1  }
0xd5: {  	v4 =	vsub.f32 v4, v5;
	_ =	sdelay $0x1  }
0xd6: {  	[tilespmem:s30+$0x1CC10] =	vst v4  }
0xd7: {  	v3 =	vld.idx.msk [tilespmem:v3+s2+$0x0], $0xffff  }
0xd8: {  	v4 =	vld.idx.msk [tilespmem:v1+s30+$0x20 ss:$0x1], $0xffff  }
0xd9: {  	vm10 =	vgt.s32 v2, $0x0  }
0xda: {  	v2 =	vnsel vm10, $0x0, v2  }
0xdb: {  	v2 =	vmin.u32 v2, $0x18FFF;
	_ =	sdelay $0x1  }
0xdc: {  	v3 =	vsub.f32 v3, v4;
	_ =	sdelay $0x1  }
0xdd: {  	[tilespmem:s30+$0x1CC20] =	vst v3  }
0xde: {  	v2 =	vld.idx.msk [tilespmem:v2+s2+$0x0], $0xffff  }
0xdf: {  	v3 =	vld.idx.msk [tilespmem:v1+s30+$0x30 ss:$0x1], $0xffff;
	_ =	sdelay $0x4  }
0xe0: {  	v2 =	vsub.f32 v2, v3;
	_ =	sdelay $0x1  }
0xe1: {  	s28 =	simm.s32 $0x0;
	[tilespmem:s30+$0x1CC30] =	vst v2  }
0xe2: {  	[tilespmem:s18], [sflag:$0x3] =	stream.linear.gather [hbm4b:s5+s28], $0x1400, $0x38;
	[tilespmem:$0x1E000] =	vst v63  }
0xe3: {  	_ = 	snop  }
0xe4: {  	[hbm4b:s6+s28] =	stream.linear.scatter [tilespmem:s23], [sflag:$0x5], $0x1400, $0x38;
	[tilespmem:$0x1E000] =	vst v63  }
0xe5: {  	_ =	swait.ge [sflag:s20], $0x1400  }
0xe6: {  	[sflag:s20] =	ssyncset.done $0x0  }
0xe7: {  	[sflag:s20] =	ssyncadd.s32 $0xFFFFEC00  }
0xe8: {  	_ =	swait.ge [sflag:s24], $0x1400  }
0xe9: {  	[sflag:s24] =	ssyncset.done $0x0  }
0xea: {  	s28 =	simm.s32 $0x0;
	[sflag:s24] =	ssyncadd.s32 $0xFFFFEC00  }
0xeb: {  	v2 =	vld [tilespmem:s28+$0x19000];
	_ =	sdelay $0x4  }
0xec: {  	vm11 =	vgt.s32 v2, $0x0  }
0xed: {  	v2 =	vnsel vm11, $0x0, v2  }
0xee: {  	v2 =	vmin.u32 v2, $0x18FFF  }
0xef: {  	v3 =	vld [tilespmem:s28+$0x19010];
	_ =	sdelay $0x2  }
0xf0: {  	v4 =	vld.idx.msk [tilespmem:v0+s28+$0xFFFFFFE0 ss:$0x1], $0xffff  }
0xf1: {  	v2 =	vld.idx.msk [tilespmem:v2+s2+$0x0], $0xffff  }
0xf2: {  	vm12 =	vgt.s32 v3, $0x0  }
0xf3: {  	v3 =	vnsel vm12, $0x0, v3  }
0xf4: {  	v3 =	vmin.u32 v3, $0x18FFF;
	_ =	sdelay $0x1  }
0xf5: {  	v5 =	vld [tilespmem:s28+$0x19020];
	v2 =	vsub.f32 v2, v4;
	_ =	sdelay $0x1  }
0xf6: {  	[tilespmem:s28+$0x1B800] =	vst v2  }
0xf7: {  	v2 =	vld.idx.msk [tilespmem:v3+s2+$0x0], $0xffff  }
0xf8: {  	v3 =	vld.idx.msk [tilespmem:v0+s28+$0xFFFFFFF0 ss:$0x1], $0xffff  }
0xf9: {  	vm13 =	vgt.s32 v5, $0x0  }
0xfa: {  	v5 =	vnsel vm13, $0x0, v5  }
0xfb: {  	v5 =	vmin.u32 v5, $0x18FFF;
	_ =	sdelay $0x1  }
0xfc: {  	v4 =	vld [tilespmem:s28+$0x19030];
	v2 =	vsub.f32 v2, v3;
	_ =	sdelay $0x1  }
0xfd: {  	[tilespmem:s28+$0x1B810] =	vst v2  }
0xfe: {  	v2 =	vld.idx.msk [tilespmem:v5+s2+$0x0], $0xffff  }
0xff: {  	v3 =	vld.idx.msk [tilespmem:v0+s28+$0x0 ss:$0x1], $0xffff  }
0x100: {  	vm14 =	vgt.s32 v4, $0x0  }
0x101: {  	v4 =	vnsel vm14, $0x0, v4  }
0x102: {  	v4 =	vmin.u32 v4, $0x18FFF;
	_ =	sdelay $0x1  }
0x103: {  	v2 =	vsub.f32 v2, v3  }
0x104: {  	s30 =	simm.s32 $0x40  }
0x105: {  	v7 =	vld [tilespmem:s30+$0x19000];
	[tilespmem:s28+$0x1B820] =	vst v2  }
0x106: {  	v5 =	vld.idx.msk [tilespmem:v4+s2+$0x0], $0xffff  }
0x107: {  	v6 =	vld.idx.msk [tilespmem:v0+s28+$0x10 ss:$0x1], $0xffff  }
0x108: {  	v4 =	vld [tilespmem:s30+$0x19010]  }
0x109: {  	v3 =	vld [tilespmem:s30+$0x19020]  }
0x10a: {  	vm15 =	vgt.s32 v7, $0x0;
	v2 =	vld [tilespmem:s30+$0x19030]  }
0x10b: {  	s29 =	simm.s32 $0x200;
	v7 =	vnsel vm15, $0x0, v7  }
.LBB2_7:
0x10c: {  	p0 =	sne.s32 s29, $0x4F00;
	v7 =	vmin.u32 v7, $0x18FFF;
	s31 =	smov.u32 s29;
	s29 =	sadd.s32 $0x100, s29  }
0x10d: {  	v5 =	vsub.f32 v5, v6;
	vm0 =	vgt.s32 v4, $0x0  }
0x10e: {  	v4 =	vnsel vm0, $0x0, v4;
	vm0 =	vgt.s32 v3, $0x0  }
0x10f: {  	v3 =	vnsel vm0, $0x0, v3;
	vm0 =	vgt.s32 v2, $0x0;
	[tilespmem:s28+$0x1B830] =	vst v5;
	s28 =	smov.u32 s30  }
0x110: {  	v5 =	vld.idx.msk [tilespmem:v0+s28+$0xFFFFFFE0 ss:$0x1], $0xffff;
	v2 =	vnsel vm0, $0x0, v2  }
0x111: {  	v6 =	vld.idx.msk [tilespmem:v7+s2+$0x0], $0xffff;
	_ =	sdelay $0x3  }
0x112: {  	v4 =	vmin.u32 v4, $0x18FFF;
	_ =	sdelay $0x1  }
0x113: {  	v5 =	vsub.f32 v6, v5;
	_ =	sdelay $0x1  }
0x114: {  	[tilespmem:s28+$0x1B800] =	vst v5  }
0x115: {  	v4 =	vld.idx.msk [tilespmem:v4+s2+$0x0], $0xffff  }
0x116: {  	v5 =	vld.idx.msk [tilespmem:v0+s28+$0xFFFFFFF0 ss:$0x1], $0xffff;
	_ =	sdelay $0x3  }
0x117: {  	v3 =	vmin.u32 v3, $0x18FFF;
	_ =	sdelay $0x1  }
0x118: {  	v4 =	vsub.f32 v4, v5;
	_ =	sdelay $0x1  }
0x119: {  	[tilespmem:s28+$0x1B810] =	vst v4  }
0x11a: {  	v3 =	vld.idx.msk [tilespmem:v3+s2+$0x0], $0xffff  }
0x11b: {  	v4 =	vld.idx.msk [tilespmem:v0+s28+$0x0 ss:$0x1], $0xffff;
	_ =	sdelay $0x3  }
0x11c: {  	v2 =	vmin.u32 v2, $0x18FFF;
	_ =	sdelay $0x1  }
0x11d: {  	v3 =	vsub.f32 v3, v4  }
0x11e: {  	s30 =	sshra.s32 s31, $0x2  }
0x11f: {  	v7 =	vld [tilespmem:s30+$0x19000];
	[tilespmem:s28+$0x1B820] =	vst v3  }
0x120: {  	v5 =	vld.idx.msk [tilespmem:v2+s2+$0x0], $0xffff  }
.Ltmp3:
0x121: {  	v6 =	vld.idx.msk [tilespmem:v0+s28+$0x10 ss:$0x1], $0xffff;
	(pc) =	sbr.rel @p0 .LBB2_7-.Ltmp3, $4  }
0x122: {  	v4 =	vld [tilespmem:s30+$0x19010]  }
0x123: {  	v3 =	vld [tilespmem:s30+$0x19020]  }
0x124: {  	vm0 =	vgt.s32 v7, $0x0;
	v2 =	vld [tilespmem:s30+$0x19030]  }
0x125: {  	v7 =	vnsel vm0, $0x0, v7  }
0x126: {  	v7 =	vmin.u32 v7, $0x18FFF  }
0x127: {  	v5 =	vsub.f32 v5, v6;
	_ =	sdelay $0x1  }
0x128: {  	[tilespmem:s28+$0x1B830] =	vst v5  }
0x129: {  	v5 =	vld.idx.msk [tilespmem:v0+s30+$0xFFFFFFE0 ss:$0x1], $0xffff  }
0x12a: {  	v6 =	vld.idx.msk [tilespmem:v7+s2+$0x0], $0xffff  }
0x12b: {  	vm0 =	vgt.s32 v4, $0x0  }
0x12c: {  	v4 =	vnsel vm0, $0x0, v4  }
0x12d: {  	v4 =	vmin.u32 v4, $0x18FFF;
	_ =	sdelay $0x1  }
0x12e: {  	v5 =	vsub.f32 v6, v5;
	_ =	sdelay $0x1  }
0x12f: {  	[tilespmem:s30+$0x1B800] =	vst v5  }
0x130: {  	v4 =	vld.idx.msk [tilespmem:v4+s2+$0x0], $0xffff  }
0x131: {  	v5 =	vld.idx.msk [tilespmem:v0+s30+$0xFFFFFFF0 ss:$0x1], $0xffff  }
0x132: {  	vm9 =	vgt.s32 v3, $0x0  }
0x133: {  	v3 =	vnsel vm9, $0x0, v3  }
0x134: {  	v3 =	vmin.u32 v3, $0x18FFF;
	_ =	sdelay $0x1  }
0x135: {  	v4 =	vsub.f32 v4, v5;
	_ =	sdelay $0x1  }
0x136: {  	[tilespmem:s30+$0x1B810] =	vst v4  }
0x137: {  	v3 =	vld.idx.msk [tilespmem:v3+s2+$0x0], $0xffff  }
0x138: {  	v4 =	vld.idx.msk [tilespmem:v0+s30+$0x0 ss:$0x1], $0xffff  }
0x139: {  	vm10 =	vgt.s32 v2, $0x0  }
0x13a: {  	v2 =	vnsel vm10, $0x0, v2  }
0x13b: {  	v2 =	vmin.u32 v2, $0x18FFF;
	_ =	sdelay $0x1  }
0x13c: {  	v3 =	vsub.f32 v3, v4;
	_ =	sdelay $0x1  }
0x13d: {  	[tilespmem:s30+$0x1B820] =	vst v3  }
0x13e: {  	v2 =	vld.idx.msk [tilespmem:v2+s2+$0x0], $0xffff  }
0x13f: {  	v3 =	vld.idx.msk [tilespmem:v0+s30+$0x10 ss:$0x1], $0xffff;
	_ =	sdelay $0x4  }
0x140: {  	v2 =	vsub.f32 v2, v3;
	_ =	sdelay $0x1  }
0x141: {  	s28 =	simm.s32 $0x0;
	[tilespmem:s30+$0x1B830] =	vst v2  }
0x142: {  	[tilespmem:s17], [sflag:$0x2] =	stream.linear.gather [hbm4b:s7+s28], $0x1400, $0x38;
	[tilespmem:$0x1E000] =	vst v63  }
0x143: {  	_ = 	snop  }
0x144: {  	[hbm4b:s8+s28] =	stream.linear.scatter [tilespmem:s21], [sflag:$0x4], $0x1400, $0x38;
	[tilespmem:$0x1E000] =	vst v63  }
0x145: {  	_ =	swait.ge [sflag:s22], $0x1400  }
0x146: {  	[sflag:s22] =	ssyncset.done $0x0  }
0x147: {  	[sflag:s22] =	ssyncadd.s32 $0xFFFFEC00  }
0x148: {  	_ =	swait.ge [sflag:s25], $0x1400  }
0x149: {  	[sflag:s25] =	ssyncset.done $0x0  }
0x14a: {  	s28 =	simm.s32 $0x0;
	[sflag:s25] =	ssyncadd.s32 $0xFFFFEC00  }
0x14b: {  	v2 =	vld [tilespmem:s28+$0x1A400];
	_ =	sdelay $0x4  }
0x14c: {  	vm11 =	vgt.s32 v2, $0x0  }
0x14d: {  	v2 =	vnsel vm11, $0x0, v2  }
0x14e: {  	v2 =	vmin.u32 v2, $0x18FFF  }
0x14f: {  	v3 =	vld [tilespmem:s28+$0x1A410];
	_ =	sdelay $0x2  }
0x150: {  	v4 =	vld.idx.msk [tilespmem:v1+s28+$0x0 ss:$0x1], $0xffff  }
0x151: {  	v2 =	vld.idx.msk [tilespmem:v2+s2+$0x0], $0xffff  }
0x152: {  	vm12 =	vgt.s32 v3, $0x0  }
0x153: {  	v3 =	vnsel vm12, $0x0, v3  }
0x154: {  	v3 =	vmin.u32 v3, $0x18FFF;
	_ =	sdelay $0x1  }
0x155: {  	v5 =	vld [tilespmem:s28+$0x1A420];
	v2 =	vsub.f32 v2, v4;
	_ =	sdelay $0x1  }
0x156: {  	[tilespmem:s28+$0x1CC00] =	vst v2  }
0x157: {  	v2 =	vld.idx.msk [tilespmem:v3+s2+$0x0], $0xffff  }
0x158: {  	v3 =	vld.idx.msk [tilespmem:v1+s28+$0x10 ss:$0x1], $0xffff  }
0x159: {  	vm13 =	vgt.s32 v5, $0x0  }
0x15a: {  	v5 =	vnsel vm13, $0x0, v5  }
0x15b: {  	v5 =	vmin.u32 v5, $0x18FFF;
	_ =	sdelay $0x1  }
0x15c: {  	v4 =	vld [tilespmem:s28+$0x1A430];
	v2 =	vsub.f32 v2, v3;
	_ =	sdelay $0x1  }
0x15d: {  	[tilespmem:s28+$0x1CC10] =	vst v2  }
0x15e: {  	v2 =	vld.idx.msk [tilespmem:v5+s2+$0x0], $0xffff  }
0x15f: {  	v3 =	vld.idx.msk [tilespmem:v1+s28+$0x20 ss:$0x1], $0xffff  }
0x160: {  	vm14 =	vgt.s32 v4, $0x0  }
0x161: {  	v4 =	vnsel vm14, $0x0, v4  }
0x162: {  	v4 =	vmin.u32 v4, $0x18FFF;
	_ =	sdelay $0x1  }
0x163: {  	v2 =	vsub.f32 v2, v3  }
0x164: {  	s30 =	simm.s32 $0x40  }
0x165: {  	v7 =	vld [tilespmem:s30+$0x1A400];
	[tilespmem:s28+$0x1CC20] =	vst v2  }
0x166: {  	v5 =	vld.idx.msk [tilespmem:v4+s2+$0x0], $0xffff  }
0x167: {  	v6 =	vld.idx.msk [tilespmem:v1+s28+$0x30 ss:$0x1], $0xffff  }
0x168: {  	v4 =	vld [tilespmem:s30+$0x1A410]  }
0x169: {  	v3 =	vld [tilespmem:s30+$0x1A420]  }
0x16a: {  	vm15 =	vgt.s32 v7, $0x0;
	v2 =	vld [tilespmem:s30+$0x1A430]  }
0x16b: {  	s29 =	simm.s32 $0x200;
	v7 =	vnsel vm15, $0x0, v7  }
.LBB2_9:
0x16c: {  	p0 =	sne.s32 s29, $0x4F00;
	v7 =	vmin.u32 v7, $0x18FFF;
	s31 =	smov.u32 s29;
	s29 =	sadd.s32 $0x100, s29  }
0x16d: {  	v5 =	vsub.f32 v5, v6;
	vm0 =	vgt.s32 v4, $0x0  }
0x16e: {  	v4 =	vnsel vm0, $0x0, v4;
	vm0 =	vgt.s32 v3, $0x0  }
0x16f: {  	v3 =	vnsel vm0, $0x0, v3;
	vm0 =	vgt.s32 v2, $0x0;
	[tilespmem:s28+$0x1CC30] =	vst v5;
	s28 =	smov.u32 s30  }
0x170: {  	v5 =	vld.idx.msk [tilespmem:v1+s28+$0x0 ss:$0x1], $0xffff;
	v2 =	vnsel vm0, $0x0, v2  }
0x171: {  	v6 =	vld.idx.msk [tilespmem:v7+s2+$0x0], $0xffff;
	_ =	sdelay $0x3  }
0x172: {  	v4 =	vmin.u32 v4, $0x18FFF;
	_ =	sdelay $0x1  }
0x173: {  	v5 =	vsub.f32 v6, v5;
	_ =	sdelay $0x1  }
0x174: {  	[tilespmem:s28+$0x1CC00] =	vst v5  }
0x175: {  	v4 =	vld.idx.msk [tilespmem:v4+s2+$0x0], $0xffff  }
0x176: {  	v5 =	vld.idx.msk [tilespmem:v1+s28+$0x10 ss:$0x1], $0xffff;
	_ =	sdelay $0x3  }
0x177: {  	v3 =	vmin.u32 v3, $0x18FFF;
	_ =	sdelay $0x1  }
0x178: {  	v4 =	vsub.f32 v4, v5;
	_ =	sdelay $0x1  }
0x179: {  	[tilespmem:s28+$0x1CC10] =	vst v4  }
0x17a: {  	v3 =	vld.idx.msk [tilespmem:v3+s2+$0x0], $0xffff  }
0x17b: {  	v4 =	vld.idx.msk [tilespmem:v1+s28+$0x20 ss:$0x1], $0xffff;
	_ =	sdelay $0x3  }
0x17c: {  	v2 =	vmin.u32 v2, $0x18FFF;
	_ =	sdelay $0x1  }
0x17d: {  	v3 =	vsub.f32 v3, v4  }
0x17e: {  	s30 =	sshra.s32 s31, $0x2  }
0x17f: {  	v7 =	vld [tilespmem:s30+$0x1A400];
	[tilespmem:s28+$0x1CC20] =	vst v3  }
0x180: {  	v5 =	vld.idx.msk [tilespmem:v2+s2+$0x0], $0xffff  }
.Ltmp4:
0x181: {  	v6 =	vld.idx.msk [tilespmem:v1+s28+$0x30 ss:$0x1], $0xffff;
	(pc) =	sbr.rel @p0 .LBB2_9-.Ltmp4, $4  }
0x182: {  	v4 =	vld [tilespmem:s30+$0x1A410]  }
0x183: {  	v3 =	vld [tilespmem:s30+$0x1A420]  }
0x184: {  	vm0 =	vgt.s32 v7, $0x0;
	v2 =	vld [tilespmem:s30+$0x1A430]  }
0x185: {  	v7 =	vnsel vm0, $0x0, v7  }
0x186: {  	v7 =	vmin.u32 v7, $0x18FFF  }
0x187: {  	v5 =	vsub.f32 v5, v6;
	_ =	sdelay $0x1  }
0x188: {  	[tilespmem:s28+$0x1CC30] =	vst v5  }
0x189: {  	v5 =	vld.idx.msk [tilespmem:v1+s30+$0x0 ss:$0x1], $0xffff  }
0x18a: {  	v6 =	vld.idx.msk [tilespmem:v7+s2+$0x0], $0xffff  }
0x18b: {  	vm0 =	vgt.s32 v4, $0x0  }
0x18c: {  	v4 =	vnsel vm0, $0x0, v4  }
0x18d: {  	v4 =	vmin.u32 v4, $0x18FFF;
	_ =	sdelay $0x1  }
0x18e: {  	v5 =	vsub.f32 v6, v5;
	_ =	sdelay $0x1  }
0x18f: {  	[tilespmem:s30+$0x1CC00] =	vst v5  }
0x190: {  	v4 =	vld.idx.msk [tilespmem:v4+s2+$0x0], $0xffff  }
0x191: {  	v5 =	vld.idx.msk [tilespmem:v1+s30+$0x10 ss:$0x1], $0xffff  }
0x192: {  	vm9 =	vgt.s32 v3, $0x0  }
0x193: {  	v3 =	vnsel vm9, $0x0, v3  }
0x194: {  	v3 =	vmin.u32 v3, $0x18FFF;
	_ =	sdelay $0x1  }
0x195: {  	v4 =	vsub.f32 v4, v5;
	_ =	sdelay $0x1  }
0x196: {  	[tilespmem:s30+$0x1CC10] =	vst v4  }
0x197: {  	v3 =	vld.idx.msk [tilespmem:v3+s2+$0x0], $0xffff  }
0x198: {  	v4 =	vld.idx.msk [tilespmem:v1+s30+$0x20 ss:$0x1], $0xffff  }
0x199: {  	vm10 =	vgt.s32 v2, $0x0  }
0x19a: {  	v2 =	vnsel vm10, $0x0, v2  }
0x19b: {  	v2 =	vmin.u32 v2, $0x18FFF;
	_ =	sdelay $0x1  }
0x19c: {  	v3 =	vsub.f32 v3, v4;
	_ =	sdelay $0x1  }
0x19d: {  	[tilespmem:s30+$0x1CC20] =	vst v3  }
0x19e: {  	v2 =	vld.idx.msk [tilespmem:v2+s2+$0x0], $0xffff  }
0x19f: {  	v3 =	vld.idx.msk [tilespmem:v1+s30+$0x30 ss:$0x1], $0xffff;
	_ =	sdelay $0x4  }
0x1a0: {  	v2 =	vsub.f32 v2, v3;
	_ =	sdelay $0x1  }
0x1a1: {  	s28 =	simm.s32 $0x0;
	[tilespmem:s30+$0x1CC30] =	vst v2  }
0x1a2: {  	[tilespmem:s18], [sflag:$0x3] =	stream.linear.gather [hbm4b:s9+s28], $0x1400, $0x38;
	[tilespmem:$0x1E000] =	vst v63  }
0x1a3: {  	_ = 	snop  }
0x1a4: {  	[hbm4b:s10+s28] =	stream.linear.scatter [tilespmem:s23], [sflag:$0x5], $0x1400, $0x38;
	[tilespmem:$0x1E000] =	vst v63  }
0x1a5: {  	_ =	swait.ge [sflag:s20], $0x1400  }
0x1a6: {  	[sflag:s20] =	ssyncset.done $0x0  }
0x1a7: {  	[sflag:s20] =	ssyncadd.s32 $0xFFFFEC00  }
0x1a8: {  	_ =	swait.ge [sflag:s24], $0x1400  }
0x1a9: {  	[sflag:s24] =	ssyncset.done $0x0  }
0x1aa: {  	s28 =	simm.s32 $0x0;
	[sflag:s24] =	ssyncadd.s32 $0xFFFFEC00  }
0x1ab: {  	v2 =	vld [tilespmem:s28+$0x19000];
	_ =	sdelay $0x4  }
0x1ac: {  	vm11 =	vgt.s32 v2, $0x0  }
0x1ad: {  	v2 =	vnsel vm11, $0x0, v2  }
0x1ae: {  	v2 =	vmin.u32 v2, $0x18FFF  }
0x1af: {  	v3 =	vld [tilespmem:s28+$0x19010];
	_ =	sdelay $0x2  }
0x1b0: {  	v4 =	vld.idx.msk [tilespmem:v0+s28+$0xFFFFFFE0 ss:$0x1], $0xffff  }
0x1b1: {  	v2 =	vld.idx.msk [tilespmem:v2+s2+$0x0], $0xffff  }
0x1b2: {  	vm12 =	vgt.s32 v3, $0x0  }
0x1b3: {  	v3 =	vnsel vm12, $0x0, v3  }
0x1b4: {  	v3 =	vmin.u32 v3, $0x18FFF;
	_ =	sdelay $0x1  }
0x1b5: {  	v5 =	vld [tilespmem:s28+$0x19020];
	v2 =	vsub.f32 v2, v4;
	_ =	sdelay $0x1  }
0x1b6: {  	[tilespmem:s28+$0x1B800] =	vst v2  }
0x1b7: {  	v2 =	vld.idx.msk [tilespmem:v3+s2+$0x0], $0xffff  }
0x1b8: {  	v3 =	vld.idx.msk [tilespmem:v0+s28+$0xFFFFFFF0 ss:$0x1], $0xffff  }
0x1b9: {  	vm13 =	vgt.s32 v5, $0x0  }
0x1ba: {  	v5 =	vnsel vm13, $0x0, v5  }
0x1bb: {  	v5 =	vmin.u32 v5, $0x18FFF;
	_ =	sdelay $0x1  }
0x1bc: {  	v4 =	vld [tilespmem:s28+$0x19030];
	v2 =	vsub.f32 v2, v3;
	_ =	sdelay $0x1  }
0x1bd: {  	[tilespmem:s28+$0x1B810] =	vst v2  }
0x1be: {  	v2 =	vld.idx.msk [tilespmem:v5+s2+$0x0], $0xffff  }
0x1bf: {  	v3 =	vld.idx.msk [tilespmem:v0+s28+$0x0 ss:$0x1], $0xffff  }
0x1c0: {  	vm14 =	vgt.s32 v4, $0x0  }
0x1c1: {  	v4 =	vnsel vm14, $0x0, v4  }
0x1c2: {  	v4 =	vmin.u32 v4, $0x18FFF;
	_ =	sdelay $0x1  }
0x1c3: {  	v2 =	vsub.f32 v2, v3  }
0x1c4: {  	s30 =	simm.s32 $0x40  }
0x1c5: {  	v7 =	vld [tilespmem:s30+$0x19000];
	[tilespmem:s28+$0x1B820] =	vst v2  }
0x1c6: {  	v5 =	vld.idx.msk [tilespmem:v4+s2+$0x0], $0xffff  }
0x1c7: {  	v6 =	vld.idx.msk [tilespmem:v0+s28+$0x10 ss:$0x1], $0xffff  }
0x1c8: {  	v4 =	vld [tilespmem:s30+$0x19010]  }
0x1c9: {  	v3 =	vld [tilespmem:s30+$0x19020]  }
0x1ca: {  	vm15 =	vgt.s32 v7, $0x0;
	v2 =	vld [tilespmem:s30+$0x19030]  }
0x1cb: {  	s29 =	simm.s32 $0x200;
	v7 =	vnsel vm15, $0x0, v7  }
.LBB2_11:
0x1cc: {  	p0 =	sne.s32 s29, $0x4F00;
	v7 =	vmin.u32 v7, $0x18FFF;
	s31 =	smov.u32 s29;
	s29 =	sadd.s32 $0x100, s29  }
0x1cd: {  	v5 =	vsub.f32 v5, v6;
	vm0 =	vgt.s32 v4, $0x0  }
0x1ce: {  	v4 =	vnsel vm0, $0x0, v4;
	vm0 =	vgt.s32 v3, $0x0  }
0x1cf: {  	v3 =	vnsel vm0, $0x0, v3;
	vm0 =	vgt.s32 v2, $0x0;
	[tilespmem:s28+$0x1B830] =	vst v5;
	s28 =	smov.u32 s30  }
0x1d0: {  	v5 =	vld.idx.msk [tilespmem:v0+s28+$0xFFFFFFE0 ss:$0x1], $0xffff;
	v2 =	vnsel vm0, $0x0, v2  }
0x1d1: {  	v6 =	vld.idx.msk [tilespmem:v7+s2+$0x0], $0xffff;
	_ =	sdelay $0x3  }
0x1d2: {  	v4 =	vmin.u32 v4, $0x18FFF;
	_ =	sdelay $0x1  }
0x1d3: {  	v5 =	vsub.f32 v6, v5;
	_ =	sdelay $0x1  }
0x1d4: {  	[tilespmem:s28+$0x1B800] =	vst v5  }
0x1d5: {  	v4 =	vld.idx.msk [tilespmem:v4+s2+$0x0], $0xffff  }
0x1d6: {  	v5 =	vld.idx.msk [tilespmem:v0+s28+$0xFFFFFFF0 ss:$0x1], $0xffff;
	_ =	sdelay $0x3  }
0x1d7: {  	v3 =	vmin.u32 v3, $0x18FFF;
	_ =	sdelay $0x1  }
0x1d8: {  	v4 =	vsub.f32 v4, v5;
	_ =	sdelay $0x1  }
0x1d9: {  	[tilespmem:s28+$0x1B810] =	vst v4  }
0x1da: {  	v3 =	vld.idx.msk [tilespmem:v3+s2+$0x0], $0xffff  }
0x1db: {  	v4 =	vld.idx.msk [tilespmem:v0+s28+$0x0 ss:$0x1], $0xffff;
	_ =	sdelay $0x3  }
0x1dc: {  	v2 =	vmin.u32 v2, $0x18FFF;
	_ =	sdelay $0x1  }
0x1dd: {  	v3 =	vsub.f32 v3, v4  }
0x1de: {  	s30 =	sshra.s32 s31, $0x2  }
0x1df: {  	v7 =	vld [tilespmem:s30+$0x19000];
	[tilespmem:s28+$0x1B820] =	vst v3  }
0x1e0: {  	v5 =	vld.idx.msk [tilespmem:v2+s2+$0x0], $0xffff  }
.Ltmp5:
0x1e1: {  	v6 =	vld.idx.msk [tilespmem:v0+s28+$0x10 ss:$0x1], $0xffff;
	(pc) =	sbr.rel @p0 .LBB2_11-.Ltmp5, $4  }
0x1e2: {  	v4 =	vld [tilespmem:s30+$0x19010]  }
0x1e3: {  	v3 =	vld [tilespmem:s30+$0x19020]  }
0x1e4: {  	vm0 =	vgt.s32 v7, $0x0;
	v2 =	vld [tilespmem:s30+$0x19030]  }
0x1e5: {  	v7 =	vnsel vm0, $0x0, v7  }
0x1e6: {  	v7 =	vmin.u32 v7, $0x18FFF  }
0x1e7: {  	v5 =	vsub.f32 v5, v6;
	_ =	sdelay $0x1  }
0x1e8: {  	[tilespmem:s28+$0x1B830] =	vst v5  }
0x1e9: {  	v5 =	vld.idx.msk [tilespmem:v0+s30+$0xFFFFFFE0 ss:$0x1], $0xffff  }
0x1ea: {  	v6 =	vld.idx.msk [tilespmem:v7+s2+$0x0], $0xffff  }
0x1eb: {  	vm0 =	vgt.s32 v4, $0x0  }
0x1ec: {  	v4 =	vnsel vm0, $0x0, v4  }
0x1ed: {  	v4 =	vmin.u32 v4, $0x18FFF;
	_ =	sdelay $0x1  }
0x1ee: {  	v5 =	vsub.f32 v6, v5;
	_ =	sdelay $0x1  }
0x1ef: {  	[tilespmem:s30+$0x1B800] =	vst v5  }
0x1f0: {  	v4 =	vld.idx.msk [tilespmem:v4+s2+$0x0], $0xffff  }
0x1f1: {  	v5 =	vld.idx.msk [tilespmem:v0+s30+$0xFFFFFFF0 ss:$0x1], $0xffff  }
0x1f2: {  	vm9 =	vgt.s32 v3, $0x0  }
0x1f3: {  	v3 =	vnsel vm9, $0x0, v3  }
0x1f4: {  	v3 =	vmin.u32 v3, $0x18FFF;
	_ =	sdelay $0x1  }
0x1f5: {  	v4 =	vsub.f32 v4, v5;
	_ =	sdelay $0x1  }
0x1f6: {  	[tilespmem:s30+$0x1B810] =	vst v4  }
0x1f7: {  	v3 =	vld.idx.msk [tilespmem:v3+s2+$0x0], $0xffff  }
0x1f8: {  	v4 =	vld.idx.msk [tilespmem:v0+s30+$0x0 ss:$0x1], $0xffff  }
0x1f9: {  	vm10 =	vgt.s32 v2, $0x0  }
0x1fa: {  	v2 =	vnsel vm10, $0x0, v2  }
0x1fb: {  	v2 =	vmin.u32 v2, $0x18FFF;
	_ =	sdelay $0x1  }
0x1fc: {  	v3 =	vsub.f32 v3, v4;
	_ =	sdelay $0x1  }
0x1fd: {  	[tilespmem:s30+$0x1B820] =	vst v3  }
0x1fe: {  	v2 =	vld.idx.msk [tilespmem:v2+s2+$0x0], $0xffff  }
0x1ff: {  	v3 =	vld.idx.msk [tilespmem:v0+s30+$0x10 ss:$0x1], $0xffff;
	_ =	sdelay $0x4  }
0x200: {  	v2 =	vsub.f32 v2, v3;
	_ =	sdelay $0x1  }
0x201: {  	s28 =	simm.s32 $0x0;
	[tilespmem:s30+$0x1B830] =	vst v2  }
0x202: {  	[hbm4b:s11+s28] =	stream.linear.scatter [tilespmem:s21], [sflag:$0x4], $0x1400, $0x38;
	[tilespmem:$0x1E000] =	vst v63  }
0x203: {  	_ =	swait.ge [sflag:s22], $0x1400  }
0x204: {  	[sflag:s22] =	ssyncset.done $0x0  }
0x205: {  	[sflag:s22] =	ssyncadd.s32 $0xFFFFEC00  }
0x206: {  	_ =	swait.ge [sflag:s25], $0x1400  }
0x207: {  	[sflag:s25] =	ssyncset.done $0x0  }
0x208: {  	s28 =	simm.s32 $0x0;
	[sflag:s25] =	ssyncadd.s32 $0xFFFFEC00  }
0x209: {  	v2 =	vld [tilespmem:s28+$0x1A400];
	_ =	sdelay $0x4  }
0x20a: {  	vm11 =	vgt.s32 v2, $0x0  }
0x20b: {  	v2 =	vnsel vm11, $0x0, v2  }
0x20c: {  	v2 =	vmin.u32 v2, $0x18FFF  }
0x20d: {  	v3 =	vld [tilespmem:s28+$0x1A410];
	_ =	sdelay $0x2  }
0x20e: {  	v4 =	vld.idx.msk [tilespmem:v1+s28+$0x0 ss:$0x1], $0xffff  }
0x20f: {  	v2 =	vld.idx.msk [tilespmem:v2+s2+$0x0], $0xffff  }
0x210: {  	vm12 =	vgt.s32 v3, $0x0  }
0x211: {  	v3 =	vnsel vm12, $0x0, v3  }
0x212: {  	v3 =	vmin.u32 v3, $0x18FFF;
	_ =	sdelay $0x1  }
0x213: {  	v5 =	vld [tilespmem:s28+$0x1A420];
	v2 =	vsub.f32 v2, v4;
	_ =	sdelay $0x1  }
0x214: {  	[tilespmem:s28+$0x1CC00] =	vst v2  }
0x215: {  	v2 =	vld.idx.msk [tilespmem:v3+s2+$0x0], $0xffff  }
0x216: {  	v3 =	vld.idx.msk [tilespmem:v1+s28+$0x10 ss:$0x1], $0xffff  }
0x217: {  	vm13 =	vgt.s32 v5, $0x0  }
0x218: {  	v5 =	vnsel vm13, $0x0, v5  }
0x219: {  	v5 =	vmin.u32 v5, $0x18FFF;
	_ =	sdelay $0x1  }
0x21a: {  	v4 =	vld [tilespmem:s28+$0x1A430];
	v2 =	vsub.f32 v2, v3;
	_ =	sdelay $0x1  }
0x21b: {  	[tilespmem:s28+$0x1CC10] =	vst v2  }
0x21c: {  	v2 =	vld.idx.msk [tilespmem:v5+s2+$0x0], $0xffff  }
0x21d: {  	v3 =	vld.idx.msk [tilespmem:v1+s28+$0x20 ss:$0x1], $0xffff  }
0x21e: {  	vm14 =	vgt.s32 v4, $0x0  }
0x21f: {  	v4 =	vnsel vm14, $0x0, v4  }
0x220: {  	v4 =	vmin.u32 v4, $0x18FFF;
	_ =	sdelay $0x1  }
0x221: {  	v2 =	vsub.f32 v2, v3  }
0x222: {  	s30 =	simm.s32 $0x40  }
0x223: {  	v7 =	vld [tilespmem:s30+$0x1A400];
	[tilespmem:s28+$0x1CC20] =	vst v2  }
0x224: {  	v5 =	vld.idx.msk [tilespmem:v4+s2+$0x0], $0xffff  }
0x225: {  	v6 =	vld.idx.msk [tilespmem:v1+s28+$0x30 ss:$0x1], $0xffff  }
0x226: {  	v4 =	vld [tilespmem:s30+$0x1A410]  }
0x227: {  	v3 =	vld [tilespmem:s30+$0x1A420]  }
0x228: {  	vm15 =	vgt.s32 v7, $0x0;
	v2 =	vld [tilespmem:s30+$0x1A430]  }
0x229: {  	s29 =	simm.s32 $0x200;
	v7 =	vnsel vm15, $0x0, v7  }
.LBB2_13:
0x22a: {  	p0 =	sne.s32 s29, $0x4F00;
	v7 =	vmin.u32 v7, $0x18FFF;
	s31 =	smov.u32 s29;
	s29 =	sadd.s32 $0x100, s29  }
0x22b: {  	v5 =	vsub.f32 v5, v6;
	vm0 =	vgt.s32 v4, $0x0  }
0x22c: {  	v4 =	vnsel vm0, $0x0, v4;
	vm0 =	vgt.s32 v3, $0x0  }
0x22d: {  	v3 =	vnsel vm0, $0x0, v3;
	vm0 =	vgt.s32 v2, $0x0;
	[tilespmem:s28+$0x1CC30] =	vst v5;
	s28 =	smov.u32 s30  }
0x22e: {  	v5 =	vld.idx.msk [tilespmem:v1+s28+$0x0 ss:$0x1], $0xffff;
	v2 =	vnsel vm0, $0x0, v2  }
0x22f: {  	v6 =	vld.idx.msk [tilespmem:v7+s2+$0x0], $0xffff;
	_ =	sdelay $0x3  }
0x230: {  	v4 =	vmin.u32 v4, $0x18FFF;
	_ =	sdelay $0x1  }
0x231: {  	v5 =	vsub.f32 v6, v5;
	_ =	sdelay $0x1  }
0x232: {  	[tilespmem:s28+$0x1CC00] =	vst v5  }
0x233: {  	v4 =	vld.idx.msk [tilespmem:v4+s2+$0x0], $0xffff  }
0x234: {  	v5 =	vld.idx.msk [tilespmem:v1+s28+$0x10 ss:$0x1], $0xffff;
	_ =	sdelay $0x3  }
0x235: {  	v3 =	vmin.u32 v3, $0x18FFF;
	_ =	sdelay $0x1  }
0x236: {  	v4 =	vsub.f32 v4, v5;
	_ =	sdelay $0x1  }
0x237: {  	[tilespmem:s28+$0x1CC10] =	vst v4  }
0x238: {  	v3 =	vld.idx.msk [tilespmem:v3+s2+$0x0], $0xffff  }
0x239: {  	v4 =	vld.idx.msk [tilespmem:v1+s28+$0x20 ss:$0x1], $0xffff;
	_ =	sdelay $0x3  }
0x23a: {  	v2 =	vmin.u32 v2, $0x18FFF;
	_ =	sdelay $0x1  }
0x23b: {  	v3 =	vsub.f32 v3, v4  }
0x23c: {  	s30 =	sshra.s32 s31, $0x2  }
0x23d: {  	v7 =	vld [tilespmem:s30+$0x1A400];
	[tilespmem:s28+$0x1CC20] =	vst v3  }
0x23e: {  	v5 =	vld.idx.msk [tilespmem:v2+s2+$0x0], $0xffff  }
.Ltmp6:
0x23f: {  	v6 =	vld.idx.msk [tilespmem:v1+s28+$0x30 ss:$0x1], $0xffff;
	(pc) =	sbr.rel @p0 .LBB2_13-.Ltmp6, $4  }
0x240: {  	v4 =	vld [tilespmem:s30+$0x1A410]  }
0x241: {  	v3 =	vld [tilespmem:s30+$0x1A420]  }
0x242: {  	vm0 =	vgt.s32 v7, $0x0;
	v2 =	vld [tilespmem:s30+$0x1A430]  }
0x243: {  	v7 =	vnsel vm0, $0x0, v7  }
0x244: {  	v7 =	vmin.u32 v7, $0x18FFF  }
0x245: {  	v5 =	vsub.f32 v5, v6;
	_ =	sdelay $0x1  }
0x246: {  	[tilespmem:s28+$0x1CC30] =	vst v5  }
0x247: {  	v5 =	vld.idx.msk [tilespmem:v1+s30+$0x0 ss:$0x1], $0xffff  }
0x248: {  	v63 =	vld.idx.msk [tilespmem:v7+s2+$0x0], $0xffff  }
0x249: {  	vm0 =	vgt.s32 v4, $0x0  }
0x24a: {  	v4 =	vnsel vm0, $0x0, v4  }
0x24b: {  	v4 =	vmin.u32 v4, $0x18FFF;
	_ =	sdelay $0x1  }
0x24c: {  	v5 =	vsub.f32 v63, v5;
	_ =	sdelay $0x1  }
0x24d: {  	[tilespmem:s30+$0x1CC00] =	vst v5  }
0x24e: {  	v4 =	vld.idx.msk [tilespmem:v4+s2+$0x0], $0xffff  }
0x24f: {  	v5 =	vld.idx.msk [tilespmem:v1+s30+$0x10 ss:$0x1], $0xffff  }
0x250: {  	vm14 =	vgt.s32 v3, $0x0  }
0x251: {  	v3 =	vnsel vm14, $0x0, v3  }
0x252: {  	v3 =	vmin.u32 v3, $0x18FFF;
	_ =	sdelay $0x1  }
0x253: {  	v4 =	vsub.f32 v4, v5;
	_ =	sdelay $0x1  }
0x254: {  	[tilespmem:s30+$0x1CC10] =	vst v4  }
0x255: {  	v3 =	vld.idx.msk [tilespmem:v3+s2+$0x0], $0xffff  }
0x256: {  	v4 =	vld.idx.msk [tilespmem:v1+s30+$0x20 ss:$0x1], $0xffff  }
0x257: {  	vm15 =	vgt.s32 v2, $0x0  }
0x258: {  	v2 =	vnsel vm15, $0x0, v2  }
0x259: {  	v2 =	vmin.u32 v2, $0x18FFF;
	_ =	sdelay $0x1  }
0x25a: {  	v3 =	vsub.f32 v3, v4;
	_ =	sdelay $0x1  }
0x25b: {  	[tilespmem:s30+$0x1CC20] =	vst v3  }
0x25c: {  	v2 =	vld.idx.msk [tilespmem:v2+s2+$0x0], $0xffff  }
0x25d: {  	v3 =	vld.idx.msk [tilespmem:v1+s30+$0x30 ss:$0x1], $0xffff;
	_ =	sdelay $0x4  }
0x25e: {  	v2 =	vsub.f32 v2, v3;
	_ =	sdelay $0x1  }
0x25f: {  	s26 =	sadd.s32 $0x1, s26;
	[tilespmem:s30+$0x1CC30] =	vst v2  }
0x260: {  	[hbm4b:s12+s2] =	stream.linear.scatter [tilespmem:s23], [sflag:$0x5], $0x1400, $0x38;
	[tilespmem:$0x1E000] =	vst v63  }
0x261: {  	p0 =	sne.s32 s26, s16;
	_ =	swait.ge [sflag:s24], $0x1400  }
.Ltmp7:
0x262: {  	[sflag:s24] =	ssyncset.done $0x0;
	(pc) =	sbr.rel @p0 .LBB2_2-.Ltmp7, $4  }
0x263: {  	[sflag:s24] =	ssyncadd.s32 $0xFFFFEC00  }
0x264: {  	_ =	swait.ge [sflag:s25], $0x1400  }
0x265: {  	[sflag:s25] =	ssyncset.done $0x0  }
0x266: {  	[sflag:s25] =	ssyncadd.s32 $0xFFFFEC00  }
.LBB2_15:
0x267: {  	_ =	sfence.sel $0x180000  }
0x268: {  	[bflag:$0x0] =	sbarrier.arrive $0xFFFF  }
0x269: {  	p0 =	sne.s32 s1, $0x0;
	_ =	strace $0x90000047  }
0x26a: {  	s0 =	sadd.s32 @!p0 $0x100000, s0;
	[bflag:$0x2] =	sbarrier.arrive $0xFFFF  }
0x26b: {  	[sflag:s0] =	ssyncadd.tile.s32 @!p0 $0x1;
	_ =	shalt  }
.Lfunc_end2:
_tile_overlayer_lowered:
.L_overlay_start_2:
0x26c: {  	(tag) =	ssettag $0x2  }
0x26d: {  	s0 =	rddreg [dreg:$0x0];
	s2 =	stileid.u32  }
0x26e: {  	s1 =	rddreg [dreg:$0x1];
	p0 =	sne.s32 s2, $0x0  }
0x26f: {  	s3 =	rddreg [dreg:$0x2];
	[bflag:$0x3] =	sbarrier.arrive $0xFFFF;
	s2 =	simm.s32 @!p0 $0x1C06  }
0x270: {  	[timem:s3], [sflag:s2] =	dma.local @!p0 [hbm:s0], s1  }
0x271: {  	s0 =	simm.s32 @!p0 $0x6  }
0x272: {  	_ =	swait.ge @!p0 [sflag:s0], s1  }
0x273: {  	s1 =	ssub.s32 @!p0 $0x0, s1;
	[sflag:s0] =	ssyncset.done @!p0 $0x0  }
0x274: {  	[sflag:s0] =	ssyncadd.s32 @!p0 s1  }
0x275: {  	[bflag:$0x3] =	sbarrier.arrive $0xFFFF  }
0x276: {  	_ =	shalt  }

</sc_bundles>
